<compile_context>
chip_gen: v7x
topology: tpu7x:2x2x1
jax: 0.10.2.dev20260603
libtpu: 0.0.44.dev20260713+nightly
codegen_flags: <defaults>
</compile_context>

<pallas_src>
import jax
import jax.numpy as jnp
import numpy as np
from jax import lax
from jax.experimental import pallas as pl
from jax.experimental.pallas import tpu as pltpu
from jax.experimental.pallas import tpu_sc as plsc

B, T, D, A = 4, 8192, 768, 256
RINGS = 1
TB = 1024
NT = T // TB

NC, NS, L = 2, 16, 16
NW = NC * NS
TCUT = 7680
TBB = 512
STRIDE = (T - TCUT) // (NW // B)
CH = 16
NCHUNK = STRIDE // CH
NSLOT = 4


def _neighbor_w():
    w = np.zeros((A, A), dtype=np.float32)
    for a in range(A):
        lo, hi = max(0, a - RINGS), min(A, a + RINGS + 1)
        w[a, lo:hi] = 1.0 / (hi - lo)
    return jnp.asarray(w)


def _poolmid_body(gate_ref, hops_ref, assign_ref, x_ref, wn_ref, wp_ref,
                  scaled_ref, sums_s, counts_s):
    b = pl.program_id(0)
    tb = pl.program_id(1)
    a_ids = assign_ref[0, 0, :]
    rows = lax.broadcasted_iota(jnp.int32, (A, TB), 0)
    onehot_t = (rows == a_ids[None, :]).astype(jnp.bfloat16)
    x_blk = x_ref[0].astype(jnp.bfloat16)
    partial = lax.dot_general(
        onehot_t, x_blk, (((1,), (0,)), ((), ())),
        preferred_element_type=jnp.float32)

    @pl.when(tb == 0)
    def _():
        sums_s[...] = partial

    @pl.when(tb != 0)
    def _():
        sums_s[...] += partial

    cpart = jnp.sum((rows == a_ids[None, :]).astype(jnp.float32), axis=1)

    @pl.when((b == 0) & (tb == 0))
    def _():
        counts_s[0, :] = cpart

    @pl.when((b == 0) & (tb != 0))
    def _():
        counts_s[0, :] += cpart

    @pl.when(tb == NT - 1)
    def _():
        inv = 1.0 / jnp.maximum(counts_s[0, :], 1.0)
        g = jnp.tanh(gate_ref[0])
        anchor = sums_s[...] * inv[:, None]
        agg = lax.fori_loop(
            0, jnp.maximum(1, hops_ref[0]),
            lambda _, a: jnp.dot(wn_ref[...], a,
                                 preferred_element_type=jnp.float32),
            anchor)
        proj = lax.dot_general(
            agg, wp_ref[...], (((1,), (1,)), ((), ())),
            preferred_element_type=jnp.float32)
        scaled_ref[0] = proj * g


def _bcast_sc_body(x_ref, assign_ref, scaled_ref, out_ref, idx_all, *scratch):
    xbs = scratch[0:NSLOT]
    gbs = scratch[NSLOT:2 * NSLOT]
    sxs = scratch[2 * NSLOT:3 * NSLOT]
    sgs = scratch[3 * NSLOT:4 * NSLOT]
    sts = scratch[4 * NSLOT:5 * NSLOT]
    c = lax.axis_index("c")
    s = lax.axis_index("s")
    wid = s * NC + c
    b = wid // (NW // B)
    lane = wid % (NW // B)
    tok0 = TCUT + lane * STRIDE
    row0 = b * T + tok0
    boff = b * A

    pltpu.sync_copy(assign_ref.at[pl.ds(tok0, STRIDE)], idx_all)

    def _off(k, _):
        sl = pl.ds(k * L, L)
        idx_all[sl] = idx_all[sl] + boff
        return 0

    lax.fori_loop(0, STRIDE // L, _off, 0)

    def issue_loads(j, q):
        pltpu.async_copy(x_ref.at[pl.ds(row0 + j * CH, CH)], xbs[q], sxs[q])
        pltpu.async_copy(
            scaled_ref.at[plsc.Indices(idx_all.at[pl.ds(j * CH, CH)])],
            gbs[q], sgs[q])

    issue_loads(0, 0)
    issue_loads(1, 1)

    def chunk_quad(j4, _):
        j0 = NSLOT * j4
        for u in range(NSLOT):
            j = j0 + u
            xb, gb, sx, sg, st = xbs[u], gbs[u], sxs[u], sgs[u], sts[u]
            pltpu.make_async_copy(
                x_ref.at[pl.ds(row0 + j * CH, CH)], xb, sx).wait()
            pltpu.make_async_copy(
                scaled_ref.at[plsc.Indices(idx_all.at[pl.ds(j * CH, CH)])],
                gb, sg).wait()

            def _add(r, _):
                for k in range(D // L):
                    sl = pl.ds(k * L, L)
                    xb[r, sl] = xb[r, sl] + gb[r, sl]
                return 0

            lax.fori_loop(0, CH, _add, 0)
            pltpu.async_copy(xb, out_ref.at[pl.ds(row0 + j * CH, CH)], st)

            qn = (u + 2) % NSLOT

            @pl.when(j >= 2)
            def _():
                pltpu.make_async_copy(
                    xbs[qn],
                    out_ref.at[pl.ds(row0 + (j - 2) * CH, CH)],
                    sts[qn]).wait()

            @pl.when(j + 2 < NCHUNK)
            def _():
                jn = j + 2
                pltpu.async_copy(
                    x_ref.at[pl.ds(row0 + jn * CH, CH)], xbs[qn], sxs[qn])
                pltpu.async_copy(
                    scaled_ref.at[
                        plsc.Indices(idx_all.at[pl.ds(jn * CH, CH)])],
                    gbs[qn], sgs[qn])

        return 0

    lax.fori_loop(0, NCHUNK // NSLOT, chunk_quad, 0)

    for j in (NCHUNK - 2, NCHUNK - 1):
        q = j % NSLOT
        pltpu.make_async_copy(
            xbs[q], out_ref.at[pl.ds(row0 + j * CH, CH)], sts[q]).wait()


def _bcast_sc(x_flat, assign_flat, scaled_flat):
    mesh = plsc.VectorSubcoreMesh(core_axis_name="c", subcore_axis_name="s")
    kfun = pl.kernel(
        _bcast_sc_body,
        out_type=jax.ShapeDtypeStruct((B * T, D), jnp.float32),
        mesh=mesh,
        scratch_types=(
            [pltpu.VMEM((STRIDE,), jnp.int32)]
            + [pltpu.VMEM((CH, D), jnp.float32) for _ in range(2 * NSLOT)]
            + [pltpu.SemaphoreType.DMA for _ in range(3 * NSLOT)]
        ),
    )
    return kfun(x_flat, assign_flat, scaled_flat)


def _bcast_tc_body(assign_ref, x_ref, scaled_ref, osc_ref, out_ref):
    del osc_ref
    a_ids = assign_ref[0, 0, :]
    cols = lax.broadcasted_iota(jnp.int32, (TBB, A), 1)
    onehot = (cols == a_ids[:, None]).astype(jnp.bfloat16)
    fb = lax.dot_general(
        onehot, scaled_ref[0].astype(jnp.bfloat16), (((1,), (0,)), ((), ())),
        preferred_element_type=jnp.float32)
    out_ref[0] = x_ref[0] + fb


def kernel(x, assign, W_proj, gate, hops):
    assign_i = assign.astype(jnp.int32)
    assign3 = assign_i.reshape(NT, 1, TB)

    wn = _neighbor_w()
    gate_s = jnp.reshape(jnp.asarray(gate, jnp.float32), (1,))
    hops_s = jnp.reshape(jnp.asarray(hops, jnp.int32), (1,))
    scaled = pl.pallas_call(
        _poolmid_body,
        grid=(B, NT),
        in_specs=[
            pl.BlockSpec(memory_space=pltpu.SMEM),
            pl.BlockSpec(memory_space=pltpu.SMEM),
            pl.BlockSpec((1, 1, TB), lambda b, t: (t, 0, 0)),
            pl.BlockSpec((1, TB, D), lambda b, t: (b, t, 0)),
            pl.BlockSpec((A, A), lambda b, t: (0, 0)),
            pl.BlockSpec((D, D), lambda b, t: (0, 0)),
        ],
        out_specs=pl.BlockSpec((1, A, D), lambda b, t: (b, 0, 0)),
        out_shape=jax.ShapeDtypeStruct((B, A, D), jnp.float32),
        scratch_shapes=[
            pltpu.VMEM((A, D), jnp.float32),
            pltpu.VMEM((1, A), jnp.float32),
        ],
    )(gate_s, hops_s, assign3, x, wn, W_proj)

    out_sc = _bcast_sc(x.reshape(B * T, D), assign_i,
                       scaled.reshape(B * A, D)).reshape(B, T, D)

    ntc = TCUT // TBB
    assign_b = assign_i.reshape(T // TBB, 1, TBB)
    out = pl.pallas_call(
        _bcast_tc_body,
        grid=(B, ntc),
        in_specs=[
            pl.BlockSpec((1, 1, TBB), lambda b, t: (t, 0, 0)),
            pl.BlockSpec((1, TBB, D), lambda b, t: (b, t, 0)),
            pl.BlockSpec((1, A, D), lambda b, t: (b, 0, 0)),
            pl.BlockSpec(memory_space=pltpu.MemorySpace.HBM),
        ],
        out_specs=pl.BlockSpec((1, TBB, D), lambda b, t: (b, t, 0)),
        out_shape=jax.ShapeDtypeStruct((B, T, D), jnp.float32),
        input_output_aliases={3: 0},
    )(assign_b[:ntc], x, scaled, out_sc)
    return out

# --- scband reference (transcript-rebuilt; emitter-appended) ---
"""Pipeline reference for scband-region-feedback-74088185856151 (READ-ONLY COPY).

The authoritative reference and input builder live on the scoring server;
editing this copy changes nothing except your own understanding.
"""

import jax, jax.numpy as jnp
import numpy as np

B, T, D, A = 4, 8192, 768, 256
RINGS = 1

def _neighbor_W(A, rings=RINGS):
    W = np.zeros((A, A), dtype=np.float32)
    for a in range(A):
        lo, hi = max(0, a - rings), min(A, a + rings + 1)
        W[a, lo:hi] = 1.0 / (hi - lo)
    return jnp.asarray(W)

def setup_inputs(seed: int = 0):
    key = jax.random.key(seed)
    k1, k2, k3, k4 = jax.random.split(key, 4)
    x = jax.random.normal(k1, (B, T, D), dtype=jnp.float32)
    assign = jnp.sort(jax.random.randint(k2, (T,), 0, A))
    W_proj = jax.random.normal(k3, (D, D), dtype=jnp.float32) * (1.0 / np.sqrt(D))
    gate = jax.random.normal(k4, (), dtype=jnp.float32) * 0.1
    return {"x": x, "assign": assign, "W_proj": W_proj, "gate": gate, "hops": 1}

def reference(x, assign, W_proj, gate, hops=1):
    Bx, Tx, Dx = x.shape
    # RegionRouter.pool_per_anchor (scatter-add mean)
    sums = jnp.zeros((Bx, A, Dx), dtype=x.dtype).at[:, assign, :].add(x)
    counts = jnp.clip(jnp.bincount(assign, length=A), 1).astype(x.dtype)
    anchor = sums / counts[None, :, None]
    # RegionRouter.neighbor_aggregate along 1D anchor ring graph
    Wn = _neighbor_W(A)
    agg = jax.lax.fori_loop(
        0,
        jnp.maximum(1, hops),
        lambda _, a: jnp.einsum('bcd,ac->bad', a, Wn),
        anchor,
    )
    # RegionRouter.broadcast_from_anchor (gather by token's anchor id)
    fb = agg[:, assign, :]
    # RegionFeedback: x + dropout(proj(fb)) * tanh(gate); dropout = identity in eval
    return x + (fb @ W_proj.T) * jnp.tanh(gate)

if __name__ == "__main__":
    import jax
    _d = setup_inputs()
    print(jax.jit(kernel)(*tuple(_d.values())))

</pallas_src>

<mosaic_0001>
#map = affine_map<(d0, d1) -> (0, 0)>
#map1 = affine_map<(d0, d1) -> (0)>
module attributes {stable_mosaic.version = 14 : i64} {
  func.func @_bcast_sc_body(%arg0: i32, %arg1: i32, %arg2: memref<32768x768xf32, #tpu.memory_space<hbm>>, %arg3: memref<8192xi32, #tpu.memory_space<hbm>>, %arg4: memref<1024x768xf32, #tpu.memory_space<hbm>>, %arg5: memref<32768x768xf32, #tpu.memory_space<hbm>>, %arg6: memref<64xi32, #tpu.memory_space<vmem>>, %arg7: memref<16x768xf32, #tpu.memory_space<vmem>>, %arg8: memref<16x768xf32, #tpu.memory_space<vmem>>, %arg9: memref<16x768xf32, #tpu.memory_space<vmem>>, %arg10: memref<16x768xf32, #tpu.memory_space<vmem>>, %arg11: memref<16x768xf32, #tpu.memory_space<vmem>>, %arg12: memref<16x768xf32, #tpu.memory_space<vmem>>, %arg13: memref<16x768xf32, #tpu.memory_space<vmem>>, %arg14: memref<16x768xf32, #tpu.memory_space<vmem>>, %arg15: memref<!tpu.dma_semaphore, #tpu.memory_space<semaphore_mem>>, %arg16: memref<!tpu.dma_semaphore, #tpu.memory_space<semaphore_mem>>, %arg17: memref<!tpu.dma_semaphore, #tpu.memory_space<semaphore_mem>>, %arg18: memref<!tpu.dma_semaphore, #tpu.memory_space<semaphore_mem>>, %arg19: memref<!tpu.dma_semaphore, #tpu.memory_space<semaphore_mem>>, %arg20: memref<!tpu.dma_semaphore, #tpu.memory_space<semaphore_mem>>, %arg21: memref<!tpu.dma_semaphore, #tpu.memory_space<semaphore_mem>>, %arg22: memref<!tpu.dma_semaphore, #tpu.memory_space<semaphore_mem>>, %arg23: memref<!tpu.dma_semaphore, #tpu.memory_space<semaphore_mem>>, %arg24: memref<!tpu.dma_semaphore, #tpu.memory_space<semaphore_mem>>, %arg25: memref<!tpu.dma_semaphore, #tpu.memory_space<semaphore_mem>>, %arg26: memref<!tpu.dma_semaphore, #tpu.memory_space<semaphore_mem>>) attributes {dimension_semantics = [#tpu.dimension_semantics<core_parallel>, #tpu.dimension_semantics<subcore_parallel>], iteration_bounds = array<i64: 2, 16>, scalar_prefetch = 0 : i64, scratch_operands = 21 : i64, tpu.core_type = #tpu.core_type<sc_vector_subcore>, window_params = [{transform_indices = #map}, {transform_indices = #map1}, {transform_indices = #map}, {transform_indices = #map}]} {
    %mul3A = arith.constant 2 : i32
    %mul3A_0 = arith.muli %arg1, %mul3A : i32
    %add3A = arith.addi %mul3A_0, %arg0 : i32
    %jit3A = arith.constant 8 : i32
    %div3A = arith.divsi %add3A, %jit3A : i32
    %sign3A = arith.constant 0 : i32
    %sign3A_1 = arith.cmpi sgt, %add3A, %sign3A : i32
    %sign3A_2 = arith.extui %sign3A_1 : i1 to i32
    %sign3A_3 = arith.constant 0 : i32
    %sign3A_4 = arith.cmpi slt, %add3A, %sign3A_3 : i32
    %sign3A_5 = arith.extui %sign3A_4 : i1 to i32
    %sign3A_6 = arith.subi %sign3A_2, %sign3A_5 : i32
    %sign3A_7 = arith.constant 0 : i32
    %sign3A_8 = arith.cmpi sgt, %jit3A, %sign3A_7 : i32
    %sign3A_9 = arith.extui %sign3A_8 : i1 to i32
    %sign3A_10 = arith.constant 0 : i32
    %sign3A_11 = arith.cmpi slt, %jit3A, %sign3A_10 : i32
    %sign3A_12 = arith.extui %sign3A_11 : i1 to i32
    %sign3A_13 = arith.subi %sign3A_9, %sign3A_12 : i32
    %ne3A = arith.cmpi ne, %sign3A_6, %sign3A_13 : i32
    %rem3A = arith.remsi %add3A, %jit3A : i32
    %ne3A_14 = arith.constant 0 : i32
    %ne3A_15 = arith.cmpi ne, %rem3A, %ne3A_14 : i32
    %and3A = arith.andi %ne3A, %ne3A_15 : i1
    %sub3A = arith.constant 1 : i32
    %sub3A_16 = arith.subi %div3A, %sub3A : i32
    %select_n3A = arith.select %and3A, %sub3A_16, %div3A : i32
    %jit3A_17 = arith.constant 8 : i32
    %eq3A = arith.constant 0 : i32
    %eq3A_18 = arith.cmpi eq, %jit3A_17, %eq3A : i32
    %jit3A_19 = arith.constant 1 : i32
    %select_n3A_20 = arith.select %eq3A_18, %jit3A_19, %jit3A_17 : i32
    %rem3A_21 = arith.remsi %add3A, %select_n3A_20 : i32
    %ne3A_22 = arith.constant 0 : i32
    %ne3A_23 = arith.cmpi ne, %rem3A_21, %ne3A_22 : i32
    %lt3A = arith.constant 0 : i32
    %lt3A_24 = arith.cmpi slt, %rem3A_21, %lt3A : i32
    %lt3A_25 = arith.constant 0 : i32
    %lt3A_26 = arith.cmpi slt, %select_n3A_20, %lt3A_25 : i32
    %ne3A_27 = arith.xori %lt3A_24, %lt3A_26 : i1
    %and3A_28 = arith.andi %ne3A_27, %ne3A_23 : i1
    %add3A_29 = arith.addi %rem3A_21, %select_n3A_20 : i32
    %select_n3A_30 = arith.select %and3A_28, %add3A_29, %rem3A_21 : i32
    %mul3A_31 = arith.constant 64 : i32
    %mul3A_32 = arith.muli %select_n3A_30, %mul3A_31 : i32
    %add3A_33 = arith.constant 7680 : i32
    %add3A_34 = arith.addi %add3A_33, %mul3A_32 : i32
    %mul3A_35 = arith.constant 8192 : i32
    %mul3A_36 = arith.muli %select_n3A, %mul3A_35 : i32
    %add3A_37 = arith.addi %mul3A_36, %add3A_34 : i32
    %mul3A_38 = arith.constant 256 : i32
    %mul3A_39 = arith.muli %select_n3A, %mul3A_38 : i32
    "tpu.region"() ({
      %run_scoped3A = tpu.sem_alloc : memref<!tpu.dma_semaphore, #tpu.memory_space<semaphore_mem>>
      %dma_start3A_245 = tpu.memref_slice %arg3[%add3A_34] : memref<8192xi32, #tpu.memory_space<hbm>> -> memref<64xi32, #tpu.memory_space<hbm>>
      %dma_start3A_246 = tpu.memref_slice %arg3[%add3A_34] : memref<8192xi32, #tpu.memory_space<hbm>> -> memref<64xi32, #tpu.memory_space<hbm>>
      tpu.enqueue_dma source(%dma_start3A_246 : memref<64xi32, #tpu.memory_space<hbm>>) target(%arg6 : memref<64xi32, #tpu.memory_space<vmem>>) target_semaphore(%run_scoped3A : memref<!tpu.dma_semaphore, #tpu.memory_space<semaphore_mem>>)
      %dma_wait3A_247 = tpu.memref_slice %arg3[%add3A_34] : memref<8192xi32, #tpu.memory_space<hbm>> -> memref<64xi32, #tpu.memory_space<hbm>>
      %dma_wait3A_248 = tpu.memref_slice %arg3[%add3A_34] : memref<8192xi32, #tpu.memory_space<hbm>> -> memref<64xi32, #tpu.memory_space<hbm>>
      tpu.wait_dma2 semaphore(%run_scoped3A : memref<!tpu.dma_semaphore, #tpu.memory_space<semaphore_mem>>) src(%dma_wait3A_248 : memref<64xi32, #tpu.memory_space<hbm>>) dst(%arg6 : memref<64xi32, #tpu.memory_space<vmem>>)
      tpu.yield
    }) : () -> ()
    %scan3A = arith.constant 0 : i32
    %scan3A_40 = arith.constant 0 : i32
    %scan3A_41 = arith.constant 4 : i32
    %scan3A_42 = arith.addi %scan3A_40, %scan3A_41 : i32
    %scan3A_43 = arith.constant 1 : i32
    %scan3A_44 = scf.for %scan3A_245 = %scan3A_40 to %scan3A_42 step %scan3A_43 iter_args(%scan3A_246 = %scan3A) -> (i32)  : i32 {
      %mul3A_247 = arith.constant 16 : i32
      %mul3A_248 = arith.muli %scan3A_245, %mul3A_247 : i32
      %get3A = arith.index_cast %mul3A_248 : i32 to index
      %get3A_249 = tpu.vector_load %arg6[%get3A] {strides = array<i32>} : memref<64xi32, #tpu.memory_space<vmem>>, vector<16xi32>,
      %get3A_250 = vector.shape_cast %get3A_249 : vector<16xi32> to vector<16xi32>
      %add3A_251 = vector.broadcast %mul3A_39 : i32 to vector<16xi32>
      %add3A_252 = arith.addi %get3A_250, %add3A_251 : vector<16xi32>
      %swap3A = arith.index_cast %mul3A_248 : i32 to index
      %swap3A_253 = tpu.vector_load %arg6[%swap3A] {strides = array<i32>} : memref<64xi32, #tpu.memory_space<vmem>>, vector<16xi32>,
      %swap3A_254 = vector.shape_cast %swap3A_253 : vector<16xi32> to vector<16xi32>
      %swap3A_255 = vector.shape_cast %add3A_252 : vector<16xi32> to vector<16xi32>
      tpu.vector_store %arg6[%swap3A], %swap3A_255 {strides = array<i32>} : memref<64xi32, #tpu.memory_space<vmem>>, vector<16xi32>,
      %scan3A_256 = arith.constant 0 : i32
      scf.yield %scan3A_256 : i32
    }
    %scan3A_45 = arith.constant 4 : i32
    %add3A_46 = arith.constant 0 : i32
    %add3A_47 = arith.addi %add3A_37, %add3A_46 : i32
    %dma_start3A = arith.constant 0 : i32
    %dma_start3A_48 = tpu.memref_slice %arg2[%add3A_47, %dma_start3A] : memref<32768x768xf32, #tpu.memory_space<hbm>> -> memref<16x768xf32, #tpu.memory_space<hbm>>
    %dma_start3A_49 = arith.constant 0 : i32
    %dma_start3A_50 = tpu.memref_slice %arg2[%add3A_47, %dma_start3A_49] : memref<32768x768xf32, #tpu.memory_space<hbm>> -> memref<16x768xf32, #tpu.memory_space<hbm>>
    tpu.enqueue_dma source(%dma_start3A_50 : memref<16x768xf32, #tpu.memory_space<hbm>>) target(%arg7 : memref<16x768xf32, #tpu.memory_space<vmem>>) target_semaphore(%arg15 : memref<!tpu.dma_semaphore, #tpu.memory_space<semaphore_mem>>)
    %dma_start3A_51 = arith.constant 0 : i32
    %dma_start3A_52 = tpu.memref_slice %arg6[%dma_start3A_51] : memref<64xi32, #tpu.memory_space<vmem>> -> memref<16xi32, #tpu.memory_space<vmem>>
    %dma_start3A_53 = arith.constant 0 : i32
    %dma_start3A_54 = arith.constant 0 : i32
    %dma_start3A_55 = tpu.memref_slice %arg4[%dma_start3A_53, %dma_start3A_54] : memref<1024x768xf32, #tpu.memory_space<hbm>> -> memref<1024x768xf32, #tpu.memory_space<hbm>>
    tpu.enqueue_indirect_dma source(%dma_start3A_55 : memref<1024x768xf32, #tpu.memory_space<hbm>>) target(%arg11 : memref<16x768xf32, #tpu.memory_space<vmem>>) offsets(%dma_start3A_52 : memref<16xi32, #tpu.memory_space<vmem>>) semaphore(%arg19 : memref<!tpu.dma_semaphore, #tpu.memory_space<semaphore_mem>>)
    %add3A_56 = arith.constant 16 : i32
    %add3A_57 = arith.addi %add3A_37, %add3A_56 : i32
    %dma_start3A_58 = arith.constant 0 : i32
    %dma_start3A_59 = tpu.memref_slice %arg2[%add3A_57, %dma_start3A_58] : memref<32768x768xf32, #tpu.memory_space<hbm>> -> memref<16x768xf32, #tpu.memory_space<hbm>>
    %dma_start3A_60 = arith.constant 0 : i32
    %dma_start3A_61 = tpu.memref_slice %arg2[%add3A_57, %dma_start3A_60] : memref<32768x768xf32, #tpu.memory_space<hbm>> -> memref<16x768xf32, #tpu.memory_space<hbm>>
    tpu.enqueue_dma source(%dma_start3A_61 : memref<16x768xf32, #tpu.memory_space<hbm>>) target(%arg8 : memref<16x768xf32, #tpu.memory_space<vmem>>) target_semaphore(%arg16 : memref<!tpu.dma_semaphore, #tpu.memory_space<semaphore_mem>>)
    %dma_start3A_62 = arith.constant 16 : i32
    %dma_start3A_63 = tpu.memref_slice %arg6[%dma_start3A_62] : memref<64xi32, #tpu.memory_space<vmem>> -> memref<16xi32, #tpu.memory_space<vmem>>
    %dma_start3A_64 = arith.constant 0 : i32
    %dma_start3A_65 = arith.constant 0 : i32
    %dma_start3A_66 = tpu.memref_slice %arg4[%dma_start3A_64, %dma_start3A_65] : memref<1024x768xf32, #tpu.memory_space<hbm>> -> memref<1024x768xf32, #tpu.memory_space<hbm>>
    tpu.enqueue_indirect_dma source(%dma_start3A_66 : memref<1024x768xf32, #tpu.memory_space<hbm>>) target(%arg12 : memref<16x768xf32, #tpu.memory_space<vmem>>) offsets(%dma_start3A_63 : memref<16xi32, #tpu.memory_space<vmem>>) semaphore(%arg20 : memref<!tpu.dma_semaphore, #tpu.memory_space<semaphore_mem>>)
    %scan3A_67 = arith.constant 0 : i32
    %scan3A_68 = arith.constant 0 : i32
    %mul3A_69 = arith.constant 4 : i32
    %mul3A_70 = arith.muli %mul3A_69, %scan3A_68 : i32
    %add3A_71 = arith.constant 0 : i32
    %add3A_72 = arith.addi %mul3A_70, %add3A_71 : i32
    %mul3A_73 = arith.constant 16 : i32
    %mul3A_74 = arith.muli %add3A_72, %mul3A_73 : i32
    %add3A_75 = arith.addi %add3A_37, %mul3A_74 : i32
    %dma_wait3A = arith.constant 0 : i32
    %dma_wait3A_76 = tpu.memref_slice %arg2[%add3A_75, %dma_wait3A] : memref<32768x768xf32, #tpu.memory_space<hbm>> -> memref<16x768xf32, #tpu.memory_space<hbm>>
    %dma_wait3A_77 = arith.constant 0 : i32
    %dma_wait3A_78 = tpu.memref_slice %arg2[%add3A_75, %dma_wait3A_77] : memref<32768x768xf32, #tpu.memory_space<hbm>> -> memref<16x768xf32, #tpu.memory_space<hbm>>
    tpu.wait_dma2 semaphore(%arg15 : memref<!tpu.dma_semaphore, #tpu.memory_space<semaphore_mem>>) src(%dma_wait3A_78 : memref<16x768xf32, #tpu.memory_space<hbm>>) dst(%arg7 : memref<16x768xf32, #tpu.memory_space<vmem>>)
    %mul3A_79 = arith.constant 16 : i32
    %mul3A_80 = arith.muli %add3A_72, %mul3A_79 : i32
    %dma_wait3A_81 = tpu.memref_slice %arg6[%mul3A_80] : memref<64xi32, #tpu.memory_space<vmem>> -> memref<16xi32, #tpu.memory_space<vmem>>
    %dma_wait3A_82 = arith.constant 0 : i32
    %dma_wait3A_83 = arith.constant 0 : i32
    %dma_wait3A_84 = tpu.memref_slice %arg4[%dma_wait3A_82, %dma_wait3A_83] : memref<1024x768xf32, #tpu.memory_space<hbm>> -> memref<1024x768xf32, #tpu.memory_space<hbm>>
    tpu.wait_indirect_dma semaphore(%arg19 : memref<!tpu.dma_semaphore, #tpu.memory_space<semaphore_mem>>) src(%dma_wait3A_84 : memref<1024x768xf32, #tpu.memory_space<hbm>>) dst(%arg11 : memref<16x768xf32, #tpu.memory_space<vmem>>)
    %scan3A_85 = arith.constant 0 : i32
    %scan3A_86 = arith.constant 0 : i32
    %scan3A_87 = arith.constant 16 : i32
    %scan3A_88 = arith.addi %scan3A_86, %scan3A_87 : i32
    %scan3A_89 = arith.constant 1 : i32
    %scan3A_90 = scf.for %scan3A_245 = %scan3A_86 to %scan3A_88 step %scan3A_89 iter_args(%scan3A_246 = %scan3A_85) -> (i32)  : i32 {
      %get3A = arith.index_cast %scan3A_245 : i32 to index
      %get3A_247 = arith.constant 0 : index
      %get3A_248 = tpu.vector_load %arg7[%get3A, %get3A_247] {strides = array<i32>} : memref<16x768xf32, #tpu.memory_space<vmem>>, vector<1x16xf32>,
      %get3A_249 = vector.shape_cast %get3A_248 : vector<1x16xf32> to vector<16xf32>
      %get3A_250 = arith.index_cast %scan3A_245 : i32 to index
      %get3A_251 = arith.constant 0 : index
      %get3A_252 = tpu.vector_load %arg11[%get3A_250, %get3A_251] {strides = array<i32>} : memref<16x768xf32, #tpu.memory_space<vmem>>, vector<1x16xf32>,
      %get3A_253 = vector.shape_cast %get3A_252 : vector<1x16xf32> to vector<16xf32>
      %add3A_254 = arith.addf %get3A_249, %get3A_253 : vector<16xf32>
      %swap3A = arith.index_cast %scan3A_245 : i32 to index
      %swap3A_255 = arith.constant 0 : index
      %swap3A_256 = tpu.vector_load %arg7[%swap3A, %swap3A_255] {strides = array<i32>} : memref<16x768xf32, #tpu.memory_space<vmem>>, vector<1x16xf32>,
      %swap3A_257 = vector.shape_cast %swap3A_256 : vector<1x16xf32> to vector<16xf32>
      %swap3A_258 = vector.shape_cast %add3A_254 : vector<16xf32> to vector<1x16xf32>
      tpu.vector_store %arg7[%swap3A, %swap3A_255], %swap3A_258 {strides = array<i32>} : memref<16x768xf32, #tpu.memory_space<vmem>>, vector<1x16xf32>,
      %get3A_259 = arith.index_cast %scan3A_245 : i32 to index
      %get3A_260 = arith.constant 16 : index
      %get3A_261 = tpu.vector_load %arg7[%get3A_259, %get3A_260] {strides = array<i32>} : memref<16x768xf32, #tpu.memory_space<vmem>>, vector<1x16xf32>,
      %get3A_262 = vector.shape_cast %get3A_261 : vector<1x16xf32> to vector<16xf32>
      %get3A_263 = arith.index_cast %scan3A_245 : i32 to index
      %get3A_264 = arith.constant 16 : index
      %get3A_265 = tpu.vector_load %arg11[%get3A_263, %get3A_264] {strides = array<i32>} : memref<16x768xf32, #tpu.memory_space<vmem>>, vector<1x16xf32>,
      %get3A_266 = vector.shape_cast %get3A_265 : vector<1x16xf32> to vector<16xf32>
      %add3A_267 = arith.addf %get3A_262, %get3A_266 : vector<16xf32>
      %swap3A_268 = arith.index_cast %scan3A_245 : i32 to index
      %swap3A_269 = arith.constant 16 : index
      %swap3A_270 = tpu.vector_load %arg7[%swap3A_268, %swap3A_269] {strides = array<i32>} : memref<16x768xf32, #tpu.memory_space<vmem>>, vector<1x16xf32>,
      %swap3A_271 = vector.shape_cast %swap3A_270 : vector<1x16xf32> to vector<16xf32>
      %swap3A_272 = vector.shape_cast %add3A_267 : vector<16xf32> to vector<1x16xf32>
      tpu.vector_store %arg7[%swap3A_268, %swap3A_269], %swap3A_272 {strides = array<i32>} : memref<16x768xf32, #tpu.memory_space<vmem>>, vector<1x16xf32>,
      %get3A_273 = arith.index_cast %scan3A_245 : i32 to index
      %get3A_274 = arith.constant 32 : index
      %get3A_275 = tpu.vector_load %arg7[%get3A_273, %get3A_274] {strides = array<i32>} : memref<16x768xf32, #tpu.memory_space<vmem>>, vector<1x16xf32>,
      %get3A_276 = vector.shape_cast %get3A_275 : vector<1x16xf32> to vector<16xf32>
      %get3A_277 = arith.index_cast %scan3A_245 : i32 to index
      %get3A_278 = arith.constant 32 : index
      %get3A_279 = tpu.vector_load %arg11[%get3A_277, %get3A_278] {strides = array<i32>} : memref<16x768xf32, #tpu.memory_space<vmem>>, vector<1x16xf32>,
      %get3A_280 = vector.shape_cast %get3A_279 : vector<1x16xf32> to vector<16xf32>
      %add3A_281 = arith.addf %get3A_276, %get3A_280 : vector<16xf32>
      %swap3A_282 = arith.index_cast %scan3A_245 : i32 to index
      %swap3A_283 = arith.constant 32 : index
      %swap3A_284 = tpu.vector_load %arg7[%swap3A_282, %swap3A_283] {strides = array<i32>} : memref<16x768xf32, #tpu.memory_space<vmem>>, vector<1x16xf32>,
      %swap3A_285 = vector.shape_cast %swap3A_284 : vector<1x16xf32> to vector<16xf32>
      %swap3A_286 = vector.shape_cast %add3A_281 : vector<16xf32> to vector<1x16xf32>
      tpu.vector_store %arg7[%swap3A_282, %swap3A_283], %swap3A_286 {strides = array<i32>} : memref<16x768xf32, #tpu.memory_space<vmem>>, vector<1x16xf32>,
      %get3A_287 = arith.index_cast %scan3A_245 : i32 to index
      %get3A_288 = arith.constant 48 : index
      %get3A_289 = tpu.vector_load %arg7[%get3A_287, %get3A_288] {strides = array<i32>} : memref<16x768xf32, #tpu.memory_space<vmem>>, vector<1x16xf32>,
      %get3A_290 = vector.shape_cast %get3A_289 : vector<1x16xf32> to vector<16xf32>
      %get3A_291 = arith.index_cast %scan3A_245 : i32 to index
      %get3A_292 = arith.constant 48 : index
      %get3A_293 = tpu.vector_load %arg11[%get3A_291, %get3A_292] {strides = array<i32>} : memref<16x768xf32, #tpu.memory_space<vmem>>, vector<1x16xf32>,
      %get3A_294 = vector.shape_cast %get3A_293 : vector<1x16xf32> to vector<16xf32>
      %add3A_295 = arith.addf %get3A_290, %get3A_294 : vector<16xf32>
      %swap3A_296 = arith.index_cast %scan3A_245 : i32 to index
      %swap3A_297 = arith.constant 48 : index
      %swap3A_298 = tpu.vector_load %arg7[%swap3A_296, %swap3A_297] {strides = array<i32>} : memref<16x768xf32, #tpu.memory_space<vmem>>, vector<1x16xf32>,
      %swap3A_299 = vector.shape_cast %swap3A_298 : vector<1x16xf32> to vector<16xf32>
      %swap3A_300 = vector.shape_cast %add3A_295 : vector<16xf32> to vector<1x16xf32>
      tpu.vector_store %arg7[%swap3A_296, %swap3A_297], %swap3A_300 {strides = array<i32>} : memref<16x768xf32, #tpu.memory_space<vmem>>, vector<1x16xf32>,
      %get3A_301 = arith.index_cast %scan3A_245 : i32 to index
      %get3A_302 = arith.constant 64 : index
      %get3A_303 = tpu.vector_load %arg7[%get3A_301, %get3A_302] {strides = array<i32>} : memref<16x768xf32, #tpu.memory_space<vmem>>, vector<1x16xf32>,
      %get3A_304 = vector.shape_cast %get3A_303 : vector<1x16xf32> to vector<16xf32>
      %get3A_305 = arith.index_cast %scan3A_245 : i32 to index
      %get3A_306 = arith.constant 64 : index
      %get3A_307 = tpu.vector_load %arg11[%get3A_305, %get3A_306] {strides = array<i32>} : memref<16x768xf32, #tpu.memory_space<vmem>>, vector<1x16xf32>,
      %get3A_308 = vector.shape_cast %get3A_307 : vector<1x16xf32> to vector<16xf32>
      %add3A_309 = arith.addf %get3A_304, %get3A_308 : vector<16xf32>
      %swap3A_310 = arith.index_cast %scan3A_245 : i32 to index
      %swap3A_311 = arith.constant 64 : index
      %swap3A_312 = tpu.vector_load %arg7[%swap3A_310, %swap3A_311] {strides = array<i32>} : memref<16x768xf32, #tpu.memory_space<vmem>>, vector<1x16xf32>,
      %swap3A_313 = vector.shape_cast %swap3A_312 : vector<1x16xf32> to vector<16xf32>
      %swap3A_314 = vector.shape_cast %add3A_309 : vector<16xf32> to vector<1x16xf32>
      tpu.vector_store %arg7[%swap3A_310, %swap3A_311], %swap3A_314 {strides = array<i32>} : memref<16x768xf32, #tpu.memory_space<vmem>>, vector<1x16xf32>,
      %get3A_315 = arith.index_cast %scan3A_245 : i32 to index
      %get3A_316 = arith.constant 80 : index
      %get3A_317 = tpu.vector_load %arg7[%get3A_315, %get3A_316] {strides = array<i32>} : memref<16x768xf32, #tpu.memory_space<vmem>>, vector<1x16xf32>,
      %get3A_318 = vector.shape_cast %get3A_317 : vector<1x16xf32> to vector<16xf32>
      %get3A_319 = arith.index_cast %scan3A_245 : i32 to index
      %get3A_320 = arith.constant 80 : index
      %get3A_321 = tpu.vector_load %arg11[%get3A_319, %get3A_320] {strides = array<i32>} : memref<16x768xf32, #tpu.memory_space<vmem>>, vector<1x16xf32>,
      %get3A_322 = vector.shape_cast %get3A_321 : vector<1x16xf32> to vector<16xf32>
      %add3A_323 = arith.addf %get3A_318, %get3A_322 : vector<16xf32>
      %swap3A_324 = arith.index_cast %scan3A_245 : i32 to index
      %swap3A_325 = arith.constant 80 : index
      %swap3A_326 = tpu.vector_load %arg7[%swap3A_324, %swap3A_325] {strides = array<i32>} : memref<16x768xf32, #tpu.memory_space<vmem>>, vector<1x16xf32>,
      %swap3A_327 = vector.shape_cast %swap3A_326 : vector<1x16xf32> to vector<16xf32>
      %swap3A_328 = vector.shape_cast %add3A_323 : vector<16xf32> to vector<1x16xf32>
      tpu.vector_store %arg7[%swap3A_324, %swap3A_325], %swap3A_328 {strides = array<i32>} : memref<16x768xf32, #tpu.memory_space<vmem>>, vector<1x16xf32>,
      %get3A_329 = arith.index_cast %scan3A_245 : i32 to index
      %get3A_330 = arith.constant 96 : index
      %get3A_331 = tpu.vector_load %arg7[%get3A_329, %get3A_330] {strides = array<i32>} : memref<16x768xf32, #tpu.memory_space<vmem>>, vector<1x16xf32>,
      %get3A_332 = vector.shape_cast %get3A_331 : vector<1x16xf32> to vector<16xf32>
      %get3A_333 = arith.index_cast %scan3A_245 : i32 to index
      %get3A_334 = arith.constant 96 : index
      %get3A_335 = tpu.vector_load %arg11[%get3A_333, %get3A_334] {strides = array<i32>} : memref<16x768xf32, #tpu.memory_space<vmem>>, vector<1x16xf32>,
      %get3A_336 = vector.shape_cast %get3A_335 : vector<1x16xf32> to vector<16xf32>
      %add3A_337 = arith.addf %get3A_332, %get3A_336 : vector<16xf32>
      %swap3A_338 = arith.index_cast %scan3A_245 : i32 to index
      %swap3A_339 = arith.constant 96 : index
      %swap3A_340 = tpu.vector_load %arg7[%swap3A_338, %swap3A_339] {strides = array<i32>} : memref<16x768xf32, #tpu.memory_space<vmem>>, vector<1x16xf32>,
      %swap3A_341 = vector.shape_cast %swap3A_340 : vector<1x16xf32> to vector<16xf32>
      %swap3A_342 = vector.shape_cast %add3A_337 : vector<16xf32> to vector<1x16xf32>
      tpu.vector_store %arg7[%swap3A_338, %swap3A_339], %swap3A_342 {strides = array<i32>} : memref<16x768xf32, #tpu.memory_space<vmem>>, vector<1x16xf32>,
      %get3A_343 = arith.index_cast %scan3A_245 : i32 to index
      %get3A_344 = arith.constant 112 : index
      %get3A_345 = tpu.vector_load %arg7[%get3A_343, %get3A_344] {strides = array<i32>} : memref<16x768xf32, #tpu.memory_space<vmem>>, vector<1x16xf32>,
      %get3A_346 = vector.shape_cast %get3A_345 : vector<1x16xf32> to vector<16xf32>
      %get3A_347 = arith.index_cast %scan3A_245 : i32 to index
      %get3A_348 = arith.constant 112 : index
      %get3A_349 = tpu.vector_load %arg11[%get3A_347, %get3A_348] {strides = array<i32>} : memref<16x768xf32, #tpu.memory_space<vmem>>, vector<1x16xf32>,
      %get3A_350 = vector.shape_cast %get3A_349 : vector<1x16xf32> to vector<16xf32>
      %add3A_351 = arith.addf %get3A_346, %get3A_350 : vector<16xf32>
      %swap3A_352 = arith.index_cast %scan3A_245 : i32 to index
      %swap3A_353 = arith.constant 112 : index
      %swap3A_354 = tpu.vector_load %arg7[%swap3A_352, %swap3A_353] {strides = array<i32>} : memref<16x768xf32, #tpu.memory_space<vmem>>, vector<1x16xf32>,
      %swap3A_355 = vector.shape_cast %swap3A_354 : vector<1x16xf32> to vector<16xf32>
      %swap3A_356 = vector.shape_cast %add3A_351 : vector<16xf32> to vector<1x16xf32>
      tpu.vector_store %arg7[%swap3A_352, %swap3A_353], %swap3A_356 {strides = array<i32>} : memref<16x768xf32, #tpu.memory_space<vmem>>, vector<1x16xf32>,
      %get3A_357 = arith.index_cast %scan3A_245 : i32 to index
      %get3A_358 = arith.constant 128 : index
      %get3A_359 = tpu.vector_load %arg7[%get3A_357, %get3A_358] {strides = array<i32>} : memref<16x768xf32, #tpu.memory_space<vmem>>, vector<1x16xf32>,
      %get3A_360 = vector.shape_cast %get3A_359 : vector<1x16xf32> to vector<16xf32>
      %get3A_361 = arith.index_cast %scan3A_245 : i32 to index
      %get3A_362 = arith.constant 128 : index
      %get3A_363 = tpu.vector_load %arg11[%get3A_361, %get3A_362] {strides = array<i32>} : memref<16x768xf32, #tpu.memory_space<vmem>>, vector<1x16xf32>,
      %get3A_364 = vector.shape_cast %get3A_363 : vector<1x16xf32> to vector<16xf32>
      %add3A_365 = arith.addf %get3A_360, %get3A_364 : vector<16xf32>
      %swap3A_366 = arith.index_cast %scan3A_245 : i32 to index
      %swap3A_367 = arith.constant 128 : index
      %swap3A_368 = tpu.vector_load %arg7[%swap3A_366, %swap3A_367] {strides = array<i32>} : memref<16x768xf32, #tpu.memory_space<vmem>>, vector<1x16xf32>,
      %swap3A_369 = vector.shape_cast %swap3A_368 : vector<1x16xf32> to vector<16xf32>
      %swap3A_370 = vector.shape_cast %add3A_365 : vector<16xf32> to vector<1x16xf32>
      tpu.vector_store %arg7[%swap3A_366, %swap3A_367], %swap3A_370 {strides = array<i32>} : memref<16x768xf32, #tpu.memory_space<vmem>>, vector<1x16xf32>,
      %get3A_371 = arith.index_cast %scan3A_245 : i32 to index
      %get3A_372 = arith.constant 144 : index
      %get3A_373 = tpu.vector_load %arg7[%get3A_371, %get3A_372] {strides = array<i32>} : memref<16x768xf32, #tpu.memory_space<vmem>>, vector<1x16xf32>,
      %get3A_374 = vector.shape_cast %get3A_373 : vector<1x16xf32> to vector<16xf32>
      %get3A_375 = arith.index_cast %scan3A_245 : i32 to index
      %get3A_376 = arith.constant 144 : index
      %get3A_377 = tpu.vector_load %arg11[%get3A_375, %get3A_376] {strides = array<i32>} : memref<16x768xf32, #tpu.memory_space<vmem>>, vector<1x16xf32>,
      %get3A_378 = vector.shape_cast %get3A_377 : vector<1x16xf32> to vector<16xf32>
      %add3A_379 = arith.addf %get3A_374, %get3A_378 : vector<16xf32>
      %swap3A_380 = arith.index_cast %scan3A_245 : i32 to index
      %swap3A_381 = arith.constant 144 : index
      %swap3A_382 = tpu.vector_load %arg7[%swap3A_380, %swap3A_381] {strides = array<i32>} : memref<16x768xf32, #tpu.memory_space<vmem>>, vector<1x16xf32>,
      %swap3A_383 = vector.shape_cast %swap3A_382 : vector<1x16xf32> to vector<16xf32>
      %swap3A_384 = vector.shape_cast %add3A_379 : vector<16xf32> to vector<1x16xf32>
      tpu.vector_store %arg7[%swap3A_380, %swap3A_381], %swap3A_384 {strides = array<i32>} : memref<16x768xf32, #tpu.memory_space<vmem>>, vector<1x16xf32>,
      %get3A_385 = arith.index_cast %scan3A_245 : i32 to index
      %get3A_386 = arith.constant 160 : index
      %get3A_387 = tpu.vector_load %arg7[%get3A_385, %get3A_386] {strides = array<i32>} : memref<16x768xf32, #tpu.memory_space<vmem>>, vector<1x16xf32>,
      %get3A_388 = vector.shape_cast %get3A_387 : vector<1x16xf32> to vector<16xf32>
      %get3A_389 = arith.index_cast %scan3A_245 : i32 to index
      %get3A_390 = arith.constant 160 : index
      %get3A_391 = tpu.vector_load %arg11[%get3A_389, %get3A_390] {strides = array<i32>} : memref<16x768xf32, #tpu.memory_space<vmem>>, vector<1x16xf32>,
      %get3A_392 = vector.shape_cast %get3A_391 : vector<1x16xf32> to vector<16xf32>
      %add3A_393 = arith.addf %get3A_388, %get3A_392 : vector<16xf32>
      %swap3A_394 = arith.index_cast %scan3A_245 : i32 to index
      %swap3A_395 = arith.constant 160 : index
      %swap3A_396 = tpu.vector_load %arg7[%swap3A_394, %swap3A_395] {strides = array<i32>} : memref<16x768xf32, #tpu.memory_space<vmem>>, vector<1x16xf32>,
      %swap3A_397 = vector.shape_cast %swap3A_396 : vector<1x16xf32> to vector<16xf32>
      %swap3A_398 = vector.shape_cast %add3A_393 : vector<16xf32> to vector<1x16xf32>
      tpu.vector_store %arg7[%swap3A_394, %swap3A_395], %swap3A_398 {strides = array<i32>} : memref<16x768xf32, #tpu.memory_space<vmem>>, vector<1x16xf32>,
      %get3A_399 = arith.index_cast %scan3A_245 : i32 to index
      %get3A_400 = arith.constant 176 : index
      %get3A_401 = tpu.vector_load %arg7[%get3A_399, %get3A_400] {strides = array<i32>} : memref<16x768xf32, #tpu.memory_space<vmem>>, vector<1x16xf32>,
      %get3A_402 = vector.shape_cast %get3A_401 : vector<1x16xf32> to vector<16xf32>
      %get3A_403 = arith.index_cast %scan3A_245 : i32 to index
      %get3A_404 = arith.constant 176 : index
      %get3A_405 = tpu.vector_load %arg11[%get3A_403, %get3A_404] {strides = array<i32>} : memref<16x768xf32, #tpu.memory_space<vmem>>, vector<1x16xf32>,
      %get3A_406 = vector.shape_cast %get3A_405 : vector<1x16xf32> to vector<16xf32>
      %add3A_407 = arith.addf %get3A_402, %get3A_406 : vector<16xf32>
      %swap3A_408 = arith.index_cast %scan3A_245 : i32 to index
      %swap3A_409 = arith.constant 176 : index
      %swap3A_410 = tpu.vector_load %arg7[%swap3A_408, %swap3A_409] {strides = array<i32>} : memref<16x768xf32, #tpu.memory_space<vmem>>, vector<1x16xf32>,
      %swap3A_411 = vector.shape_cast %swap3A_410 : vector<1x16xf32> to vector<16xf32>
      %swap3A_412 = vector.shape_cast %add3A_407 : vector<16xf32> to vector<1x16xf32>
      tpu.vector_store %arg7[%swap3A_408, %swap3A_409], %swap3A_412 {strides = array<i32>} : memref<16x768xf32, #tpu.memory_space<vmem>>, vector<1x16xf32>,
      %get3A_413 = arith.index_cast %scan3A_245 : i32 to index
      %get3A_414 = arith.constant 192 : index
      %get3A_415 = tpu.vector_load %arg7[%get3A_413, %get3A_414] {strides = array<i32>} : memref<16x768xf32, #tpu.memory_space<vmem>>, vector<1x16xf32>,
      %get3A_416 = vector.shape_cast %get3A_415 : vector<1x16xf32> to vector<16xf32>
      %get3A_417 = arith.index_cast %scan3A_245 : i32 to index
      %get3A_418 = arith.constant 192 : index
      %get3A_419 = tpu.vector_load %arg11[%get3A_417, %get3A_418] {strides = array<i32>} : memref<16x768xf32, #tpu.memory_space<vmem>>, vector<1x16xf32>,
      %get3A_420 = vector.shape_cast %get3A_419 : vector<1x16xf32> to vector<16xf32>
      %add3A_421 = arith.addf %get3A_416, %get3A_420 : vector<16xf32>
      %swap3A_422 = arith.index_cast %scan3A_245 : i32 to index
      %swap3A_423 = arith.constant 192 : index
      %swap3A_424 = tpu.vector_load %arg7[%swap3A_422, %swap3A_423] {strides = array<i32>} : memref<16x768xf32, #tpu.memory_space<vmem>>, vector<1x16xf32>,
      %swap3A_425 = vector.shape_cast %swap3A_424 : vector<1x16xf32> to vector<16xf32>
      %swap3A_426 = vector.shape_cast %add3A_421 : vector<16xf32> to vector<1x16xf32>
      tpu.vector_store %arg7[%swap3A_422, %swap3A_423], %swap3A_426 {strides = array<i32>} : memref<16x768xf32, #tpu.memory_space<vmem>>, vector<1x16xf32>,
      %get3A_427 = arith.index_cast %scan3A_245 : i32 to index
      %get3A_428 = arith.constant 208 : index
      %get3A_429 = tpu.vector_load %arg7[%get3A_427, %get3A_428] {strides = array<i32>} : memref<16x768xf32, #tpu.memory_space<vmem>>, vector<1x16xf32>,
      %get3A_430 = vector.shape_cast %get3A_429 : vector<1x16xf32> to vector<16xf32>
      %get3A_431 = arith.index_cast %scan3A_245 : i32 to index
      %get3A_432 = arith.constant 208 : index
      %get3A_433 = tpu.vector_load %arg11[%get3A_431, %get3A_432] {strides = array<i32>} : memref<16x768xf32, #tpu.memory_space<vmem>>, vector<1x16xf32>,
      %get3A_434 = vector.shape_cast %get3A_433 : vector<1x16xf32> to vector<16xf32>
      %add3A_435 = arith.addf %get3A_430, %get3A_434 : vector<16xf32>
      %swap3A_436 = arith.index_cast %scan3A_245 : i32 to index
      %swap3A_437 = arith.constant 208 : index
      %swap3A_438 = tpu.vector_load %arg7[%swap3A_436, %swap3A_437] {strides = array<i32>} : memref<16x768xf32, #tpu.memory_space<vmem>>, vector<1x16xf32>,
      %swap3A_439 = vector.shape_cast %swap3A_438 : vector<1x16xf32> to vector<16xf32>
      %swap3A_440 = vector.shape_cast %add3A_435 : vector<16xf32> to vector<1x16xf32>
      tpu.vector_store %arg7[%swap3A_436, %swap3A_437], %swap3A_440 {strides = array<i32>} : memref<16x768xf32, #tpu.memory_space<vmem>>, vector<1x16xf32>,
      %get3A_441 = arith.index_cast %scan3A_245 : i32 to index
      %get3A_442 = arith.constant 224 : index
      %get3A_443 = tpu.vector_load %arg7[%get3A_441, %get3A_442] {strides = array<i32>} : memref<16x768xf32, #tpu.memory_space<vmem>>, vector<1x16xf32>,
      %get3A_444 = vector.shape_cast %get3A_443 : vector<1x16xf32> to vector<16xf32>
      %get3A_445 = arith.index_cast %scan3A_245 : i32 to index
      %get3A_446 = arith.constant 224 : index
      %get3A_447 = tpu.vector_load %arg11[%get3A_445, %get3A_446] {strides = array<i32>} : memref<16x768xf32, #tpu.memory_space<vmem>>, vector<1x16xf32>,
      %get3A_448 = vector.shape_cast %get3A_447 : vector<1x16xf32> to vector<16xf32>
      %add3A_449 = arith.addf %get3A_444, %get3A_448 : vector<16xf32>
      %swap3A_450 = arith.index_cast %scan3A_245 : i32 to index
      %swap3A_451 = arith.constant 224 : index
      %swap3A_452 = tpu.vector_load %arg7[%swap3A_450, %swap3A_451] {strides = array<i32>} : memref<16x768xf32, #tpu.memory_space<vmem>>, vector<1x16xf32>,
      %swap3A_453 = vector.shape_cast %swap3A_452 : vector<1x16xf32> to vector<16xf32>
      %swap3A_454 = vector.shape_cast %add3A_449 : vector<16xf32> to vector<1x16xf32>
      tpu.vector_store %arg7[%swap3A_450, %swap3A_451], %swap3A_454 {strides = array<i32>} : memref<16x768xf32, #tpu.memory_space<vmem>>, vector<1x16xf32>,
      %get3A_455 = arith.index_cast %scan3A_245 : i32 to index
      %get3A_456 = arith.constant 240 : index
      %get3A_457 = tpu.vector_load %arg7[%get3A_455, %get3A_456] {strides = array<i32>} : memref<16x768xf32, #tpu.memory_space<vmem>>, vector<1x16xf32>,
      %get3A_458 = vector.shape_cast %get3A_457 : vector<1x16xf32> to vector<16xf32>
      %get3A_459 = arith.index_cast %scan3A_245 : i32 to index
      %get3A_460 = arith.constant 240 : index
      %get3A_461 = tpu.vector_load %arg11[%get3A_459, %get3A_460] {strides = array<i32>} : memref<16x768xf32, #tpu.memory_space<vmem>>, vector<1x16xf32>,
      %get3A_462 = vector.shape_cast %get3A_461 : vector<1x16xf32> to vector<16xf32>
      %add3A_463 = arith.addf %get3A_458, %get3A_462 : vector<16xf32>
      %swap3A_464 = arith.index_cast %scan3A_245 : i32 to index
      %swap3A_465 = arith.constant 240 : index
      %swap3A_466 = tpu.vector_load %arg7[%swap3A_464, %swap3A_465] {strides = array<i32>} : memref<16x768xf32, #tpu.memory_space<vmem>>, vector<1x16xf32>,
      %swap3A_467 = vector.shape_cast %swap3A_466 : vector<1x16xf32> to vector<16xf32>
      %swap3A_468 = vector.shape_cast %add3A_463 : vector<16xf32> to vector<1x16xf32>
      tpu.vector_store %arg7[%swap3A_464, %swap3A_465], %swap3A_468 {strides = array<i32>} : memref<16x768xf32, #tpu.memory_space<vmem>>, vector<1x16xf32>,
      %get3A_469 = arith.index_cast %scan3A_245 : i32 to index
      %get3A_470 = arith.constant 256 : index
      %get3A_471 = tpu.vector_load %arg7[%get3A_469, %get3A_470] {strides = array<i32>} : memref<16x768xf32, #tpu.memory_space<vmem>>, vector<1x16xf32>,
      %get3A_472 = vector.shape_cast %get3A_471 : vector<1x16xf32> to vector<16xf32>
      %get3A_473 = arith.index_cast %scan3A_245 : i32 to index
      %get3A_474 = arith.constant 256 : index
      %get3A_475 = tpu.vector_load %arg11[%get3A_473, %get3A_474] {strides = array<i32>} : memref<16x768xf32, #tpu.memory_space<vmem>>, vector<1x16xf32>,
      %get3A_476 = vector.shape_cast %get3A_475 : vector<1x16xf32> to vector<16xf32>
      %add3A_477 = arith.addf %get3A_472, %get3A_476 : vector<16xf32>
      %swap3A_478 = arith.index_cast %scan3A_245 : i32 to index
      %swap3A_479 = arith.constant 256 : index
      %swap3A_480 = tpu.vector_load %arg7[%swap3A_478, %swap3A_479] {strides = array<i32>} : memref<16x768xf32, #tpu.memory_space<vmem>>, vector<1x16xf32>,
      %swap3A_481 = vector.shape_cast %swap3A_480 : vector<1x16xf32> to vector<16xf32>
      %swap3A_482 = vector.shape_cast %add3A_477 : vector<16xf32> to vector<1x16xf32>
      tpu.vector_store %arg7[%swap3A_478, %swap3A_479], %swap3A_482 {strides = array<i32>} : memref<16x768xf32, #tpu.memory_space<vmem>>, vector<1x16xf32>,
      %get3A_483 = arith.index_cast %scan3A_245 : i32 to index
      %get3A_484 = arith.constant 272 : index
      %get3A_485 = tpu.vector_load %arg7[%get3A_483, %get3A_484] {strides = array<i32>} : memref<16x768xf32, #tpu.memory_space<vmem>>, vector<1x16xf32>,
      %get3A_486 = vector.shape_cast %get3A_485 : vector<1x16xf32> to vector<16xf32>
      %get3A_487 = arith.index_cast %scan3A_245 : i32 to index
      %get3A_488 = arith.constant 272 : index
      %get3A_489 = tpu.vector_load %arg11[%get3A_487, %get3A_488] {strides = array<i32>} : memref<16x768xf32, #tpu.memory_space<vmem>>, vector<1x16xf32>,
      %get3A_490 = vector.shape_cast %get3A_489 : vector<1x16xf32> to vector<16xf32>
      %add3A_491 = arith.addf %get3A_486, %get3A_490 : vector<16xf32>
      %swap3A_492 = arith.index_cast %scan3A_245 : i32 to index
      %swap3A_493 = arith.constant 272 : index
      %swap3A_494 = tpu.vector_load %arg7[%swap3A_492, %swap3A_493] {strides = array<i32>} : memref<16x768xf32, #tpu.memory_space<vmem>>, vector<1x16xf32>,
      %swap3A_495 = vector.shape_cast %swap3A_494 : vector<1x16xf32> to vector<16xf32>
      %swap3A_496 = vector.shape_cast %add3A_491 : vector<16xf32> to vector<1x16xf32>
      tpu.vector_store %arg7[%swap3A_492, %swap3A_493], %swap3A_496 {strides = array<i32>} : memref<16x768xf32, #tpu.memory_space<vmem>>, vector<1x16xf32>,
      %get3A_497 = arith.index_cast %scan3A_245 : i32 to index
      %get3A_498 = arith.constant 288 : index
      %get3A_499 = tpu.vector_load %arg7[%get3A_497, %get3A_498] {strides = array<i32>} : memref<16x768xf32, #tpu.memory_space<vmem>>, vector<1x16xf32>,
      %get3A_500 = vector.shape_cast %get3A_499 : vector<1x16xf32> to vector<16xf32>
      %get3A_501 = arith.index_cast %scan3A_245 : i32 to index
      %get3A_502 = arith.constant 288 : index
      %get3A_503 = tpu.vector_load %arg11[%get3A_501, %get3A_502] {strides = array<i32>} : memref<16x768xf32, #tpu.memory_space<vmem>>, vector<1x16xf32>,
      %get3A_504 = vector.shape_cast %get3A_503 : vector<1x16xf32> to vector<16xf32>
      %add3A_505 = arith.addf %get3A_500, %get3A_504 : vector<16xf32>
      %swap3A_506 = arith.index_cast %scan3A_245 : i32 to index
      %swap3A_507 = arith.constant 288 : index
      %swap3A_508 = tpu.vector_load %arg7[%swap3A_506, %swap3A_507] {strides = array<i32>} : memref<16x768xf32, #tpu.memory_space<vmem>>, vector<1x16xf32>,
      %swap3A_509 = vector.shape_cast %swap3A_508 : vector<1x16xf32> to vector<16xf32>
      %swap3A_510 = vector.shape_cast %add3A_505 : vector<16xf32> to vector<1x16xf32>
      tpu.vector_store %arg7[%swap3A_506, %swap3A_507], %swap3A_510 {strides = array<i32>} : memref<16x768xf32, #tpu.memory_space<vmem>>, vector<1x16xf32>,
      %get3A_511 = arith.index_cast %scan3A_245 : i32 to index
      %get3A_512 = arith.constant 304 : index
      %get3A_513 = tpu.vector_load %arg7[%get3A_511, %get3A_512] {strides = array<i32>} : memref<16x768xf32, #tpu.memory_space<vmem>>, vector<1x16xf32>,
      %get3A_514 = vector.shape_cast %get3A_513 : vector<1x16xf32> to vector<16xf32>
      %get3A_515 = arith.index_cast %scan3A_245 : i32 to index
      %get3A_516 = arith.constant 304 : index
      %get3A_517 = tpu.vector_load %arg11[%get3A_515, %get3A_516] {strides = array<i32>} : memref<16x768xf32, #tpu.memory_space<vmem>>, vector<1x16xf32>,
      %get3A_518 = vector.shape_cast %get3A_517 : vector<1x16xf32> to vector<16xf32>
      %add3A_519 = arith.addf %get3A_514, %get3A_518 : vector<16xf32>
      %swap3A_520 = arith.index_cast %scan3A_245 : i32 to index
      %swap3A_521 = arith.constant 304 : index
      %swap3A_522 = tpu.vector_load %arg7[%swap3A_520, %swap3A_521] {strides = array<i32>} : memref<16x768xf32, #tpu.memory_space<vmem>>, vector<1x16xf32>,
      %swap3A_523 = vector.shape_cast %swap3A_522 : vector<1x16xf32> to vector<16xf32>
      %swap3A_524 = vector.shape_cast %add3A_519 : vector<16xf32> to vector<1x16xf32>
      tpu.vector_store %arg7[%swap3A_520, %swap3A_521], %swap3A_524 {strides = array<i32>} : memref<16x768xf32, #tpu.memory_space<vmem>>, vector<1x16xf32>,
      %get3A_525 = arith.index_cast %scan3A_245 : i32 to index
      %get3A_526 = arith.constant 320 : index
      %get3A_527 = tpu.vector_load %arg7[%get3A_525, %get3A_526] {strides = array<i32>} : memref<16x768xf32, #tpu.memory_space<vmem>>, vector<1x16xf32>,
      %get3A_528 = vector.shape_cast %get3A_527 : vector<1x16xf32> to vector<16xf32>
      %get3A_529 = arith.index_cast %scan3A_245 : i32 to index
      %get3A_530 = arith.constant 320 : index
      %get3A_531 = tpu.vector_load %arg11[%get3A_529, %get3A_530] {strides = array<i32>} : memref<16x768xf32, #tpu.memory_space<vmem>>, vector<1x16xf32>,
      %get3A_532 = vector.shape_cast %get3A_531 : vector<1x16xf32> to vector<16xf32>
      %add3A_533 = arith.addf %get3A_528, %get3A_532 : vector<16xf32>
      %swap3A_534 = arith.index_cast %scan3A_245 : i32 to index
      %swap3A_535 = arith.constant 320 : index
      %swap3A_536 = tpu.vector_load %arg7[%swap3A_534, %swap3A_535] {strides = array<i32>} : memref<16x768xf32, #tpu.memory_space<vmem>>, vector<1x16xf32>,
      %swap3A_537 = vector.shape_cast %swap3A_536 : vector<1x16xf32> to vector<16xf32>
      %swap3A_538 = vector.shape_cast %add3A_533 : vector<16xf32> to vector<1x16xf32>
      tpu.vector_store %arg7[%swap3A_534, %swap3A_535], %swap3A_538 {strides = array<i32>} : memref<16x768xf32, #tpu.memory_space<vmem>>, vector<1x16xf32>,
      %get3A_539 = arith.index_cast %scan3A_245 : i32 to index
      %get3A_540 = arith.constant 336 : index
      %get3A_541 = tpu.vector_load %arg7[%get3A_539, %get3A_540] {strides = array<i32>} : memref<16x768xf32, #tpu.memory_space<vmem>>, vector<1x16xf32>,
      %get3A_542 = vector.shape_cast %get3A_541 : vector<1x16xf32> to vector<16xf32>
      %get3A_543 = arith.index_cast %scan3A_245 : i32 to index
      %get3A_544 = arith.constant 336 : index
      %get3A_545 = tpu.vector_load %arg11[%get3A_543, %get3A_544] {strides = array<i32>} : memref<16x768xf32, #tpu.memory_space<vmem>>, vector<1x16xf32>,
      %get3A_546 = vector.shape_cast %get3A_545 : vector<1x16xf32> to vector<16xf32>
      %add3A_547 = arith.addf %get3A_542, %get3A_546 : vector<16xf32>
      %swap3A_548 = arith.index_cast %scan3A_245 : i32 to index
      %swap3A_549 = arith.constant 336 : index
      %swap3A_550 = tpu.vector_load %arg7[%swap3A_548, %swap3A_549] {strides = array<i32>} : memref<16x768xf32, #tpu.memory_space<vmem>>, vector<1x16xf32>,
      %swap3A_551 = vector.shape_cast %swap3A_550 : vector<1x16xf32> to vector<16xf32>
      %swap3A_552 = vector.shape_cast %add3A_547 : vector<16xf32> to vector<1x16xf32>
      tpu.vector_store %arg7[%swap3A_548, %swap3A_549], %swap3A_552 {strides = array<i32>} : memref<16x768xf32, #tpu.memory_space<vmem>>, vector<1x16xf32>,
      %get3A_553 = arith.index_cast %scan3A_245 : i32 to index
      %get3A_554 = arith.constant 352 : index
      %get3A_555 = tpu.vector_load %arg7[%get3A_553, %get3A_554] {strides = array<i32>} : memref<16x768xf32, #tpu.memory_space<vmem>>, vector<1x16xf32>,
      %get3A_556 = vector.shape_cast %get3A_555 : vector<1x16xf32> to vector<16xf32>
      %get3A_557 = arith.index_cast %scan3A_245 : i32 to index
      %get3A_558 = arith.constant 352 : index
      %get3A_559 = tpu.vector_load %arg11[%get3A_557, %get3A_558] {strides = array<i32>} : memref<16x768xf32, #tpu.memory_space<vmem>>, vector<1x16xf32>,
      %get3A_560 = vector.shape_cast %get3A_559 : vector<1x16xf32> to vector<16xf32>
      %add3A_561 = arith.addf %get3A_556, %get3A_560 : vector<16xf32>
      %swap3A_562 = arith.index_cast %scan3A_245 : i32 to index
      %swap3A_563 = arith.constant 352 : index
      %swap3A_564 = tpu.vector_load %arg7[%swap3A_562, %swap3A_563] {strides = array<i32>} : memref<16x768xf32, #tpu.memory_space<vmem>>, vector<1x16xf32>,
      %swap3A_565 = vector.shape_cast %swap3A_564 : vector<1x16xf32> to vector<16xf32>
      %swap3A_566 = vector.shape_cast %add3A_561 : vector<16xf32> to vector<1x16xf32>
      tpu.vector_store %arg7[%swap3A_562, %swap3A_563], %swap3A_566 {strides = array<i32>} : memref<16x768xf32, #tpu.memory_space<vmem>>, vector<1x16xf32>,
      %get3A_567 = arith.index_cast %scan3A_245 : i32 to index
      %get3A_568 = arith.constant 368 : index
      %get3A_569 = tpu.vector_load %arg7[%get3A_567, %get3A_568] {strides = array<i32>} : memref<16x768xf32, #tpu.memory_space<vmem>>, vector<1x16xf32>,
      %get3A_570 = vector.shape_cast %get3A_569 : vector<1x16xf32> to vector<16xf32>
      %get3A_571 = arith.index_cast %scan3A_245 : i32 to index
      %get3A_572 = arith.constant 368 : index
      %get3A_573 = tpu.vector_load %arg11[%get3A_571, %get3A_572] {strides = array<i32>} : memref<16x768xf32, #tpu.memory_space<vmem>>, vector<1x16xf32>,
      %get3A_574 = vector.shape_cast %get3A_573 : vector<1x16xf32> to vector<16xf32>
      %add3A_575 = arith.addf %get3A_570, %get3A_574 : vector<16xf32>
      %swap3A_576 = arith.index_cast %scan3A_245 : i32 to index
      %swap3A_577 = arith.constant 368 : index
      %swap3A_578 = tpu.vector_load %arg7[%swap3A_576, %swap3A_577] {strides = array<i32>} : memref<16x768xf32, #tpu.memory_space<vmem>>, vector<1x16xf32>,
      %swap3A_579 = vector.shape_cast %swap3A_578 : vector<1x16xf32> to vector<16xf32>
      %swap3A_580 = vector.shape_cast %add3A_575 : vector<16xf32> to vector<1x16xf32>
      tpu.vector_store %arg7[%swap3A_576, %swap3A_577], %swap3A_580 {strides = array<i32>} : memref<16x768xf32, #tpu.memory_space<vmem>>, vector<1x16xf32>,
      %get3A_581 = arith.index_cast %scan3A_245 : i32 to index
      %get3A_582 = arith.constant 384 : index
      %get3A_583 = tpu.vector_load %arg7[%get3A_581, %get3A_582] {strides = array<i32>} : memref<16x768xf32, #tpu.memory_space<vmem>>, vector<1x16xf32>,
      %get3A_584 = vector.shape_cast %get3A_583 : vector<1x16xf32> to vector<16xf32>
      %get3A_585 = arith.index_cast %scan3A_245 : i32 to index
      %get3A_586 = arith.constant 384 : index
      %get3A_587 = tpu.vector_load %arg11[%get3A_585, %get3A_586] {strides = array<i32>} : memref<16x768xf32, #tpu.memory_space<vmem>>, vector<1x16xf32>,
      %get3A_588 = vector.shape_cast %get3A_587 : vector<1x16xf32> to vector<16xf32>
      %add3A_589 = arith.addf %get3A_584, %get3A_588 : vector<16xf32>
      %swap3A_590 = arith.index_cast %scan3A_245 : i32 to index
      %swap3A_591 = arith.constant 384 : index
      %swap3A_592 = tpu.vector_load %arg7[%swap3A_590, %swap3A_591] {strides = array<i32>} : memref<16x768xf32, #tpu.memory_space<vmem>>, vector<1x16xf32>,
      %swap3A_593 = vector.shape_cast %swap3A_592 : vector<1x16xf32> to vector<16xf32>
      %swap3A_594 = vector.shape_cast %add3A_589 : vector<16xf32> to vector<1x16xf32>
      tpu.vector_store %arg7[%swap3A_590, %swap3A_591], %swap3A_594 {strides = array<i32>} : memref<16x768xf32, #tpu.memory_space<vmem>>, vector<1x16xf32>,
      %get3A_595 = arith.index_cast %scan3A_245 : i32 to index
      %get3A_596 = arith.constant 400 : index
      %get3A_597 = tpu.vector_load %arg7[%get3A_595, %get3A_596] {strides = array<i32>} : memref<16x768xf32, #tpu.memory_space<vmem>>, vector<1x16xf32>,
      %get3A_598 = vector.shape_cast %get3A_597 : vector<1x16xf32> to vector<16xf32>
      %get3A_599 = arith.index_cast %scan3A_245 : i32 to index
      %get3A_600 = arith.constant 400 : index
      %get3A_601 = tpu.vector_load %arg11[%get3A_599, %get3A_600] {strides = array<i32>} : memref<16x768xf32, #tpu.memory_space<vmem>>, vector<1x16xf32>,
      %get3A_602 = vector.shape_cast %get3A_601 : vector<1x16xf32> to vector<16xf32>
      %add3A_603 = arith.addf %get3A_598, %get3A_602 : vector<16xf32>
      %swap3A_604 = arith.index_cast %scan3A_245 : i32 to index
      %swap3A_605 = arith.constant 400 : index
      %swap3A_606 = tpu.vector_load %arg7[%swap3A_604, %swap3A_605] {strides = array<i32>} : memref<16x768xf32, #tpu.memory_space<vmem>>, vector<1x16xf32>,
      %swap3A_607 = vector.shape_cast %swap3A_606 : vector<1x16xf32> to vector<16xf32>
      %swap3A_608 = vector.shape_cast %add3A_603 : vector<16xf32> to vector<1x16xf32>
      tpu.vector_store %arg7[%swap3A_604, %swap3A_605], %swap3A_608 {strides = array<i32>} : memref<16x768xf32, #tpu.memory_space<vmem>>, vector<1x16xf32>,
      %get3A_609 = arith.index_cast %scan3A_245 : i32 to index
      %get3A_610 = arith.constant 416 : index
      %get3A_611 = tpu.vector_load %arg7[%get3A_609, %get3A_610] {strides = array<i32>} : memref<16x768xf32, #tpu.memory_space<vmem>>, vector<1x16xf32>,
      %get3A_612 = vector.shape_cast %get3A_611 : vector<1x16xf32> to vector<16xf32>
      %get3A_613 = arith.index_cast %scan3A_245 : i32 to index
      %get3A_614 = arith.constant 416 : index
      %get3A_615 = tpu.vector_load %arg11[%get3A_613, %get3A_614] {strides = array<i32>} : memref<16x768xf32, #tpu.memory_space<vmem>>, vector<1x16xf32>,
      %get3A_616 = vector.shape_cast %get3A_615 : vector<1x16xf32> to vector<16xf32>
      %add3A_617 = arith.addf %get3A_612, %get3A_616 : vector<16xf32>
      %swap3A_618 = arith.index_cast %scan3A_245 : i32 to index
      %swap3A_619 = arith.constant 416 : index
      %swap3A_620 = tpu.vector_load %arg7[%swap3A_618, %swap3A_619] {strides = array<i32>} : memref<16x768xf32, #tpu.memory_space<vmem>>, vector<1x16xf32>,
      %swap3A_621 = vector.shape_cast %swap3A_620 : vector<1x16xf32> to vector<16xf32>
      %swap3A_622 = vector.shape_cast %add3A_617 : vector<16xf32> to vector<1x16xf32>
      tpu.vector_store %arg7[%swap3A_618, %swap3A_619], %swap3A_622 {strides = array<i32>} : memref<16x768xf32, #tpu.memory_space<vmem>>, vector<1x16xf32>,
      %get3A_623 = arith.index_cast %scan3A_245 : i32 to index
      %get3A_624 = arith.constant 432 : index
      %get3A_625 = tpu.vector_load %arg7[%get3A_623, %get3A_624] {strides = array<i32>} : memref<16x768xf32, #tpu.memory_space<vmem>>, vector<1x16xf32>,
      %get3A_626 = vector.shape_cast %get3A_625 : vector<1x16xf32> to vector<16xf32>
      %get3A_627 = arith.index_cast %scan3A_245 : i32 to index
      %get3A_628 = arith.constant 432 : index
      %get3A_629 = tpu.vector_load %arg11[%get3A_627, %get3A_628] {strides = array<i32>} : memref<16x768xf32, #tpu.memory_space<vmem>>, vector<1x16xf32>,
      %get3A_630 = vector.shape_cast %get3A_629 : vector<1x16xf32> to vector<16xf32>
      %add3A_631 = arith.addf %get3A_626, %get3A_630 : vector<16xf32>
      %swap3A_632 = arith.index_cast %scan3A_245 : i32 to index
      %swap3A_633 = arith.constant 432 : index
      %swap3A_634 = tpu.vector_load %arg7[%swap3A_632, %swap3A_633] {strides = array<i32>} : memref<16x768xf32, #tpu.memory_space<vmem>>, vector<1x16xf32>,
      %swap3A_635 = vector.shape_cast %swap3A_634 : vector<1x16xf32> to vector<16xf32>
      %swap3A_636 = vector.shape_cast %add3A_631 : vector<16xf32> to vector<1x16xf32>
      tpu.vector_store %arg7[%swap3A_632, %swap3A_633], %swap3A_636 {strides = array<i32>} : memref<16x768xf32, #tpu.memory_space<vmem>>, vector<1x16xf32>,
      %get3A_637 = arith.index_cast %scan3A_245 : i32 to index
      %get3A_638 = arith.constant 448 : index
      %get3A_639 = tpu.vector_load %arg7[%get3A_637, %get3A_638] {strides = array<i32>} : memref<16x768xf32, #tpu.memory_space<vmem>>, vector<1x16xf32>,
      %get3A_640 = vector.shape_cast %get3A_639 : vector<1x16xf32> to vector<16xf32>
      %get3A_641 = arith.index_cast %scan3A_245 : i32 to index
      %get3A_642 = arith.constant 448 : index
      %get3A_643 = tpu.vector_load %arg11[%get3A_641, %get3A_642] {strides = array<i32>} : memref<16x768xf32, #tpu.memory_space<vmem>>, vector<1x16xf32>,
      %get3A_644 = vector.shape_cast %get3A_643 : vector<1x16xf32> to vector<16xf32>
      %add3A_645 = arith.addf %get3A_640, %get3A_644 : vector<16xf32>
      %swap3A_646 = arith.index_cast %scan3A_245 : i32 to index
      %swap3A_647 = arith.constant 448 : index
      %swap3A_648 = tpu.vector_load %arg7[%swap3A_646, %swap3A_647] {strides = array<i32>} : memref<16x768xf32, #tpu.memory_space<vmem>>, vector<1x16xf32>,
      %swap3A_649 = vector.shape_cast %swap3A_648 : vector<1x16xf32> to vector<16xf32>
      %swap3A_650 = vector.shape_cast %add3A_645 : vector<16xf32> to vector<1x16xf32>
      tpu.vector_store %arg7[%swap3A_646, %swap3A_647], %swap3A_650 {strides = array<i32>} : memref<16x768xf32, #tpu.memory_space<vmem>>, vector<1x16xf32>,
      %get3A_651 = arith.index_cast %scan3A_245 : i32 to index
      %get3A_652 = arith.constant 464 : index
      %get3A_653 = tpu.vector_load %arg7[%get3A_651, %get3A_652] {strides = array<i32>} : memref<16x768xf32, #tpu.memory_space<vmem>>, vector<1x16xf32>,
      %get3A_654 = vector.shape_cast %get3A_653 : vector<1x16xf32> to vector<16xf32>
      %get3A_655 = arith.index_cast %scan3A_245 : i32 to index
      %get3A_656 = arith.constant 464 : index
      %get3A_657 = tpu.vector_load %arg11[%get3A_655, %get3A_656] {strides = array<i32>} : memref<16x768xf32, #tpu.memory_space<vmem>>, vector<1x16xf32>,
      %get3A_658 = vector.shape_cast %get3A_657 : vector<1x16xf32> to vector<16xf32>
      %add3A_659 = arith.addf %get3A_654, %get3A_658 : vector<16xf32>
      %swap3A_660 = arith.index_cast %scan3A_245 : i32 to index
      %swap3A_661 = arith.constant 464 : index
      %swap3A_662 = tpu.vector_load %arg7[%swap3A_660, %swap3A_661] {strides = array<i32>} : memref<16x768xf32, #tpu.memory_space<vmem>>, vector<1x16xf32>,
      %swap3A_663 = vector.shape_cast %swap3A_662 : vector<1x16xf32> to vector<16xf32>
      %swap3A_664 = vector.shape_cast %add3A_659 : vector<16xf32> to vector<1x16xf32>
      tpu.vector_store %arg7[%swap3A_660, %swap3A_661], %swap3A_664 {strides = array<i32>} : memref<16x768xf32, #tpu.memory_space<vmem>>, vector<1x16xf32>,
      %get3A_665 = arith.index_cast %scan3A_245 : i32 to index
      %get3A_666 = arith.constant 480 : index
      %get3A_667 = tpu.vector_load %arg7[%get3A_665, %get3A_666] {strides = array<i32>} : memref<16x768xf32, #tpu.memory_space<vmem>>, vector<1x16xf32>,
      %get3A_668 = vector.shape_cast %get3A_667 : vector<1x16xf32> to vector<16xf32>
      %get3A_669 = arith.index_cast %scan3A_245 : i32 to index
      %get3A_670 = arith.constant 480 : index
      %get3A_671 = tpu.vector_load %arg11[%get3A_669, %get3A_670] {strides = array<i32>} : memref<16x768xf32, #tpu.memory_space<vmem>>, vector<1x16xf32>,
      %get3A_672 = vector.shape_cast %get3A_671 : vector<1x16xf32> to vector<16xf32>
      %add3A_673 = arith.addf %get3A_668, %get3A_672 : vector<16xf32>
      %swap3A_674 = arith.index_cast %scan3A_245 : i32 to index
      %swap3A_675 = arith.constant 480 : index
      %swap3A_676 = tpu.vector_load %arg7[%swap3A_674, %swap3A_675] {strides = array<i32>} : memref<16x768xf32, #tpu.memory_space<vmem>>, vector<1x16xf32>,
      %swap3A_677 = vector.shape_cast %swap3A_676 : vector<1x16xf32> to vector<16xf32>
      %swap3A_678 = vector.shape_cast %add3A_673 : vector<16xf32> to vector<1x16xf32>
      tpu.vector_store %arg7[%swap3A_674, %swap3A_675], %swap3A_678 {strides = array<i32>} : memref<16x768xf32, #tpu.memory_space<vmem>>, vector<1x16xf32>,
      %get3A_679 = arith.index_cast %scan3A_245 : i32 to index
      %get3A_680 = arith.constant 496 : index
      %get3A_681 = tpu.vector_load %arg7[%get3A_679, %get3A_680] {strides = array<i32>} : memref<16x768xf32, #tpu.memory_space<vmem>>, vector<1x16xf32>,
      %get3A_682 = vector.shape_cast %get3A_681 : vector<1x16xf32> to vector<16xf32>
      %get3A_683 = arith.index_cast %scan3A_245 : i32 to index
      %get3A_684 = arith.constant 496 : index
      %get3A_685 = tpu.vector_load %arg11[%get3A_683, %get3A_684] {strides = array<i32>} : memref<16x768xf32, #tpu.memory_space<vmem>>, vector<1x16xf32>,
      %get3A_686 = vector.shape_cast %get3A_685 : vector<1x16xf32> to vector<16xf32>
      %add3A_687 = arith.addf %get3A_682, %get3A_686 : vector<16xf32>
      %swap3A_688 = arith.index_cast %scan3A_245 : i32 to index
      %swap3A_689 = arith.constant 496 : index
      %swap3A_690 = tpu.vector_load %arg7[%swap3A_688, %swap3A_689] {strides = array<i32>} : memref<16x768xf32, #tpu.memory_space<vmem>>, vector<1x16xf32>,
      %swap3A_691 = vector.shape_cast %swap3A_690 : vector<1x16xf32> to vector<16xf32>
      %swap3A_692 = vector.shape_cast %add3A_687 : vector<16xf32> to vector<1x16xf32>
      tpu.vector_store %arg7[%swap3A_688, %swap3A_689], %swap3A_692 {strides = array<i32>} : memref<16x768xf32, #tpu.memory_space<vmem>>, vector<1x16xf32>,
      %get3A_693 = arith.index_cast %scan3A_245 : i32 to index
      %get3A_694 = arith.constant 512 : index
      %get3A_695 = tpu.vector_load %arg7[%get3A_693, %get3A_694] {strides = array<i32>} : memref<16x768xf32, #tpu.memory_space<vmem>>, vector<1x16xf32>,
      %get3A_696 = vector.shape_cast %get3A_695 : vector<1x16xf32> to vector<16xf32>
      %get3A_697 = arith.index_cast %scan3A_245 : i32 to index
      %get3A_698 = arith.constant 512 : index
      %get3A_699 = tpu.vector_load %arg11[%get3A_697, %get3A_698] {strides = array<i32>} : memref<16x768xf32, #tpu.memory_space<vmem>>, vector<1x16xf32>,
      %get3A_700 = vector.shape_cast %get3A_699 : vector<1x16xf32> to vector<16xf32>
      %add3A_701 = arith.addf %get3A_696, %get3A_700 : vector<16xf32>
      %swap3A_702 = arith.index_cast %scan3A_245 : i32 to index
      %swap3A_703 = arith.constant 512 : index
      %swap3A_704 = tpu.vector_load %arg7[%swap3A_702, %swap3A_703] {strides = array<i32>} : memref<16x768xf32, #tpu.memory_space<vmem>>, vector<1x16xf32>,
      %swap3A_705 = vector.shape_cast %swap3A_704 : vector<1x16xf32> to vector<16xf32>
      %swap3A_706 = vector.shape_cast %add3A_701 : vector<16xf32> to vector<1x16xf32>
      tpu.vector_store %arg7[%swap3A_702, %swap3A_703], %swap3A_706 {strides = array<i32>} : memref<16x768xf32, #tpu.memory_space<vmem>>, vector<1x16xf32>,
      %get3A_707 = arith.index_cast %scan3A_245 : i32 to index
      %get3A_708 = arith.constant 528 : index
      %get3A_709 = tpu.vector_load %arg7[%get3A_707, %get3A_708] {strides = array<i32>} : memref<16x768xf32, #tpu.memory_space<vmem>>, vector<1x16xf32>,
      %get3A_710 = vector.shape_cast %get3A_709 : vector<1x16xf32> to vector<16xf32>
      %get3A_711 = arith.index_cast %scan3A_245 : i32 to index
      %get3A_712 = arith.constant 528 : index
      %get3A_713 = tpu.vector_load %arg11[%get3A_711, %get3A_712] {strides = array<i32>} : memref<16x768xf32, #tpu.memory_space<vmem>>, vector<1x16xf32>,
      %get3A_714 = vector.shape_cast %get3A_713 : vector<1x16xf32> to vector<16xf32>
      %add3A_715 = arith.addf %get3A_710, %get3A_714 : vector<16xf32>
      %swap3A_716 = arith.index_cast %scan3A_245 : i32 to index
      %swap3A_717 = arith.constant 528 : index
      %swap3A_718 = tpu.vector_load %arg7[%swap3A_716, %swap3A_717] {strides = array<i32>} : memref<16x768xf32, #tpu.memory_space<vmem>>, vector<1x16xf32>,
      %swap3A_719 = vector.shape_cast %swap3A_718 : vector<1x16xf32> to vector<16xf32>
      %swap3A_720 = vector.shape_cast %add3A_715 : vector<16xf32> to vector<1x16xf32>
      tpu.vector_store %arg7[%swap3A_716, %swap3A_717], %swap3A_720 {strides = array<i32>} : memref<16x768xf32, #tpu.memory_space<vmem>>, vector<1x16xf32>,
      %get3A_721 = arith.index_cast %scan3A_245 : i32 to index
      %get3A_722 = arith.constant 544 : index
      %get3A_723 = tpu.vector_load %arg7[%get3A_721, %get3A_722] {strides = array<i32>} : memref<16x768xf32, #tpu.memory_space<vmem>>, vector<1x16xf32>,
      %get3A_724 = vector.shape_cast %get3A_723 : vector<1x16xf32> to vector<16xf32>
      %get3A_725 = arith.index_cast %scan3A_245 : i32 to index
      %get3A_726 = arith.constant 544 : index
      %get3A_727 = tpu.vector_load %arg11[%get3A_725, %get3A_726] {strides = array<i32>} : memref<16x768xf32, #tpu.memory_space<vmem>>, vector<1x16xf32>,
      %get3A_728 = vector.shape_cast %get3A_727 : vector<1x16xf32> to vector<16xf32>
      %add3A_729 = arith.addf %get3A_724, %get3A_728 : vector<16xf32>
      %swap3A_730 = arith.index_cast %scan3A_245 : i32 to index
      %swap3A_731 = arith.constant 544 : index
      %swap3A_732 = tpu.vector_load %arg7[%swap3A_730, %swap3A_731] {strides = array<i32>} : memref<16x768xf32, #tpu.memory_space<vmem>>, vector<1x16xf32>,
      %swap3A_733 = vector.shape_cast %swap3A_732 : vector<1x16xf32> to vector<16xf32>
      %swap3A_734 = vector.shape_cast %add3A_729 : vector<16xf32> to vector<1x16xf32>
      tpu.vector_store %arg7[%swap3A_730, %swap3A_731], %swap3A_734 {strides = array<i32>} : memref<16x768xf32, #tpu.memory_space<vmem>>, vector<1x16xf32>,
      %get3A_735 = arith.index_cast %scan3A_245 : i32 to index
      %get3A_736 = arith.constant 560 : index
      %get3A_737 = tpu.vector_load %arg7[%get3A_735, %get3A_736] {strides = array<i32>} : memref<16x768xf32, #tpu.memory_space<vmem>>, vector<1x16xf32>,
      %get3A_738 = vector.shape_cast %get3A_737 : vector<1x16xf32> to vector<16xf32>
      %get3A_739 = arith.index_cast %scan3A_245 : i32 to index
      %get3A_740 = arith.constant 560 : index
      %get3A_741 = tpu.vector_load %arg11[%get3A_739, %get3A_740] {strides = array<i32>} : memref<16x768xf32, #tpu.memory_space<vmem>>, vector<1x16xf32>,
      %get3A_742 = vector.shape_cast %get3A_741 : vector<1x16xf32> to vector<16xf32>
      %add3A_743 = arith.addf %get3A_738, %get3A_742 : vector<16xf32>
      %swap3A_744 = arith.index_cast %scan3A_245 : i32 to index
      %swap3A_745 = arith.constant 560 : index
      %swap3A_746 = tpu.vector_load %arg7[%swap3A_744, %swap3A_745] {strides = array<i32>} : memref<16x768xf32, #tpu.memory_space<vmem>>, vector<1x16xf32>,
      %swap3A_747 = vector.shape_cast %swap3A_746 : vector<1x16xf32> to vector<16xf32>
      %swap3A_748 = vector.shape_cast %add3A_743 : vector<16xf32> to vector<1x16xf32>
      tpu.vector_store %arg7[%swap3A_744, %swap3A_745], %swap3A_748 {strides = array<i32>} : memref<16x768xf32, #tpu.memory_space<vmem>>, vector<1x16xf32>,
      %get3A_749 = arith.index_cast %scan3A_245 : i32 to index
      %get3A_750 = arith.constant 576 : index
      %get3A_751 = tpu.vector_load %arg7[%get3A_749, %get3A_750] {strides = array<i32>} : memref<16x768xf32, #tpu.memory_space<vmem>>, vector<1x16xf32>,
      %get3A_752 = vector.shape_cast %get3A_751 : vector<1x16xf32> to vector<16xf32>
      %get3A_753 = arith.index_cast %scan3A_245 : i32 to index
      %get3A_754 = arith.constant 576 : index
      %get3A_755 = tpu.vector_load %arg11[%get3A_753, %get3A_754] {strides = array<i32>} : memref<16x768xf32, #tpu.memory_space<vmem>>, vector<1x16xf32>,
      %get3A_756 = vector.shape_cast %get3A_755 : vector<1x16xf32> to vector<16xf32>
      %add3A_757 = arith.addf %get3A_752, %get3A_756 : vector<16xf32>
      %swap3A_758 = arith.index_cast %scan3A_245 : i32 to index
      %swap3A_759 = arith.constant 576 : index
      %swap3A_760 = tpu.vector_load %arg7[%swap3A_758, %swap3A_759] {strides = array<i32>} : memref<16x768xf32, #tpu.memory_space<vmem>>, vector<1x16xf32>,
      %swap3A_761 = vector.shape_cast %swap3A_760 : vector<1x16xf32> to vector<16xf32>
      %swap3A_762 = vector.shape_cast %add3A_757 : vector<16xf32> to vector<1x16xf32>
      tpu.vector_store %arg7[%swap3A_758, %swap3A_759], %swap3A_762 {strides = array<i32>} : memref<16x768xf32, #tpu.memory_space<vmem>>, vector<1x16xf32>,
      %get3A_763 = arith.index_cast %scan3A_245 : i32 to index
      %get3A_764 = arith.constant 592 : index
      %get3A_765 = tpu.vector_load %arg7[%get3A_763, %get3A_764] {strides = array<i32>} : memref<16x768xf32, #tpu.memory_space<vmem>>, vector<1x16xf32>,
      %get3A_766 = vector.shape_cast %get3A_765 : vector<1x16xf32> to vector<16xf32>
      %get3A_767 = arith.index_cast %scan3A_245 : i32 to index
      %get3A_768 = arith.constant 592 : index
      %get3A_769 = tpu.vector_load %arg11[%get3A_767, %get3A_768] {strides = array<i32>} : memref<16x768xf32, #tpu.memory_space<vmem>>, vector<1x16xf32>,
      %get3A_770 = vector.shape_cast %get3A_769 : vector<1x16xf32> to vector<16xf32>
      %add3A_771 = arith.addf %get3A_766, %get3A_770 : vector<16xf32>
      %swap3A_772 = arith.index_cast %scan3A_245 : i32 to index
      %swap3A_773 = arith.constant 592 : index
      %swap3A_774 = tpu.vector_load %arg7[%swap3A_772, %swap3A_773] {strides = array<i32>} : memref<16x768xf32, #tpu.memory_space<vmem>>, vector<1x16xf32>,
      %swap3A_775 = vector.shape_cast %swap3A_774 : vector<1x16xf32> to vector<16xf32>
      %swap3A_776 = vector.shape_cast %add3A_771 : vector<16xf32> to vector<1x16xf32>
      tpu.vector_store %arg7[%swap3A_772, %swap3A_773], %swap3A_776 {strides = array<i32>} : memref<16x768xf32, #tpu.memory_space<vmem>>, vector<1x16xf32>,
      %get3A_777 = arith.index_cast %scan3A_245 : i32 to index
      %get3A_778 = arith.constant 608 : index
      %get3A_779 = tpu.vector_load %arg7[%get3A_777, %get3A_778] {strides = array<i32>} : memref<16x768xf32, #tpu.memory_space<vmem>>, vector<1x16xf32>,
      %get3A_780 = vector.shape_cast %get3A_779 : vector<1x16xf32> to vector<16xf32>
      %get3A_781 = arith.index_cast %scan3A_245 : i32 to index
      %get3A_782 = arith.constant 608 : index
      %get3A_783 = tpu.vector_load %arg11[%get3A_781, %get3A_782] {strides = array<i32>} : memref<16x768xf32, #tpu.memory_space<vmem>>, vector<1x16xf32>,
      %get3A_784 = vector.shape_cast %get3A_783 : vector<1x16xf32> to vector<16xf32>
      %add3A_785 = arith.addf %get3A_780, %get3A_784 : vector<16xf32>
      %swap3A_786 = arith.index_cast %scan3A_245 : i32 to index
      %swap3A_787 = arith.constant 608 : index
      %swap3A_788 = tpu.vector_load %arg7[%swap3A_786, %swap3A_787] {strides = array<i32>} : memref<16x768xf32, #tpu.memory_space<vmem>>, vector<1x16xf32>,
      %swap3A_789 = vector.shape_cast %swap3A_788 : vector<1x16xf32> to vector<16xf32>
      %swap3A_790 = vector.shape_cast %add3A_785 : vector<16xf32> to vector<1x16xf32>
      tpu.vector_store %arg7[%swap3A_786, %swap3A_787], %swap3A_790 {strides = array<i32>} : memref<16x768xf32, #tpu.memory_space<vmem>>, vector<1x16xf32>,
      %get3A_791 = arith.index_cast %scan3A_245 : i32 to index
      %get3A_792 = arith.constant 624 : index
      %get3A_793 = tpu.vector_load %arg7[%get3A_791, %get3A_792] {strides = array<i32>} : memref<16x768xf32, #tpu.memory_space<vmem>>, vector<1x16xf32>,
      %get3A_794 = vector.shape_cast %get3A_793 : vector<1x16xf32> to vector<16xf32>
      %get3A_795 = arith.index_cast %scan3A_245 : i32 to index
      %get3A_796 = arith.constant 624 : index
      %get3A_797 = tpu.vector_load %arg11[%get3A_795, %get3A_796] {strides = array<i32>} : memref<16x768xf32, #tpu.memory_space<vmem>>, vector<1x16xf32>,
      %get3A_798 = vector.shape_cast %get3A_797 : vector<1x16xf32> to vector<16xf32>
      %add3A_799 = arith.addf %get3A_794, %get3A_798 : vector<16xf32>
      %swap3A_800 = arith.index_cast %scan3A_245 : i32 to index
      %swap3A_801 = arith.constant 624 : index
      %swap3A_802 = tpu.vector_load %arg7[%swap3A_800, %swap3A_801] {strides = array<i32>} : memref<16x768xf32, #tpu.memory_space<vmem>>, vector<1x16xf32>,
      %swap3A_803 = vector.shape_cast %swap3A_802 : vector<1x16xf32> to vector<16xf32>
      %swap3A_804 = vector.shape_cast %add3A_799 : vector<16xf32> to vector<1x16xf32>
      tpu.vector_store %arg7[%swap3A_800, %swap3A_801], %swap3A_804 {strides = array<i32>} : memref<16x768xf32, #tpu.memory_space<vmem>>, vector<1x16xf32>,
      %get3A_805 = arith.index_cast %scan3A_245 : i32 to index
      %get3A_806 = arith.constant 640 : index
      %get3A_807 = tpu.vector_load %arg7[%get3A_805, %get3A_806] {strides = array<i32>} : memref<16x768xf32, #tpu.memory_space<vmem>>, vector<1x16xf32>,
      %get3A_808 = vector.shape_cast %get3A_807 : vector<1x16xf32> to vector<16xf32>
      %get3A_809 = arith.index_cast %scan3A_245 : i32 to index
      %get3A_810 = arith.constant 640 : index
      %get3A_811 = tpu.vector_load %arg11[%get3A_809, %get3A_810] {strides = array<i32>} : memref<16x768xf32, #tpu.memory_space<vmem>>, vector<1x16xf32>,
      %get3A_812 = vector.shape_cast %get3A_811 : vector<1x16xf32> to vector<16xf32>
      %add3A_813 = arith.addf %get3A_808, %get3A_812 : vector<16xf32>
      %swap3A_814 = arith.index_cast %scan3A_245 : i32 to index
      %swap3A_815 = arith.constant 640 : index
      %swap3A_816 = tpu.vector_load %arg7[%swap3A_814, %swap3A_815] {strides = array<i32>} : memref<16x768xf32, #tpu.memory_space<vmem>>, vector<1x16xf32>,
      %swap3A_817 = vector.shape_cast %swap3A_816 : vector<1x16xf32> to vector<16xf32>
      %swap3A_818 = vector.shape_cast %add3A_813 : vector<16xf32> to vector<1x16xf32>
      tpu.vector_store %arg7[%swap3A_814, %swap3A_815], %swap3A_818 {strides = array<i32>} : memref<16x768xf32, #tpu.memory_space<vmem>>, vector<1x16xf32>,
      %get3A_819 = arith.index_cast %scan3A_245 : i32 to index
      %get3A_820 = arith.constant 656 : index
      %get3A_821 = tpu.vector_load %arg7[%get3A_819, %get3A_820] {strides = array<i32>} : memref<16x768xf32, #tpu.memory_space<vmem>>, vector<1x16xf32>,
      %get3A_822 = vector.shape_cast %get3A_821 : vector<1x16xf32> to vector<16xf32>
      %get3A_823 = arith.index_cast %scan3A_245 : i32 to index
      %get3A_824 = arith.constant 656 : index
      %get3A_825 = tpu.vector_load %arg11[%get3A_823, %get3A_824] {strides = array<i32>} : memref<16x768xf32, #tpu.memory_space<vmem>>, vector<1x16xf32>,
      %get3A_826 = vector.shape_cast %get3A_825 : vector<1x16xf32> to vector<16xf32>
      %add3A_827 = arith.addf %get3A_822, %get3A_826 : vector<16xf32>
      %swap3A_828 = arith.index_cast %scan3A_245 : i32 to index
      %swap3A_829 = arith.constant 656 : index
      %swap3A_830 = tpu.vector_load %arg7[%swap3A_828, %swap3A_829] {strides = array<i32>} : memref<16x768xf32, #tpu.memory_space<vmem>>, vector<1x16xf32>,
      %swap3A_831 = vector.shape_cast %swap3A_830 : vector<1x16xf32> to vector<16xf32>
      %swap3A_832 = vector.shape_cast %add3A_827 : vector<16xf32> to vector<1x16xf32>
      tpu.vector_store %arg7[%swap3A_828, %swap3A_829], %swap3A_832 {strides = array<i32>} : memref<16x768xf32, #tpu.memory_space<vmem>>, vector<1x16xf32>,
      %get3A_833 = arith.index_cast %scan3A_245 : i32 to index
      %get3A_834 = arith.constant 672 : index
      %get3A_835 = tpu.vector_load %arg7[%get3A_833, %get3A_834] {strides = array<i32>} : memref<16x768xf32, #tpu.memory_space<vmem>>, vector<1x16xf32>,
      %get3A_836 = vector.shape_cast %get3A_835 : vector<1x16xf32> to vector<16xf32>
      %get3A_837 = arith.index_cast %scan3A_245 : i32 to index
      %get3A_838 = arith.constant 672 : index
      %get3A_839 = tpu.vector_load %arg11[%get3A_837, %get3A_838] {strides = array<i32>} : memref<16x768xf32, #tpu.memory_space<vmem>>, vector<1x16xf32>,
      %get3A_840 = vector.shape_cast %get3A_839 : vector<1x16xf32> to vector<16xf32>
      %add3A_841 = arith.addf %get3A_836, %get3A_840 : vector<16xf32>
      %swap3A_842 = arith.index_cast %scan3A_245 : i32 to index
      %swap3A_843 = arith.constant 672 : index
      %swap3A_844 = tpu.vector_load %arg7[%swap3A_842, %swap3A_843] {strides = array<i32>} : memref<16x768xf32, #tpu.memory_space<vmem>>, vector<1x16xf32>,
      %swap3A_845 = vector.shape_cast %swap3A_844 : vector<1x16xf32> to vector<16xf32>
      %swap3A_846 = vector.shape_cast %add3A_841 : vector<16xf32> to vector<1x16xf32>
      tpu.vector_store %arg7[%swap3A_842, %swap3A_843], %swap3A_846 {strides = array<i32>} : memref<16x768xf32, #tpu.memory_space<vmem>>, vector<1x16xf32>,
      %get3A_847 = arith.index_cast %scan3A_245 : i32 to index
      %get3A_848 = arith.constant 688 : index
      %get3A_849 = tpu.vector_load %arg7[%get3A_847, %get3A_848] {strides = array<i32>} : memref<16x768xf32, #tpu.memory_space<vmem>>, vector<1x16xf32>,
      %get3A_850 = vector.shape_cast %get3A_849 : vector<1x16xf32> to vector<16xf32>
      %get3A_851 = arith.index_cast %scan3A_245 : i32 to index
      %get3A_852 = arith.constant 688 : index
      %get3A_853 = tpu.vector_load %arg11[%get3A_851, %get3A_852] {strides = array<i32>} : memref<16x768xf32, #tpu.memory_space<vmem>>, vector<1x16xf32>,
      %get3A_854 = vector.shape_cast %get3A_853 : vector<1x16xf32> to vector<16xf32>
      %add3A_855 = arith.addf %get3A_850, %get3A_854 : vector<16xf32>
      %swap3A_856 = arith.index_cast %scan3A_245 : i32 to index
      %swap3A_857 = arith.constant 688 : index
      %swap3A_858 = tpu.vector_load %arg7[%swap3A_856, %swap3A_857] {strides = array<i32>} : memref<16x768xf32, #tpu.memory_space<vmem>>, vector<1x16xf32>,
      %swap3A_859 = vector.shape_cast %swap3A_858 : vector<1x16xf32> to vector<16xf32>
      %swap3A_860 = vector.shape_cast %add3A_855 : vector<16xf32> to vector<1x16xf32>
      tpu.vector_store %arg7[%swap3A_856, %swap3A_857], %swap3A_860 {strides = array<i32>} : memref<16x768xf32, #tpu.memory_space<vmem>>, vector<1x16xf32>,
      %get3A_861 = arith.index_cast %scan3A_245 : i32 to index
      %get3A_862 = arith.constant 704 : index
      %get3A_863 = tpu.vector_load %arg7[%get3A_861, %get3A_862] {strides = array<i32>} : memref<16x768xf32, #tpu.memory_space<vmem>>, vector<1x16xf32>,
      %get3A_864 = vector.shape_cast %get3A_863 : vector<1x16xf32> to vector<16xf32>
      %get3A_865 = arith.index_cast %scan3A_245 : i32 to index
      %get3A_866 = arith.constant 704 : index
      %get3A_867 = tpu.vector_load %arg11[%get3A_865, %get3A_866] {strides = array<i32>} : memref<16x768xf32, #tpu.memory_space<vmem>>, vector<1x16xf32>,
      %get3A_868 = vector.shape_cast %get3A_867 : vector<1x16xf32> to vector<16xf32>
      %add3A_869 = arith.addf %get3A_864, %get3A_868 : vector<16xf32>
      %swap3A_870 = arith.index_cast %scan3A_245 : i32 to index
      %swap3A_871 = arith.constant 704 : index
      %swap3A_872 = tpu.vector_load %arg7[%swap3A_870, %swap3A_871] {strides = array<i32>} : memref<16x768xf32, #tpu.memory_space<vmem>>, vector<1x16xf32>,
      %swap3A_873 = vector.shape_cast %swap3A_872 : vector<1x16xf32> to vector<16xf32>
      %swap3A_874 = vector.shape_cast %add3A_869 : vector<16xf32> to vector<1x16xf32>
      tpu.vector_store %arg7[%swap3A_870, %swap3A_871], %swap3A_874 {strides = array<i32>} : memref<16x768xf32, #tpu.memory_space<vmem>>, vector<1x16xf32>,
      %get3A_875 = arith.index_cast %scan3A_245 : i32 to index
      %get3A_876 = arith.constant 720 : index
      %get3A_877 = tpu.vector_load %arg7[%get3A_875, %get3A_876] {strides = array<i32>} : memref<16x768xf32, #tpu.memory_space<vmem>>, vector<1x16xf32>,
      %get3A_878 = vector.shape_cast %get3A_877 : vector<1x16xf32> to vector<16xf32>
      %get3A_879 = arith.index_cast %scan3A_245 : i32 to index
      %get3A_880 = arith.constant 720 : index
      %get3A_881 = tpu.vector_load %arg11[%get3A_879, %get3A_880] {strides = array<i32>} : memref<16x768xf32, #tpu.memory_space<vmem>>, vector<1x16xf32>,
      %get3A_882 = vector.shape_cast %get3A_881 : vector<1x16xf32> to vector<16xf32>
      %add3A_883 = arith.addf %get3A_878, %get3A_882 : vector<16xf32>
      %swap3A_884 = arith.index_cast %scan3A_245 : i32 to index
      %swap3A_885 = arith.constant 720 : index
      %swap3A_886 = tpu.vector_load %arg7[%swap3A_884, %swap3A_885] {strides = array<i32>} : memref<16x768xf32, #tpu.memory_space<vmem>>, vector<1x16xf32>,
      %swap3A_887 = vector.shape_cast %swap3A_886 : vector<1x16xf32> to vector<16xf32>
      %swap3A_888 = vector.shape_cast %add3A_883 : vector<16xf32> to vector<1x16xf32>
      tpu.vector_store %arg7[%swap3A_884, %swap3A_885], %swap3A_888 {strides = array<i32>} : memref<16x768xf32, #tpu.memory_space<vmem>>, vector<1x16xf32>,
      %get3A_889 = arith.index_cast %scan3A_245 : i32 to index
      %get3A_890 = arith.constant 736 : index
      %get3A_891 = tpu.vector_load %arg7[%get3A_889, %get3A_890] {strides = array<i32>} : memref<16x768xf32, #tpu.memory_space<vmem>>, vector<1x16xf32>,
      %get3A_892 = vector.shape_cast %get3A_891 : vector<1x16xf32> to vector<16xf32>
      %get3A_893 = arith.index_cast %scan3A_245 : i32 to index
      %get3A_894 = arith.constant 736 : index
      %get3A_895 = tpu.vector_load %arg11[%get3A_893, %get3A_894] {strides = array<i32>} : memref<16x768xf32, #tpu.memory_space<vmem>>, vector<1x16xf32>,
      %get3A_896 = vector.shape_cast %get3A_895 : vector<1x16xf32> to vector<16xf32>
      %add3A_897 = arith.addf %get3A_892, %get3A_896 : vector<16xf32>
      %swap3A_898 = arith.index_cast %scan3A_245 : i32 to index
      %swap3A_899 = arith.constant 736 : index
      %swap3A_900 = tpu.vector_load %arg7[%swap3A_898, %swap3A_899] {strides = array<i32>} : memref<16x768xf32, #tpu.memory_space<vmem>>, vector<1x16xf32>,
      %swap3A_901 = vector.shape_cast %swap3A_900 : vector<1x16xf32> to vector<16xf32>
      %swap3A_902 = vector.shape_cast %add3A_897 : vector<16xf32> to vector<1x16xf32>
      tpu.vector_store %arg7[%swap3A_898, %swap3A_899], %swap3A_902 {strides = array<i32>} : memref<16x768xf32, #tpu.memory_space<vmem>>, vector<1x16xf32>,
      %get3A_903 = arith.index_cast %scan3A_245 : i32 to index
      %get3A_904 = arith.constant 752 : index
      %get3A_905 = tpu.vector_load %arg7[%get3A_903, %get3A_904] {strides = array<i32>} : memref<16x768xf32, #tpu.memory_space<vmem>>, vector<1x16xf32>,
      %get3A_906 = vector.shape_cast %get3A_905 : vector<1x16xf32> to vector<16xf32>
      %get3A_907 = arith.index_cast %scan3A_245 : i32 to index
      %get3A_908 = arith.constant 752 : index
      %get3A_909 = tpu.vector_load %arg11[%get3A_907, %get3A_908] {strides = array<i32>} : memref<16x768xf32, #tpu.memory_space<vmem>>, vector<1x16xf32>,
      %get3A_910 = vector.shape_cast %get3A_909 : vector<1x16xf32> to vector<16xf32>
      %add3A_911 = arith.addf %get3A_906, %get3A_910 : vector<16xf32>
      %swap3A_912 = arith.index_cast %scan3A_245 : i32 to index
      %swap3A_913 = arith.constant 752 : index
      %swap3A_914 = tpu.vector_load %arg7[%swap3A_912, %swap3A_913] {strides = array<i32>} : memref<16x768xf32, #tpu.memory_space<vmem>>, vector<1x16xf32>,
      %swap3A_915 = vector.shape_cast %swap3A_914 : vector<1x16xf32> to vector<16xf32>
      %swap3A_916 = vector.shape_cast %add3A_911 : vector<16xf32> to vector<1x16xf32>
      tpu.vector_store %arg7[%swap3A_912, %swap3A_913], %swap3A_916 {strides = array<i32>} : memref<16x768xf32, #tpu.memory_space<vmem>>, vector<1x16xf32>,
      %scan3A_917 = arith.constant 0 : i32
      scf.yield %scan3A_917 : i32
    }
    %scan3A_91 = arith.constant 16 : i32
    %mul3A_92 = arith.constant 16 : i32
    %mul3A_93 = arith.muli %add3A_72, %mul3A_92 : i32
    %add3A_94 = arith.addi %add3A_37, %mul3A_93 : i32
    %dma_start3A_95 = arith.constant 0 : i32
    %dma_start3A_96 = tpu.memref_slice %arg5[%add3A_94, %dma_start3A_95] : memref<32768x768xf32, #tpu.memory_space<hbm>> -> memref<16x768xf32, #tpu.memory_space<hbm>>
    %dma_start3A_97 = arith.constant 0 : i32
    %dma_start3A_98 = tpu.memref_slice %arg5[%add3A_94, %dma_start3A_97] : memref<32768x768xf32, #tpu.memory_space<hbm>> -> memref<16x768xf32, #tpu.memory_space<hbm>>
    tpu.enqueue_dma source(%arg7 : memref<16x768xf32, #tpu.memory_space<vmem>>) target(%dma_start3A_98 : memref<16x768xf32, #tpu.memory_space<hbm>>) target_semaphore(%arg23 : memref<!tpu.dma_semaphore, #tpu.memory_space<semaphore_mem>>)
    %ge3A = arith.constant 2 : i32
    %ge3A_99 = arith.cmpi sge, %add3A_72, %ge3A : i32
    %convert_element_type3A = arith.extui %ge3A_99 : i1 to i32
    %cond3A = arith.constant 0 : i32
    %cond3A_100 = arith.cmpi ne, %convert_element_type3A, %cond3A : i32
    scf.if %cond3A_100 {
      %sub3A_245 = arith.constant 2 : i32
      %sub3A_246 = arith.subi %add3A_72, %sub3A_245 : i32
      %mul3A_247 = arith.constant 16 : i32
      %mul3A_248 = arith.muli %sub3A_246, %mul3A_247 : i32
      %add3A_249 = arith.addi %add3A_37, %mul3A_248 : i32
      %dma_wait3A_250 = arith.constant 0 : i32
      %dma_wait3A_251 = tpu.memref_slice %arg5[%add3A_249, %dma_wait3A_250] : memref<32768x768xf32, #tpu.memory_space<hbm>> -> memref<16x768xf32, #tpu.memory_space<hbm>>
      %dma_wait3A_252 = arith.constant 0 : i32
      %dma_wait3A_253 = tpu.memref_slice %arg5[%add3A_249, %dma_wait3A_252] : memref<32768x768xf32, #tpu.memory_space<hbm>> -> memref<16x768xf32, #tpu.memory_space<hbm>>
      tpu.wait_dma2 semaphore(%arg25 : memref<!tpu.dma_semaphore, #tpu.memory_space<semaphore_mem>>) src(%arg9 : memref<16x768xf32, #tpu.memory_space<vmem>>) dst(%dma_wait3A_253 : memref<16x768xf32, #tpu.memory_space<hbm>>)
    } else {
    }
    %add3A_101 = arith.constant 2 : i32
    %add3A_102 = arith.addi %add3A_72, %add3A_101 : i32
    %lt3A_103 = arith.constant 4 : i32
    %lt3A_104 = arith.cmpi slt, %add3A_102, %lt3A_103 : i32
    %convert_element_type3A_105 = arith.extui %lt3A_104 : i1 to i32
    %cond3A_106 = arith.constant 0 : i32
    %cond3A_107 = arith.cmpi ne, %convert_element_type3A_105, %cond3A_106 : i32
    scf.if %cond3A_107 {
      %add3A_245 = arith.constant 2 : i32
      %add3A_246 = arith.addi %add3A_72, %add3A_245 : i32
      %mul3A_247 = arith.constant 16 : i32
      %mul3A_248 = arith.muli %add3A_246, %mul3A_247 : i32
      %add3A_249 = arith.addi %add3A_37, %mul3A_248 : i32
      %dma_start3A_250 = arith.constant 0 : i32
      %dma_start3A_251 = tpu.memref_slice %arg2[%add3A_249, %dma_start3A_250] : memref<32768x768xf32, #tpu.memory_space<hbm>> -> memref<16x768xf32, #tpu.memory_space<hbm>>
      %dma_start3A_252 = arith.constant 0 : i32
      %dma_start3A_253 = tpu.memref_slice %arg2[%add3A_249, %dma_start3A_252] : memref<32768x768xf32, #tpu.memory_space<hbm>> -> memref<16x768xf32, #tpu.memory_space<hbm>>
      tpu.enqueue_dma source(%dma_start3A_253 : memref<16x768xf32, #tpu.memory_space<hbm>>) target(%arg9 : memref<16x768xf32, #tpu.memory_space<vmem>>) target_semaphore(%arg17 : memref<!tpu.dma_semaphore, #tpu.memory_space<semaphore_mem>>)
      %mul3A_254 = arith.constant 16 : i32
      %mul3A_255 = arith.muli %add3A_246, %mul3A_254 : i32
      %dma_start3A_256 = tpu.memref_slice %arg6[%mul3A_255] : memref<64xi32, #tpu.memory_space<vmem>> -> memref<16xi32, #tpu.memory_space<vmem>>
      %dma_start3A_257 = arith.constant 0 : i32
      %dma_start3A_258 = arith.constant 0 : i32
      %dma_start3A_259 = tpu.memref_slice %arg4[%dma_start3A_257, %dma_start3A_258] : memref<1024x768xf32, #tpu.memory_space<hbm>> -> memref<1024x768xf32, #tpu.memory_space<hbm>>
      tpu.enqueue_indirect_dma source(%dma_start3A_259 : memref<1024x768xf32, #tpu.memory_space<hbm>>) target(%arg13 : memref<16x768xf32, #tpu.memory_space<vmem>>) offsets(%dma_start3A_256 : memref<16xi32, #tpu.memory_space<vmem>>) semaphore(%arg21 : memref<!tpu.dma_semaphore, #tpu.memory_space<semaphore_mem>>)
    } else {
    }
    %add3A_108 = arith.constant 1 : i32
    %add3A_109 = arith.addi %mul3A_70, %add3A_108 : i32
    %mul3A_110 = arith.constant 16 : i32
    %mul3A_111 = arith.muli %add3A_109, %mul3A_110 : i32
    %add3A_112 = arith.addi %add3A_37, %mul3A_111 : i32
    %dma_wait3A_113 = arith.constant 0 : i32
    %dma_wait3A_114 = tpu.memref_slice %arg2[%add3A_112, %dma_wait3A_113] : memref<32768x768xf32, #tpu.memory_space<hbm>> -> memref<16x768xf32, #tpu.memory_space<hbm>>
    %dma_wait3A_115 = arith.constant 0 : i32
    %dma_wait3A_116 = tpu.memref_slice %arg2[%add3A_112, %dma_wait3A_115] : memref<32768x768xf32, #tpu.memory_space<hbm>> -> memref<16x768xf32, #tpu.memory_space<hbm>>
    tpu.wait_dma2 semaphore(%arg16 : memref<!tpu.dma_semaphore, #tpu.memory_space<semaphore_mem>>) src(%dma_wait3A_116 : memref<16x768xf32, #tpu.memory_space<hbm>>) dst(%arg8 : memref<16x768xf32, #tpu.memory_space<vmem>>)
    %mul3A_117 = arith.constant 16 : i32
    %mul3A_118 = arith.muli %add3A_109, %mul3A_117 : i32
    %dma_wait3A_119 = tpu.memref_slice %arg6[%mul3A_118] : memref<64xi32, #tpu.memory_space<vmem>> -> memref<16xi32, #tpu.memory_space<vmem>>
    %dma_wait3A_120 = arith.constant 0 : i32
    %dma_wait3A_121 = arith.constant 0 : i32
    %dma_wait3A_122 = tpu.memref_slice %arg4[%dma_wait3A_120, %dma_wait3A_121] : memref<1024x768xf32, #tpu.memory_space<hbm>> -> memref<1024x768xf32, #tpu.memory_space<hbm>>
    tpu.wait_indirect_dma semaphore(%arg20 : memref<!tpu.dma_semaphore, #tpu.memory_space<semaphore_mem>>) src(%dma_wait3A_122 : memref<1024x768xf32, #tpu.memory_space<hbm>>) dst(%arg12 : memref<16x768xf32, #tpu.memory_space<vmem>>)
    %scan3A_123 = arith.constant 0 : i32
    %scan3A_124 = arith.constant 0 : i32
    %scan3A_125 = arith.constant 16 : i32
    %scan3A_126 = arith.addi %scan3A_124, %scan3A_125 : i32
    %scan3A_127 = arith.constant 1 : i32
    %scan3A_128 = scf.for %scan3A_245 = %scan3A_124 to %scan3A_126 step %scan3A_127 iter_args(%scan3A_246 = %scan3A_123) -> (i32)  : i32 {
      %get3A = arith.index_cast %scan3A_245 : i32 to index
      %get3A_247 = arith.constant 0 : index
      %get3A_248 = tpu.vector_load %arg8[%get3A, %get3A_247] {strides = array<i32>} : memref<16x768xf32, #tpu.memory_space<vmem>>, vector<1x16xf32>,
      %get3A_249 = vector.shape_cast %get3A_248 : vector<1x16xf32> to vector<16xf32>
      %get3A_250 = arith.index_cast %scan3A_245 : i32 to index
      %get3A_251 = arith.constant 0 : index
      %get3A_252 = tpu.vector_load %arg12[%get3A_250, %get3A_251] {strides = array<i32>} : memref<16x768xf32, #tpu.memory_space<vmem>>, vector<1x16xf32>,
      %get3A_253 = vector.shape_cast %get3A_252 : vector<1x16xf32> to vector<16xf32>
      %add3A_254 = arith.addf %get3A_249, %get3A_253 : vector<16xf32>
      %swap3A = arith.index_cast %scan3A_245 : i32 to index
      %swap3A_255 = arith.constant 0 : index
      %swap3A_256 = tpu.vector_load %arg8[%swap3A, %swap3A_255] {strides = array<i32>} : memref<16x768xf32, #tpu.memory_space<vmem>>, vector<1x16xf32>,
      %swap3A_257 = vector.shape_cast %swap3A_256 : vector<1x16xf32> to vector<16xf32>
      %swap3A_258 = vector.shape_cast %add3A_254 : vector<16xf32> to vector<1x16xf32>
      tpu.vector_store %arg8[%swap3A, %swap3A_255], %swap3A_258 {strides = array<i32>} : memref<16x768xf32, #tpu.memory_space<vmem>>, vector<1x16xf32>,
      %get3A_259 = arith.index_cast %scan3A_245 : i32 to index
      %get3A_260 = arith.constant 16 : index
      %get3A_261 = tpu.vector_load %arg8[%get3A_259, %get3A_260] {strides = array<i32>} : memref<16x768xf32, #tpu.memory_space<vmem>>, vector<1x16xf32>,
      %get3A_262 = vector.shape_cast %get3A_261 : vector<1x16xf32> to vector<16xf32>
      %get3A_263 = arith.index_cast %scan3A_245 : i32 to index
      %get3A_264 = arith.constant 16 : index
      %get3A_265 = tpu.vector_load %arg12[%get3A_263, %get3A_264] {strides = array<i32>} : memref<16x768xf32, #tpu.memory_space<vmem>>, vector<1x16xf32>,
      %get3A_266 = vector.shape_cast %get3A_265 : vector<1x16xf32> to vector<16xf32>
      %add3A_267 = arith.addf %get3A_262, %get3A_266 : vector<16xf32>
      %swap3A_268 = arith.index_cast %scan3A_245 : i32 to index
      %swap3A_269 = arith.constant 16 : index
      %swap3A_270 = tpu.vector_load %arg8[%swap3A_268, %swap3A_269] {strides = array<i32>} : memref<16x768xf32, #tpu.memory_space<vmem>>, vector<1x16xf32>,
      %swap3A_271 = vector.shape_cast %swap3A_270 : vector<1x16xf32> to vector<16xf32>
      %swap3A_272 = vector.shape_cast %add3A_267 : vector<16xf32> to vector<1x16xf32>
      tpu.vector_store %arg8[%swap3A_268, %swap3A_269], %swap3A_272 {strides = array<i32>} : memref<16x768xf32, #tpu.memory_space<vmem>>, vector<1x16xf32>,
      %get3A_273 = arith.index_cast %scan3A_245 : i32 to index
      %get3A_274 = arith.constant 32 : index
      %get3A_275 = tpu.vector_load %arg8[%get3A_273, %get3A_274] {strides = array<i32>} : memref<16x768xf32, #tpu.memory_space<vmem>>, vector<1x16xf32>,
      %get3A_276 = vector.shape_cast %get3A_275 : vector<1x16xf32> to vector<16xf32>
      %get3A_277 = arith.index_cast %scan3A_245 : i32 to index
      %get3A_278 = arith.constant 32 : index
      %get3A_279 = tpu.vector_load %arg12[%get3A_277, %get3A_278] {strides = array<i32>} : memref<16x768xf32, #tpu.memory_space<vmem>>, vector<1x16xf32>,
      %get3A_280 = vector.shape_cast %get3A_279 : vector<1x16xf32> to vector<16xf32>
      %add3A_281 = arith.addf %get3A_276, %get3A_280 : vector<16xf32>
      %swap3A_282 = arith.index_cast %scan3A_245 : i32 to index
      %swap3A_283 = arith.constant 32 : index
      %swap3A_284 = tpu.vector_load %arg8[%swap3A_282, %swap3A_283] {strides = array<i32>} : memref<16x768xf32, #tpu.memory_space<vmem>>, vector<1x16xf32>,
      %swap3A_285 = vector.shape_cast %swap3A_284 : vector<1x16xf32> to vector<16xf32>
      %swap3A_286 = vector.shape_cast %add3A_281 : vector<16xf32> to vector<1x16xf32>
      tpu.vector_store %arg8[%swap3A_282, %swap3A_283], %swap3A_286 {strides = array<i32>} : memref<16x768xf32, #tpu.memory_space<vmem>>, vector<1x16xf32>,
      %get3A_287 = arith.index_cast %scan3A_245 : i32 to index
      %get3A_288 = arith.constant 48 : index
      %get3A_289 = tpu.vector_load %arg8[%get3A_287, %get3A_288] {strides = array<i32>} : memref<16x768xf32, #tpu.memory_space<vmem>>, vector<1x16xf32>,
      %get3A_290 = vector.shape_cast %get3A_289 : vector<1x16xf32> to vector<16xf32>
      %get3A_291 = arith.index_cast %scan3A_245 : i32 to index
      %get3A_292 = arith.constant 48 : index
      %get3A_293 = tpu.vector_load %arg12[%get3A_291, %get3A_292] {strides = array<i32>} : memref<16x768xf32, #tpu.memory_space<vmem>>, vector<1x16xf32>,
      %get3A_294 = vector.shape_cast %get3A_293 : vector<1x16xf32> to vector<16xf32>
      %add3A_295 = arith.addf %get3A_290, %get3A_294 : vector<16xf32>
      %swap3A_296 = arith.index_cast %scan3A_245 : i32 to index
      %swap3A_297 = arith.constant 48 : index
      %swap3A_298 = tpu.vector_load %arg8[%swap3A_296, %swap3A_297] {strides = array<i32>} : memref<16x768xf32, #tpu.memory_space<vmem>>, vector<1x16xf32>,
      %swap3A_299 = vector.shape_cast %swap3A_298 : vector<1x16xf32> to vector<16xf32>
      %swap3A_300 = vector.shape_cast %add3A_295 : vector<16xf32> to vector<1x16xf32>
      tpu.vector_store %arg8[%swap3A_296, %swap3A_297], %swap3A_300 {strides = array<i32>} : memref<16x768xf32, #tpu.memory_space<vmem>>, vector<1x16xf32>,
      %get3A_301 = arith.index_cast %scan3A_245 : i32 to index
      %get3A_302 = arith.constant 64 : index
      %get3A_303 = tpu.vector_load %arg8[%get3A_301, %get3A_302] {strides = array<i32>} : memref<16x768xf32, #tpu.memory_space<vmem>>, vector<1x16xf32>,
      %get3A_304 = vector.shape_cast %get3A_303 : vector<1x16xf32> to vector<16xf32>
      %get3A_305 = arith.index_cast %scan3A_245 : i32 to index
      %get3A_306 = arith.constant 64 : index
      %get3A_307 = tpu.vector_load %arg12[%get3A_305, %get3A_306] {strides = array<i32>} : memref<16x768xf32, #tpu.memory_space<vmem>>, vector<1x16xf32>,
      %get3A_308 = vector.shape_cast %get3A_307 : vector<1x16xf32> to vector<16xf32>
      %add3A_309 = arith.addf %get3A_304, %get3A_308 : vector<16xf32>
      %swap3A_310 = arith.index_cast %scan3A_245 : i32 to index
      %swap3A_311 = arith.constant 64 : index
      %swap3A_312 = tpu.vector_load %arg8[%swap3A_310, %swap3A_311] {strides = array<i32>} : memref<16x768xf32, #tpu.memory_space<vmem>>, vector<1x16xf32>,
      %swap3A_313 = vector.shape_cast %swap3A_312 : vector<1x16xf32> to vector<16xf32>
      %swap3A_314 = vector.shape_cast %add3A_309 : vector<16xf32> to vector<1x16xf32>
      tpu.vector_store %arg8[%swap3A_310, %swap3A_311], %swap3A_314 {strides = array<i32>} : memref<16x768xf32, #tpu.memory_space<vmem>>, vector<1x16xf32>,
      %get3A_315 = arith.index_cast %scan3A_245 : i32 to index
      %get3A_316 = arith.constant 80 : index
      %get3A_317 = tpu.vector_load %arg8[%get3A_315, %get3A_316] {strides = array<i32>} : memref<16x768xf32, #tpu.memory_space<vmem>>, vector<1x16xf32>,
      %get3A_318 = vector.shape_cast %get3A_317 : vector<1x16xf32> to vector<16xf32>
      %get3A_319 = arith.index_cast %scan3A_245 : i32 to index
      %get3A_320 = arith.constant 80 : index
      %get3A_321 = tpu.vector_load %arg12[%get3A_319, %get3A_320] {strides = array<i32>} : memref<16x768xf32, #tpu.memory_space<vmem>>, vector<1x16xf32>,
      %get3A_322 = vector.shape_cast %get3A_321 : vector<1x16xf32> to vector<16xf32>
      %add3A_323 = arith.addf %get3A_318, %get3A_322 : vector<16xf32>
      %swap3A_324 = arith.index_cast %scan3A_245 : i32 to index
      %swap3A_325 = arith.constant 80 : index
      %swap3A_326 = tpu.vector_load %arg8[%swap3A_324, %swap3A_325] {strides = array<i32>} : memref<16x768xf32, #tpu.memory_space<vmem>>, vector<1x16xf32>,
      %swap3A_327 = vector.shape_cast %swap3A_326 : vector<1x16xf32> to vector<16xf32>
      %swap3A_328 = vector.shape_cast %add3A_323 : vector<16xf32> to vector<1x16xf32>
      tpu.vector_store %arg8[%swap3A_324, %swap3A_325], %swap3A_328 {strides = array<i32>} : memref<16x768xf32, #tpu.memory_space<vmem>>, vector<1x16xf32>,
      %get3A_329 = arith.index_cast %scan3A_245 : i32 to index
      %get3A_330 = arith.constant 96 : index
      %get3A_331 = tpu.vector_load %arg8[%get3A_329, %get3A_330] {strides = array<i32>} : memref<16x768xf32, #tpu.memory_space<vmem>>, vector<1x16xf32>,
      %get3A_332 = vector.shape_cast %get3A_331 : vector<1x16xf32> to vector<16xf32>
      %get3A_333 = arith.index_cast %scan3A_245 : i32 to index
      %get3A_334 = arith.constant 96 : index
      %get3A_335 = tpu.vector_load %arg12[%get3A_333, %get3A_334] {strides = array<i32>} : memref<16x768xf32, #tpu.memory_space<vmem>>, vector<1x16xf32>,
      %get3A_336 = vector.shape_cast %get3A_335 : vector<1x16xf32> to vector<16xf32>
      %add3A_337 = arith.addf %get3A_332, %get3A_336 : vector<16xf32>
      %swap3A_338 = arith.index_cast %scan3A_245 : i32 to index
      %swap3A_339 = arith.constant 96 : index
      %swap3A_340 = tpu.vector_load %arg8[%swap3A_338, %swap3A_339] {strides = array<i32>} : memref<16x768xf32, #tpu.memory_space<vmem>>, vector<1x16xf32>,
      %swap3A_341 = vector.shape_cast %swap3A_340 : vector<1x16xf32> to vector<16xf32>
      %swap3A_342 = vector.shape_cast %add3A_337 : vector<16xf32> to vector<1x16xf32>
      tpu.vector_store %arg8[%swap3A_338, %swap3A_339], %swap3A_342 {strides = array<i32>} : memref<16x768xf32, #tpu.memory_space<vmem>>, vector<1x16xf32>,
      %get3A_343 = arith.index_cast %scan3A_245 : i32 to index
      %get3A_344 = arith.constant 112 : index
      %get3A_345 = tpu.vector_load %arg8[%get3A_343, %get3A_344] {strides = array<i32>} : memref<16x768xf32, #tpu.memory_space<vmem>>, vector<1x16xf32>,
      %get3A_346 = vector.shape_cast %get3A_345 : vector<1x16xf32> to vector<16xf32>
      %get3A_347 = arith.index_cast %scan3A_245 : i32 to index
      %get3A_348 = arith.constant 112 : index
      %get3A_349 = tpu.vector_load %arg12[%get3A_347, %get3A_348] {strides = array<i32>} : memref<16x768xf32, #tpu.memory_space<vmem>>, vector<1x16xf32>,
      %get3A_350 = vector.shape_cast %get3A_349 : vector<1x16xf32> to vector<16xf32>
      %add3A_351 = arith.addf %get3A_346, %get3A_350 : vector<16xf32>
      %swap3A_352 = arith.index_cast %scan3A_245 : i32 to index
      %swap3A_353 = arith.constant 112 : index
      %swap3A_354 = tpu.vector_load %arg8[%swap3A_352, %swap3A_353] {strides = array<i32>} : memref<16x768xf32, #tpu.memory_space<vmem>>, vector<1x16xf32>,
      %swap3A_355 = vector.shape_cast %swap3A_354 : vector<1x16xf32> to vector<16xf32>
      %swap3A_356 = vector.shape_cast %add3A_351 : vector<16xf32> to vector<1x16xf32>
      tpu.vector_store %arg8[%swap3A_352, %swap3A_353], %swap3A_356 {strides = array<i32>} : memref<16x768xf32, #tpu.memory_space<vmem>>, vector<1x16xf32>,
      %get3A_357 = arith.index_cast %scan3A_245 : i32 to index
      %get3A_358 = arith.constant 128 : index
      %get3A_359 = tpu.vector_load %arg8[%get3A_357, %get3A_358] {strides = array<i32>} : memref<16x768xf32, #tpu.memory_space<vmem>>, vector<1x16xf32>,
      %get3A_360 = vector.shape_cast %get3A_359 : vector<1x16xf32> to vector<16xf32>
      %get3A_361 = arith.index_cast %scan3A_245 : i32 to index
      %get3A_362 = arith.constant 128 : index
      %get3A_363 = tpu.vector_load %arg12[%get3A_361, %get3A_362] {strides = array<i32>} : memref<16x768xf32, #tpu.memory_space<vmem>>, vector<1x16xf32>,
      %get3A_364 = vector.shape_cast %get3A_363 : vector<1x16xf32> to vector<16xf32>
      %add3A_365 = arith.addf %get3A_360, %get3A_364 : vector<16xf32>
      %swap3A_366 = arith.index_cast %scan3A_245 : i32 to index
      %swap3A_367 = arith.constant 128 : index
      %swap3A_368 = tpu.vector_load %arg8[%swap3A_366, %swap3A_367] {strides = array<i32>} : memref<16x768xf32, #tpu.memory_space<vmem>>, vector<1x16xf32>,
      %swap3A_369 = vector.shape_cast %swap3A_368 : vector<1x16xf32> to vector<16xf32>
      %swap3A_370 = vector.shape_cast %add3A_365 : vector<16xf32> to vector<1x16xf32>
      tpu.vector_store %arg8[%swap3A_366, %swap3A_367], %swap3A_370 {strides = array<i32>} : memref<16x768xf32, #tpu.memory_space<vmem>>, vector<1x16xf32>,
      %get3A_371 = arith.index_cast %scan3A_245 : i32 to index
      %get3A_372 = arith.constant 144 : index
      %get3A_373 = tpu.vector_load %arg8[%get3A_371, %get3A_372] {strides = array<i32>} : memref<16x768xf32, #tpu.memory_space<vmem>>, vector<1x16xf32>,
      %get3A_374 = vector.shape_cast %get3A_373 : vector<1x16xf32> to vector<16xf32>
      %get3A_375 = arith.index_cast %scan3A_245 : i32 to index
      %get3A_376 = arith.constant 144 : index
      %get3A_377 = tpu.vector_load %arg12[%get3A_375, %get3A_376] {strides = array<i32>} : memref<16x768xf32, #tpu.memory_space<vmem>>, vector<1x16xf32>,
      %get3A_378 = vector.shape_cast %get3A_377 : vector<1x16xf32> to vector<16xf32>
      %add3A_379 = arith.addf %get3A_374, %get3A_378 : vector<16xf32>
      %swap3A_380 = arith.index_cast %scan3A_245 : i32 to index
      %swap3A_381 = arith.constant 144 : index
      %swap3A_382 = tpu.vector_load %arg8[%swap3A_380, %swap3A_381] {strides = array<i32>} : memref<16x768xf32, #tpu.memory_space<vmem>>, vector<1x16xf32>,
      %swap3A_383 = vector.shape_cast %swap3A_382 : vector<1x16xf32> to vector<16xf32>
      %swap3A_384 = vector.shape_cast %add3A_379 : vector<16xf32> to vector<1x16xf32>
      tpu.vector_store %arg8[%swap3A_380, %swap3A_381], %swap3A_384 {strides = array<i32>} : memref<16x768xf32, #tpu.memory_space<vmem>>, vector<1x16xf32>,
      %get3A_385 = arith.index_cast %scan3A_245 : i32 to index
      %get3A_386 = arith.constant 160 : index
      %get3A_387 = tpu.vector_load %arg8[%get3A_385, %get3A_386] {strides = array<i32>} : memref<16x768xf32, #tpu.memory_space<vmem>>, vector<1x16xf32>,
      %get3A_388 = vector.shape_cast %get3A_387 : vector<1x16xf32> to vector<16xf32>
      %get3A_389 = arith.index_cast %scan3A_245 : i32 to index
      %get3A_390 = arith.constant 160 : index
      %get3A_391 = tpu.vector_load %arg12[%get3A_389, %get3A_390] {strides = array<i32>} : memref<16x768xf32, #tpu.memory_space<vmem>>, vector<1x16xf32>,
      %get3A_392 = vector.shape_cast %get3A_391 : vector<1x16xf32> to vector<16xf32>
      %add3A_393 = arith.addf %get3A_388, %get3A_392 : vector<16xf32>
      %swap3A_394 = arith.index_cast %scan3A_245 : i32 to index
      %swap3A_395 = arith.constant 160 : index
      %swap3A_396 = tpu.vector_load %arg8[%swap3A_394, %swap3A_395] {strides = array<i32>} : memref<16x768xf32, #tpu.memory_space<vmem>>, vector<1x16xf32>,
      %swap3A_397 = vector.shape_cast %swap3A_396 : vector<1x16xf32> to vector<16xf32>
      %swap3A_398 = vector.shape_cast %add3A_393 : vector<16xf32> to vector<1x16xf32>
      tpu.vector_store %arg8[%swap3A_394, %swap3A_395], %swap3A_398 {strides = array<i32>} : memref<16x768xf32, #tpu.memory_space<vmem>>, vector<1x16xf32>,
      %get3A_399 = arith.index_cast %scan3A_245 : i32 to index
      %get3A_400 = arith.constant 176 : index
      %get3A_401 = tpu.vector_load %arg8[%get3A_399, %get3A_400] {strides = array<i32>} : memref<16x768xf32, #tpu.memory_space<vmem>>, vector<1x16xf32>,
      %get3A_402 = vector.shape_cast %get3A_401 : vector<1x16xf32> to vector<16xf32>
      %get3A_403 = arith.index_cast %scan3A_245 : i32 to index
      %get3A_404 = arith.constant 176 : index
      %get3A_405 = tpu.vector_load %arg12[%get3A_403, %get3A_404] {strides = array<i32>} : memref<16x768xf32, #tpu.memory_space<vmem>>, vector<1x16xf32>,
      %get3A_406 = vector.shape_cast %get3A_405 : vector<1x16xf32> to vector<16xf32>
      %add3A_407 = arith.addf %get3A_402, %get3A_406 : vector<16xf32>
      %swap3A_408 = arith.index_cast %scan3A_245 : i32 to index
      %swap3A_409 = arith.constant 176 : index
      %swap3A_410 = tpu.vector_load %arg8[%swap3A_408, %swap3A_409] {strides = array<i32>} : memref<16x768xf32, #tpu.memory_space<vmem>>, vector<1x16xf32>,
      %swap3A_411 = vector.shape_cast %swap3A_410 : vector<1x16xf32> to vector<16xf32>
      %swap3A_412 = vector.shape_cast %add3A_407 : vector<16xf32> to vector<1x16xf32>
      tpu.vector_store %arg8[%swap3A_408, %swap3A_409], %swap3A_412 {strides = array<i32>} : memref<16x768xf32, #tpu.memory_space<vmem>>, vector<1x16xf32>,
      %get3A_413 = arith.index_cast %scan3A_245 : i32 to index
      %get3A_414 = arith.constant 192 : index
      %get3A_415 = tpu.vector_load %arg8[%get3A_413, %get3A_414] {strides = array<i32>} : memref<16x768xf32, #tpu.memory_space<vmem>>, vector<1x16xf32>,
      %get3A_416 = vector.shape_cast %get3A_415 : vector<1x16xf32> to vector<16xf32>
      %get3A_417 = arith.index_cast %scan3A_245 : i32 to index
      %get3A_418 = arith.constant 192 : index
      %get3A_419 = tpu.vector_load %arg12[%get3A_417, %get3A_418] {strides = array<i32>} : memref<16x768xf32, #tpu.memory_space<vmem>>, vector<1x16xf32>,
      %get3A_420 = vector.shape_cast %get3A_419 : vector<1x16xf32> to vector<16xf32>
      %add3A_421 = arith.addf %get3A_416, %get3A_420 : vector<16xf32>
      %swap3A_422 = arith.index_cast %scan3A_245 : i32 to index
      %swap3A_423 = arith.constant 192 : index
      %swap3A_424 = tpu.vector_load %arg8[%swap3A_422, %swap3A_423] {strides = array<i32>} : memref<16x768xf32, #tpu.memory_space<vmem>>, vector<1x16xf32>,
      %swap3A_425 = vector.shape_cast %swap3A_424 : vector<1x16xf32> to vector<16xf32>
      %swap3A_426 = vector.shape_cast %add3A_421 : vector<16xf32> to vector<1x16xf32>
      tpu.vector_store %arg8[%swap3A_422, %swap3A_423], %swap3A_426 {strides = array<i32>} : memref<16x768xf32, #tpu.memory_space<vmem>>, vector<1x16xf32>,
      %get3A_427 = arith.index_cast %scan3A_245 : i32 to index
      %get3A_428 = arith.constant 208 : index
      %get3A_429 = tpu.vector_load %arg8[%get3A_427, %get3A_428] {strides = array<i32>} : memref<16x768xf32, #tpu.memory_space<vmem>>, vector<1x16xf32>,
      %get3A_430 = vector.shape_cast %get3A_429 : vector<1x16xf32> to vector<16xf32>
      %get3A_431 = arith.index_cast %scan3A_245 : i32 to index
      %get3A_432 = arith.constant 208 : index
      %get3A_433 = tpu.vector_load %arg12[%get3A_431, %get3A_432] {strides = array<i32>} : memref<16x768xf32, #tpu.memory_space<vmem>>, vector<1x16xf32>,
      %get3A_434 = vector.shape_cast %get3A_433 : vector<1x16xf32> to vector<16xf32>
      %add3A_435 = arith.addf %get3A_430, %get3A_434 : vector<16xf32>
      %swap3A_436 = arith.index_cast %scan3A_245 : i32 to index
      %swap3A_437 = arith.constant 208 : index
      %swap3A_438 = tpu.vector_load %arg8[%swap3A_436, %swap3A_437] {strides = array<i32>} : memref<16x768xf32, #tpu.memory_space<vmem>>, vector<1x16xf32>,
      %swap3A_439 = vector.shape_cast %swap3A_438 : vector<1x16xf32> to vector<16xf32>
      %swap3A_440 = vector.shape_cast %add3A_435 : vector<16xf32> to vector<1x16xf32>
      tpu.vector_store %arg8[%swap3A_436, %swap3A_437], %swap3A_440 {strides = array<i32>} : memref<16x768xf32, #tpu.memory_space<vmem>>, vector<1x16xf32>,
      %get3A_441 = arith.index_cast %scan3A_245 : i32 to index
      %get3A_442 = arith.constant 224 : index
      %get3A_443 = tpu.vector_load %arg8[%get3A_441, %get3A_442] {strides = array<i32>} : memref<16x768xf32, #tpu.memory_space<vmem>>, vector<1x16xf32>,
      %get3A_444 = vector.shape_cast %get3A_443 : vector<1x16xf32> to vector<16xf32>
      %get3A_445 = arith.index_cast %scan3A_245 : i32 to index
      %get3A_446 = arith.constant 224 : index
      %get3A_447 = tpu.vector_load %arg12[%get3A_445, %get3A_446] {strides = array<i32>} : memref<16x768xf32, #tpu.memory_space<vmem>>, vector<1x16xf32>,
      %get3A_448 = vector.shape_cast %get3A_447 : vector<1x16xf32> to vector<16xf32>
      %add3A_449 = arith.addf %get3A_444, %get3A_448 : vector<16xf32>
      %swap3A_450 = arith.index_cast %scan3A_245 : i32 to index
      %swap3A_451 = arith.constant 224 : index
      %swap3A_452 = tpu.vector_load %arg8[%swap3A_450, %swap3A_451] {strides = array<i32>} : memref<16x768xf32, #tpu.memory_space<vmem>>, vector<1x16xf32>,
      %swap3A_453 = vector.shape_cast %swap3A_452 : vector<1x16xf32> to vector<16xf32>
      %swap3A_454 = vector.shape_cast %add3A_449 : vector<16xf32> to vector<1x16xf32>
      tpu.vector_store %arg8[%swap3A_450, %swap3A_451], %swap3A_454 {strides = array<i32>} : memref<16x768xf32, #tpu.memory_space<vmem>>, vector<1x16xf32>,
      %get3A_455 = arith.index_cast %scan3A_245 : i32 to index
      %get3A_456 = arith.constant 240 : index
      %get3A_457 = tpu.vector_load %arg8[%get3A_455, %get3A_456] {strides = array<i32>} : memref<16x768xf32, #tpu.memory_space<vmem>>, vector<1x16xf32>,
      %get3A_458 = vector.shape_cast %get3A_457 : vector<1x16xf32> to vector<16xf32>
      %get3A_459 = arith.index_cast %scan3A_245 : i32 to index
      %get3A_460 = arith.constant 240 : index
      %get3A_461 = tpu.vector_load %arg12[%get3A_459, %get3A_460] {strides = array<i32>} : memref<16x768xf32, #tpu.memory_space<vmem>>, vector<1x16xf32>,
      %get3A_462 = vector.shape_cast %get3A_461 : vector<1x16xf32> to vector<16xf32>
      %add3A_463 = arith.addf %get3A_458, %get3A_462 : vector<16xf32>
      %swap3A_464 = arith.index_cast %scan3A_245 : i32 to index
      %swap3A_465 = arith.constant 240 : index
      %swap3A_466 = tpu.vector_load %arg8[%swap3A_464, %swap3A_465] {strides = array<i32>} : memref<16x768xf32, #tpu.memory_space<vmem>>, vector<1x16xf32>,
      %swap3A_467 = vector.shape_cast %swap3A_466 : vector<1x16xf32> to vector<16xf32>
      %swap3A_468 = vector.shape_cast %add3A_463 : vector<16xf32> to vector<1x16xf32>
      tpu.vector_store %arg8[%swap3A_464, %swap3A_465], %swap3A_468 {strides = array<i32>} : memref<16x768xf32, #tpu.memory_space<vmem>>, vector<1x16xf32>,
      %get3A_469 = arith.index_cast %scan3A_245 : i32 to index
      %get3A_470 = arith.constant 256 : index
      %get3A_471 = tpu.vector_load %arg8[%get3A_469, %get3A_470] {strides = array<i32>} : memref<16x768xf32, #tpu.memory_space<vmem>>, vector<1x16xf32>,
      %get3A_472 = vector.shape_cast %get3A_471 : vector<1x16xf32> to vector<16xf32>
      %get3A_473 = arith.index_cast %scan3A_245 : i32 to index
      %get3A_474 = arith.constant 256 : index
      %get3A_475 = tpu.vector_load %arg12[%get3A_473, %get3A_474] {strides = array<i32>} : memref<16x768xf32, #tpu.memory_space<vmem>>, vector<1x16xf32>,
      %get3A_476 = vector.shape_cast %get3A_475 : vector<1x16xf32> to vector<16xf32>
      %add3A_477 = arith.addf %get3A_472, %get3A_476 : vector<16xf32>
      %swap3A_478 = arith.index_cast %scan3A_245 : i32 to index
      %swap3A_479 = arith.constant 256 : index
      %swap3A_480 = tpu.vector_load %arg8[%swap3A_478, %swap3A_479] {strides = array<i32>} : memref<16x768xf32, #tpu.memory_space<vmem>>, vector<1x16xf32>,
      %swap3A_481 = vector.shape_cast %swap3A_480 : vector<1x16xf32> to vector<16xf32>
      %swap3A_482 = vector.shape_cast %add3A_477 : vector<16xf32> to vector<1x16xf32>
      tpu.vector_store %arg8[%swap3A_478, %swap3A_479], %swap3A_482 {strides = array<i32>} : memref<16x768xf32, #tpu.memory_space<vmem>>, vector<1x16xf32>,
      %get3A_483 = arith.index_cast %scan3A_245 : i32 to index
      %get3A_484 = arith.constant 272 : index
      %get3A_485 = tpu.vector_load %arg8[%get3A_483, %get3A_484] {strides = array<i32>} : memref<16x768xf32, #tpu.memory_space<vmem>>, vector<1x16xf32>,
      %get3A_486 = vector.shape_cast %get3A_485 : vector<1x16xf32> to vector<16xf32>
      %get3A_487 = arith.index_cast %scan3A_245 : i32 to index
      %get3A_488 = arith.constant 272 : index
      %get3A_489 = tpu.vector_load %arg12[%get3A_487, %get3A_488] {strides = array<i32>} : memref<16x768xf32, #tpu.memory_space<vmem>>, vector<1x16xf32>,
      %get3A_490 = vector.shape_cast %get3A_489 : vector<1x16xf32> to vector<16xf32>
      %add3A_491 = arith.addf %get3A_486, %get3A_490 : vector<16xf32>
      %swap3A_492 = arith.index_cast %scan3A_245 : i32 to index
      %swap3A_493 = arith.constant 272 : index
      %swap3A_494 = tpu.vector_load %arg8[%swap3A_492, %swap3A_493] {strides = array<i32>} : memref<16x768xf32, #tpu.memory_space<vmem>>, vector<1x16xf32>,
      %swap3A_495 = vector.shape_cast %swap3A_494 : vector<1x16xf32> to vector<16xf32>
      %swap3A_496 = vector.shape_cast %add3A_491 : vector<16xf32> to vector<1x16xf32>
      tpu.vector_store %arg8[%swap3A_492, %swap3A_493], %swap3A_496 {strides = array<i32>} : memref<16x768xf32, #tpu.memory_space<vmem>>, vector<1x16xf32>,
      %get3A_497 = arith.index_cast %scan3A_245 : i32 to index
      %get3A_498 = arith.constant 288 : index
      %get3A_499 = tpu.vector_load %arg8[%get3A_497, %get3A_498] {strides = array<i32>} : memref<16x768xf32, #tpu.memory_space<vmem>>, vector<1x16xf32>,
      %get3A_500 = vector.shape_cast %get3A_499 : vector<1x16xf32> to vector<16xf32>
      %get3A_501 = arith.index_cast %scan3A_245 : i32 to index
      %get3A_502 = arith.constant 288 : index
      %get3A_503 = tpu.vector_load %arg12[%get3A_501, %get3A_502] {strides = array<i32>} : memref<16x768xf32, #tpu.memory_space<vmem>>, vector<1x16xf32>,
      %get3A_504 = vector.shape_cast %get3A_503 : vector<1x16xf32> to vector<16xf32>
      %add3A_505 = arith.addf %get3A_500, %get3A_504 : vector<16xf32>
      %swap3A_506 = arith.index_cast %scan3A_245 : i32 to index
      %swap3A_507 = arith.constant 288 : index
      %swap3A_508 = tpu.vector_load %arg8[%swap3A_506, %swap3A_507] {strides = array<i32>} : memref<16x768xf32, #tpu.memory_space<vmem>>, vector<1x16xf32>,
      %swap3A_509 = vector.shape_cast %swap3A_508 : vector<1x16xf32> to vector<16xf32>
      %swap3A_510 = vector.shape_cast %add3A_505 : vector<16xf32> to vector<1x16xf32>
      tpu.vector_store %arg8[%swap3A_506, %swap3A_507], %swap3A_510 {strides = array<i32>} : memref<16x768xf32, #tpu.memory_space<vmem>>, vector<1x16xf32>,
      %get3A_511 = arith.index_cast %scan3A_245 : i32 to index
      %get3A_512 = arith.constant 304 : index
      %get3A_513 = tpu.vector_load %arg8[%get3A_511, %get3A_512] {strides = array<i32>} : memref<16x768xf32, #tpu.memory_space<vmem>>, vector<1x16xf32>,
      %get3A_514 = vector.shape_cast %get3A_513 : vector<1x16xf32> to vector<16xf32>
      %get3A_515 = arith.index_cast %scan3A_245 : i32 to index
      %get3A_516 = arith.constant 304 : index
      %get3A_517 = tpu.vector_load %arg12[%get3A_515, %get3A_516] {strides = array<i32>} : memref<16x768xf32, #tpu.memory_space<vmem>>, vector<1x16xf32>,
      %get3A_518 = vector.shape_cast %get3A_517 : vector<1x16xf32> to vector<16xf32>
      %add3A_519 = arith.addf %get3A_514, %get3A_518 : vector<16xf32>
      %swap3A_520 = arith.index_cast %scan3A_245 : i32 to index
      %swap3A_521 = arith.constant 304 : index
      %swap3A_522 = tpu.vector_load %arg8[%swap3A_520, %swap3A_521] {strides = array<i32>} : memref<16x768xf32, #tpu.memory_space<vmem>>, vector<1x16xf32>,
      %swap3A_523 = vector.shape_cast %swap3A_522 : vector<1x16xf32> to vector<16xf32>
      %swap3A_524 = vector.shape_cast %add3A_519 : vector<16xf32> to vector<1x16xf32>
      tpu.vector_store %arg8[%swap3A_520, %swap3A_521], %swap3A_524 {strides = array<i32>} : memref<16x768xf32, #tpu.memory_space<vmem>>, vector<1x16xf32>,
      %get3A_525 = arith.index_cast %scan3A_245 : i32 to index
      %get3A_526 = arith.constant 320 : index
      %get3A_527 = tpu.vector_load %arg8[%get3A_525, %get3A_526] {strides = array<i32>} : memref<16x768xf32, #tpu.memory_space<vmem>>, vector<1x16xf32>,
      %get3A_528 = vector.shape_cast %get3A_527 : vector<1x16xf32> to vector<16xf32>
      %get3A_529 = arith.index_cast %scan3A_245 : i32 to index
      %get3A_530 = arith.constant 320 : index
      %get3A_531 = tpu.vector_load %arg12[%get3A_529, %get3A_530] {strides = array<i32>} : memref<16x768xf32, #tpu.memory_space<vmem>>, vector<1x16xf32>,
      %get3A_532 = vector.shape_cast %get3A_531 : vector<1x16xf32> to vector<16xf32>
      %add3A_533 = arith.addf %get3A_528, %get3A_532 : vector<16xf32>
      %swap3A_534 = arith.index_cast %scan3A_245 : i32 to index
      %swap3A_535 = arith.constant 320 : index
      %swap3A_536 = tpu.vector_load %arg8[%swap3A_534, %swap3A_535] {strides = array<i32>} : memref<16x768xf32, #tpu.memory_space<vmem>>, vector<1x16xf32>,
      %swap3A_537 = vector.shape_cast %swap3A_536 : vector<1x16xf32> to vector<16xf32>
      %swap3A_538 = vector.shape_cast %add3A_533 : vector<16xf32> to vector<1x16xf32>
      tpu.vector_store %arg8[%swap3A_534, %swap3A_535], %swap3A_538 {strides = array<i32>} : memref<16x768xf32, #tpu.memory_space<vmem>>, vector<1x16xf32>,
      %get3A_539 = arith.index_cast %scan3A_245 : i32 to index
      %get3A_540 = arith.constant 336 : index
      %get3A_541 = tpu.vector_load %arg8[%get3A_539, %get3A_540] {strides = array<i32>} : memref<16x768xf32, #tpu.memory_space<vmem>>, vector<1x16xf32>,
      %get3A_542 = vector.shape_cast %get3A_541 : vector<1x16xf32> to vector<16xf32>
      %get3A_543 = arith.index_cast %scan3A_245 : i32 to index
      %get3A_544 = arith.constant 336 : index
      %get3A_545 = tpu.vector_load %arg12[%get3A_543, %get3A_544] {strides = array<i32>} : memref<16x768xf32, #tpu.memory_space<vmem>>, vector<1x16xf32>,
      %get3A_546 = vector.shape_cast %get3A_545 : vector<1x16xf32> to vector<16xf32>
      %add3A_547 = arith.addf %get3A_542, %get3A_546 : vector<16xf32>
      %swap3A_548 = arith.index_cast %scan3A_245 : i32 to index
      %swap3A_549 = arith.constant 336 : index
      %swap3A_550 = tpu.vector_load %arg8[%swap3A_548, %swap3A_549] {strides = array<i32>} : memref<16x768xf32, #tpu.memory_space<vmem>>, vector<1x16xf32>,
      %swap3A_551 = vector.shape_cast %swap3A_550 : vector<1x16xf32> to vector<16xf32>
      %swap3A_552 = vector.shape_cast %add3A_547 : vector<16xf32> to vector<1x16xf32>
      tpu.vector_store %arg8[%swap3A_548, %swap3A_549], %swap3A_552 {strides = array<i32>} : memref<16x768xf32, #tpu.memory_space<vmem>>, vector<1x16xf32>,
      %get3A_553 = arith.index_cast %scan3A_245 : i32 to index
      %get3A_554 = arith.constant 352 : index
      %get3A_555 = tpu.vector_load %arg8[%get3A_553, %get3A_554] {strides = array<i32>} : memref<16x768xf32, #tpu.memory_space<vmem>>, vector<1x16xf32>,
      %get3A_556 = vector.shape_cast %get3A_555 : vector<1x16xf32> to vector<16xf32>
      %get3A_557 = arith.index_cast %scan3A_245 : i32 to index
      %get3A_558 = arith.constant 352 : index
      %get3A_559 = tpu.vector_load %arg12[%get3A_557, %get3A_558] {strides = array<i32>} : memref<16x768xf32, #tpu.memory_space<vmem>>, vector<1x16xf32>,
      %get3A_560 = vector.shape_cast %get3A_559 : vector<1x16xf32> to vector<16xf32>
      %add3A_561 = arith.addf %get3A_556, %get3A_560 : vector<16xf32>
      %swap3A_562 = arith.index_cast %scan3A_245 : i32 to index
      %swap3A_563 = arith.constant 352 : index
      %swap3A_564 = tpu.vector_load %arg8[%swap3A_562, %swap3A_563] {strides = array<i32>} : memref<16x768xf32, #tpu.memory_space<vmem>>, vector<1x16xf32>,
      %swap3A_565 = vector.shape_cast %swap3A_564 : vector<1x16xf32> to vector<16xf32>
      %swap3A_566 = vector.shape_cast %add3A_561 : vector<16xf32> to vector<1x16xf32>
      tpu.vector_store %arg8[%swap3A_562, %swap3A_563], %swap3A_566 {strides = array<i32>} : memref<16x768xf32, #tpu.memory_space<vmem>>, vector<1x16xf32>,
      %get3A_567 = arith.index_cast %scan3A_245 : i32 to index
      %get3A_568 = arith.constant 368 : index
      %get3A_569 = tpu.vector_load %arg8[%get3A_567, %get3A_568] {strides = array<i32>} : memref<16x768xf32, #tpu.memory_space<vmem>>, vector<1x16xf32>,
      %get3A_570 = vector.shape_cast %get3A_569 : vector<1x16xf32> to vector<16xf32>
      %get3A_571 = arith.index_cast %scan3A_245 : i32 to index
      %get3A_572 = arith.constant 368 : index
      %get3A_573 = tpu.vector_load %arg12[%get3A_571, %get3A_572] {strides = array<i32>} : memref<16x768xf32, #tpu.memory_space<vmem>>, vector<1x16xf32>,
      %get3A_574 = vector.shape_cast %get3A_573 : vector<1x16xf32> to vector<16xf32>
      %add3A_575 = arith.addf %get3A_570, %get3A_574 : vector<16xf32>
      %swap3A_576 = arith.index_cast %scan3A_245 : i32 to index
      %swap3A_577 = arith.constant 368 : index
      %swap3A_578 = tpu.vector_load %arg8[%swap3A_576, %swap3A_577] {strides = array<i32>} : memref<16x768xf32, #tpu.memory_space<vmem>>, vector<1x16xf32>,
      %swap3A_579 = vector.shape_cast %swap3A_578 : vector<1x16xf32> to vector<16xf32>
      %swap3A_580 = vector.shape_cast %add3A_575 : vector<16xf32> to vector<1x16xf32>
      tpu.vector_store %arg8[%swap3A_576, %swap3A_577], %swap3A_580 {strides = array<i32>} : memref<16x768xf32, #tpu.memory_space<vmem>>, vector<1x16xf32>,
      %get3A_581 = arith.index_cast %scan3A_245 : i32 to index
      %get3A_582 = arith.constant 384 : index
      %get3A_583 = tpu.vector_load %arg8[%get3A_581, %get3A_582] {strides = array<i32>} : memref<16x768xf32, #tpu.memory_space<vmem>>, vector<1x16xf32>,
      %get3A_584 = vector.shape_cast %get3A_583 : vector<1x16xf32> to vector<16xf32>
      %get3A_585 = arith.index_cast %scan3A_245 : i32 to index
      %get3A_586 = arith.constant 384 : index
      %get3A_587 = tpu.vector_load %arg12[%get3A_585, %get3A_586] {strides = array<i32>} : memref<16x768xf32, #tpu.memory_space<vmem>>, vector<1x16xf32>,
      %get3A_588 = vector.shape_cast %get3A_587 : vector<1x16xf32> to vector<16xf32>
      %add3A_589 = arith.addf %get3A_584, %get3A_588 : vector<16xf32>
      %swap3A_590 = arith.index_cast %scan3A_245 : i32 to index
      %swap3A_591 = arith.constant 384 : index
      %swap3A_592 = tpu.vector_load %arg8[%swap3A_590, %swap3A_591] {strides = array<i32>} : memref<16x768xf32, #tpu.memory_space<vmem>>, vector<1x16xf32>,
      %swap3A_593 = vector.shape_cast %swap3A_592 : vector<1x16xf32> to vector<16xf32>
      %swap3A_594 = vector.shape_cast %add3A_589 : vector<16xf32> to vector<1x16xf32>
      tpu.vector_store %arg8[%swap3A_590, %swap3A_591], %swap3A_594 {strides = array<i32>} : memref<16x768xf32, #tpu.memory_space<vmem>>, vector<1x16xf32>,
      %get3A_595 = arith.index_cast %scan3A_245 : i32 to index
      %get3A_596 = arith.constant 400 : index
      %get3A_597 = tpu.vector_load %arg8[%get3A_595, %get3A_596] {strides = array<i32>} : memref<16x768xf32, #tpu.memory_space<vmem>>, vector<1x16xf32>,
      %get3A_598 = vector.shape_cast %get3A_597 : vector<1x16xf32> to vector<16xf32>
      %get3A_599 = arith.index_cast %scan3A_245 : i32 to index
      %get3A_600 = arith.constant 400 : index
      %get3A_601 = tpu.vector_load %arg12[%get3A_599, %get3A_600] {strides = array<i32>} : memref<16x768xf32, #tpu.memory_space<vmem>>, vector<1x16xf32>,
      %get3A_602 = vector.shape_cast %get3A_601 : vector<1x16xf32> to vector<16xf32>
      %add3A_603 = arith.addf %get3A_598, %get3A_602 : vector<16xf32>
      %swap3A_604 = arith.index_cast %scan3A_245 : i32 to index
      %swap3A_605 = arith.constant 400 : index
      %swap3A_606 = tpu.vector_load %arg8[%swap3A_604, %swap3A_605] {strides = array<i32>} : memref<16x768xf32, #tpu.memory_space<vmem>>, vector<1x16xf32>,
      %swap3A_607 = vector.shape_cast %swap3A_606 : vector<1x16xf32> to vector<16xf32>
      %swap3A_608 = vector.shape_cast %add3A_603 : vector<16xf32> to vector<1x16xf32>
      tpu.vector_store %arg8[%swap3A_604, %swap3A_605], %swap3A_608 {strides = array<i32>} : memref<16x768xf32, #tpu.memory_space<vmem>>, vector<1x16xf32>,
      %get3A_609 = arith.index_cast %scan3A_245 : i32 to index
      %get3A_610 = arith.constant 416 : index
      %get3A_611 = tpu.vector_load %arg8[%get3A_609, %get3A_610] {strides = array<i32>} : memref<16x768xf32, #tpu.memory_space<vmem>>, vector<1x16xf32>,
      %get3A_612 = vector.shape_cast %get3A_611 : vector<1x16xf32> to vector<16xf32>
      %get3A_613 = arith.index_cast %scan3A_245 : i32 to index
      %get3A_614 = arith.constant 416 : index
      %get3A_615 = tpu.vector_load %arg12[%get3A_613, %get3A_614] {strides = array<i32>} : memref<16x768xf32, #tpu.memory_space<vmem>>, vector<1x16xf32>,
      %get3A_616 = vector.shape_cast %get3A_615 : vector<1x16xf32> to vector<16xf32>
      %add3A_617 = arith.addf %get3A_612, %get3A_616 : vector<16xf32>
      %swap3A_618 = arith.index_cast %scan3A_245 : i32 to index
      %swap3A_619 = arith.constant 416 : index
      %swap3A_620 = tpu.vector_load %arg8[%swap3A_618, %swap3A_619] {strides = array<i32>} : memref<16x768xf32, #tpu.memory_space<vmem>>, vector<1x16xf32>,
      %swap3A_621 = vector.shape_cast %swap3A_620 : vector<1x16xf32> to vector<16xf32>
      %swap3A_622 = vector.shape_cast %add3A_617 : vector<16xf32> to vector<1x16xf32>
      tpu.vector_store %arg8[%swap3A_618, %swap3A_619], %swap3A_622 {strides = array<i32>} : memref<16x768xf32, #tpu.memory_space<vmem>>, vector<1x16xf32>,
      %get3A_623 = arith.index_cast %scan3A_245 : i32 to index
      %get3A_624 = arith.constant 432 : index
      %get3A_625 = tpu.vector_load %arg8[%get3A_623, %get3A_624] {strides = array<i32>} : memref<16x768xf32, #tpu.memory_space<vmem>>, vector<1x16xf32>,
      %get3A_626 = vector.shape_cast %get3A_625 : vector<1x16xf32> to vector<16xf32>
      %get3A_627 = arith.index_cast %scan3A_245 : i32 to index
      %get3A_628 = arith.constant 432 : index
      %get3A_629 = tpu.vector_load %arg12[%get3A_627, %get3A_628] {strides = array<i32>} : memref<16x768xf32, #tpu.memory_space<vmem>>, vector<1x16xf32>,
      %get3A_630 = vector.shape_cast %get3A_629 : vector<1x16xf32> to vector<16xf32>
      %add3A_631 = arith.addf %get3A_626, %get3A_630 : vector<16xf32>
      %swap3A_632 = arith.index_cast %scan3A_245 : i32 to index
      %swap3A_633 = arith.constant 432 : index
      %swap3A_634 = tpu.vector_load %arg8[%swap3A_632, %swap3A_633] {strides = array<i32>} : memref<16x768xf32, #tpu.memory_space<vmem>>, vector<1x16xf32>,
      %swap3A_635 = vector.shape_cast %swap3A_634 : vector<1x16xf32> to vector<16xf32>
      %swap3A_636 = vector.shape_cast %add3A_631 : vector<16xf32> to vector<1x16xf32>
      tpu.vector_store %arg8[%swap3A_632, %swap3A_633], %swap3A_636 {strides = array<i32>} : memref<16x768xf32, #tpu.memory_space<vmem>>, vector<1x16xf32>,
      %get3A_637 = arith.index_cast %scan3A_245 : i32 to index
      %get3A_638 = arith.constant 448 : index
      %get3A_639 = tpu.vector_load %arg8[%get3A_637, %get3A_638] {strides = array<i32>} : memref<16x768xf32, #tpu.memory_space<vmem>>, vector<1x16xf32>,
      %get3A_640 = vector.shape_cast %get3A_639 : vector<1x16xf32> to vector<16xf32>
      %get3A_641 = arith.index_cast %scan3A_245 : i32 to index
      %get3A_642 = arith.constant 448 : index
      %get3A_643 = tpu.vector_load %arg12[%get3A_641, %get3A_642] {strides = array<i32>} : memref<16x768xf32, #tpu.memory_space<vmem>>, vector<1x16xf32>,
      %get3A_644 = vector.shape_cast %get3A_643 : vector<1x16xf32> to vector<16xf32>
      %add3A_645 = arith.addf %get3A_640, %get3A_644 : vector<16xf32>
      %swap3A_646 = arith.index_cast %scan3A_245 : i32 to index
      %swap3A_647 = arith.constant 448 : index
      %swap3A_648 = tpu.vector_load %arg8[%swap3A_646, %swap3A_647] {strides = array<i32>} : memref<16x768xf32, #tpu.memory_space<vmem>>, vector<1x16xf32>,
      %swap3A_649 = vector.shape_cast %swap3A_648 : vector<1x16xf32> to vector<16xf32>
      %swap3A_650 = vector.shape_cast %add3A_645 : vector<16xf32> to vector<1x16xf32>
      tpu.vector_store %arg8[%swap3A_646, %swap3A_647], %swap3A_650 {strides = array<i32>} : memref<16x768xf32, #tpu.memory_space<vmem>>, vector<1x16xf32>,
      %get3A_651 = arith.index_cast %scan3A_245 : i32 to index
      %get3A_652 = arith.constant 464 : index
      %get3A_653 = tpu.vector_load %arg8[%get3A_651, %get3A_652] {strides = array<i32>} : memref<16x768xf32, #tpu.memory_space<vmem>>, vector<1x16xf32>,
      %get3A_654 = vector.shape_cast %get3A_653 : vector<1x16xf32> to vector<16xf32>
      %get3A_655 = arith.index_cast %scan3A_245 : i32 to index
      %get3A_656 = arith.constant 464 : index
      %get3A_657 = tpu.vector_load %arg12[%get3A_655, %get3A_656] {strides = array<i32>} : memref<16x768xf32, #tpu.memory_space<vmem>>, vector<1x16xf32>,
      %get3A_658 = vector.shape_cast %get3A_657 : vector<1x16xf32> to vector<16xf32>
      %add3A_659 = arith.addf %get3A_654, %get3A_658 : vector<16xf32>
      %swap3A_660 = arith.index_cast %scan3A_245 : i32 to index
      %swap3A_661 = arith.constant 464 : index
      %swap3A_662 = tpu.vector_load %arg8[%swap3A_660, %swap3A_661] {strides = array<i32>} : memref<16x768xf32, #tpu.memory_space<vmem>>, vector<1x16xf32>,
      %swap3A_663 = vector.shape_cast %swap3A_662 : vector<1x16xf32> to vector<16xf32>
      %swap3A_664 = vector.shape_cast %add3A_659 : vector<16xf32> to vector<1x16xf32>
      tpu.vector_store %arg8[%swap3A_660, %swap3A_661], %swap3A_664 {strides = array<i32>} : memref<16x768xf32, #tpu.memory_space<vmem>>, vector<1x16xf32>,
      %get3A_665 = arith.index_cast %scan3A_245 : i32 to index
      %get3A_666 = arith.constant 480 : index
      %get3A_667 = tpu.vector_load %arg8[%get3A_665, %get3A_666] {strides = array<i32>} : memref<16x768xf32, #tpu.memory_space<vmem>>, vector<1x16xf32>,
      %get3A_668 = vector.shape_cast %get3A_667 : vector<1x16xf32> to vector<16xf32>
      %get3A_669 = arith.index_cast %scan3A_245 : i32 to index
      %get3A_670 = arith.constant 480 : index
      %get3A_671 = tpu.vector_load %arg12[%get3A_669, %get3A_670] {strides = array<i32>} : memref<16x768xf32, #tpu.memory_space<vmem>>, vector<1x16xf32>,
      %get3A_672 = vector.shape_cast %get3A_671 : vector<1x16xf32> to vector<16xf32>
      %add3A_673 = arith.addf %get3A_668, %get3A_672 : vector<16xf32>
      %swap3A_674 = arith.index_cast %scan3A_245 : i32 to index
      %swap3A_675 = arith.constant 480 : index
      %swap3A_676 = tpu.vector_load %arg8[%swap3A_674, %swap3A_675] {strides = array<i32>} : memref<16x768xf32, #tpu.memory_space<vmem>>, vector<1x16xf32>,
      %swap3A_677 = vector.shape_cast %swap3A_676 : vector<1x16xf32> to vector<16xf32>
      %swap3A_678 = vector.shape_cast %add3A_673 : vector<16xf32> to vector<1x16xf32>
      tpu.vector_store %arg8[%swap3A_674, %swap3A_675], %swap3A_678 {strides = array<i32>} : memref<16x768xf32, #tpu.memory_space<vmem>>, vector<1x16xf32>,
      %get3A_679 = arith.index_cast %scan3A_245 : i32 to index
      %get3A_680 = arith.constant 496 : index
      %get3A_681 = tpu.vector_load %arg8[%get3A_679, %get3A_680] {strides = array<i32>} : memref<16x768xf32, #tpu.memory_space<vmem>>, vector<1x16xf32>,
      %get3A_682 = vector.shape_cast %get3A_681 : vector<1x16xf32> to vector<16xf32>
      %get3A_683 = arith.index_cast %scan3A_245 : i32 to index
      %get3A_684 = arith.constant 496 : index
      %get3A_685 = tpu.vector_load %arg12[%get3A_683, %get3A_684] {strides = array<i32>} : memref<16x768xf32, #tpu.memory_space<vmem>>, vector<1x16xf32>,
      %get3A_686 = vector.shape_cast %get3A_685 : vector<1x16xf32> to vector<16xf32>
      %add3A_687 = arith.addf %get3A_682, %get3A_686 : vector<16xf32>
      %swap3A_688 = arith.index_cast %scan3A_245 : i32 to index
      %swap3A_689 = arith.constant 496 : index
      %swap3A_690 = tpu.vector_load %arg8[%swap3A_688, %swap3A_689] {strides = array<i32>} : memref<16x768xf32, #tpu.memory_space<vmem>>, vector<1x16xf32>,
      %swap3A_691 = vector.shape_cast %swap3A_690 : vector<1x16xf32> to vector<16xf32>
      %swap3A_692 = vector.shape_cast %add3A_687 : vector<16xf32> to vector<1x16xf32>
      tpu.vector_store %arg8[%swap3A_688, %swap3A_689], %swap3A_692 {strides = array<i32>} : memref<16x768xf32, #tpu.memory_space<vmem>>, vector<1x16xf32>,
      %get3A_693 = arith.index_cast %scan3A_245 : i32 to index
      %get3A_694 = arith.constant 512 : index
      %get3A_695 = tpu.vector_load %arg8[%get3A_693, %get3A_694] {strides = array<i32>} : memref<16x768xf32, #tpu.memory_space<vmem>>, vector<1x16xf32>,
      %get3A_696 = vector.shape_cast %get3A_695 : vector<1x16xf32> to vector<16xf32>
      %get3A_697 = arith.index_cast %scan3A_245 : i32 to index
      %get3A_698 = arith.constant 512 : index
      %get3A_699 = tpu.vector_load %arg12[%get3A_697, %get3A_698] {strides = array<i32>} : memref<16x768xf32, #tpu.memory_space<vmem>>, vector<1x16xf32>,
      %get3A_700 = vector.shape_cast %get3A_699 : vector<1x16xf32> to vector<16xf32>
      %add3A_701 = arith.addf %get3A_696, %get3A_700 : vector<16xf32>
      %swap3A_702 = arith.index_cast %scan3A_245 : i32 to index
      %swap3A_703 = arith.constant 512 : index
      %swap3A_704 = tpu.vector_load %arg8[%swap3A_702, %swap3A_703] {strides = array<i32>} : memref<16x768xf32, #tpu.memory_space<vmem>>, vector<1x16xf32>,
      %swap3A_705 = vector.shape_cast %swap3A_704 : vector<1x16xf32> to vector<16xf32>
      %swap3A_706 = vector.shape_cast %add3A_701 : vector<16xf32> to vector<1x16xf32>
      tpu.vector_store %arg8[%swap3A_702, %swap3A_703], %swap3A_706 {strides = array<i32>} : memref<16x768xf32, #tpu.memory_space<vmem>>, vector<1x16xf32>,
      %get3A_707 = arith.index_cast %scan3A_245 : i32 to index
      %get3A_708 = arith.constant 528 : index
      %get3A_709 = tpu.vector_load %arg8[%get3A_707, %get3A_708] {strides = array<i32>} : memref<16x768xf32, #tpu.memory_space<vmem>>, vector<1x16xf32>,
      %get3A_710 = vector.shape_cast %get3A_709 : vector<1x16xf32> to vector<16xf32>
      %get3A_711 = arith.index_cast %scan3A_245 : i32 to index
      %get3A_712 = arith.constant 528 : index
      %get3A_713 = tpu.vector_load %arg12[%get3A_711, %get3A_712] {strides = array<i32>} : memref<16x768xf32, #tpu.memory_space<vmem>>, vector<1x16xf32>,
      %get3A_714 = vector.shape_cast %get3A_713 : vector<1x16xf32> to vector<16xf32>
      %add3A_715 = arith.addf %get3A_710, %get3A_714 : vector<16xf32>
      %swap3A_716 = arith.index_cast %scan3A_245 : i32 to index
      %swap3A_717 = arith.constant 528 : index
      %swap3A_718 = tpu.vector_load %arg8[%swap3A_716, %swap3A_717] {strides = array<i32>} : memref<16x768xf32, #tpu.memory_space<vmem>>, vector<1x16xf32>,
      %swap3A_719 = vector.shape_cast %swap3A_718 : vector<1x16xf32> to vector<16xf32>
      %swap3A_720 = vector.shape_cast %add3A_715 : vector<16xf32> to vector<1x16xf32>
      tpu.vector_store %arg8[%swap3A_716, %swap3A_717], %swap3A_720 {strides = array<i32>} : memref<16x768xf32, #tpu.memory_space<vmem>>, vector<1x16xf32>,
      %get3A_721 = arith.index_cast %scan3A_245 : i32 to index
      %get3A_722 = arith.constant 544 : index
      %get3A_723 = tpu.vector_load %arg8[%get3A_721, %get3A_722] {strides = array<i32>} : memref<16x768xf32, #tpu.memory_space<vmem>>, vector<1x16xf32>,
      %get3A_724 = vector.shape_cast %get3A_723 : vector<1x16xf32> to vector<16xf32>
      %get3A_725 = arith.index_cast %scan3A_245 : i32 to index
      %get3A_726 = arith.constant 544 : index
      %get3A_727 = tpu.vector_load %arg12[%get3A_725, %get3A_726] {strides = array<i32>} : memref<16x768xf32, #tpu.memory_space<vmem>>, vector<1x16xf32>,
      %get3A_728 = vector.shape_cast %get3A_727 : vector<1x16xf32> to vector<16xf32>
      %add3A_729 = arith.addf %get3A_724, %get3A_728 : vector<16xf32>
      %swap3A_730 = arith.index_cast %scan3A_245 : i32 to index
      %swap3A_731 = arith.constant 544 : index
      %swap3A_732 = tpu.vector_load %arg8[%swap3A_730, %swap3A_731] {strides = array<i32>} : memref<16x768xf32, #tpu.memory_space<vmem>>, vector<1x16xf32>,
      %swap3A_733 = vector.shape_cast %swap3A_732 : vector<1x16xf32> to vector<16xf32>
      %swap3A_734 = vector.shape_cast %add3A_729 : vector<16xf32> to vector<1x16xf32>
      tpu.vector_store %arg8[%swap3A_730, %swap3A_731], %swap3A_734 {strides = array<i32>} : memref<16x768xf32, #tpu.memory_space<vmem>>, vector<1x16xf32>,
      %get3A_735 = arith.index_cast %scan3A_245 : i32 to index
      %get3A_736 = arith.constant 560 : index
      %get3A_737 = tpu.vector_load %arg8[%get3A_735, %get3A_736] {strides = array<i32>} : memref<16x768xf32, #tpu.memory_space<vmem>>, vector<1x16xf32>,
      %get3A_738 = vector.shape_cast %get3A_737 : vector<1x16xf32> to vector<16xf32>
      %get3A_739 = arith.index_cast %scan3A_245 : i32 to index
      %get3A_740 = arith.constant 560 : index
      %get3A_741 = tpu.vector_load %arg12[%get3A_739, %get3A_740] {strides = array<i32>} : memref<16x768xf32, #tpu.memory_space<vmem>>, vector<1x16xf32>,
      %get3A_742 = vector.shape_cast %get3A_741 : vector<1x16xf32> to vector<16xf32>
      %add3A_743 = arith.addf %get3A_738, %get3A_742 : vector<16xf32>
      %swap3A_744 = arith.index_cast %scan3A_245 : i32 to index
      %swap3A_745 = arith.constant 560 : index
      %swap3A_746 = tpu.vector_load %arg8[%swap3A_744, %swap3A_745] {strides = array<i32>} : memref<16x768xf32, #tpu.memory_space<vmem>>, vector<1x16xf32>,
      %swap3A_747 = vector.shape_cast %swap3A_746 : vector<1x16xf32> to vector<16xf32>
      %swap3A_748 = vector.shape_cast %add3A_743 : vector<16xf32> to vector<1x16xf32>
      tpu.vector_store %arg8[%swap3A_744, %swap3A_745], %swap3A_748 {strides = array<i32>} : memref<16x768xf32, #tpu.memory_space<vmem>>, vector<1x16xf32>,
      %get3A_749 = arith.index_cast %scan3A_245 : i32 to index
      %get3A_750 = arith.constant 576 : index
      %get3A_751 = tpu.vector_load %arg8[%get3A_749, %get3A_750] {strides = array<i32>} : memref<16x768xf32, #tpu.memory_space<vmem>>, vector<1x16xf32>,
      %get3A_752 = vector.shape_cast %get3A_751 : vector<1x16xf32> to vector<16xf32>
      %get3A_753 = arith.index_cast %scan3A_245 : i32 to index
      %get3A_754 = arith.constant 576 : index
      %get3A_755 = tpu.vector_load %arg12[%get3A_753, %get3A_754] {strides = array<i32>} : memref<16x768xf32, #tpu.memory_space<vmem>>, vector<1x16xf32>,
      %get3A_756 = vector.shape_cast %get3A_755 : vector<1x16xf32> to vector<16xf32>
      %add3A_757 = arith.addf %get3A_752, %get3A_756 : vector<16xf32>
      %swap3A_758 = arith.index_cast %scan3A_245 : i32 to index
      %swap3A_759 = arith.constant 576 : index
      %swap3A_760 = tpu.vector_load %arg8[%swap3A_758, %swap3A_759] {strides = array<i32>} : memref<16x768xf32, #tpu.memory_space<vmem>>, vector<1x16xf32>,
      %swap3A_761 = vector.shape_cast %swap3A_760 : vector<1x16xf32> to vector<16xf32>
      %swap3A_762 = vector.shape_cast %add3A_757 : vector<16xf32> to vector<1x16xf32>
      tpu.vector_store %arg8[%swap3A_758, %swap3A_759], %swap3A_762 {strides = array<i32>} : memref<16x768xf32, #tpu.memory_space<vmem>>, vector<1x16xf32>,
      %get3A_763 = arith.index_cast %scan3A_245 : i32 to index
      %get3A_764 = arith.constant 592 : index
      %get3A_765 = tpu.vector_load %arg8[%get3A_763, %get3A_764] {strides = array<i32>} : memref<16x768xf32, #tpu.memory_space<vmem>>, vector<1x16xf32>,
      %get3A_766 = vector.shape_cast %get3A_765 : vector<1x16xf32> to vector<16xf32>
      %get3A_767 = arith.index_cast %scan3A_245 : i32 to index
      %get3A_768 = arith.constant 592 : index
      %get3A_769 = tpu.vector_load %arg12[%get3A_767, %get3A_768] {strides = array<i32>} : memref<16x768xf32, #tpu.memory_space<vmem>>, vector<1x16xf32>,
      %get3A_770 = vector.shape_cast %get3A_769 : vector<1x16xf32> to vector<16xf32>
      %add3A_771 = arith.addf %get3A_766, %get3A_770 : vector<16xf32>
      %swap3A_772 = arith.index_cast %scan3A_245 : i32 to index
      %swap3A_773 = arith.constant 592 : index
      %swap3A_774 = tpu.vector_load %arg8[%swap3A_772, %swap3A_773] {strides = array<i32>} : memref<16x768xf32, #tpu.memory_space<vmem>>, vector<1x16xf32>,
      %swap3A_775 = vector.shape_cast %swap3A_774 : vector<1x16xf32> to vector<16xf32>
      %swap3A_776 = vector.shape_cast %add3A_771 : vector<16xf32> to vector<1x16xf32>
      tpu.vector_store %arg8[%swap3A_772, %swap3A_773], %swap3A_776 {strides = array<i32>} : memref<16x768xf32, #tpu.memory_space<vmem>>, vector<1x16xf32>,
      %get3A_777 = arith.index_cast %scan3A_245 : i32 to index
      %get3A_778 = arith.constant 608 : index
      %get3A_779 = tpu.vector_load %arg8[%get3A_777, %get3A_778] {strides = array<i32>} : memref<16x768xf32, #tpu.memory_space<vmem>>, vector<1x16xf32>,
      %get3A_780 = vector.shape_cast %get3A_779 : vector<1x16xf32> to vector<16xf32>
      %get3A_781 = arith.index_cast %scan3A_245 : i32 to index
      %get3A_782 = arith.constant 608 : index
      %get3A_783 = tpu.vector_load %arg12[%get3A_781, %get3A_782] {strides = array<i32>} : memref<16x768xf32, #tpu.memory_space<vmem>>, vector<1x16xf32>,
      %get3A_784 = vector.shape_cast %get3A_783 : vector<1x16xf32> to vector<16xf32>
      %add3A_785 = arith.addf %get3A_780, %get3A_784 : vector<16xf32>
      %swap3A_786 = arith.index_cast %scan3A_245 : i32 to index
      %swap3A_787 = arith.constant 608 : index
      %swap3A_788 = tpu.vector_load %arg8[%swap3A_786, %swap3A_787] {strides = array<i32>} : memref<16x768xf32, #tpu.memory_space<vmem>>, vector<1x16xf32>,
      %swap3A_789 = vector.shape_cast %swap3A_788 : vector<1x16xf32> to vector<16xf32>
      %swap3A_790 = vector.shape_cast %add3A_785 : vector<16xf32> to vector<1x16xf32>
      tpu.vector_store %arg8[%swap3A_786, %swap3A_787], %swap3A_790 {strides = array<i32>} : memref<16x768xf32, #tpu.memory_space<vmem>>, vector<1x16xf32>,
      %get3A_791 = arith.index_cast %scan3A_245 : i32 to index
      %get3A_792 = arith.constant 624 : index
      %get3A_793 = tpu.vector_load %arg8[%get3A_791, %get3A_792] {strides = array<i32>} : memref<16x768xf32, #tpu.memory_space<vmem>>, vector<1x16xf32>,
      %get3A_794 = vector.shape_cast %get3A_793 : vector<1x16xf32> to vector<16xf32>
      %get3A_795 = arith.index_cast %scan3A_245 : i32 to index
      %get3A_796 = arith.constant 624 : index
      %get3A_797 = tpu.vector_load %arg12[%get3A_795, %get3A_796] {strides = array<i32>} : memref<16x768xf32, #tpu.memory_space<vmem>>, vector<1x16xf32>,
      %get3A_798 = vector.shape_cast %get3A_797 : vector<1x16xf32> to vector<16xf32>
      %add3A_799 = arith.addf %get3A_794, %get3A_798 : vector<16xf32>
      %swap3A_800 = arith.index_cast %scan3A_245 : i32 to index
      %swap3A_801 = arith.constant 624 : index
      %swap3A_802 = tpu.vector_load %arg8[%swap3A_800, %swap3A_801] {strides = array<i32>} : memref<16x768xf32, #tpu.memory_space<vmem>>, vector<1x16xf32>,
      %swap3A_803 = vector.shape_cast %swap3A_802 : vector<1x16xf32> to vector<16xf32>
      %swap3A_804 = vector.shape_cast %add3A_799 : vector<16xf32> to vector<1x16xf32>
      tpu.vector_store %arg8[%swap3A_800, %swap3A_801], %swap3A_804 {strides = array<i32>} : memref<16x768xf32, #tpu.memory_space<vmem>>, vector<1x16xf32>,
      %get3A_805 = arith.index_cast %scan3A_245 : i32 to index
      %get3A_806 = arith.constant 640 : index
      %get3A_807 = tpu.vector_load %arg8[%get3A_805, %get3A_806] {strides = array<i32>} : memref<16x768xf32, #tpu.memory_space<vmem>>, vector<1x16xf32>,
      %get3A_808 = vector.shape_cast %get3A_807 : vector<1x16xf32> to vector<16xf32>
      %get3A_809 = arith.index_cast %scan3A_245 : i32 to index
      %get3A_810 = arith.constant 640 : index
      %get3A_811 = tpu.vector_load %arg12[%get3A_809, %get3A_810] {strides = array<i32>} : memref<16x768xf32, #tpu.memory_space<vmem>>, vector<1x16xf32>,
      %get3A_812 = vector.shape_cast %get3A_811 : vector<1x16xf32> to vector<16xf32>
      %add3A_813 = arith.addf %get3A_808, %get3A_812 : vector<16xf32>
      %swap3A_814 = arith.index_cast %scan3A_245 : i32 to index
      %swap3A_815 = arith.constant 640 : index
      %swap3A_816 = tpu.vector_load %arg8[%swap3A_814, %swap3A_815] {strides = array<i32>} : memref<16x768xf32, #tpu.memory_space<vmem>>, vector<1x16xf32>,
      %swap3A_817 = vector.shape_cast %swap3A_816 : vector<1x16xf32> to vector<16xf32>
      %swap3A_818 = vector.shape_cast %add3A_813 : vector<16xf32> to vector<1x16xf32>
      tpu.vector_store %arg8[%swap3A_814, %swap3A_815], %swap3A_818 {strides = array<i32>} : memref<16x768xf32, #tpu.memory_space<vmem>>, vector<1x16xf32>,
      %get3A_819 = arith.index_cast %scan3A_245 : i32 to index
      %get3A_820 = arith.constant 656 : index
      %get3A_821 = tpu.vector_load %arg8[%get3A_819, %get3A_820] {strides = array<i32>} : memref<16x768xf32, #tpu.memory_space<vmem>>, vector<1x16xf32>,
      %get3A_822 = vector.shape_cast %get3A_821 : vector<1x16xf32> to vector<16xf32>
      %get3A_823 = arith.index_cast %scan3A_245 : i32 to index
      %get3A_824 = arith.constant 656 : index
      %get3A_825 = tpu.vector_load %arg12[%get3A_823, %get3A_824] {strides = array<i32>} : memref<16x768xf32, #tpu.memory_space<vmem>>, vector<1x16xf32>,
      %get3A_826 = vector.shape_cast %get3A_825 : vector<1x16xf32> to vector<16xf32>
      %add3A_827 = arith.addf %get3A_822, %get3A_826 : vector<16xf32>
      %swap3A_828 = arith.index_cast %scan3A_245 : i32 to index
      %swap3A_829 = arith.constant 656 : index
      %swap3A_830 = tpu.vector_load %arg8[%swap3A_828, %swap3A_829] {strides = array<i32>} : memref<16x768xf32, #tpu.memory_space<vmem>>, vector<1x16xf32>,
      %swap3A_831 = vector.shape_cast %swap3A_830 : vector<1x16xf32> to vector<16xf32>
      %swap3A_832 = vector.shape_cast %add3A_827 : vector<16xf32> to vector<1x16xf32>
      tpu.vector_store %arg8[%swap3A_828, %swap3A_829], %swap3A_832 {strides = array<i32>} : memref<16x768xf32, #tpu.memory_space<vmem>>, vector<1x16xf32>,
      %get3A_833 = arith.index_cast %scan3A_245 : i32 to index
      %get3A_834 = arith.constant 672 : index
      %get3A_835 = tpu.vector_load %arg8[%get3A_833, %get3A_834] {strides = array<i32>} : memref<16x768xf32, #tpu.memory_space<vmem>>, vector<1x16xf32>,
      %get3A_836 = vector.shape_cast %get3A_835 : vector<1x16xf32> to vector<16xf32>
      %get3A_837 = arith.index_cast %scan3A_245 : i32 to index
      %get3A_838 = arith.constant 672 : index
      %get3A_839 = tpu.vector_load %arg12[%get3A_837, %get3A_838] {strides = array<i32>} : memref<16x768xf32, #tpu.memory_space<vmem>>, vector<1x16xf32>,
      %get3A_840 = vector.shape_cast %get3A_839 : vector<1x16xf32> to vector<16xf32>
      %add3A_841 = arith.addf %get3A_836, %get3A_840 : vector<16xf32>
      %swap3A_842 = arith.index_cast %scan3A_245 : i32 to index
      %swap3A_843 = arith.constant 672 : index
      %swap3A_844 = tpu.vector_load %arg8[%swap3A_842, %swap3A_843] {strides = array<i32>} : memref<16x768xf32, #tpu.memory_space<vmem>>, vector<1x16xf32>,
      %swap3A_845 = vector.shape_cast %swap3A_844 : vector<1x16xf32> to vector<16xf32>
      %swap3A_846 = vector.shape_cast %add3A_841 : vector<16xf32> to vector<1x16xf32>
      tpu.vector_store %arg8[%swap3A_842, %swap3A_843], %swap3A_846 {strides = array<i32>} : memref<16x768xf32, #tpu.memory_space<vmem>>, vector<1x16xf32>,
      %get3A_847 = arith.index_cast %scan3A_245 : i32 to index
      %get3A_848 = arith.constant 688 : index
      %get3A_849 = tpu.vector_load %arg8[%get3A_847, %get3A_848] {strides = array<i32>} : memref<16x768xf32, #tpu.memory_space<vmem>>, vector<1x16xf32>,
      %get3A_850 = vector.shape_cast %get3A_849 : vector<1x16xf32> to vector<16xf32>
      %get3A_851 = arith.index_cast %scan3A_245 : i32 to index
      %get3A_852 = arith.constant 688 : index
      %get3A_853 = tpu.vector_load %arg12[%get3A_851, %get3A_852] {strides = array<i32>} : memref<16x768xf32, #tpu.memory_space<vmem>>, vector<1x16xf32>,
      %get3A_854 = vector.shape_cast %get3A_853 : vector<1x16xf32> to vector<16xf32>
      %add3A_855 = arith.addf %get3A_850, %get3A_854 : vector<16xf32>
      %swap3A_856 = arith.index_cast %scan3A_245 : i32 to index
      %swap3A_857 = arith.constant 688 : index
      %swap3A_858 = tpu.vector_load %arg8[%swap3A_856, %swap3A_857] {strides = array<i32>} : memref<16x768xf32, #tpu.memory_space<vmem>>, vector<1x16xf32>,
      %swap3A_859 = vector.shape_cast %swap3A_858 : vector<1x16xf32> to vector<16xf32>
      %swap3A_860 = vector.shape_cast %add3A_855 : vector<16xf32> to vector<1x16xf32>
      tpu.vector_store %arg8[%swap3A_856, %swap3A_857], %swap3A_860 {strides = array<i32>} : memref<16x768xf32, #tpu.memory_space<vmem>>, vector<1x16xf32>,
      %get3A_861 = arith.index_cast %scan3A_245 : i32 to index
      %get3A_862 = arith.constant 704 : index
      %get3A_863 = tpu.vector_load %arg8[%get3A_861, %get3A_862] {strides = array<i32>} : memref<16x768xf32, #tpu.memory_space<vmem>>, vector<1x16xf32>,
      %get3A_864 = vector.shape_cast %get3A_863 : vector<1x16xf32> to vector<16xf32>
      %get3A_865 = arith.index_cast %scan3A_245 : i32 to index
      %get3A_866 = arith.constant 704 : index
      %get3A_867 = tpu.vector_load %arg12[%get3A_865, %get3A_866] {strides = array<i32>} : memref<16x768xf32, #tpu.memory_space<vmem>>, vector<1x16xf32>,
      %get3A_868 = vector.shape_cast %get3A_867 : vector<1x16xf32> to vector<16xf32>
      %add3A_869 = arith.addf %get3A_864, %get3A_868 : vector<16xf32>
      %swap3A_870 = arith.index_cast %scan3A_245 : i32 to index
      %swap3A_871 = arith.constant 704 : index
      %swap3A_872 = tpu.vector_load %arg8[%swap3A_870, %swap3A_871] {strides = array<i32>} : memref<16x768xf32, #tpu.memory_space<vmem>>, vector<1x16xf32>,
      %swap3A_873 = vector.shape_cast %swap3A_872 : vector<1x16xf32> to vector<16xf32>
      %swap3A_874 = vector.shape_cast %add3A_869 : vector<16xf32> to vector<1x16xf32>
      tpu.vector_store %arg8[%swap3A_870, %swap3A_871], %swap3A_874 {strides = array<i32>} : memref<16x768xf32, #tpu.memory_space<vmem>>, vector<1x16xf32>,
      %get3A_875 = arith.index_cast %scan3A_245 : i32 to index
      %get3A_876 = arith.constant 720 : index
      %get3A_877 = tpu.vector_load %arg8[%get3A_875, %get3A_876] {strides = array<i32>} : memref<16x768xf32, #tpu.memory_space<vmem>>, vector<1x16xf32>,
      %get3A_878 = vector.shape_cast %get3A_877 : vector<1x16xf32> to vector<16xf32>
      %get3A_879 = arith.index_cast %scan3A_245 : i32 to index
      %get3A_880 = arith.constant 720 : index
      %get3A_881 = tpu.vector_load %arg12[%get3A_879, %get3A_880] {strides = array<i32>} : memref<16x768xf32, #tpu.memory_space<vmem>>, vector<1x16xf32>,
      %get3A_882 = vector.shape_cast %get3A_881 : vector<1x16xf32> to vector<16xf32>
      %add3A_883 = arith.addf %get3A_878, %get3A_882 : vector<16xf32>
      %swap3A_884 = arith.index_cast %scan3A_245 : i32 to index
      %swap3A_885 = arith.constant 720 : index
      %swap3A_886 = tpu.vector_load %arg8[%swap3A_884, %swap3A_885] {strides = array<i32>} : memref<16x768xf32, #tpu.memory_space<vmem>>, vector<1x16xf32>,
      %swap3A_887 = vector.shape_cast %swap3A_886 : vector<1x16xf32> to vector<16xf32>
      %swap3A_888 = vector.shape_cast %add3A_883 : vector<16xf32> to vector<1x16xf32>
      tpu.vector_store %arg8[%swap3A_884, %swap3A_885], %swap3A_888 {strides = array<i32>} : memref<16x768xf32, #tpu.memory_space<vmem>>, vector<1x16xf32>,
      %get3A_889 = arith.index_cast %scan3A_245 : i32 to index
      %get3A_890 = arith.constant 736 : index
      %get3A_891 = tpu.vector_load %arg8[%get3A_889, %get3A_890] {strides = array<i32>} : memref<16x768xf32, #tpu.memory_space<vmem>>, vector<1x16xf32>,
      %get3A_892 = vector.shape_cast %get3A_891 : vector<1x16xf32> to vector<16xf32>
      %get3A_893 = arith.index_cast %scan3A_245 : i32 to index
      %get3A_894 = arith.constant 736 : index
      %get3A_895 = tpu.vector_load %arg12[%get3A_893, %get3A_894] {strides = array<i32>} : memref<16x768xf32, #tpu.memory_space<vmem>>, vector<1x16xf32>,
      %get3A_896 = vector.shape_cast %get3A_895 : vector<1x16xf32> to vector<16xf32>
      %add3A_897 = arith.addf %get3A_892, %get3A_896 : vector<16xf32>
      %swap3A_898 = arith.index_cast %scan3A_245 : i32 to index
      %swap3A_899 = arith.constant 736 : index
      %swap3A_900 = tpu.vector_load %arg8[%swap3A_898, %swap3A_899] {strides = array<i32>} : memref<16x768xf32, #tpu.memory_space<vmem>>, vector<1x16xf32>,
      %swap3A_901 = vector.shape_cast %swap3A_900 : vector<1x16xf32> to vector<16xf32>
      %swap3A_902 = vector.shape_cast %add3A_897 : vector<16xf32> to vector<1x16xf32>
      tpu.vector_store %arg8[%swap3A_898, %swap3A_899], %swap3A_902 {strides = array<i32>} : memref<16x768xf32, #tpu.memory_space<vmem>>, vector<1x16xf32>,
      %get3A_903 = arith.index_cast %scan3A_245 : i32 to index
      %get3A_904 = arith.constant 752 : index
      %get3A_905 = tpu.vector_load %arg8[%get3A_903, %get3A_904] {strides = array<i32>} : memref<16x768xf32, #tpu.memory_space<vmem>>, vector<1x16xf32>,
      %get3A_906 = vector.shape_cast %get3A_905 : vector<1x16xf32> to vector<16xf32>
      %get3A_907 = arith.index_cast %scan3A_245 : i32 to index
      %get3A_908 = arith.constant 752 : index
      %get3A_909 = tpu.vector_load %arg12[%get3A_907, %get3A_908] {strides = array<i32>} : memref<16x768xf32, #tpu.memory_space<vmem>>, vector<1x16xf32>,
      %get3A_910 = vector.shape_cast %get3A_909 : vector<1x16xf32> to vector<16xf32>
      %add3A_911 = arith.addf %get3A_906, %get3A_910 : vector<16xf32>
      %swap3A_912 = arith.index_cast %scan3A_245 : i32 to index
      %swap3A_913 = arith.constant 752 : index
      %swap3A_914 = tpu.vector_load %arg8[%swap3A_912, %swap3A_913] {strides = array<i32>} : memref<16x768xf32, #tpu.memory_space<vmem>>, vector<1x16xf32>,
      %swap3A_915 = vector.shape_cast %swap3A_914 : vector<1x16xf32> to vector<16xf32>
      %swap3A_916 = vector.shape_cast %add3A_911 : vector<16xf32> to vector<1x16xf32>
      tpu.vector_store %arg8[%swap3A_912, %swap3A_913], %swap3A_916 {strides = array<i32>} : memref<16x768xf32, #tpu.memory_space<vmem>>, vector<1x16xf32>,
      %scan3A_917 = arith.constant 0 : i32
      scf.yield %scan3A_917 : i32
    }
    %scan3A_129 = arith.constant 16 : i32
    %mul3A_130 = arith.constant 16 : i32
    %mul3A_131 = arith.muli %add3A_109, %mul3A_130 : i32
    %add3A_132 = arith.addi %add3A_37, %mul3A_131 : i32
    %dma_start3A_133 = arith.constant 0 : i32
    %dma_start3A_134 = tpu.memref_slice %arg5[%add3A_132, %dma_start3A_133] : memref<32768x768xf32, #tpu.memory_space<hbm>> -> memref<16x768xf32, #tpu.memory_space<hbm>>
    %dma_start3A_135 = arith.constant 0 : i32
    %dma_start3A_136 = tpu.memref_slice %arg5[%add3A_132, %dma_start3A_135] : memref<32768x768xf32, #tpu.memory_space<hbm>> -> memref<16x768xf32, #tpu.memory_space<hbm>>
    tpu.enqueue_dma source(%arg8 : memref<16x768xf32, #tpu.memory_space<vmem>>) target(%dma_start3A_136 : memref<16x768xf32, #tpu.memory_space<hbm>>) target_semaphore(%arg24 : memref<!tpu.dma_semaphore, #tpu.memory_space<semaphore_mem>>)
    %ge3A_137 = arith.constant 2 : i32
    %ge3A_138 = arith.cmpi sge, %add3A_109, %ge3A_137 : i32
    %convert_element_type3A_139 = arith.extui %ge3A_138 : i1 to i32
    %cond3A_140 = arith.constant 0 : i32
    %cond3A_141 = arith.cmpi ne, %convert_element_type3A_139, %cond3A_140 : i32
    scf.if %cond3A_141 {
      %sub3A_245 = arith.constant 2 : i32
      %sub3A_246 = arith.subi %add3A_109, %sub3A_245 : i32
      %mul3A_247 = arith.constant 16 : i32
      %mul3A_248 = arith.muli %sub3A_246, %mul3A_247 : i32
      %add3A_249 = arith.addi %add3A_37, %mul3A_248 : i32
      %dma_wait3A_250 = arith.constant 0 : i32
      %dma_wait3A_251 = tpu.memref_slice %arg5[%add3A_249, %dma_wait3A_250] : memref<32768x768xf32, #tpu.memory_space<hbm>> -> memref<16x768xf32, #tpu.memory_space<hbm>>
      %dma_wait3A_252 = arith.constant 0 : i32
      %dma_wait3A_253 = tpu.memref_slice %arg5[%add3A_249, %dma_wait3A_252] : memref<32768x768xf32, #tpu.memory_space<hbm>> -> memref<16x768xf32, #tpu.memory_space<hbm>>
      tpu.wait_dma2 semaphore(%arg26 : memref<!tpu.dma_semaphore, #tpu.memory_space<semaphore_mem>>) src(%arg10 : memref<16x768xf32, #tpu.memory_space<vmem>>) dst(%dma_wait3A_253 : memref<16x768xf32, #tpu.memory_space<hbm>>)
    } else {
    }
    %add3A_142 = arith.constant 2 : i32
    %add3A_143 = arith.addi %add3A_109, %add3A_142 : i32
    %lt3A_144 = arith.constant 4 : i32
    %lt3A_145 = arith.cmpi slt, %add3A_143, %lt3A_144 : i32
    %convert_element_type3A_146 = arith.extui %lt3A_145 : i1 to i32
    %cond3A_147 = arith.constant 0 : i32
    %cond3A_148 = arith.cmpi ne, %convert_element_type3A_146, %cond3A_147 : i32
    scf.if %cond3A_148 {
      %add3A_245 = arith.constant 2 : i32
      %add3A_246 = arith.addi %add3A_109, %add3A_245 : i32
      %mul3A_247 = arith.constant 16 : i32
      %mul3A_248 = arith.muli %add3A_246, %mul3A_247 : i32
      %add3A_249 = arith.addi %add3A_37, %mul3A_248 : i32
      %dma_start3A_250 = arith.constant 0 : i32
      %dma_start3A_251 = tpu.memref_slice %arg2[%add3A_249, %dma_start3A_250] : memref<32768x768xf32, #tpu.memory_space<hbm>> -> memref<16x768xf32, #tpu.memory_space<hbm>>
      %dma_start3A_252 = arith.constant 0 : i32
      %dma_start3A_253 = tpu.memref_slice %arg2[%add3A_249, %dma_start3A_252] : memref<32768x768xf32, #tpu.memory_space<hbm>> -> memref<16x768xf32, #tpu.memory_space<hbm>>
      tpu.enqueue_dma source(%dma_start3A_253 : memref<16x768xf32, #tpu.memory_space<hbm>>) target(%arg10 : memref<16x768xf32, #tpu.memory_space<vmem>>) target_semaphore(%arg18 : memref<!tpu.dma_semaphore, #tpu.memory_space<semaphore_mem>>)
      %mul3A_254 = arith.constant 16 : i32
      %mul3A_255 = arith.muli %add3A_246, %mul3A_254 : i32
      %dma_start3A_256 = tpu.memref_slice %arg6[%mul3A_255] : memref<64xi32, #tpu.memory_space<vmem>> -> memref<16xi32, #tpu.memory_space<vmem>>
      %dma_start3A_257 = arith.constant 0 : i32
      %dma_start3A_258 = arith.constant 0 : i32
      %dma_start3A_259 = tpu.memref_slice %arg4[%dma_start3A_257, %dma_start3A_258] : memref<1024x768xf32, #tpu.memory_space<hbm>> -> memref<1024x768xf32, #tpu.memory_space<hbm>>
      tpu.enqueue_indirect_dma source(%dma_start3A_259 : memref<1024x768xf32, #tpu.memory_space<hbm>>) target(%arg14 : memref<16x768xf32, #tpu.memory_space<vmem>>) offsets(%dma_start3A_256 : memref<16xi32, #tpu.memory_space<vmem>>) semaphore(%arg22 : memref<!tpu.dma_semaphore, #tpu.memory_space<semaphore_mem>>)
    } else {
    }
    %add3A_149 = arith.constant 2 : i32
    %add3A_150 = arith.addi %mul3A_70, %add3A_149 : i32
    %mul3A_151 = arith.constant 16 : i32
    %mul3A_152 = arith.muli %add3A_150, %mul3A_151 : i32
    %add3A_153 = arith.addi %add3A_37, %mul3A_152 : i32
    %dma_wait3A_154 = arith.constant 0 : i32
    %dma_wait3A_155 = tpu.memref_slice %arg2[%add3A_153, %dma_wait3A_154] : memref<32768x768xf32, #tpu.memory_space<hbm>> -> memref<16x768xf32, #tpu.memory_space<hbm>>
    %dma_wait3A_156 = arith.constant 0 : i32
    %dma_wait3A_157 = tpu.memref_slice %arg2[%add3A_153, %dma_wait3A_156] : memref<32768x768xf32, #tpu.memory_space<hbm>> -> memref<16x768xf32, #tpu.memory_space<hbm>>
    tpu.wait_dma2 semaphore(%arg17 : memref<!tpu.dma_semaphore, #tpu.memory_space<semaphore_mem>>) src(%dma_wait3A_157 : memref<16x768xf32, #tpu.memory_space<hbm>>) dst(%arg9 : memref<16x768xf32, #tpu.memory_space<vmem>>)
    %mul3A_158 = arith.constant 16 : i32
    %mul3A_159 = arith.muli %add3A_150, %mul3A_158 : i32
    %dma_wait3A_160 = tpu.memref_slice %arg6[%mul3A_159] : memref<64xi32, #tpu.memory_space<vmem>> -> memref<16xi32, #tpu.memory_space<vmem>>
    %dma_wait3A_161 = arith.constant 0 : i32
    %dma_wait3A_162 = arith.constant 0 : i32
    %dma_wait3A_163 = tpu.memref_slice %arg4[%dma_wait3A_161, %dma_wait3A_162] : memref<1024x768xf32, #tpu.memory_space<hbm>> -> memref<1024x768xf32, #tpu.memory_space<hbm>>
    tpu.wait_indirect_dma semaphore(%arg21 : memref<!tpu.dma_semaphore, #tpu.memory_space<semaphore_mem>>) src(%dma_wait3A_163 : memref<1024x768xf32, #tpu.memory_space<hbm>>) dst(%arg13 : memref<16x768xf32, #tpu.memory_space<vmem>>)
    %scan3A_164 = arith.constant 0 : i32
    %scan3A_165 = arith.constant 0 : i32
    %scan3A_166 = arith.constant 16 : i32
    %scan3A_167 = arith.addi %scan3A_165, %scan3A_166 : i32
    %scan3A_168 = arith.constant 1 : i32
    %scan3A_169 = scf.for %scan3A_245 = %scan3A_165 to %scan3A_167 step %scan3A_168 iter_args(%scan3A_246 = %scan3A_164) -> (i32)  : i32 {
      %get3A = arith.index_cast %scan3A_245 : i32 to index
      %get3A_247 = arith.constant 0 : index
      %get3A_248 = tpu.vector_load %arg9[%get3A, %get3A_247] {strides = array<i32>} : memref<16x768xf32, #tpu.memory_space<vmem>>, vector<1x16xf32>,
      %get3A_249 = vector.shape_cast %get3A_248 : vector<1x16xf32> to vector<16xf32>
      %get3A_250 = arith.index_cast %scan3A_245 : i32 to index
      %get3A_251 = arith.constant 0 : index
      %get3A_252 = tpu.vector_load %arg13[%get3A_250, %get3A_251] {strides = array<i32>} : memref<16x768xf32, #tpu.memory_space<vmem>>, vector<1x16xf32>,
      %get3A_253 = vector.shape_cast %get3A_252 : vector<1x16xf32> to vector<16xf32>
      %add3A_254 = arith.addf %get3A_249, %get3A_253 : vector<16xf32>
      %swap3A = arith.index_cast %scan3A_245 : i32 to index
      %swap3A_255 = arith.constant 0 : index
      %swap3A_256 = tpu.vector_load %arg9[%swap3A, %swap3A_255] {strides = array<i32>} : memref<16x768xf32, #tpu.memory_space<vmem>>, vector<1x16xf32>,
      %swap3A_257 = vector.shape_cast %swap3A_256 : vector<1x16xf32> to vector<16xf32>
      %swap3A_258 = vector.shape_cast %add3A_254 : vector<16xf32> to vector<1x16xf32>
      tpu.vector_store %arg9[%swap3A, %swap3A_255], %swap3A_258 {strides = array<i32>} : memref<16x768xf32, #tpu.memory_space<vmem>>, vector<1x16xf32>,
      %get3A_259 = arith.index_cast %scan3A_245 : i32 to index
      %get3A_260 = arith.constant 16 : index
      %get3A_261 = tpu.vector_load %arg9[%get3A_259, %get3A_260] {strides = array<i32>} : memref<16x768xf32, #tpu.memory_space<vmem>>, vector<1x16xf32>,
      %get3A_262 = vector.shape_cast %get3A_261 : vector<1x16xf32> to vector<16xf32>
      %get3A_263 = arith.index_cast %scan3A_245 : i32 to index
      %get3A_264 = arith.constant 16 : index
      %get3A_265 = tpu.vector_load %arg13[%get3A_263, %get3A_264] {strides = array<i32>} : memref<16x768xf32, #tpu.memory_space<vmem>>, vector<1x16xf32>,
      %get3A_266 = vector.shape_cast %get3A_265 : vector<1x16xf32> to vector<16xf32>
      %add3A_267 = arith.addf %get3A_262, %get3A_266 : vector<16xf32>
      %swap3A_268 = arith.index_cast %scan3A_245 : i32 to index
      %swap3A_269 = arith.constant 16 : index
      %swap3A_270 = tpu.vector_load %arg9[%swap3A_268, %swap3A_269] {strides = array<i32>} : memref<16x768xf32, #tpu.memory_space<vmem>>, vector<1x16xf32>,
      %swap3A_271 = vector.shape_cast %swap3A_270 : vector<1x16xf32> to vector<16xf32>
      %swap3A_272 = vector.shape_cast %add3A_267 : vector<16xf32> to vector<1x16xf32>
      tpu.vector_store %arg9[%swap3A_268, %swap3A_269], %swap3A_272 {strides = array<i32>} : memref<16x768xf32, #tpu.memory_space<vmem>>, vector<1x16xf32>,
      %get3A_273 = arith.index_cast %scan3A_245 : i32 to index
      %get3A_274 = arith.constant 32 : index
      %get3A_275 = tpu.vector_load %arg9[%get3A_273, %get3A_274] {strides = array<i32>} : memref<16x768xf32, #tpu.memory_space<vmem>>, vector<1x16xf32>,
      %get3A_276 = vector.shape_cast %get3A_275 : vector<1x16xf32> to vector<16xf32>
      %get3A_277 = arith.index_cast %scan3A_245 : i32 to index
      %get3A_278 = arith.constant 32 : index
      %get3A_279 = tpu.vector_load %arg13[%get3A_277, %get3A_278] {strides = array<i32>} : memref<16x768xf32, #tpu.memory_space<vmem>>, vector<1x16xf32>,
      %get3A_280 = vector.shape_cast %get3A_279 : vector<1x16xf32> to vector<16xf32>
      %add3A_281 = arith.addf %get3A_276, %get3A_280 : vector<16xf32>
      %swap3A_282 = arith.index_cast %scan3A_245 : i32 to index
      %swap3A_283 = arith.constant 32 : index
      %swap3A_284 = tpu.vector_load %arg9[%swap3A_282, %swap3A_283] {strides = array<i32>} : memref<16x768xf32, #tpu.memory_space<vmem>>, vector<1x16xf32>,
      %swap3A_285 = vector.shape_cast %swap3A_284 : vector<1x16xf32> to vector<16xf32>
      %swap3A_286 = vector.shape_cast %add3A_281 : vector<16xf32> to vector<1x16xf32>
      tpu.vector_store %arg9[%swap3A_282, %swap3A_283], %swap3A_286 {strides = array<i32>} : memref<16x768xf32, #tpu.memory_space<vmem>>, vector<1x16xf32>,
      %get3A_287 = arith.index_cast %scan3A_245 : i32 to index
      %get3A_288 = arith.constant 48 : index
      %get3A_289 = tpu.vector_load %arg9[%get3A_287, %get3A_288] {strides = array<i32>} : memref<16x768xf32, #tpu.memory_space<vmem>>, vector<1x16xf32>,
      %get3A_290 = vector.shape_cast %get3A_289 : vector<1x16xf32> to vector<16xf32>
      %get3A_291 = arith.index_cast %scan3A_245 : i32 to index
      %get3A_292 = arith.constant 48 : index
      %get3A_293 = tpu.vector_load %arg13[%get3A_291, %get3A_292] {strides = array<i32>} : memref<16x768xf32, #tpu.memory_space<vmem>>, vector<1x16xf32>,
      %get3A_294 = vector.shape_cast %get3A_293 : vector<1x16xf32> to vector<16xf32>
      %add3A_295 = arith.addf %get3A_290, %get3A_294 : vector<16xf32>
      %swap3A_296 = arith.index_cast %scan3A_245 : i32 to index
      %swap3A_297 = arith.constant 48 : index
      %swap3A_298 = tpu.vector_load %arg9[%swap3A_296, %swap3A_297] {strides = array<i32>} : memref<16x768xf32, #tpu.memory_space<vmem>>, vector<1x16xf32>,
      %swap3A_299 = vector.shape_cast %swap3A_298 : vector<1x16xf32> to vector<16xf32>
      %swap3A_300 = vector.shape_cast %add3A_295 : vector<16xf32> to vector<1x16xf32>
      tpu.vector_store %arg9[%swap3A_296, %swap3A_297], %swap3A_300 {strides = array<i32>} : memref<16x768xf32, #tpu.memory_space<vmem>>, vector<1x16xf32>,
      %get3A_301 = arith.index_cast %scan3A_245 : i32 to index
      %get3A_302 = arith.constant 64 : index
      %get3A_303 = tpu.vector_load %arg9[%get3A_301, %get3A_302] {strides = array<i32>} : memref<16x768xf32, #tpu.memory_space<vmem>>, vector<1x16xf32>,
      %get3A_304 = vector.shape_cast %get3A_303 : vector<1x16xf32> to vector<16xf32>
      %get3A_305 = arith.index_cast %scan3A_245 : i32 to index
      %get3A_306 = arith.constant 64 : index
      %get3A_307 = tpu.vector_load %arg13[%get3A_305, %get3A_306] {strides = array<i32>} : memref<16x768xf32, #tpu.memory_space<vmem>>, vector<1x16xf32>,
      %get3A_308 = vector.shape_cast %get3A_307 : vector<1x16xf32> to vector<16xf32>
      %add3A_309 = arith.addf %get3A_304, %get3A_308 : vector<16xf32>
      %swap3A_310 = arith.index_cast %scan3A_245 : i32 to index
      %swap3A_311 = arith.constant 64 : index
      %swap3A_312 = tpu.vector_load %arg9[%swap3A_310, %swap3A_311] {strides = array<i32>} : memref<16x768xf32, #tpu.memory_space<vmem>>, vector<1x16xf32>,
      %swap3A_313 = vector.shape_cast %swap3A_312 : vector<1x16xf32> to vector<16xf32>
      %swap3A_314 = vector.shape_cast %add3A_309 : vector<16xf32> to vector<1x16xf32>
      tpu.vector_store %arg9[%swap3A_310, %swap3A_311], %swap3A_314 {strides = array<i32>} : memref<16x768xf32, #tpu.memory_space<vmem>>, vector<1x16xf32>,
      %get3A_315 = arith.index_cast %scan3A_245 : i32 to index
      %get3A_316 = arith.constant 80 : index
      %get3A_317 = tpu.vector_load %arg9[%get3A_315, %get3A_316] {strides = array<i32>} : memref<16x768xf32, #tpu.memory_space<vmem>>, vector<1x16xf32>,
      %get3A_318 = vector.shape_cast %get3A_317 : vector<1x16xf32> to vector<16xf32>
      %get3A_319 = arith.index_cast %scan3A_245 : i32 to index
      %get3A_320 = arith.constant 80 : index
      %get3A_321 = tpu.vector_load %arg13[%get3A_319, %get3A_320] {strides = array<i32>} : memref<16x768xf32, #tpu.memory_space<vmem>>, vector<1x16xf32>,
      %get3A_322 = vector.shape_cast %get3A_321 : vector<1x16xf32> to vector<16xf32>
      %add3A_323 = arith.addf %get3A_318, %get3A_322 : vector<16xf32>
      %swap3A_324 = arith.index_cast %scan3A_245 : i32 to index
      %swap3A_325 = arith.constant 80 : index
      %swap3A_326 = tpu.vector_load %arg9[%swap3A_324, %swap3A_325] {strides = array<i32>} : memref<16x768xf32, #tpu.memory_space<vmem>>, vector<1x16xf32>,
      %swap3A_327 = vector.shape_cast %swap3A_326 : vector<1x16xf32> to vector<16xf32>
      %swap3A_328 = vector.shape_cast %add3A_323 : vector<16xf32> to vector<1x16xf32>
      tpu.vector_store %arg9[%swap3A_324, %swap3A_325], %swap3A_328 {strides = array<i32>} : memref<16x768xf32, #tpu.memory_space<vmem>>, vector<1x16xf32>,
      %get3A_329 = arith.index_cast %scan3A_245 : i32 to index
      %get3A_330 = arith.constant 96 : index
      %get3A_331 = tpu.vector_load %arg9[%get3A_329, %get3A_330] {strides = array<i32>} : memref<16x768xf32, #tpu.memory_space<vmem>>, vector<1x16xf32>,
      %get3A_332 = vector.shape_cast %get3A_331 : vector<1x16xf32> to vector<16xf32>
      %get3A_333 = arith.index_cast %scan3A_245 : i32 to index
      %get3A_334 = arith.constant 96 : index
      %get3A_335 = tpu.vector_load %arg13[%get3A_333, %get3A_334] {strides = array<i32>} : memref<16x768xf32, #tpu.memory_space<vmem>>, vector<1x16xf32>,
      %get3A_336 = vector.shape_cast %get3A_335 : vector<1x16xf32> to vector<16xf32>
      %add3A_337 = arith.addf %get3A_332, %get3A_336 : vector<16xf32>
      %swap3A_338 = arith.index_cast %scan3A_245 : i32 to index
      %swap3A_339 = arith.constant 96 : index
      %swap3A_340 = tpu.vector_load %arg9[%swap3A_338, %swap3A_339] {strides = array<i32>} : memref<16x768xf32, #tpu.memory_space<vmem>>, vector<1x16xf32>,
      %swap3A_341 = vector.shape_cast %swap3A_340 : vector<1x16xf32> to vector<16xf32>
      %swap3A_342 = vector.shape_cast %add3A_337 : vector<16xf32> to vector<1x16xf32>
      tpu.vector_store %arg9[%swap3A_338, %swap3A_339], %swap3A_342 {strides = array<i32>} : memref<16x768xf32, #tpu.memory_space<vmem>>, vector<1x16xf32>,
      %get3A_343 = arith.index_cast %scan3A_245 : i32 to index
      %get3A_344 = arith.constant 112 : index
      %get3A_345 = tpu.vector_load %arg9[%get3A_343, %get3A_344] {strides = array<i32>} : memref<16x768xf32, #tpu.memory_space<vmem>>, vector<1x16xf32>,
      %get3A_346 = vector.shape_cast %get3A_345 : vector<1x16xf32> to vector<16xf32>
      %get3A_347 = arith.index_cast %scan3A_245 : i32 to index
      %get3A_348 = arith.constant 112 : index
      %get3A_349 = tpu.vector_load %arg13[%get3A_347, %get3A_348] {strides = array<i32>} : memref<16x768xf32, #tpu.memory_space<vmem>>, vector<1x16xf32>,
      %get3A_350 = vector.shape_cast %get3A_349 : vector<1x16xf32> to vector<16xf32>
      %add3A_351 = arith.addf %get3A_346, %get3A_350 : vector<16xf32>
      %swap3A_352 = arith.index_cast %scan3A_245 : i32 to index
      %swap3A_353 = arith.constant 112 : index
      %swap3A_354 = tpu.vector_load %arg9[%swap3A_352, %swap3A_353] {strides = array<i32>} : memref<16x768xf32, #tpu.memory_space<vmem>>, vector<1x16xf32>,
      %swap3A_355 = vector.shape_cast %swap3A_354 : vector<1x16xf32> to vector<16xf32>
      %swap3A_356 = vector.shape_cast %add3A_351 : vector<16xf32> to vector<1x16xf32>
      tpu.vector_store %arg9[%swap3A_352, %swap3A_353], %swap3A_356 {strides = array<i32>} : memref<16x768xf32, #tpu.memory_space<vmem>>, vector<1x16xf32>,
      %get3A_357 = arith.index_cast %scan3A_245 : i32 to index
      %get3A_358 = arith.constant 128 : index
      %get3A_359 = tpu.vector_load %arg9[%get3A_357, %get3A_358] {strides = array<i32>} : memref<16x768xf32, #tpu.memory_space<vmem>>, vector<1x16xf32>,
      %get3A_360 = vector.shape_cast %get3A_359 : vector<1x16xf32> to vector<16xf32>
      %get3A_361 = arith.index_cast %scan3A_245 : i32 to index
      %get3A_362 = arith.constant 128 : index
      %get3A_363 = tpu.vector_load %arg13[%get3A_361, %get3A_362] {strides = array<i32>} : memref<16x768xf32, #tpu.memory_space<vmem>>, vector<1x16xf32>,
      %get3A_364 = vector.shape_cast %get3A_363 : vector<1x16xf32> to vector<16xf32>
      %add3A_365 = arith.addf %get3A_360, %get3A_364 : vector<16xf32>
      %swap3A_366 = arith.index_cast %scan3A_245 : i32 to index
      %swap3A_367 = arith.constant 128 : index
      %swap3A_368 = tpu.vector_load %arg9[%swap3A_366, %swap3A_367] {strides = array<i32>} : memref<16x768xf32, #tpu.memory_space<vmem>>, vector<1x16xf32>,
      %swap3A_369 = vector.shape_cast %swap3A_368 : vector<1x16xf32> to vector<16xf32>
      %swap3A_370 = vector.shape_cast %add3A_365 : vector<16xf32> to vector<1x16xf32>
      tpu.vector_store %arg9[%swap3A_366, %swap3A_367], %swap3A_370 {strides = array<i32>} : memref<16x768xf32, #tpu.memory_space<vmem>>, vector<1x16xf32>,
      %get3A_371 = arith.index_cast %scan3A_245 : i32 to index
      %get3A_372 = arith.constant 144 : index
      %get3A_373 = tpu.vector_load %arg9[%get3A_371, %get3A_372] {strides = array<i32>} : memref<16x768xf32, #tpu.memory_space<vmem>>, vector<1x16xf32>,
      %get3A_374 = vector.shape_cast %get3A_373 : vector<1x16xf32> to vector<16xf32>
      %get3A_375 = arith.index_cast %scan3A_245 : i32 to index
      %get3A_376 = arith.constant 144 : index
      %get3A_377 = tpu.vector_load %arg13[%get3A_375, %get3A_376] {strides = array<i32>} : memref<16x768xf32, #tpu.memory_space<vmem>>, vector<1x16xf32>,
      %get3A_378 = vector.shape_cast %get3A_377 : vector<1x16xf32> to vector<16xf32>
      %add3A_379 = arith.addf %get3A_374, %get3A_378 : vector<16xf32>
      %swap3A_380 = arith.index_cast %scan3A_245 : i32 to index
      %swap3A_381 = arith.constant 144 : index
      %swap3A_382 = tpu.vector_load %arg9[%swap3A_380, %swap3A_381] {strides = array<i32>} : memref<16x768xf32, #tpu.memory_space<vmem>>, vector<1x16xf32>,
      %swap3A_383 = vector.shape_cast %swap3A_382 : vector<1x16xf32> to vector<16xf32>
      %swap3A_384 = vector.shape_cast %add3A_379 : vector<16xf32> to vector<1x16xf32>
      tpu.vector_store %arg9[%swap3A_380, %swap3A_381], %swap3A_384 {strides = array<i32>} : memref<16x768xf32, #tpu.memory_space<vmem>>, vector<1x16xf32>,
      %get3A_385 = arith.index_cast %scan3A_245 : i32 to index
      %get3A_386 = arith.constant 160 : index
      %get3A_387 = tpu.vector_load %arg9[%get3A_385, %get3A_386] {strides = array<i32>} : memref<16x768xf32, #tpu.memory_space<vmem>>, vector<1x16xf32>,
      %get3A_388 = vector.shape_cast %get3A_387 : vector<1x16xf32> to vector<16xf32>
      %get3A_389 = arith.index_cast %scan3A_245 : i32 to index
      %get3A_390 = arith.constant 160 : index
      %get3A_391 = tpu.vector_load %arg13[%get3A_389, %get3A_390] {strides = array<i32>} : memref<16x768xf32, #tpu.memory_space<vmem>>, vector<1x16xf32>,
      %get3A_392 = vector.shape_cast %get3A_391 : vector<1x16xf32> to vector<16xf32>
      %add3A_393 = arith.addf %get3A_388, %get3A_392 : vector<16xf32>
      %swap3A_394 = arith.index_cast %scan3A_245 : i32 to index
      %swap3A_395 = arith.constant 160 : index
      %swap3A_396 = tpu.vector_load %arg9[%swap3A_394, %swap3A_395] {strides = array<i32>} : memref<16x768xf32, #tpu.memory_space<vmem>>, vector<1x16xf32>,
      %swap3A_397 = vector.shape_cast %swap3A_396 : vector<1x16xf32> to vector<16xf32>
      %swap3A_398 = vector.shape_cast %add3A_393 : vector<16xf32> to vector<1x16xf32>
      tpu.vector_store %arg9[%swap3A_394, %swap3A_395], %swap3A_398 {strides = array<i32>} : memref<16x768xf32, #tpu.memory_space<vmem>>, vector<1x16xf32>,
      %get3A_399 = arith.index_cast %scan3A_245 : i32 to index
      %get3A_400 = arith.constant 176 : index
      %get3A_401 = tpu.vector_load %arg9[%get3A_399, %get3A_400] {strides = array<i32>} : memref<16x768xf32, #tpu.memory_space<vmem>>, vector<1x16xf32>,
      %get3A_402 = vector.shape_cast %get3A_401 : vector<1x16xf32> to vector<16xf32>
      %get3A_403 = arith.index_cast %scan3A_245 : i32 to index
      %get3A_404 = arith.constant 176 : index
      %get3A_405 = tpu.vector_load %arg13[%get3A_403, %get3A_404] {strides = array<i32>} : memref<16x768xf32, #tpu.memory_space<vmem>>, vector<1x16xf32>,
      %get3A_406 = vector.shape_cast %get3A_405 : vector<1x16xf32> to vector<16xf32>
      %add3A_407 = arith.addf %get3A_402, %get3A_406 : vector<16xf32>
      %swap3A_408 = arith.index_cast %scan3A_245 : i32 to index
      %swap3A_409 = arith.constant 176 : index
      %swap3A_410 = tpu.vector_load %arg9[%swap3A_408, %swap3A_409] {strides = array<i32>} : memref<16x768xf32, #tpu.memory_space<vmem>>, vector<1x16xf32>,
      %swap3A_411 = vector.shape_cast %swap3A_410 : vector<1x16xf32> to vector<16xf32>
      %swap3A_412 = vector.shape_cast %add3A_407 : vector<16xf32> to vector<1x16xf32>
      tpu.vector_store %arg9[%swap3A_408, %swap3A_409], %swap3A_412 {strides = array<i32>} : memref<16x768xf32, #tpu.memory_space<vmem>>, vector<1x16xf32>,
      %get3A_413 = arith.index_cast %scan3A_245 : i32 to index
      %get3A_414 = arith.constant 192 : index
      %get3A_415 = tpu.vector_load %arg9[%get3A_413, %get3A_414] {strides = array<i32>} : memref<16x768xf32, #tpu.memory_space<vmem>>, vector<1x16xf32>,
      %get3A_416 = vector.shape_cast %get3A_415 : vector<1x16xf32> to vector<16xf32>
      %get3A_417 = arith.index_cast %scan3A_245 : i32 to index
      %get3A_418 = arith.constant 192 : index
      %get3A_419 = tpu.vector_load %arg13[%get3A_417, %get3A_418] {strides = array<i32>} : memref<16x768xf32, #tpu.memory_space<vmem>>, vector<1x16xf32>,
      %get3A_420 = vector.shape_cast %get3A_419 : vector<1x16xf32> to vector<16xf32>
      %add3A_421 = arith.addf %get3A_416, %get3A_420 : vector<16xf32>
      %swap3A_422 = arith.index_cast %scan3A_245 : i32 to index
      %swap3A_423 = arith.constant 192 : index
      %swap3A_424 = tpu.vector_load %arg9[%swap3A_422, %swap3A_423] {strides = array<i32>} : memref<16x768xf32, #tpu.memory_space<vmem>>, vector<1x16xf32>,
      %swap3A_425 = vector.shape_cast %swap3A_424 : vector<1x16xf32> to vector<16xf32>
      %swap3A_426 = vector.shape_cast %add3A_421 : vector<16xf32> to vector<1x16xf32>
      tpu.vector_store %arg9[%swap3A_422, %swap3A_423], %swap3A_426 {strides = array<i32>} : memref<16x768xf32, #tpu.memory_space<vmem>>, vector<1x16xf32>,
      %get3A_427 = arith.index_cast %scan3A_245 : i32 to index
      %get3A_428 = arith.constant 208 : index
      %get3A_429 = tpu.vector_load %arg9[%get3A_427, %get3A_428] {strides = array<i32>} : memref<16x768xf32, #tpu.memory_space<vmem>>, vector<1x16xf32>,
      %get3A_430 = vector.shape_cast %get3A_429 : vector<1x16xf32> to vector<16xf32>
      %get3A_431 = arith.index_cast %scan3A_245 : i32 to index
      %get3A_432 = arith.constant 208 : index
      %get3A_433 = tpu.vector_load %arg13[%get3A_431, %get3A_432] {strides = array<i32>} : memref<16x768xf32, #tpu.memory_space<vmem>>, vector<1x16xf32>,
      %get3A_434 = vector.shape_cast %get3A_433 : vector<1x16xf32> to vector<16xf32>
      %add3A_435 = arith.addf %get3A_430, %get3A_434 : vector<16xf32>
      %swap3A_436 = arith.index_cast %scan3A_245 : i32 to index
      %swap3A_437 = arith.constant 208 : index
      %swap3A_438 = tpu.vector_load %arg9[%swap3A_436, %swap3A_437] {strides = array<i32>} : memref<16x768xf32, #tpu.memory_space<vmem>>, vector<1x16xf32>,
      %swap3A_439 = vector.shape_cast %swap3A_438 : vector<1x16xf32> to vector<16xf32>
      %swap3A_440 = vector.shape_cast %add3A_435 : vector<16xf32> to vector<1x16xf32>
      tpu.vector_store %arg9[%swap3A_436, %swap3A_437], %swap3A_440 {strides = array<i32>} : memref<16x768xf32, #tpu.memory_space<vmem>>, vector<1x16xf32>,
      %get3A_441 = arith.index_cast %scan3A_245 : i32 to index
      %get3A_442 = arith.constant 224 : index
      %get3A_443 = tpu.vector_load %arg9[%get3A_441, %get3A_442] {strides = array<i32>} : memref<16x768xf32, #tpu.memory_space<vmem>>, vector<1x16xf32>,
      %get3A_444 = vector.shape_cast %get3A_443 : vector<1x16xf32> to vector<16xf32>
      %get3A_445 = arith.index_cast %scan3A_245 : i32 to index
      %get3A_446 = arith.constant 224 : index
      %get3A_447 = tpu.vector_load %arg13[%get3A_445, %get3A_446] {strides = array<i32>} : memref<16x768xf32, #tpu.memory_space<vmem>>, vector<1x16xf32>,
      %get3A_448 = vector.shape_cast %get3A_447 : vector<1x16xf32> to vector<16xf32>
      %add3A_449 = arith.addf %get3A_444, %get3A_448 : vector<16xf32>
      %swap3A_450 = arith.index_cast %scan3A_245 : i32 to index
      %swap3A_451 = arith.constant 224 : index
      %swap3A_452 = tpu.vector_load %arg9[%swap3A_450, %swap3A_451] {strides = array<i32>} : memref<16x768xf32, #tpu.memory_space<vmem>>, vector<1x16xf32>,
      %swap3A_453 = vector.shape_cast %swap3A_452 : vector<1x16xf32> to vector<16xf32>
      %swap3A_454 = vector.shape_cast %add3A_449 : vector<16xf32> to vector<1x16xf32>
      tpu.vector_store %arg9[%swap3A_450, %swap3A_451], %swap3A_454 {strides = array<i32>} : memref<16x768xf32, #tpu.memory_space<vmem>>, vector<1x16xf32>,
      %get3A_455 = arith.index_cast %scan3A_245 : i32 to index
      %get3A_456 = arith.constant 240 : index
      %get3A_457 = tpu.vector_load %arg9[%get3A_455, %get3A_456] {strides = array<i32>} : memref<16x768xf32, #tpu.memory_space<vmem>>, vector<1x16xf32>,
      %get3A_458 = vector.shape_cast %get3A_457 : vector<1x16xf32> to vector<16xf32>
      %get3A_459 = arith.index_cast %scan3A_245 : i32 to index
      %get3A_460 = arith.constant 240 : index
      %get3A_461 = tpu.vector_load %arg13[%get3A_459, %get3A_460] {strides = array<i32>} : memref<16x768xf32, #tpu.memory_space<vmem>>, vector<1x16xf32>,
      %get3A_462 = vector.shape_cast %get3A_461 : vector<1x16xf32> to vector<16xf32>
      %add3A_463 = arith.addf %get3A_458, %get3A_462 : vector<16xf32>
      %swap3A_464 = arith.index_cast %scan3A_245 : i32 to index
      %swap3A_465 = arith.constant 240 : index
      %swap3A_466 = tpu.vector_load %arg9[%swap3A_464, %swap3A_465] {strides = array<i32>} : memref<16x768xf32, #tpu.memory_space<vmem>>, vector<1x16xf32>,
      %swap3A_467 = vector.shape_cast %swap3A_466 : vector<1x16xf32> to vector<16xf32>
      %swap3A_468 = vector.shape_cast %add3A_463 : vector<16xf32> to vector<1x16xf32>
      tpu.vector_store %arg9[%swap3A_464, %swap3A_465], %swap3A_468 {strides = array<i32>} : memref<16x768xf32, #tpu.memory_space<vmem>>, vector<1x16xf32>,
      %get3A_469 = arith.index_cast %scan3A_245 : i32 to index
      %get3A_470 = arith.constant 256 : index
      %get3A_471 = tpu.vector_load %arg9[%get3A_469, %get3A_470] {strides = array<i32>} : memref<16x768xf32, #tpu.memory_space<vmem>>, vector<1x16xf32>,
      %get3A_472 = vector.shape_cast %get3A_471 : vector<1x16xf32> to vector<16xf32>
      %get3A_473 = arith.index_cast %scan3A_245 : i32 to index
      %get3A_474 = arith.constant 256 : index
      %get3A_475 = tpu.vector_load %arg13[%get3A_473, %get3A_474] {strides = array<i32>} : memref<16x768xf32, #tpu.memory_space<vmem>>, vector<1x16xf32>,
      %get3A_476 = vector.shape_cast %get3A_475 : vector<1x16xf32> to vector<16xf32>
      %add3A_477 = arith.addf %get3A_472, %get3A_476 : vector<16xf32>
      %swap3A_478 = arith.index_cast %scan3A_245 : i32 to index
      %swap3A_479 = arith.constant 256 : index
      %swap3A_480 = tpu.vector_load %arg9[%swap3A_478, %swap3A_479] {strides = array<i32>} : memref<16x768xf32, #tpu.memory_space<vmem>>, vector<1x16xf32>,
      %swap3A_481 = vector.shape_cast %swap3A_480 : vector<1x16xf32> to vector<16xf32>
      %swap3A_482 = vector.shape_cast %add3A_477 : vector<16xf32> to vector<1x16xf32>
      tpu.vector_store %arg9[%swap3A_478, %swap3A_479], %swap3A_482 {strides = array<i32>} : memref<16x768xf32, #tpu.memory_space<vmem>>, vector<1x16xf32>,
      %get3A_483 = arith.index_cast %scan3A_245 : i32 to index
      %get3A_484 = arith.constant 272 : index
      %get3A_485 = tpu.vector_load %arg9[%get3A_483, %get3A_484] {strides = array<i32>} : memref<16x768xf32, #tpu.memory_space<vmem>>, vector<1x16xf32>,
      %get3A_486 = vector.shape_cast %get3A_485 : vector<1x16xf32> to vector<16xf32>
      %get3A_487 = arith.index_cast %scan3A_245 : i32 to index
      %get3A_488 = arith.constant 272 : index
      %get3A_489 = tpu.vector_load %arg13[%get3A_487, %get3A_488] {strides = array<i32>} : memref<16x768xf32, #tpu.memory_space<vmem>>, vector<1x16xf32>,
      %get3A_490 = vector.shape_cast %get3A_489 : vector<1x16xf32> to vector<16xf32>
      %add3A_491 = arith.addf %get3A_486, %get3A_490 : vector<16xf32>
      %swap3A_492 = arith.index_cast %scan3A_245 : i32 to index
      %swap3A_493 = arith.constant 272 : index
      %swap3A_494 = tpu.vector_load %arg9[%swap3A_492, %swap3A_493] {strides = array<i32>} : memref<16x768xf32, #tpu.memory_space<vmem>>, vector<1x16xf32>,
      %swap3A_495 = vector.shape_cast %swap3A_494 : vector<1x16xf32> to vector<16xf32>
      %swap3A_496 = vector.shape_cast %add3A_491 : vector<16xf32> to vector<1x16xf32>
      tpu.vector_store %arg9[%swap3A_492, %swap3A_493], %swap3A_496 {strides = array<i32>} : memref<16x768xf32, #tpu.memory_space<vmem>>, vector<1x16xf32>,
      %get3A_497 = arith.index_cast %scan3A_245 : i32 to index
      %get3A_498 = arith.constant 288 : index
      %get3A_499 = tpu.vector_load %arg9[%get3A_497, %get3A_498] {strides = array<i32>} : memref<16x768xf32, #tpu.memory_space<vmem>>, vector<1x16xf32>,
      %get3A_500 = vector.shape_cast %get3A_499 : vector<1x16xf32> to vector<16xf32>
      %get3A_501 = arith.index_cast %scan3A_245 : i32 to index
      %get3A_502 = arith.constant 288 : index
      %get3A_503 = tpu.vector_load %arg13[%get3A_501, %get3A_502] {strides = array<i32>} : memref<16x768xf32, #tpu.memory_space<vmem>>, vector<1x16xf32>,
      %get3A_504 = vector.shape_cast %get3A_503 : vector<1x16xf32> to vector<16xf32>
      %add3A_505 = arith.addf %get3A_500, %get3A_504 : vector<16xf32>
      %swap3A_506 = arith.index_cast %scan3A_245 : i32 to index
      %swap3A_507 = arith.constant 288 : index
      %swap3A_508 = tpu.vector_load %arg9[%swap3A_506, %swap3A_507] {strides = array<i32>} : memref<16x768xf32, #tpu.memory_space<vmem>>, vector<1x16xf32>,
      %swap3A_509 = vector.shape_cast %swap3A_508 : vector<1x16xf32> to vector<16xf32>
      %swap3A_510 = vector.shape_cast %add3A_505 : vector<16xf32> to vector<1x16xf32>
      tpu.vector_store %arg9[%swap3A_506, %swap3A_507], %swap3A_510 {strides = array<i32>} : memref<16x768xf32, #tpu.memory_space<vmem>>, vector<1x16xf32>,
      %get3A_511 = arith.index_cast %scan3A_245 : i32 to index
      %get3A_512 = arith.constant 304 : index
      %get3A_513 = tpu.vector_load %arg9[%get3A_511, %get3A_512] {strides = array<i32>} : memref<16x768xf32, #tpu.memory_space<vmem>>, vector<1x16xf32>,
      %get3A_514 = vector.shape_cast %get3A_513 : vector<1x16xf32> to vector<16xf32>
      %get3A_515 = arith.index_cast %scan3A_245 : i32 to index
      %get3A_516 = arith.constant 304 : index
      %get3A_517 = tpu.vector_load %arg13[%get3A_515, %get3A_516] {strides = array<i32>} : memref<16x768xf32, #tpu.memory_space<vmem>>, vector<1x16xf32>,
      %get3A_518 = vector.shape_cast %get3A_517 : vector<1x16xf32> to vector<16xf32>
      %add3A_519 = arith.addf %get3A_514, %get3A_518 : vector<16xf32>
      %swap3A_520 = arith.index_cast %scan3A_245 : i32 to index
      %swap3A_521 = arith.constant 304 : index
      %swap3A_522 = tpu.vector_load %arg9[%swap3A_520, %swap3A_521] {strides = array<i32>} : memref<16x768xf32, #tpu.memory_space<vmem>>, vector<1x16xf32>,
      %swap3A_523 = vector.shape_cast %swap3A_522 : vector<1x16xf32> to vector<16xf32>
      %swap3A_524 = vector.shape_cast %add3A_519 : vector<16xf32> to vector<1x16xf32>
      tpu.vector_store %arg9[%swap3A_520, %swap3A_521], %swap3A_524 {strides = array<i32>} : memref<16x768xf32, #tpu.memory_space<vmem>>, vector<1x16xf32>,
      %get3A_525 = arith.index_cast %scan3A_245 : i32 to index
      %get3A_526 = arith.constant 320 : index
      %get3A_527 = tpu.vector_load %arg9[%get3A_525, %get3A_526] {strides = array<i32>} : memref<16x768xf32, #tpu.memory_space<vmem>>, vector<1x16xf32>,
      %get3A_528 = vector.shape_cast %get3A_527 : vector<1x16xf32> to vector<16xf32>
      %get3A_529 = arith.index_cast %scan3A_245 : i32 to index
      %get3A_530 = arith.constant 320 : index
      %get3A_531 = tpu.vector_load %arg13[%get3A_529, %get3A_530] {strides = array<i32>} : memref<16x768xf32, #tpu.memory_space<vmem>>, vector<1x16xf32>,
      %get3A_532 = vector.shape_cast %get3A_531 : vector<1x16xf32> to vector<16xf32>
      %add3A_533 = arith.addf %get3A_528, %get3A_532 : vector<16xf32>
      %swap3A_534 = arith.index_cast %scan3A_245 : i32 to index
      %swap3A_535 = arith.constant 320 : index
      %swap3A_536 = tpu.vector_load %arg9[%swap3A_534, %swap3A_535] {strides = array<i32>} : memref<16x768xf32, #tpu.memory_space<vmem>>, vector<1x16xf32>,
      %swap3A_537 = vector.shape_cast %swap3A_536 : vector<1x16xf32> to vector<16xf32>
      %swap3A_538 = vector.shape_cast %add3A_533 : vector<16xf32> to vector<1x16xf32>
      tpu.vector_store %arg9[%swap3A_534, %swap3A_535], %swap3A_538 {strides = array<i32>} : memref<16x768xf32, #tpu.memory_space<vmem>>, vector<1x16xf32>,
      %get3A_539 = arith.index_cast %scan3A_245 : i32 to index
      %get3A_540 = arith.constant 336 : index
      %get3A_541 = tpu.vector_load %arg9[%get3A_539, %get3A_540] {strides = array<i32>} : memref<16x768xf32, #tpu.memory_space<vmem>>, vector<1x16xf32>,
      %get3A_542 = vector.shape_cast %get3A_541 : vector<1x16xf32> to vector<16xf32>
      %get3A_543 = arith.index_cast %scan3A_245 : i32 to index
      %get3A_544 = arith.constant 336 : index
      %get3A_545 = tpu.vector_load %arg13[%get3A_543, %get3A_544] {strides = array<i32>} : memref<16x768xf32, #tpu.memory_space<vmem>>, vector<1x16xf32>,
      %get3A_546 = vector.shape_cast %get3A_545 : vector<1x16xf32> to vector<16xf32>
      %add3A_547 = arith.addf %get3A_542, %get3A_546 : vector<16xf32>
      %swap3A_548 = arith.index_cast %scan3A_245 : i32 to index
      %swap3A_549 = arith.constant 336 : index
      %swap3A_550 = tpu.vector_load %arg9[%swap3A_548, %swap3A_549] {strides = array<i32>} : memref<16x768xf32, #tpu.memory_space<vmem>>, vector<1x16xf32>,
      %swap3A_551 = vector.shape_cast %swap3A_550 : vector<1x16xf32> to vector<16xf32>
      %swap3A_552 = vector.shape_cast %add3A_547 : vector<16xf32> to vector<1x16xf32>
      tpu.vector_store %arg9[%swap3A_548, %swap3A_549], %swap3A_552 {strides = array<i32>} : memref<16x768xf32, #tpu.memory_space<vmem>>, vector<1x16xf32>,
      %get3A_553 = arith.index_cast %scan3A_245 : i32 to index
      %get3A_554 = arith.constant 352 : index
      %get3A_555 = tpu.vector_load %arg9[%get3A_553, %get3A_554] {strides = array<i32>} : memref<16x768xf32, #tpu.memory_space<vmem>>, vector<1x16xf32>,
      %get3A_556 = vector.shape_cast %get3A_555 : vector<1x16xf32> to vector<16xf32>
      %get3A_557 = arith.index_cast %scan3A_245 : i32 to index
      %get3A_558 = arith.constant 352 : index
      %get3A_559 = tpu.vector_load %arg13[%get3A_557, %get3A_558] {strides = array<i32>} : memref<16x768xf32, #tpu.memory_space<vmem>>, vector<1x16xf32>,
      %get3A_560 = vector.shape_cast %get3A_559 : vector<1x16xf32> to vector<16xf32>
      %add3A_561 = arith.addf %get3A_556, %get3A_560 : vector<16xf32>
      %swap3A_562 = arith.index_cast %scan3A_245 : i32 to index
      %swap3A_563 = arith.constant 352 : index
      %swap3A_564 = tpu.vector_load %arg9[%swap3A_562, %swap3A_563] {strides = array<i32>} : memref<16x768xf32, #tpu.memory_space<vmem>>, vector<1x16xf32>,
      %swap3A_565 = vector.shape_cast %swap3A_564 : vector<1x16xf32> to vector<16xf32>
      %swap3A_566 = vector.shape_cast %add3A_561 : vector<16xf32> to vector<1x16xf32>
      tpu.vector_store %arg9[%swap3A_562, %swap3A_563], %swap3A_566 {strides = array<i32>} : memref<16x768xf32, #tpu.memory_space<vmem>>, vector<1x16xf32>,
      %get3A_567 = arith.index_cast %scan3A_245 : i32 to index
      %get3A_568 = arith.constant 368 : index
      %get3A_569 = tpu.vector_load %arg9[%get3A_567, %get3A_568] {strides = array<i32>} : memref<16x768xf32, #tpu.memory_space<vmem>>, vector<1x16xf32>,
      %get3A_570 = vector.shape_cast %get3A_569 : vector<1x16xf32> to vector<16xf32>
      %get3A_571 = arith.index_cast %scan3A_245 : i32 to index
      %get3A_572 = arith.constant 368 : index
      %get3A_573 = tpu.vector_load %arg13[%get3A_571, %get3A_572] {strides = array<i32>} : memref<16x768xf32, #tpu.memory_space<vmem>>, vector<1x16xf32>,
      %get3A_574 = vector.shape_cast %get3A_573 : vector<1x16xf32> to vector<16xf32>
      %add3A_575 = arith.addf %get3A_570, %get3A_574 : vector<16xf32>
      %swap3A_576 = arith.index_cast %scan3A_245 : i32 to index
      %swap3A_577 = arith.constant 368 : index
      %swap3A_578 = tpu.vector_load %arg9[%swap3A_576, %swap3A_577] {strides = array<i32>} : memref<16x768xf32, #tpu.memory_space<vmem>>, vector<1x16xf32>,
      %swap3A_579 = vector.shape_cast %swap3A_578 : vector<1x16xf32> to vector<16xf32>
      %swap3A_580 = vector.shape_cast %add3A_575 : vector<16xf32> to vector<1x16xf32>
      tpu.vector_store %arg9[%swap3A_576, %swap3A_577], %swap3A_580 {strides = array<i32>} : memref<16x768xf32, #tpu.memory_space<vmem>>, vector<1x16xf32>,
      %get3A_581 = arith.index_cast %scan3A_245 : i32 to index
      %get3A_582 = arith.constant 384 : index
      %get3A_583 = tpu.vector_load %arg9[%get3A_581, %get3A_582] {strides = array<i32>} : memref<16x768xf32, #tpu.memory_space<vmem>>, vector<1x16xf32>,
      %get3A_584 = vector.shape_cast %get3A_583 : vector<1x16xf32> to vector<16xf32>
      %get3A_585 = arith.index_cast %scan3A_245 : i32 to index
      %get3A_586 = arith.constant 384 : index
      %get3A_587 = tpu.vector_load %arg13[%get3A_585, %get3A_586] {strides = array<i32>} : memref<16x768xf32, #tpu.memory_space<vmem>>, vector<1x16xf32>,
      %get3A_588 = vector.shape_cast %get3A_587 : vector<1x16xf32> to vector<16xf32>
      %add3A_589 = arith.addf %get3A_584, %get3A_588 : vector<16xf32>
      %swap3A_590 = arith.index_cast %scan3A_245 : i32 to index
      %swap3A_591 = arith.constant 384 : index
      %swap3A_592 = tpu.vector_load %arg9[%swap3A_590, %swap3A_591] {strides = array<i32>} : memref<16x768xf32, #tpu.memory_space<vmem>>, vector<1x16xf32>,
      %swap3A_593 = vector.shape_cast %swap3A_592 : vector<1x16xf32> to vector<16xf32>
      %swap3A_594 = vector.shape_cast %add3A_589 : vector<16xf32> to vector<1x16xf32>
      tpu.vector_store %arg9[%swap3A_590, %swap3A_591], %swap3A_594 {strides = array<i32>} : memref<16x768xf32, #tpu.memory_space<vmem>>, vector<1x16xf32>,
      %get3A_595 = arith.index_cast %scan3A_245 : i32 to index
      %get3A_596 = arith.constant 400 : index
      %get3A_597 = tpu.vector_load %arg9[%get3A_595, %get3A_596] {strides = array<i32>} : memref<16x768xf32, #tpu.memory_space<vmem>>, vector<1x16xf32>,
      %get3A_598 = vector.shape_cast %get3A_597 : vector<1x16xf32> to vector<16xf32>
      %get3A_599 = arith.index_cast %scan3A_245 : i32 to index
      %get3A_600 = arith.constant 400 : index
      %get3A_601 = tpu.vector_load %arg13[%get3A_599, %get3A_600] {strides = array<i32>} : memref<16x768xf32, #tpu.memory_space<vmem>>, vector<1x16xf32>,
      %get3A_602 = vector.shape_cast %get3A_601 : vector<1x16xf32> to vector<16xf32>
      %add3A_603 = arith.addf %get3A_598, %get3A_602 : vector<16xf32>
      %swap3A_604 = arith.index_cast %scan3A_245 : i32 to index
      %swap3A_605 = arith.constant 400 : index
      %swap3A_606 = tpu.vector_load %arg9[%swap3A_604, %swap3A_605] {strides = array<i32>} : memref<16x768xf32, #tpu.memory_space<vmem>>, vector<1x16xf32>,
      %swap3A_607 = vector.shape_cast %swap3A_606 : vector<1x16xf32> to vector<16xf32>
      %swap3A_608 = vector.shape_cast %add3A_603 : vector<16xf32> to vector<1x16xf32>
      tpu.vector_store %arg9[%swap3A_604, %swap3A_605], %swap3A_608 {strides = array<i32>} : memref<16x768xf32, #tpu.memory_space<vmem>>, vector<1x16xf32>,
      %get3A_609 = arith.index_cast %scan3A_245 : i32 to index
      %get3A_610 = arith.constant 416 : index
      %get3A_611 = tpu.vector_load %arg9[%get3A_609, %get3A_610] {strides = array<i32>} : memref<16x768xf32, #tpu.memory_space<vmem>>, vector<1x16xf32>,
      %get3A_612 = vector.shape_cast %get3A_611 : vector<1x16xf32> to vector<16xf32>
      %get3A_613 = arith.index_cast %scan3A_245 : i32 to index
      %get3A_614 = arith.constant 416 : index
      %get3A_615 = tpu.vector_load %arg13[%get3A_613, %get3A_614] {strides = array<i32>} : memref<16x768xf32, #tpu.memory_space<vmem>>, vector<1x16xf32>,
      %get3A_616 = vector.shape_cast %get3A_615 : vector<1x16xf32> to vector<16xf32>
      %add3A_617 = arith.addf %get3A_612, %get3A_616 : vector<16xf32>
      %swap3A_618 = arith.index_cast %scan3A_245 : i32 to index
      %swap3A_619 = arith.constant 416 : index
      %swap3A_620 = tpu.vector_load %arg9[%swap3A_618, %swap3A_619] {strides = array<i32>} : memref<16x768xf32, #tpu.memory_space<vmem>>, vector<1x16xf32>,
      %swap3A_621 = vector.shape_cast %swap3A_620 : vector<1x16xf32> to vector<16xf32>
      %swap3A_622 = vector.shape_cast %add3A_617 : vector<16xf32> to vector<1x16xf32>
      tpu.vector_store %arg9[%swap3A_618, %swap3A_619], %swap3A_622 {strides = array<i32>} : memref<16x768xf32, #tpu.memory_space<vmem>>, vector<1x16xf32>,
      %get3A_623 = arith.index_cast %scan3A_245 : i32 to index
      %get3A_624 = arith.constant 432 : index
      %get3A_625 = tpu.vector_load %arg9[%get3A_623, %get3A_624] {strides = array<i32>} : memref<16x768xf32, #tpu.memory_space<vmem>>, vector<1x16xf32>,
      %get3A_626 = vector.shape_cast %get3A_625 : vector<1x16xf32> to vector<16xf32>
      %get3A_627 = arith.index_cast %scan3A_245 : i32 to index
      %get3A_628 = arith.constant 432 : index
      %get3A_629 = tpu.vector_load %arg13[%get3A_627, %get3A_628] {strides = array<i32>} : memref<16x768xf32, #tpu.memory_space<vmem>>, vector<1x16xf32>,
      %get3A_630 = vector.shape_cast %get3A_629 : vector<1x16xf32> to vector<16xf32>
      %add3A_631 = arith.addf %get3A_626, %get3A_630 : vector<16xf32>
      %swap3A_632 = arith.index_cast %scan3A_245 : i32 to index
      %swap3A_633 = arith.constant 432 : index
      %swap3A_634 = tpu.vector_load %arg9[%swap3A_632, %swap3A_633] {strides = array<i32>} : memref<16x768xf32, #tpu.memory_space<vmem>>, vector<1x16xf32>,
      %swap3A_635 = vector.shape_cast %swap3A_634 : vector<1x16xf32> to vector<16xf32>
      %swap3A_636 = vector.shape_cast %add3A_631 : vector<16xf32> to vector<1x16xf32>
      tpu.vector_store %arg9[%swap3A_632, %swap3A_633], %swap3A_636 {strides = array<i32>} : memref<16x768xf32, #tpu.memory_space<vmem>>, vector<1x16xf32>,
      %get3A_637 = arith.index_cast %scan3A_245 : i32 to index
      %get3A_638 = arith.constant 448 : index
      %get3A_639 = tpu.vector_load %arg9[%get3A_637, %get3A_638] {strides = array<i32>} : memref<16x768xf32, #tpu.memory_space<vmem>>, vector<1x16xf32>,
      %get3A_640 = vector.shape_cast %get3A_639 : vector<1x16xf32> to vector<16xf32>
      %get3A_641 = arith.index_cast %scan3A_245 : i32 to index
      %get3A_642 = arith.constant 448 : index
      %get3A_643 = tpu.vector_load %arg13[%get3A_641, %get3A_642] {strides = array<i32>} : memref<16x768xf32, #tpu.memory_space<vmem>>, vector<1x16xf32>,
      %get3A_644 = vector.shape_cast %get3A_643 : vector<1x16xf32> to vector<16xf32>
      %add3A_645 = arith.addf %get3A_640, %get3A_644 : vector<16xf32>
      %swap3A_646 = arith.index_cast %scan3A_245 : i32 to index
      %swap3A_647 = arith.constant 448 : index
      %swap3A_648 = tpu.vector_load %arg9[%swap3A_646, %swap3A_647] {strides = array<i32>} : memref<16x768xf32, #tpu.memory_space<vmem>>, vector<1x16xf32>,
      %swap3A_649 = vector.shape_cast %swap3A_648 : vector<1x16xf32> to vector<16xf32>
      %swap3A_650 = vector.shape_cast %add3A_645 : vector<16xf32> to vector<1x16xf32>
      tpu.vector_store %arg9[%swap3A_646, %swap3A_647], %swap3A_650 {strides = array<i32>} : memref<16x768xf32, #tpu.memory_space<vmem>>, vector<1x16xf32>,
      %get3A_651 = arith.index_cast %scan3A_245 : i32 to index
      %get3A_652 = arith.constant 464 : index
      %get3A_653 = tpu.vector_load %arg9[%get3A_651, %get3A_652] {strides = array<i32>} : memref<16x768xf32, #tpu.memory_space<vmem>>, vector<1x16xf32>,
      %get3A_654 = vector.shape_cast %get3A_653 : vector<1x16xf32> to vector<16xf32>
      %get3A_655 = arith.index_cast %scan3A_245 : i32 to index
      %get3A_656 = arith.constant 464 : index
      %get3A_657 = tpu.vector_load %arg13[%get3A_655, %get3A_656] {strides = array<i32>} : memref<16x768xf32, #tpu.memory_space<vmem>>, vector<1x16xf32>,
      %get3A_658 = vector.shape_cast %get3A_657 : vector<1x16xf32> to vector<16xf32>
      %add3A_659 = arith.addf %get3A_654, %get3A_658 : vector<16xf32>
      %swap3A_660 = arith.index_cast %scan3A_245 : i32 to index
      %swap3A_661 = arith.constant 464 : index
      %swap3A_662 = tpu.vector_load %arg9[%swap3A_660, %swap3A_661] {strides = array<i32>} : memref<16x768xf32, #tpu.memory_space<vmem>>, vector<1x16xf32>,
      %swap3A_663 = vector.shape_cast %swap3A_662 : vector<1x16xf32> to vector<16xf32>
      %swap3A_664 = vector.shape_cast %add3A_659 : vector<16xf32> to vector<1x16xf32>
      tpu.vector_store %arg9[%swap3A_660, %swap3A_661], %swap3A_664 {strides = array<i32>} : memref<16x768xf32, #tpu.memory_space<vmem>>, vector<1x16xf32>,
      %get3A_665 = arith.index_cast %scan3A_245 : i32 to index
      %get3A_666 = arith.constant 480 : index
      %get3A_667 = tpu.vector_load %arg9[%get3A_665, %get3A_666] {strides = array<i32>} : memref<16x768xf32, #tpu.memory_space<vmem>>, vector<1x16xf32>,
      %get3A_668 = vector.shape_cast %get3A_667 : vector<1x16xf32> to vector<16xf32>
      %get3A_669 = arith.index_cast %scan3A_245 : i32 to index
      %get3A_670 = arith.constant 480 : index
      %get3A_671 = tpu.vector_load %arg13[%get3A_669, %get3A_670] {strides = array<i32>} : memref<16x768xf32, #tpu.memory_space<vmem>>, vector<1x16xf32>,
      %get3A_672 = vector.shape_cast %get3A_671 : vector<1x16xf32> to vector<16xf32>
      %add3A_673 = arith.addf %get3A_668, %get3A_672 : vector<16xf32>
      %swap3A_674 = arith.index_cast %scan3A_245 : i32 to index
      %swap3A_675 = arith.constant 480 : index
      %swap3A_676 = tpu.vector_load %arg9[%swap3A_674, %swap3A_675] {strides = array<i32>} : memref<16x768xf32, #tpu.memory_space<vmem>>, vector<1x16xf32>,
      %swap3A_677 = vector.shape_cast %swap3A_676 : vector<1x16xf32> to vector<16xf32>
      %swap3A_678 = vector.shape_cast %add3A_673 : vector<16xf32> to vector<1x16xf32>
      tpu.vector_store %arg9[%swap3A_674, %swap3A_675], %swap3A_678 {strides = array<i32>} : memref<16x768xf32, #tpu.memory_space<vmem>>, vector<1x16xf32>,
      %get3A_679 = arith.index_cast %scan3A_245 : i32 to index
      %get3A_680 = arith.constant 496 : index
      %get3A_681 = tpu.vector_load %arg9[%get3A_679, %get3A_680] {strides = array<i32>} : memref<16x768xf32, #tpu.memory_space<vmem>>, vector<1x16xf32>,
      %get3A_682 = vector.shape_cast %get3A_681 : vector<1x16xf32> to vector<16xf32>
      %get3A_683 = arith.index_cast %scan3A_245 : i32 to index
      %get3A_684 = arith.constant 496 : index
      %get3A_685 = tpu.vector_load %arg13[%get3A_683, %get3A_684] {strides = array<i32>} : memref<16x768xf32, #tpu.memory_space<vmem>>, vector<1x16xf32>,
      %get3A_686 = vector.shape_cast %get3A_685 : vector<1x16xf32> to vector<16xf32>
      %add3A_687 = arith.addf %get3A_682, %get3A_686 : vector<16xf32>
      %swap3A_688 = arith.index_cast %scan3A_245 : i32 to index
      %swap3A_689 = arith.constant 496 : index
      %swap3A_690 = tpu.vector_load %arg9[%swap3A_688, %swap3A_689] {strides = array<i32>} : memref<16x768xf32, #tpu.memory_space<vmem>>, vector<1x16xf32>,
      %swap3A_691 = vector.shape_cast %swap3A_690 : vector<1x16xf32> to vector<16xf32>
      %swap3A_692 = vector.shape_cast %add3A_687 : vector<16xf32> to vector<1x16xf32>
      tpu.vector_store %arg9[%swap3A_688, %swap3A_689], %swap3A_692 {strides = array<i32>} : memref<16x768xf32, #tpu.memory_space<vmem>>, vector<1x16xf32>,
      %get3A_693 = arith.index_cast %scan3A_245 : i32 to index
      %get3A_694 = arith.constant 512 : index
      %get3A_695 = tpu.vector_load %arg9[%get3A_693, %get3A_694] {strides = array<i32>} : memref<16x768xf32, #tpu.memory_space<vmem>>, vector<1x16xf32>,
      %get3A_696 = vector.shape_cast %get3A_695 : vector<1x16xf32> to vector<16xf32>
      %get3A_697 = arith.index_cast %scan3A_245 : i32 to index
      %get3A_698 = arith.constant 512 : index
      %get3A_699 = tpu.vector_load %arg13[%get3A_697, %get3A_698] {strides = array<i32>} : memref<16x768xf32, #tpu.memory_space<vmem>>, vector<1x16xf32>,
      %get3A_700 = vector.shape_cast %get3A_699 : vector<1x16xf32> to vector<16xf32>
      %add3A_701 = arith.addf %get3A_696, %get3A_700 : vector<16xf32>
      %swap3A_702 = arith.index_cast %scan3A_245 : i32 to index
      %swap3A_703 = arith.constant 512 : index
      %swap3A_704 = tpu.vector_load %arg9[%swap3A_702, %swap3A_703] {strides = array<i32>} : memref<16x768xf32, #tpu.memory_space<vmem>>, vector<1x16xf32>,
      %swap3A_705 = vector.shape_cast %swap3A_704 : vector<1x16xf32> to vector<16xf32>
      %swap3A_706 = vector.shape_cast %add3A_701 : vector<16xf32> to vector<1x16xf32>
      tpu.vector_store %arg9[%swap3A_702, %swap3A_703], %swap3A_706 {strides = array<i32>} : memref<16x768xf32, #tpu.memory_space<vmem>>, vector<1x16xf32>,
      %get3A_707 = arith.index_cast %scan3A_245 : i32 to index
      %get3A_708 = arith.constant 528 : index
      %get3A_709 = tpu.vector_load %arg9[%get3A_707, %get3A_708] {strides = array<i32>} : memref<16x768xf32, #tpu.memory_space<vmem>>, vector<1x16xf32>,
      %get3A_710 = vector.shape_cast %get3A_709 : vector<1x16xf32> to vector<16xf32>
      %get3A_711 = arith.index_cast %scan3A_245 : i32 to index
      %get3A_712 = arith.constant 528 : index
      %get3A_713 = tpu.vector_load %arg13[%get3A_711, %get3A_712] {strides = array<i32>} : memref<16x768xf32, #tpu.memory_space<vmem>>, vector<1x16xf32>,
      %get3A_714 = vector.shape_cast %get3A_713 : vector<1x16xf32> to vector<16xf32>
      %add3A_715 = arith.addf %get3A_710, %get3A_714 : vector<16xf32>
      %swap3A_716 = arith.index_cast %scan3A_245 : i32 to index
      %swap3A_717 = arith.constant 528 : index
      %swap3A_718 = tpu.vector_load %arg9[%swap3A_716, %swap3A_717] {strides = array<i32>} : memref<16x768xf32, #tpu.memory_space<vmem>>, vector<1x16xf32>,
      %swap3A_719 = vector.shape_cast %swap3A_718 : vector<1x16xf32> to vector<16xf32>
      %swap3A_720 = vector.shape_cast %add3A_715 : vector<16xf32> to vector<1x16xf32>
      tpu.vector_store %arg9[%swap3A_716, %swap3A_717], %swap3A_720 {strides = array<i32>} : memref<16x768xf32, #tpu.memory_space<vmem>>, vector<1x16xf32>,
      %get3A_721 = arith.index_cast %scan3A_245 : i32 to index
      %get3A_722 = arith.constant 544 : index
      %get3A_723 = tpu.vector_load %arg9[%get3A_721, %get3A_722] {strides = array<i32>} : memref<16x768xf32, #tpu.memory_space<vmem>>, vector<1x16xf32>,
      %get3A_724 = vector.shape_cast %get3A_723 : vector<1x16xf32> to vector<16xf32>
      %get3A_725 = arith.index_cast %scan3A_245 : i32 to index
      %get3A_726 = arith.constant 544 : index
      %get3A_727 = tpu.vector_load %arg13[%get3A_725, %get3A_726] {strides = array<i32>} : memref<16x768xf32, #tpu.memory_space<vmem>>, vector<1x16xf32>,
      %get3A_728 = vector.shape_cast %get3A_727 : vector<1x16xf32> to vector<16xf32>
      %add3A_729 = arith.addf %get3A_724, %get3A_728 : vector<16xf32>
      %swap3A_730 = arith.index_cast %scan3A_245 : i32 to index
      %swap3A_731 = arith.constant 544 : index
      %swap3A_732 = tpu.vector_load %arg9[%swap3A_730, %swap3A_731] {strides = array<i32>} : memref<16x768xf32, #tpu.memory_space<vmem>>, vector<1x16xf32>,
      %swap3A_733 = vector.shape_cast %swap3A_732 : vector<1x16xf32> to vector<16xf32>
      %swap3A_734 = vector.shape_cast %add3A_729 : vector<16xf32> to vector<1x16xf32>
      tpu.vector_store %arg9[%swap3A_730, %swap3A_731], %swap3A_734 {strides = array<i32>} : memref<16x768xf32, #tpu.memory_space<vmem>>, vector<1x16xf32>,
      %get3A_735 = arith.index_cast %scan3A_245 : i32 to index
      %get3A_736 = arith.constant 560 : index
      %get3A_737 = tpu.vector_load %arg9[%get3A_735, %get3A_736] {strides = array<i32>} : memref<16x768xf32, #tpu.memory_space<vmem>>, vector<1x16xf32>,
      %get3A_738 = vector.shape_cast %get3A_737 : vector<1x16xf32> to vector<16xf32>
      %get3A_739 = arith.index_cast %scan3A_245 : i32 to index
      %get3A_740 = arith.constant 560 : index
      %get3A_741 = tpu.vector_load %arg13[%get3A_739, %get3A_740] {strides = array<i32>} : memref<16x768xf32, #tpu.memory_space<vmem>>, vector<1x16xf32>,
      %get3A_742 = vector.shape_cast %get3A_741 : vector<1x16xf32> to vector<16xf32>
      %add3A_743 = arith.addf %get3A_738, %get3A_742 : vector<16xf32>
      %swap3A_744 = arith.index_cast %scan3A_245 : i32 to index
      %swap3A_745 = arith.constant 560 : index
      %swap3A_746 = tpu.vector_load %arg9[%swap3A_744, %swap3A_745] {strides = array<i32>} : memref<16x768xf32, #tpu.memory_space<vmem>>, vector<1x16xf32>,
      %swap3A_747 = vector.shape_cast %swap3A_746 : vector<1x16xf32> to vector<16xf32>
      %swap3A_748 = vector.shape_cast %add3A_743 : vector<16xf32> to vector<1x16xf32>
      tpu.vector_store %arg9[%swap3A_744, %swap3A_745], %swap3A_748 {strides = array<i32>} : memref<16x768xf32, #tpu.memory_space<vmem>>, vector<1x16xf32>,
      %get3A_749 = arith.index_cast %scan3A_245 : i32 to index
      %get3A_750 = arith.constant 576 : index
      %get3A_751 = tpu.vector_load %arg9[%get3A_749, %get3A_750] {strides = array<i32>} : memref<16x768xf32, #tpu.memory_space<vmem>>, vector<1x16xf32>,
      %get3A_752 = vector.shape_cast %get3A_751 : vector<1x16xf32> to vector<16xf32>
      %get3A_753 = arith.index_cast %scan3A_245 : i32 to index
      %get3A_754 = arith.constant 576 : index
      %get3A_755 = tpu.vector_load %arg13[%get3A_753, %get3A_754] {strides = array<i32>} : memref<16x768xf32, #tpu.memory_space<vmem>>, vector<1x16xf32>,
      %get3A_756 = vector.shape_cast %get3A_755 : vector<1x16xf32> to vector<16xf32>
      %add3A_757 = arith.addf %get3A_752, %get3A_756 : vector<16xf32>
      %swap3A_758 = arith.index_cast %scan3A_245 : i32 to index
      %swap3A_759 = arith.constant 576 : index
      %swap3A_760 = tpu.vector_load %arg9[%swap3A_758, %swap3A_759] {strides = array<i32>} : memref<16x768xf32, #tpu.memory_space<vmem>>, vector<1x16xf32>,
      %swap3A_761 = vector.shape_cast %swap3A_760 : vector<1x16xf32> to vector<16xf32>
      %swap3A_762 = vector.shape_cast %add3A_757 : vector<16xf32> to vector<1x16xf32>
      tpu.vector_store %arg9[%swap3A_758, %swap3A_759], %swap3A_762 {strides = array<i32>} : memref<16x768xf32, #tpu.memory_space<vmem>>, vector<1x16xf32>,
      %get3A_763 = arith.index_cast %scan3A_245 : i32 to index
      %get3A_764 = arith.constant 592 : index
      %get3A_765 = tpu.vector_load %arg9[%get3A_763, %get3A_764] {strides = array<i32>} : memref<16x768xf32, #tpu.memory_space<vmem>>, vector<1x16xf32>,
      %get3A_766 = vector.shape_cast %get3A_765 : vector<1x16xf32> to vector<16xf32>
      %get3A_767 = arith.index_cast %scan3A_245 : i32 to index
      %get3A_768 = arith.constant 592 : index
      %get3A_769 = tpu.vector_load %arg13[%get3A_767, %get3A_768] {strides = array<i32>} : memref<16x768xf32, #tpu.memory_space<vmem>>, vector<1x16xf32>,
      %get3A_770 = vector.shape_cast %get3A_769 : vector<1x16xf32> to vector<16xf32>
      %add3A_771 = arith.addf %get3A_766, %get3A_770 : vector<16xf32>
      %swap3A_772 = arith.index_cast %scan3A_245 : i32 to index
      %swap3A_773 = arith.constant 592 : index
      %swap3A_774 = tpu.vector_load %arg9[%swap3A_772, %swap3A_773] {strides = array<i32>} : memref<16x768xf32, #tpu.memory_space<vmem>>, vector<1x16xf32>,
      %swap3A_775 = vector.shape_cast %swap3A_774 : vector<1x16xf32> to vector<16xf32>
      %swap3A_776 = vector.shape_cast %add3A_771 : vector<16xf32> to vector<1x16xf32>
      tpu.vector_store %arg9[%swap3A_772, %swap3A_773], %swap3A_776 {strides = array<i32>} : memref<16x768xf32, #tpu.memory_space<vmem>>, vector<1x16xf32>,
      %get3A_777 = arith.index_cast %scan3A_245 : i32 to index
      %get3A_778 = arith.constant 608 : index
      %get3A_779 = tpu.vector_load %arg9[%get3A_777, %get3A_778] {strides = array<i32>} : memref<16x768xf32, #tpu.memory_space<vmem>>, vector<1x16xf32>,
      %get3A_780 = vector.shape_cast %get3A_779 : vector<1x16xf32> to vector<16xf32>
      %get3A_781 = arith.index_cast %scan3A_245 : i32 to index
      %get3A_782 = arith.constant 608 : index
      %get3A_783 = tpu.vector_load %arg13[%get3A_781, %get3A_782] {strides = array<i32>} : memref<16x768xf32, #tpu.memory_space<vmem>>, vector<1x16xf32>,
      %get3A_784 = vector.shape_cast %get3A_783 : vector<1x16xf32> to vector<16xf32>
      %add3A_785 = arith.addf %get3A_780, %get3A_784 : vector<16xf32>
      %swap3A_786 = arith.index_cast %scan3A_245 : i32 to index
      %swap3A_787 = arith.constant 608 : index
      %swap3A_788 = tpu.vector_load %arg9[%swap3A_786, %swap3A_787] {strides = array<i32>} : memref<16x768xf32, #tpu.memory_space<vmem>>, vector<1x16xf32>,
      %swap3A_789 = vector.shape_cast %swap3A_788 : vector<1x16xf32> to vector<16xf32>
      %swap3A_790 = vector.shape_cast %add3A_785 : vector<16xf32> to vector<1x16xf32>
      tpu.vector_store %arg9[%swap3A_786, %swap3A_787], %swap3A_790 {strides = array<i32>} : memref<16x768xf32, #tpu.memory_space<vmem>>, vector<1x16xf32>,
      %get3A_791 = arith.index_cast %scan3A_245 : i32 to index
      %get3A_792 = arith.constant 624 : index
      %get3A_793 = tpu.vector_load %arg9[%get3A_791, %get3A_792] {strides = array<i32>} : memref<16x768xf32, #tpu.memory_space<vmem>>, vector<1x16xf32>,
      %get3A_794 = vector.shape_cast %get3A_793 : vector<1x16xf32> to vector<16xf32>
      %get3A_795 = arith.index_cast %scan3A_245 : i32 to index
      %get3A_796 = arith.constant 624 : index
      %get3A_797 = tpu.vector_load %arg13[%get3A_795, %get3A_796] {strides = array<i32>} : memref<16x768xf32, #tpu.memory_space<vmem>>, vector<1x16xf32>,
      %get3A_798 = vector.shape_cast %get3A_797 : vector<1x16xf32> to vector<16xf32>
      %add3A_799 = arith.addf %get3A_794, %get3A_798 : vector<16xf32>
      %swap3A_800 = arith.index_cast %scan3A_245 : i32 to index
      %swap3A_801 = arith.constant 624 : index
      %swap3A_802 = tpu.vector_load %arg9[%swap3A_800, %swap3A_801] {strides = array<i32>} : memref<16x768xf32, #tpu.memory_space<vmem>>, vector<1x16xf32>,
      %swap3A_803 = vector.shape_cast %swap3A_802 : vector<1x16xf32> to vector<16xf32>
      %swap3A_804 = vector.shape_cast %add3A_799 : vector<16xf32> to vector<1x16xf32>
      tpu.vector_store %arg9[%swap3A_800, %swap3A_801], %swap3A_804 {strides = array<i32>} : memref<16x768xf32, #tpu.memory_space<vmem>>, vector<1x16xf32>,
      %get3A_805 = arith.index_cast %scan3A_245 : i32 to index
      %get3A_806 = arith.constant 640 : index
      %get3A_807 = tpu.vector_load %arg9[%get3A_805, %get3A_806] {strides = array<i32>} : memref<16x768xf32, #tpu.memory_space<vmem>>, vector<1x16xf32>,
      %get3A_808 = vector.shape_cast %get3A_807 : vector<1x16xf32> to vector<16xf32>
      %get3A_809 = arith.index_cast %scan3A_245 : i32 to index
      %get3A_810 = arith.constant 640 : index
      %get3A_811 = tpu.vector_load %arg13[%get3A_809, %get3A_810] {strides = array<i32>} : memref<16x768xf32, #tpu.memory_space<vmem>>, vector<1x16xf32>,
      %get3A_812 = vector.shape_cast %get3A_811 : vector<1x16xf32> to vector<16xf32>
      %add3A_813 = arith.addf %get3A_808, %get3A_812 : vector<16xf32>
      %swap3A_814 = arith.index_cast %scan3A_245 : i32 to index
      %swap3A_815 = arith.constant 640 : index
      %swap3A_816 = tpu.vector_load %arg9[%swap3A_814, %swap3A_815] {strides = array<i32>} : memref<16x768xf32, #tpu.memory_space<vmem>>, vector<1x16xf32>,
      %swap3A_817 = vector.shape_cast %swap3A_816 : vector<1x16xf32> to vector<16xf32>
      %swap3A_818 = vector.shape_cast %add3A_813 : vector<16xf32> to vector<1x16xf32>
      tpu.vector_store %arg9[%swap3A_814, %swap3A_815], %swap3A_818 {strides = array<i32>} : memref<16x768xf32, #tpu.memory_space<vmem>>, vector<1x16xf32>,
      %get3A_819 = arith.index_cast %scan3A_245 : i32 to index
      %get3A_820 = arith.constant 656 : index
      %get3A_821 = tpu.vector_load %arg9[%get3A_819, %get3A_820] {strides = array<i32>} : memref<16x768xf32, #tpu.memory_space<vmem>>, vector<1x16xf32>,
      %get3A_822 = vector.shape_cast %get3A_821 : vector<1x16xf32> to vector<16xf32>
      %get3A_823 = arith.index_cast %scan3A_245 : i32 to index
      %get3A_824 = arith.constant 656 : index
      %get3A_825 = tpu.vector_load %arg13[%get3A_823, %get3A_824] {strides = array<i32>} : memref<16x768xf32, #tpu.memory_space<vmem>>, vector<1x16xf32>,
      %get3A_826 = vector.shape_cast %get3A_825 : vector<1x16xf32> to vector<16xf32>
      %add3A_827 = arith.addf %get3A_822, %get3A_826 : vector<16xf32>
      %swap3A_828 = arith.index_cast %scan3A_245 : i32 to index
      %swap3A_829 = arith.constant 656 : index
      %swap3A_830 = tpu.vector_load %arg9[%swap3A_828, %swap3A_829] {strides = array<i32>} : memref<16x768xf32, #tpu.memory_space<vmem>>, vector<1x16xf32>,
      %swap3A_831 = vector.shape_cast %swap3A_830 : vector<1x16xf32> to vector<16xf32>
      %swap3A_832 = vector.shape_cast %add3A_827 : vector<16xf32> to vector<1x16xf32>
      tpu.vector_store %arg9[%swap3A_828, %swap3A_829], %swap3A_832 {strides = array<i32>} : memref<16x768xf32, #tpu.memory_space<vmem>>, vector<1x16xf32>,
      %get3A_833 = arith.index_cast %scan3A_245 : i32 to index
      %get3A_834 = arith.constant 672 : index
      %get3A_835 = tpu.vector_load %arg9[%get3A_833, %get3A_834] {strides = array<i32>} : memref<16x768xf32, #tpu.memory_space<vmem>>, vector<1x16xf32>,
      %get3A_836 = vector.shape_cast %get3A_835 : vector<1x16xf32> to vector<16xf32>
      %get3A_837 = arith.index_cast %scan3A_245 : i32 to index
      %get3A_838 = arith.constant 672 : index
      %get3A_839 = tpu.vector_load %arg13[%get3A_837, %get3A_838] {strides = array<i32>} : memref<16x768xf32, #tpu.memory_space<vmem>>, vector<1x16xf32>,
      %get3A_840 = vector.shape_cast %get3A_839 : vector<1x16xf32> to vector<16xf32>
      %add3A_841 = arith.addf %get3A_836, %get3A_840 : vector<16xf32>
      %swap3A_842 = arith.index_cast %scan3A_245 : i32 to index
      %swap3A_843 = arith.constant 672 : index
      %swap3A_844 = tpu.vector_load %arg9[%swap3A_842, %swap3A_843] {strides = array<i32>} : memref<16x768xf32, #tpu.memory_space<vmem>>, vector<1x16xf32>,
      %swap3A_845 = vector.shape_cast %swap3A_844 : vector<1x16xf32> to vector<16xf32>
      %swap3A_846 = vector.shape_cast %add3A_841 : vector<16xf32> to vector<1x16xf32>
      tpu.vector_store %arg9[%swap3A_842, %swap3A_843], %swap3A_846 {strides = array<i32>} : memref<16x768xf32, #tpu.memory_space<vmem>>, vector<1x16xf32>,
      %get3A_847 = arith.index_cast %scan3A_245 : i32 to index
      %get3A_848 = arith.constant 688 : index
      %get3A_849 = tpu.vector_load %arg9[%get3A_847, %get3A_848] {strides = array<i32>} : memref<16x768xf32, #tpu.memory_space<vmem>>, vector<1x16xf32>,
      %get3A_850 = vector.shape_cast %get3A_849 : vector<1x16xf32> to vector<16xf32>
      %get3A_851 = arith.index_cast %scan3A_245 : i32 to index
      %get3A_852 = arith.constant 688 : index
      %get3A_853 = tpu.vector_load %arg13[%get3A_851, %get3A_852] {strides = array<i32>} : memref<16x768xf32, #tpu.memory_space<vmem>>, vector<1x16xf32>,
      %get3A_854 = vector.shape_cast %get3A_853 : vector<1x16xf32> to vector<16xf32>
      %add3A_855 = arith.addf %get3A_850, %get3A_854 : vector<16xf32>
      %swap3A_856 = arith.index_cast %scan3A_245 : i32 to index
      %swap3A_857 = arith.constant 688 : index
      %swap3A_858 = tpu.vector_load %arg9[%swap3A_856, %swap3A_857] {strides = array<i32>} : memref<16x768xf32, #tpu.memory_space<vmem>>, vector<1x16xf32>,
      %swap3A_859 = vector.shape_cast %swap3A_858 : vector<1x16xf32> to vector<16xf32>
      %swap3A_860 = vector.shape_cast %add3A_855 : vector<16xf32> to vector<1x16xf32>
      tpu.vector_store %arg9[%swap3A_856, %swap3A_857], %swap3A_860 {strides = array<i32>} : memref<16x768xf32, #tpu.memory_space<vmem>>, vector<1x16xf32>,
      %get3A_861 = arith.index_cast %scan3A_245 : i32 to index
      %get3A_862 = arith.constant 704 : index
      %get3A_863 = tpu.vector_load %arg9[%get3A_861, %get3A_862] {strides = array<i32>} : memref<16x768xf32, #tpu.memory_space<vmem>>, vector<1x16xf32>,
      %get3A_864 = vector.shape_cast %get3A_863 : vector<1x16xf32> to vector<16xf32>
      %get3A_865 = arith.index_cast %scan3A_245 : i32 to index
      %get3A_866 = arith.constant 704 : index
      %get3A_867 = tpu.vector_load %arg13[%get3A_865, %get3A_866] {strides = array<i32>} : memref<16x768xf32, #tpu.memory_space<vmem>>, vector<1x16xf32>,
      %get3A_868 = vector.shape_cast %get3A_867 : vector<1x16xf32> to vector<16xf32>
      %add3A_869 = arith.addf %get3A_864, %get3A_868 : vector<16xf32>
      %swap3A_870 = arith.index_cast %scan3A_245 : i32 to index
      %swap3A_871 = arith.constant 704 : index
      %swap3A_872 = tpu.vector_load %arg9[%swap3A_870, %swap3A_871] {strides = array<i32>} : memref<16x768xf32, #tpu.memory_space<vmem>>, vector<1x16xf32>,
      %swap3A_873 = vector.shape_cast %swap3A_872 : vector<1x16xf32> to vector<16xf32>
      %swap3A_874 = vector.shape_cast %add3A_869 : vector<16xf32> to vector<1x16xf32>
      tpu.vector_store %arg9[%swap3A_870, %swap3A_871], %swap3A_874 {strides = array<i32>} : memref<16x768xf32, #tpu.memory_space<vmem>>, vector<1x16xf32>,
      %get3A_875 = arith.index_cast %scan3A_245 : i32 to index
      %get3A_876 = arith.constant 720 : index
      %get3A_877 = tpu.vector_load %arg9[%get3A_875, %get3A_876] {strides = array<i32>} : memref<16x768xf32, #tpu.memory_space<vmem>>, vector<1x16xf32>,
      %get3A_878 = vector.shape_cast %get3A_877 : vector<1x16xf32> to vector<16xf32>
      %get3A_879 = arith.index_cast %scan3A_245 : i32 to index
      %get3A_880 = arith.constant 720 : index
      %get3A_881 = tpu.vector_load %arg13[%get3A_879, %get3A_880] {strides = array<i32>} : memref<16x768xf32, #tpu.memory_space<vmem>>, vector<1x16xf32>,
      %get3A_882 = vector.shape_cast %get3A_881 : vector<1x16xf32> to vector<16xf32>
      %add3A_883 = arith.addf %get3A_878, %get3A_882 : vector<16xf32>
      %swap3A_884 = arith.index_cast %scan3A_245 : i32 to index
      %swap3A_885 = arith.constant 720 : index
      %swap3A_886 = tpu.vector_load %arg9[%swap3A_884, %swap3A_885] {strides = array<i32>} : memref<16x768xf32, #tpu.memory_space<vmem>>, vector<1x16xf32>,
      %swap3A_887 = vector.shape_cast %swap3A_886 : vector<1x16xf32> to vector<16xf32>
      %swap3A_888 = vector.shape_cast %add3A_883 : vector<16xf32> to vector<1x16xf32>
      tpu.vector_store %arg9[%swap3A_884, %swap3A_885], %swap3A_888 {strides = array<i32>} : memref<16x768xf32, #tpu.memory_space<vmem>>, vector<1x16xf32>,
      %get3A_889 = arith.index_cast %scan3A_245 : i32 to index
      %get3A_890 = arith.constant 736 : index
      %get3A_891 = tpu.vector_load %arg9[%get3A_889, %get3A_890] {strides = array<i32>} : memref<16x768xf32, #tpu.memory_space<vmem>>, vector<1x16xf32>,
      %get3A_892 = vector.shape_cast %get3A_891 : vector<1x16xf32> to vector<16xf32>
      %get3A_893 = arith.index_cast %scan3A_245 : i32 to index
      %get3A_894 = arith.constant 736 : index
      %get3A_895 = tpu.vector_load %arg13[%get3A_893, %get3A_894] {strides = array<i32>} : memref<16x768xf32, #tpu.memory_space<vmem>>, vector<1x16xf32>,
      %get3A_896 = vector.shape_cast %get3A_895 : vector<1x16xf32> to vector<16xf32>
      %add3A_897 = arith.addf %get3A_892, %get3A_896 : vector<16xf32>
      %swap3A_898 = arith.index_cast %scan3A_245 : i32 to index
      %swap3A_899 = arith.constant 736 : index
      %swap3A_900 = tpu.vector_load %arg9[%swap3A_898, %swap3A_899] {strides = array<i32>} : memref<16x768xf32, #tpu.memory_space<vmem>>, vector<1x16xf32>,
      %swap3A_901 = vector.shape_cast %swap3A_900 : vector<1x16xf32> to vector<16xf32>
      %swap3A_902 = vector.shape_cast %add3A_897 : vector<16xf32> to vector<1x16xf32>
      tpu.vector_store %arg9[%swap3A_898, %swap3A_899], %swap3A_902 {strides = array<i32>} : memref<16x768xf32, #tpu.memory_space<vmem>>, vector<1x16xf32>,
      %get3A_903 = arith.index_cast %scan3A_245 : i32 to index
      %get3A_904 = arith.constant 752 : index
      %get3A_905 = tpu.vector_load %arg9[%get3A_903, %get3A_904] {strides = array<i32>} : memref<16x768xf32, #tpu.memory_space<vmem>>, vector<1x16xf32>,
      %get3A_906 = vector.shape_cast %get3A_905 : vector<1x16xf32> to vector<16xf32>
      %get3A_907 = arith.index_cast %scan3A_245 : i32 to index
      %get3A_908 = arith.constant 752 : index
      %get3A_909 = tpu.vector_load %arg13[%get3A_907, %get3A_908] {strides = array<i32>} : memref<16x768xf32, #tpu.memory_space<vmem>>, vector<1x16xf32>,
      %get3A_910 = vector.shape_cast %get3A_909 : vector<1x16xf32> to vector<16xf32>
      %add3A_911 = arith.addf %get3A_906, %get3A_910 : vector<16xf32>
      %swap3A_912 = arith.index_cast %scan3A_245 : i32 to index
      %swap3A_913 = arith.constant 752 : index
      %swap3A_914 = tpu.vector_load %arg9[%swap3A_912, %swap3A_913] {strides = array<i32>} : memref<16x768xf32, #tpu.memory_space<vmem>>, vector<1x16xf32>,
      %swap3A_915 = vector.shape_cast %swap3A_914 : vector<1x16xf32> to vector<16xf32>
      %swap3A_916 = vector.shape_cast %add3A_911 : vector<16xf32> to vector<1x16xf32>
      tpu.vector_store %arg9[%swap3A_912, %swap3A_913], %swap3A_916 {strides = array<i32>} : memref<16x768xf32, #tpu.memory_space<vmem>>, vector<1x16xf32>,
      %scan3A_917 = arith.constant 0 : i32
      scf.yield %scan3A_917 : i32
    }
    %scan3A_170 = arith.constant 16 : i32
    %mul3A_171 = arith.constant 16 : i32
    %mul3A_172 = arith.muli %add3A_150, %mul3A_171 : i32
    %add3A_173 = arith.addi %add3A_37, %mul3A_172 : i32
    %dma_start3A_174 = arith.constant 0 : i32
    %dma_start3A_175 = tpu.memref_slice %arg5[%add3A_173, %dma_start3A_174] : memref<32768x768xf32, #tpu.memory_space<hbm>> -> memref<16x768xf32, #tpu.memory_space<hbm>>
    %dma_start3A_176 = arith.constant 0 : i32
    %dma_start3A_177 = tpu.memref_slice %arg5[%add3A_173, %dma_start3A_176] : memref<32768x768xf32, #tpu.memory_space<hbm>> -> memref<16x768xf32, #tpu.memory_space<hbm>>
    tpu.enqueue_dma source(%arg9 : memref<16x768xf32, #tpu.memory_space<vmem>>) target(%dma_start3A_177 : memref<16x768xf32, #tpu.memory_space<hbm>>) target_semaphore(%arg25 : memref<!tpu.dma_semaphore, #tpu.memory_space<semaphore_mem>>)
    %ge3A_178 = arith.constant 2 : i32
    %ge3A_179 = arith.cmpi sge, %add3A_150, %ge3A_178 : i32
    %convert_element_type3A_180 = arith.extui %ge3A_179 : i1 to i32
    %cond3A_181 = arith.constant 0 : i32
    %cond3A_182 = arith.cmpi ne, %convert_element_type3A_180, %cond3A_181 : i32
    scf.if %cond3A_182 {
      %sub3A_245 = arith.constant 2 : i32
      %sub3A_246 = arith.subi %add3A_150, %sub3A_245 : i32
      %mul3A_247 = arith.constant 16 : i32
      %mul3A_248 = arith.muli %sub3A_246, %mul3A_247 : i32
      %add3A_249 = arith.addi %add3A_37, %mul3A_248 : i32
      %dma_wait3A_250 = arith.constant 0 : i32
      %dma_wait3A_251 = tpu.memref_slice %arg5[%add3A_249, %dma_wait3A_250] : memref<32768x768xf32, #tpu.memory_space<hbm>> -> memref<16x768xf32, #tpu.memory_space<hbm>>
      %dma_wait3A_252 = arith.constant 0 : i32
      %dma_wait3A_253 = tpu.memref_slice %arg5[%add3A_249, %dma_wait3A_252] : memref<32768x768xf32, #tpu.memory_space<hbm>> -> memref<16x768xf32, #tpu.memory_space<hbm>>
      tpu.wait_dma2 semaphore(%arg23 : memref<!tpu.dma_semaphore, #tpu.memory_space<semaphore_mem>>) src(%arg7 : memref<16x768xf32, #tpu.memory_space<vmem>>) dst(%dma_wait3A_253 : memref<16x768xf32, #tpu.memory_space<hbm>>)
    } else {
    }
    %add3A_183 = arith.constant 2 : i32
    %add3A_184 = arith.addi %add3A_150, %add3A_183 : i32
    %lt3A_185 = arith.constant 4 : i32
    %lt3A_186 = arith.cmpi slt, %add3A_184, %lt3A_185 : i32
    %convert_element_type3A_187 = arith.extui %lt3A_186 : i1 to i32
    %cond3A_188 = arith.constant 0 : i32
    %cond3A_189 = arith.cmpi ne, %convert_element_type3A_187, %cond3A_188 : i32
    scf.if %cond3A_189 {
      %add3A_245 = arith.constant 2 : i32
      %add3A_246 = arith.addi %add3A_150, %add3A_245 : i32
      %mul3A_247 = arith.constant 16 : i32
      %mul3A_248 = arith.muli %add3A_246, %mul3A_247 : i32
      %add3A_249 = arith.addi %add3A_37, %mul3A_248 : i32
      %dma_start3A_250 = arith.constant 0 : i32
      %dma_start3A_251 = tpu.memref_slice %arg2[%add3A_249, %dma_start3A_250] : memref<32768x768xf32, #tpu.memory_space<hbm>> -> memref<16x768xf32, #tpu.memory_space<hbm>>
      %dma_start3A_252 = arith.constant 0 : i32
      %dma_start3A_253 = tpu.memref_slice %arg2[%add3A_249, %dma_start3A_252] : memref<32768x768xf32, #tpu.memory_space<hbm>> -> memref<16x768xf32, #tpu.memory_space<hbm>>
      tpu.enqueue_dma source(%dma_start3A_253 : memref<16x768xf32, #tpu.memory_space<hbm>>) target(%arg7 : memref<16x768xf32, #tpu.memory_space<vmem>>) target_semaphore(%arg15 : memref<!tpu.dma_semaphore, #tpu.memory_space<semaphore_mem>>)
      %mul3A_254 = arith.constant 16 : i32
      %mul3A_255 = arith.muli %add3A_246, %mul3A_254 : i32
      %dma_start3A_256 = tpu.memref_slice %arg6[%mul3A_255] : memref<64xi32, #tpu.memory_space<vmem>> -> memref<16xi32, #tpu.memory_space<vmem>>
      %dma_start3A_257 = arith.constant 0 : i32
      %dma_start3A_258 = arith.constant 0 : i32
      %dma_start3A_259 = tpu.memref_slice %arg4[%dma_start3A_257, %dma_start3A_258] : memref<1024x768xf32, #tpu.memory_space<hbm>> -> memref<1024x768xf32, #tpu.memory_space<hbm>>
      tpu.enqueue_indirect_dma source(%dma_start3A_259 : memref<1024x768xf32, #tpu.memory_space<hbm>>) target(%arg11 : memref<16x768xf32, #tpu.memory_space<vmem>>) offsets(%dma_start3A_256 : memref<16xi32, #tpu.memory_space<vmem>>) semaphore(%arg19 : memref<!tpu.dma_semaphore, #tpu.memory_space<semaphore_mem>>)
    } else {
    }
    %add3A_190 = arith.constant 3 : i32
    %add3A_191 = arith.addi %mul3A_70, %add3A_190 : i32
    %mul3A_192 = arith.constant 16 : i32
    %mul3A_193 = arith.muli %add3A_191, %mul3A_192 : i32
    %add3A_194 = arith.addi %add3A_37, %mul3A_193 : i32
    %dma_wait3A_195 = arith.constant 0 : i32
    %dma_wait3A_196 = tpu.memref_slice %arg2[%add3A_194, %dma_wait3A_195] : memref<32768x768xf32, #tpu.memory_space<hbm>> -> memref<16x768xf32, #tpu.memory_space<hbm>>
    %dma_wait3A_197 = arith.constant 0 : i32
    %dma_wait3A_198 = tpu.memref_slice %arg2[%add3A_194, %dma_wait3A_197] : memref<32768x768xf32, #tpu.memory_space<hbm>> -> memref<16x768xf32, #tpu.memory_space<hbm>>
    tpu.wait_dma2 semaphore(%arg18 : memref<!tpu.dma_semaphore, #tpu.memory_space<semaphore_mem>>) src(%dma_wait3A_198 : memref<16x768xf32, #tpu.memory_space<hbm>>) dst(%arg10 : memref<16x768xf32, #tpu.memory_space<vmem>>)
    %mul3A_199 = arith.constant 16 : i32
    %mul3A_200 = arith.muli %add3A_191, %mul3A_199 : i32
    %dma_wait3A_201 = tpu.memref_slice %arg6[%mul3A_200] : memref<64xi32, #tpu.memory_space<vmem>> -> memref<16xi32, #tpu.memory_space<vmem>>
    %dma_wait3A_202 = arith.constant 0 : i32
    %dma_wait3A_203 = arith.constant 0 : i32
    %dma_wait3A_204 = tpu.memref_slice %arg4[%dma_wait3A_202, %dma_wait3A_203] : memref<1024x768xf32, #tpu.memory_space<hbm>> -> memref<1024x768xf32, #tpu.memory_space<hbm>>
    tpu.wait_indirect_dma semaphore(%arg22 : memref<!tpu.dma_semaphore, #tpu.memory_space<semaphore_mem>>) src(%dma_wait3A_204 : memref<1024x768xf32, #tpu.memory_space<hbm>>) dst(%arg14 : memref<16x768xf32, #tpu.memory_space<vmem>>)
    %scan3A_205 = arith.constant 0 : i32
    %scan3A_206 = arith.constant 0 : i32
    %scan3A_207 = arith.constant 16 : i32
    %scan3A_208 = arith.addi %scan3A_206, %scan3A_207 : i32
    %scan3A_209 = arith.constant 1 : i32
    %scan3A_210 = scf.for %scan3A_245 = %scan3A_206 to %scan3A_208 step %scan3A_209 iter_args(%scan3A_246 = %scan3A_205) -> (i32)  : i32 {
      %get3A = arith.index_cast %scan3A_245 : i32 to index
      %get3A_247 = arith.constant 0 : index
      %get3A_248 = tpu.vector_load %arg10[%get3A, %get3A_247] {strides = array<i32>} : memref<16x768xf32, #tpu.memory_space<vmem>>, vector<1x16xf32>,
      %get3A_249 = vector.shape_cast %get3A_248 : vector<1x16xf32> to vector<16xf32>
      %get3A_250 = arith.index_cast %scan3A_245 : i32 to index
      %get3A_251 = arith.constant 0 : index
      %get3A_252 = tpu.vector_load %arg14[%get3A_250, %get3A_251] {strides = array<i32>} : memref<16x768xf32, #tpu.memory_space<vmem>>, vector<1x16xf32>,
      %get3A_253 = vector.shape_cast %get3A_252 : vector<1x16xf32> to vector<16xf32>
      %add3A_254 = arith.addf %get3A_249, %get3A_253 : vector<16xf32>
      %swap3A = arith.index_cast %scan3A_245 : i32 to index
      %swap3A_255 = arith.constant 0 : index
      %swap3A_256 = tpu.vector_load %arg10[%swap3A, %swap3A_255] {strides = array<i32>} : memref<16x768xf32, #tpu.memory_space<vmem>>, vector<1x16xf32>,
      %swap3A_257 = vector.shape_cast %swap3A_256 : vector<1x16xf32> to vector<16xf32>
      %swap3A_258 = vector.shape_cast %add3A_254 : vector<16xf32> to vector<1x16xf32>
      tpu.vector_store %arg10[%swap3A, %swap3A_255], %swap3A_258 {strides = array<i32>} : memref<16x768xf32, #tpu.memory_space<vmem>>, vector<1x16xf32>,
      %get3A_259 = arith.index_cast %scan3A_245 : i32 to index
      %get3A_260 = arith.constant 16 : index
      %get3A_261 = tpu.vector_load %arg10[%get3A_259, %get3A_260] {strides = array<i32>} : memref<16x768xf32, #tpu.memory_space<vmem>>, vector<1x16xf32>,
      %get3A_262 = vector.shape_cast %get3A_261 : vector<1x16xf32> to vector<16xf32>
      %get3A_263 = arith.index_cast %scan3A_245 : i32 to index
      %get3A_264 = arith.constant 16 : index
      %get3A_265 = tpu.vector_load %arg14[%get3A_263, %get3A_264] {strides = array<i32>} : memref<16x768xf32, #tpu.memory_space<vmem>>, vector<1x16xf32>,
      %get3A_266 = vector.shape_cast %get3A_265 : vector<1x16xf32> to vector<16xf32>
      %add3A_267 = arith.addf %get3A_262, %get3A_266 : vector<16xf32>
      %swap3A_268 = arith.index_cast %scan3A_245 : i32 to index
      %swap3A_269 = arith.constant 16 : index
      %swap3A_270 = tpu.vector_load %arg10[%swap3A_268, %swap3A_269] {strides = array<i32>} : memref<16x768xf32, #tpu.memory_space<vmem>>, vector<1x16xf32>,
      %swap3A_271 = vector.shape_cast %swap3A_270 : vector<1x16xf32> to vector<16xf32>
      %swap3A_272 = vector.shape_cast %add3A_267 : vector<16xf32> to vector<1x16xf32>
      tpu.vector_store %arg10[%swap3A_268, %swap3A_269], %swap3A_272 {strides = array<i32>} : memref<16x768xf32, #tpu.memory_space<vmem>>, vector<1x16xf32>,
      %get3A_273 = arith.index_cast %scan3A_245 : i32 to index
      %get3A_274 = arith.constant 32 : index
      %get3A_275 = tpu.vector_load %arg10[%get3A_273, %get3A_274] {strides = array<i32>} : memref<16x768xf32, #tpu.memory_space<vmem>>, vector<1x16xf32>,
      %get3A_276 = vector.shape_cast %get3A_275 : vector<1x16xf32> to vector<16xf32>
      %get3A_277 = arith.index_cast %scan3A_245 : i32 to index
      %get3A_278 = arith.constant 32 : index
      %get3A_279 = tpu.vector_load %arg14[%get3A_277, %get3A_278] {strides = array<i32>} : memref<16x768xf32, #tpu.memory_space<vmem>>, vector<1x16xf32>,
      %get3A_280 = vector.shape_cast %get3A_279 : vector<1x16xf32> to vector<16xf32>
      %add3A_281 = arith.addf %get3A_276, %get3A_280 : vector<16xf32>
      %swap3A_282 = arith.index_cast %scan3A_245 : i32 to index
      %swap3A_283 = arith.constant 32 : index
      %swap3A_284 = tpu.vector_load %arg10[%swap3A_282, %swap3A_283] {strides = array<i32>} : memref<16x768xf32, #tpu.memory_space<vmem>>, vector<1x16xf32>,
      %swap3A_285 = vector.shape_cast %swap3A_284 : vector<1x16xf32> to vector<16xf32>
      %swap3A_286 = vector.shape_cast %add3A_281 : vector<16xf32> to vector<1x16xf32>
      tpu.vector_store %arg10[%swap3A_282, %swap3A_283], %swap3A_286 {strides = array<i32>} : memref<16x768xf32, #tpu.memory_space<vmem>>, vector<1x16xf32>,
      %get3A_287 = arith.index_cast %scan3A_245 : i32 to index
      %get3A_288 = arith.constant 48 : index
      %get3A_289 = tpu.vector_load %arg10[%get3A_287, %get3A_288] {strides = array<i32>} : memref<16x768xf32, #tpu.memory_space<vmem>>, vector<1x16xf32>,
      %get3A_290 = vector.shape_cast %get3A_289 : vector<1x16xf32> to vector<16xf32>
      %get3A_291 = arith.index_cast %scan3A_245 : i32 to index
      %get3A_292 = arith.constant 48 : index
      %get3A_293 = tpu.vector_load %arg14[%get3A_291, %get3A_292] {strides = array<i32>} : memref<16x768xf32, #tpu.memory_space<vmem>>, vector<1x16xf32>,
      %get3A_294 = vector.shape_cast %get3A_293 : vector<1x16xf32> to vector<16xf32>
      %add3A_295 = arith.addf %get3A_290, %get3A_294 : vector<16xf32>
      %swap3A_296 = arith.index_cast %scan3A_245 : i32 to index
      %swap3A_297 = arith.constant 48 : index
      %swap3A_298 = tpu.vector_load %arg10[%swap3A_296, %swap3A_297] {strides = array<i32>} : memref<16x768xf32, #tpu.memory_space<vmem>>, vector<1x16xf32>,
      %swap3A_299 = vector.shape_cast %swap3A_298 : vector<1x16xf32> to vector<16xf32>
      %swap3A_300 = vector.shape_cast %add3A_295 : vector<16xf32> to vector<1x16xf32>
      tpu.vector_store %arg10[%swap3A_296, %swap3A_297], %swap3A_300 {strides = array<i32>} : memref<16x768xf32, #tpu.memory_space<vmem>>, vector<1x16xf32>,
      %get3A_301 = arith.index_cast %scan3A_245 : i32 to index
      %get3A_302 = arith.constant 64 : index
      %get3A_303 = tpu.vector_load %arg10[%get3A_301, %get3A_302] {strides = array<i32>} : memref<16x768xf32, #tpu.memory_space<vmem>>, vector<1x16xf32>,
      %get3A_304 = vector.shape_cast %get3A_303 : vector<1x16xf32> to vector<16xf32>
      %get3A_305 = arith.index_cast %scan3A_245 : i32 to index
      %get3A_306 = arith.constant 64 : index
      %get3A_307 = tpu.vector_load %arg14[%get3A_305, %get3A_306] {strides = array<i32>} : memref<16x768xf32, #tpu.memory_space<vmem>>, vector<1x16xf32>,
      %get3A_308 = vector.shape_cast %get3A_307 : vector<1x16xf32> to vector<16xf32>
      %add3A_309 = arith.addf %get3A_304, %get3A_308 : vector<16xf32>
      %swap3A_310 = arith.index_cast %scan3A_245 : i32 to index
      %swap3A_311 = arith.constant 64 : index
      %swap3A_312 = tpu.vector_load %arg10[%swap3A_310, %swap3A_311] {strides = array<i32>} : memref<16x768xf32, #tpu.memory_space<vmem>>, vector<1x16xf32>,
      %swap3A_313 = vector.shape_cast %swap3A_312 : vector<1x16xf32> to vector<16xf32>
      %swap3A_314 = vector.shape_cast %add3A_309 : vector<16xf32> to vector<1x16xf32>
      tpu.vector_store %arg10[%swap3A_310, %swap3A_311], %swap3A_314 {strides = array<i32>} : memref<16x768xf32, #tpu.memory_space<vmem>>, vector<1x16xf32>,
      %get3A_315 = arith.index_cast %scan3A_245 : i32 to index
      %get3A_316 = arith.constant 80 : index
      %get3A_317 = tpu.vector_load %arg10[%get3A_315, %get3A_316] {strides = array<i32>} : memref<16x768xf32, #tpu.memory_space<vmem>>, vector<1x16xf32>,
      %get3A_318 = vector.shape_cast %get3A_317 : vector<1x16xf32> to vector<16xf32>
      %get3A_319 = arith.index_cast %scan3A_245 : i32 to index
      %get3A_320 = arith.constant 80 : index
      %get3A_321 = tpu.vector_load %arg14[%get3A_319, %get3A_320] {strides = array<i32>} : memref<16x768xf32, #tpu.memory_space<vmem>>, vector<1x16xf32>,
      %get3A_322 = vector.shape_cast %get3A_321 : vector<1x16xf32> to vector<16xf32>
      %add3A_323 = arith.addf %get3A_318, %get3A_322 : vector<16xf32>
      %swap3A_324 = arith.index_cast %scan3A_245 : i32 to index
      %swap3A_325 = arith.constant 80 : index
      %swap3A_326 = tpu.vector_load %arg10[%swap3A_324, %swap3A_325] {strides = array<i32>} : memref<16x768xf32, #tpu.memory_space<vmem>>, vector<1x16xf32>,
      %swap3A_327 = vector.shape_cast %swap3A_326 : vector<1x16xf32> to vector<16xf32>
      %swap3A_328 = vector.shape_cast %add3A_323 : vector<16xf32> to vector<1x16xf32>
      tpu.vector_store %arg10[%swap3A_324, %swap3A_325], %swap3A_328 {strides = array<i32>} : memref<16x768xf32, #tpu.memory_space<vmem>>, vector<1x16xf32>,
      %get3A_329 = arith.index_cast %scan3A_245 : i32 to index
      %get3A_330 = arith.constant 96 : index
      %get3A_331 = tpu.vector_load %arg10[%get3A_329, %get3A_330] {strides = array<i32>} : memref<16x768xf32, #tpu.memory_space<vmem>>, vector<1x16xf32>,
      %get3A_332 = vector.shape_cast %get3A_331 : vector<1x16xf32> to vector<16xf32>
      %get3A_333 = arith.index_cast %scan3A_245 : i32 to index
      %get3A_334 = arith.constant 96 : index
      %get3A_335 = tpu.vector_load %arg14[%get3A_333, %get3A_334] {strides = array<i32>} : memref<16x768xf32, #tpu.memory_space<vmem>>, vector<1x16xf32>,
      %get3A_336 = vector.shape_cast %get3A_335 : vector<1x16xf32> to vector<16xf32>
      %add3A_337 = arith.addf %get3A_332, %get3A_336 : vector<16xf32>
      %swap3A_338 = arith.index_cast %scan3A_245 : i32 to index
      %swap3A_339 = arith.constant 96 : index
      %swap3A_340 = tpu.vector_load %arg10[%swap3A_338, %swap3A_339] {strides = array<i32>} : memref<16x768xf32, #tpu.memory_space<vmem>>, vector<1x16xf32>,
      %swap3A_341 = vector.shape_cast %swap3A_340 : vector<1x16xf32> to vector<16xf32>
      %swap3A_342 = vector.shape_cast %add3A_337 : vector<16xf32> to vector<1x16xf32>
      tpu.vector_store %arg10[%swap3A_338, %swap3A_339], %swap3A_342 {strides = array<i32>} : memref<16x768xf32, #tpu.memory_space<vmem>>, vector<1x16xf32>,
      %get3A_343 = arith.index_cast %scan3A_245 : i32 to index
      %get3A_344 = arith.constant 112 : index
      %get3A_345 = tpu.vector_load %arg10[%get3A_343, %get3A_344] {strides = array<i32>} : memref<16x768xf32, #tpu.memory_space<vmem>>, vector<1x16xf32>,
      %get3A_346 = vector.shape_cast %get3A_345 : vector<1x16xf32> to vector<16xf32>
      %get3A_347 = arith.index_cast %scan3A_245 : i32 to index
      %get3A_348 = arith.constant 112 : index
      %get3A_349 = tpu.vector_load %arg14[%get3A_347, %get3A_348] {strides = array<i32>} : memref<16x768xf32, #tpu.memory_space<vmem>>, vector<1x16xf32>,
      %get3A_350 = vector.shape_cast %get3A_349 : vector<1x16xf32> to vector<16xf32>
      %add3A_351 = arith.addf %get3A_346, %get3A_350 : vector<16xf32>
      %swap3A_352 = arith.index_cast %scan3A_245 : i32 to index
      %swap3A_353 = arith.constant 112 : index
      %swap3A_354 = tpu.vector_load %arg10[%swap3A_352, %swap3A_353] {strides = array<i32>} : memref<16x768xf32, #tpu.memory_space<vmem>>, vector<1x16xf32>,
      %swap3A_355 = vector.shape_cast %swap3A_354 : vector<1x16xf32> to vector<16xf32>
      %swap3A_356 = vector.shape_cast %add3A_351 : vector<16xf32> to vector<1x16xf32>
      tpu.vector_store %arg10[%swap3A_352, %swap3A_353], %swap3A_356 {strides = array<i32>} : memref<16x768xf32, #tpu.memory_space<vmem>>, vector<1x16xf32>,
      %get3A_357 = arith.index_cast %scan3A_245 : i32 to index
      %get3A_358 = arith.constant 128 : index
      %get3A_359 = tpu.vector_load %arg10[%get3A_357, %get3A_358] {strides = array<i32>} : memref<16x768xf32, #tpu.memory_space<vmem>>, vector<1x16xf32>,
      %get3A_360 = vector.shape_cast %get3A_359 : vector<1x16xf32> to vector<16xf32>
      %get3A_361 = arith.index_cast %scan3A_245 : i32 to index
      %get3A_362 = arith.constant 128 : index
      %get3A_363 = tpu.vector_load %arg14[%get3A_361, %get3A_362] {strides = array<i32>} : memref<16x768xf32, #tpu.memory_space<vmem>>, vector<1x16xf32>,
      %get3A_364 = vector.shape_cast %get3A_363 : vector<1x16xf32> to vector<16xf32>
      %add3A_365 = arith.addf %get3A_360, %get3A_364 : vector<16xf32>
      %swap3A_366 = arith.index_cast %scan3A_245 : i32 to index
      %swap3A_367 = arith.constant 128 : index
      %swap3A_368 = tpu.vector_load %arg10[%swap3A_366, %swap3A_367] {strides = array<i32>} : memref<16x768xf32, #tpu.memory_space<vmem>>, vector<1x16xf32>,
      %swap3A_369 = vector.shape_cast %swap3A_368 : vector<1x16xf32> to vector<16xf32>
      %swap3A_370 = vector.shape_cast %add3A_365 : vector<16xf32> to vector<1x16xf32>
      tpu.vector_store %arg10[%swap3A_366, %swap3A_367], %swap3A_370 {strides = array<i32>} : memref<16x768xf32, #tpu.memory_space<vmem>>, vector<1x16xf32>,
      %get3A_371 = arith.index_cast %scan3A_245 : i32 to index
      %get3A_372 = arith.constant 144 : index
      %get3A_373 = tpu.vector_load %arg10[%get3A_371, %get3A_372] {strides = array<i32>} : memref<16x768xf32, #tpu.memory_space<vmem>>, vector<1x16xf32>,
      %get3A_374 = vector.shape_cast %get3A_373 : vector<1x16xf32> to vector<16xf32>
      %get3A_375 = arith.index_cast %scan3A_245 : i32 to index
      %get3A_376 = arith.constant 144 : index
      %get3A_377 = tpu.vector_load %arg14[%get3A_375, %get3A_376] {strides = array<i32>} : memref<16x768xf32, #tpu.memory_space<vmem>>, vector<1x16xf32>,
      %get3A_378 = vector.shape_cast %get3A_377 : vector<1x16xf32> to vector<16xf32>
      %add3A_379 = arith.addf %get3A_374, %get3A_378 : vector<16xf32>
      %swap3A_380 = arith.index_cast %scan3A_245 : i32 to index
      %swap3A_381 = arith.constant 144 : index
      %swap3A_382 = tpu.vector_load %arg10[%swap3A_380, %swap3A_381] {strides = array<i32>} : memref<16x768xf32, #tpu.memory_space<vmem>>, vector<1x16xf32>,
      %swap3A_383 = vector.shape_cast %swap3A_382 : vector<1x16xf32> to vector<16xf32>
      %swap3A_384 = vector.shape_cast %add3A_379 : vector<16xf32> to vector<1x16xf32>
      tpu.vector_store %arg10[%swap3A_380, %swap3A_381], %swap3A_384 {strides = array<i32>} : memref<16x768xf32, #tpu.memory_space<vmem>>, vector<1x16xf32>,
      %get3A_385 = arith.index_cast %scan3A_245 : i32 to index
      %get3A_386 = arith.constant 160 : index
      %get3A_387 = tpu.vector_load %arg10[%get3A_385, %get3A_386] {strides = array<i32>} : memref<16x768xf32, #tpu.memory_space<vmem>>, vector<1x16xf32>,
      %get3A_388 = vector.shape_cast %get3A_387 : vector<1x16xf32> to vector<16xf32>
      %get3A_389 = arith.index_cast %scan3A_245 : i32 to index
      %get3A_390 = arith.constant 160 : index
      %get3A_391 = tpu.vector_load %arg14[%get3A_389, %get3A_390] {strides = array<i32>} : memref<16x768xf32, #tpu.memory_space<vmem>>, vector<1x16xf32>,
      %get3A_392 = vector.shape_cast %get3A_391 : vector<1x16xf32> to vector<16xf32>
      %add3A_393 = arith.addf %get3A_388, %get3A_392 : vector<16xf32>
      %swap3A_394 = arith.index_cast %scan3A_245 : i32 to index
      %swap3A_395 = arith.constant 160 : index
      %swap3A_396 = tpu.vector_load %arg10[%swap3A_394, %swap3A_395] {strides = array<i32>} : memref<16x768xf32, #tpu.memory_space<vmem>>, vector<1x16xf32>,
      %swap3A_397 = vector.shape_cast %swap3A_396 : vector<1x16xf32> to vector<16xf32>
      %swap3A_398 = vector.shape_cast %add3A_393 : vector<16xf32> to vector<1x16xf32>
      tpu.vector_store %arg10[%swap3A_394, %swap3A_395], %swap3A_398 {strides = array<i32>} : memref<16x768xf32, #tpu.memory_space<vmem>>, vector<1x16xf32>,
      %get3A_399 = arith.index_cast %scan3A_245 : i32 to index
      %get3A_400 = arith.constant 176 : index
      %get3A_401 = tpu.vector_load %arg10[%get3A_399, %get3A_400] {strides = array<i32>} : memref<16x768xf32, #tpu.memory_space<vmem>>, vector<1x16xf32>,
      %get3A_402 = vector.shape_cast %get3A_401 : vector<1x16xf32> to vector<16xf32>
      %get3A_403 = arith.index_cast %scan3A_245 : i32 to index
      %get3A_404 = arith.constant 176 : index
      %get3A_405 = tpu.vector_load %arg14[%get3A_403, %get3A_404] {strides = array<i32>} : memref<16x768xf32, #tpu.memory_space<vmem>>, vector<1x16xf32>,
      %get3A_406 = vector.shape_cast %get3A_405 : vector<1x16xf32> to vector<16xf32>
      %add3A_407 = arith.addf %get3A_402, %get3A_406 : vector<16xf32>
      %swap3A_408 = arith.index_cast %scan3A_245 : i32 to index
      %swap3A_409 = arith.constant 176 : index
      %swap3A_410 = tpu.vector_load %arg10[%swap3A_408, %swap3A_409] {strides = array<i32>} : memref<16x768xf32, #tpu.memory_space<vmem>>, vector<1x16xf32>,
      %swap3A_411 = vector.shape_cast %swap3A_410 : vector<1x16xf32> to vector<16xf32>
      %swap3A_412 = vector.shape_cast %add3A_407 : vector<16xf32> to vector<1x16xf32>
      tpu.vector_store %arg10[%swap3A_408, %swap3A_409], %swap3A_412 {strides = array<i32>} : memref<16x768xf32, #tpu.memory_space<vmem>>, vector<1x16xf32>,
      %get3A_413 = arith.index_cast %scan3A_245 : i32 to index
      %get3A_414 = arith.constant 192 : index
      %get3A_415 = tpu.vector_load %arg10[%get3A_413, %get3A_414] {strides = array<i32>} : memref<16x768xf32, #tpu.memory_space<vmem>>, vector<1x16xf32>,
      %get3A_416 = vector.shape_cast %get3A_415 : vector<1x16xf32> to vector<16xf32>
      %get3A_417 = arith.index_cast %scan3A_245 : i32 to index
      %get3A_418 = arith.constant 192 : index
      %get3A_419 = tpu.vector_load %arg14[%get3A_417, %get3A_418] {strides = array<i32>} : memref<16x768xf32, #tpu.memory_space<vmem>>, vector<1x16xf32>,
      %get3A_420 = vector.shape_cast %get3A_419 : vector<1x16xf32> to vector<16xf32>
      %add3A_421 = arith.addf %get3A_416, %get3A_420 : vector<16xf32>
      %swap3A_422 = arith.index_cast %scan3A_245 : i32 to index
      %swap3A_423 = arith.constant 192 : index
      %swap3A_424 = tpu.vector_load %arg10[%swap3A_422, %swap3A_423] {strides = array<i32>} : memref<16x768xf32, #tpu.memory_space<vmem>>, vector<1x16xf32>,
      %swap3A_425 = vector.shape_cast %swap3A_424 : vector<1x16xf32> to vector<16xf32>
      %swap3A_426 = vector.shape_cast %add3A_421 : vector<16xf32> to vector<1x16xf32>
      tpu.vector_store %arg10[%swap3A_422, %swap3A_423], %swap3A_426 {strides = array<i32>} : memref<16x768xf32, #tpu.memory_space<vmem>>, vector<1x16xf32>,
      %get3A_427 = arith.index_cast %scan3A_245 : i32 to index
      %get3A_428 = arith.constant 208 : index
      %get3A_429 = tpu.vector_load %arg10[%get3A_427, %get3A_428] {strides = array<i32>} : memref<16x768xf32, #tpu.memory_space<vmem>>, vector<1x16xf32>,
      %get3A_430 = vector.shape_cast %get3A_429 : vector<1x16xf32> to vector<16xf32>
      %get3A_431 = arith.index_cast %scan3A_245 : i32 to index
      %get3A_432 = arith.constant 208 : index
      %get3A_433 = tpu.vector_load %arg14[%get3A_431, %get3A_432] {strides = array<i32>} : memref<16x768xf32, #tpu.memory_space<vmem>>, vector<1x16xf32>,
      %get3A_434 = vector.shape_cast %get3A_433 : vector<1x16xf32> to vector<16xf32>
      %add3A_435 = arith.addf %get3A_430, %get3A_434 : vector<16xf32>
      %swap3A_436 = arith.index_cast %scan3A_245 : i32 to index
      %swap3A_437 = arith.constant 208 : index
      %swap3A_438 = tpu.vector_load %arg10[%swap3A_436, %swap3A_437] {strides = array<i32>} : memref<16x768xf32, #tpu.memory_space<vmem>>, vector<1x16xf32>,
      %swap3A_439 = vector.shape_cast %swap3A_438 : vector<1x16xf32> to vector<16xf32>
      %swap3A_440 = vector.shape_cast %add3A_435 : vector<16xf32> to vector<1x16xf32>
      tpu.vector_store %arg10[%swap3A_436, %swap3A_437], %swap3A_440 {strides = array<i32>} : memref<16x768xf32, #tpu.memory_space<vmem>>, vector<1x16xf32>,
      %get3A_441 = arith.index_cast %scan3A_245 : i32 to index
      %get3A_442 = arith.constant 224 : index
      %get3A_443 = tpu.vector_load %arg10[%get3A_441, %get3A_442] {strides = array<i32>} : memref<16x768xf32, #tpu.memory_space<vmem>>, vector<1x16xf32>,
      %get3A_444 = vector.shape_cast %get3A_443 : vector<1x16xf32> to vector<16xf32>
      %get3A_445 = arith.index_cast %scan3A_245 : i32 to index
      %get3A_446 = arith.constant 224 : index
      %get3A_447 = tpu.vector_load %arg14[%get3A_445, %get3A_446] {strides = array<i32>} : memref<16x768xf32, #tpu.memory_space<vmem>>, vector<1x16xf32>,
      %get3A_448 = vector.shape_cast %get3A_447 : vector<1x16xf32> to vector<16xf32>
      %add3A_449 = arith.addf %get3A_444, %get3A_448 : vector<16xf32>
      %swap3A_450 = arith.index_cast %scan3A_245 : i32 to index
      %swap3A_451 = arith.constant 224 : index
      %swap3A_452 = tpu.vector_load %arg10[%swap3A_450, %swap3A_451] {strides = array<i32>} : memref<16x768xf32, #tpu.memory_space<vmem>>, vector<1x16xf32>,
      %swap3A_453 = vector.shape_cast %swap3A_452 : vector<1x16xf32> to vector<16xf32>
      %swap3A_454 = vector.shape_cast %add3A_449 : vector<16xf32> to vector<1x16xf32>
      tpu.vector_store %arg10[%swap3A_450, %swap3A_451], %swap3A_454 {strides = array<i32>} : memref<16x768xf32, #tpu.memory_space<vmem>>, vector<1x16xf32>,
      %get3A_455 = arith.index_cast %scan3A_245 : i32 to index
      %get3A_456 = arith.constant 240 : index
      %get3A_457 = tpu.vector_load %arg10[%get3A_455, %get3A_456] {strides = array<i32>} : memref<16x768xf32, #tpu.memory_space<vmem>>, vector<1x16xf32>,
      %get3A_458 = vector.shape_cast %get3A_457 : vector<1x16xf32> to vector<16xf32>
      %get3A_459 = arith.index_cast %scan3A_245 : i32 to index
      %get3A_460 = arith.constant 240 : index
      %get3A_461 = tpu.vector_load %arg14[%get3A_459, %get3A_460] {strides = array<i32>} : memref<16x768xf32, #tpu.memory_space<vmem>>, vector<1x16xf32>,
      %get3A_462 = vector.shape_cast %get3A_461 : vector<1x16xf32> to vector<16xf32>
      %add3A_463 = arith.addf %get3A_458, %get3A_462 : vector<16xf32>
      %swap3A_464 = arith.index_cast %scan3A_245 : i32 to index
      %swap3A_465 = arith.constant 240 : index
      %swap3A_466 = tpu.vector_load %arg10[%swap3A_464, %swap3A_465] {strides = array<i32>} : memref<16x768xf32, #tpu.memory_space<vmem>>, vector<1x16xf32>,
      %swap3A_467 = vector.shape_cast %swap3A_466 : vector<1x16xf32> to vector<16xf32>
      %swap3A_468 = vector.shape_cast %add3A_463 : vector<16xf32> to vector<1x16xf32>
      tpu.vector_store %arg10[%swap3A_464, %swap3A_465], %swap3A_468 {strides = array<i32>} : memref<16x768xf32, #tpu.memory_space<vmem>>, vector<1x16xf32>,
      %get3A_469 = arith.index_cast %scan3A_245 : i32 to index
      %get3A_470 = arith.constant 256 : index
      %get3A_471 = tpu.vector_load %arg10[%get3A_469, %get3A_470] {strides = array<i32>} : memref<16x768xf32, #tpu.memory_space<vmem>>, vector<1x16xf32>,
      %get3A_472 = vector.shape_cast %get3A_471 : vector<1x16xf32> to vector<16xf32>
      %get3A_473 = arith.index_cast %scan3A_245 : i32 to index
      %get3A_474 = arith.constant 256 : index
      %get3A_475 = tpu.vector_load %arg14[%get3A_473, %get3A_474] {strides = array<i32>} : memref<16x768xf32, #tpu.memory_space<vmem>>, vector<1x16xf32>,
      %get3A_476 = vector.shape_cast %get3A_475 : vector<1x16xf32> to vector<16xf32>
      %add3A_477 = arith.addf %get3A_472, %get3A_476 : vector<16xf32>
      %swap3A_478 = arith.index_cast %scan3A_245 : i32 to index
      %swap3A_479 = arith.constant 256 : index
      %swap3A_480 = tpu.vector_load %arg10[%swap3A_478, %swap3A_479] {strides = array<i32>} : memref<16x768xf32, #tpu.memory_space<vmem>>, vector<1x16xf32>,
      %swap3A_481 = vector.shape_cast %swap3A_480 : vector<1x16xf32> to vector<16xf32>
      %swap3A_482 = vector.shape_cast %add3A_477 : vector<16xf32> to vector<1x16xf32>
      tpu.vector_store %arg10[%swap3A_478, %swap3A_479], %swap3A_482 {strides = array<i32>} : memref<16x768xf32, #tpu.memory_space<vmem>>, vector<1x16xf32>,
      %get3A_483 = arith.index_cast %scan3A_245 : i32 to index
      %get3A_484 = arith.constant 272 : index
      %get3A_485 = tpu.vector_load %arg10[%get3A_483, %get3A_484] {strides = array<i32>} : memref<16x768xf32, #tpu.memory_space<vmem>>, vector<1x16xf32>,
      %get3A_486 = vector.shape_cast %get3A_485 : vector<1x16xf32> to vector<16xf32>
      %get3A_487 = arith.index_cast %scan3A_245 : i32 to index
      %get3A_488 = arith.constant 272 : index
      %get3A_489 = tpu.vector_load %arg14[%get3A_487, %get3A_488] {strides = array<i32>} : memref<16x768xf32, #tpu.memory_space<vmem>>, vector<1x16xf32>,
      %get3A_490 = vector.shape_cast %get3A_489 : vector<1x16xf32> to vector<16xf32>
      %add3A_491 = arith.addf %get3A_486, %get3A_490 : vector<16xf32>
      %swap3A_492 = arith.index_cast %scan3A_245 : i32 to index
      %swap3A_493 = arith.constant 272 : index
      %swap3A_494 = tpu.vector_load %arg10[%swap3A_492, %swap3A_493] {strides = array<i32>} : memref<16x768xf32, #tpu.memory_space<vmem>>, vector<1x16xf32>,
      %swap3A_495 = vector.shape_cast %swap3A_494 : vector<1x16xf32> to vector<16xf32>
      %swap3A_496 = vector.shape_cast %add3A_491 : vector<16xf32> to vector<1x16xf32>
      tpu.vector_store %arg10[%swap3A_492, %swap3A_493], %swap3A_496 {strides = array<i32>} : memref<16x768xf32, #tpu.memory_space<vmem>>, vector<1x16xf32>,
      %get3A_497 = arith.index_cast %scan3A_245 : i32 to index
      %get3A_498 = arith.constant 288 : index
      %get3A_499 = tpu.vector_load %arg10[%get3A_497, %get3A_498] {strides = array<i32>} : memref<16x768xf32, #tpu.memory_space<vmem>>, vector<1x16xf32>,
      %get3A_500 = vector.shape_cast %get3A_499 : vector<1x16xf32> to vector<16xf32>
      %get3A_501 = arith.index_cast %scan3A_245 : i32 to index
      %get3A_502 = arith.constant 288 : index
      %get3A_503 = tpu.vector_load %arg14[%get3A_501, %get3A_502] {strides = array<i32>} : memref<16x768xf32, #tpu.memory_space<vmem>>, vector<1x16xf32>,
      %get3A_504 = vector.shape_cast %get3A_503 : vector<1x16xf32> to vector<16xf32>
      %add3A_505 = arith.addf %get3A_500, %get3A_504 : vector<16xf32>
      %swap3A_506 = arith.index_cast %scan3A_245 : i32 to index
      %swap3A_507 = arith.constant 288 : index
      %swap3A_508 = tpu.vector_load %arg10[%swap3A_506, %swap3A_507] {strides = array<i32>} : memref<16x768xf32, #tpu.memory_space<vmem>>, vector<1x16xf32>,
      %swap3A_509 = vector.shape_cast %swap3A_508 : vector<1x16xf32> to vector<16xf32>
      %swap3A_510 = vector.shape_cast %add3A_505 : vector<16xf32> to vector<1x16xf32>
      tpu.vector_store %arg10[%swap3A_506, %swap3A_507], %swap3A_510 {strides = array<i32>} : memref<16x768xf32, #tpu.memory_space<vmem>>, vector<1x16xf32>,
      %get3A_511 = arith.index_cast %scan3A_245 : i32 to index
      %get3A_512 = arith.constant 304 : index
      %get3A_513 = tpu.vector_load %arg10[%get3A_511, %get3A_512] {strides = array<i32>} : memref<16x768xf32, #tpu.memory_space<vmem>>, vector<1x16xf32>,
      %get3A_514 = vector.shape_cast %get3A_513 : vector<1x16xf32> to vector<16xf32>
      %get3A_515 = arith.index_cast %scan3A_245 : i32 to index
      %get3A_516 = arith.constant 304 : index
      %get3A_517 = tpu.vector_load %arg14[%get3A_515, %get3A_516] {strides = array<i32>} : memref<16x768xf32, #tpu.memory_space<vmem>>, vector<1x16xf32>,
      %get3A_518 = vector.shape_cast %get3A_517 : vector<1x16xf32> to vector<16xf32>
      %add3A_519 = arith.addf %get3A_514, %get3A_518 : vector<16xf32>
      %swap3A_520 = arith.index_cast %scan3A_245 : i32 to index
      %swap3A_521 = arith.constant 304 : index
      %swap3A_522 = tpu.vector_load %arg10[%swap3A_520, %swap3A_521] {strides = array<i32>} : memref<16x768xf32, #tpu.memory_space<vmem>>, vector<1x16xf32>,
      %swap3A_523 = vector.shape_cast %swap3A_522 : vector<1x16xf32> to vector<16xf32>
      %swap3A_524 = vector.shape_cast %add3A_519 : vector<16xf32> to vector<1x16xf32>
      tpu.vector_store %arg10[%swap3A_520, %swap3A_521], %swap3A_524 {strides = array<i32>} : memref<16x768xf32, #tpu.memory_space<vmem>>, vector<1x16xf32>,
      %get3A_525 = arith.index_cast %scan3A_245 : i32 to index
      %get3A_526 = arith.constant 320 : index
      %get3A_527 = tpu.vector_load %arg10[%get3A_525, %get3A_526] {strides = array<i32>} : memref<16x768xf32, #tpu.memory_space<vmem>>, vector<1x16xf32>,
      %get3A_528 = vector.shape_cast %get3A_527 : vector<1x16xf32> to vector<16xf32>
      %get3A_529 = arith.index_cast %scan3A_245 : i32 to index
      %get3A_530 = arith.constant 320 : index
      %get3A_531 = tpu.vector_load %arg14[%get3A_529, %get3A_530] {strides = array<i32>} : memref<16x768xf32, #tpu.memory_space<vmem>>, vector<1x16xf32>,
      %get3A_532 = vector.shape_cast %get3A_531 : vector<1x16xf32> to vector<16xf32>
      %add3A_533 = arith.addf %get3A_528, %get3A_532 : vector<16xf32>
      %swap3A_534 = arith.index_cast %scan3A_245 : i32 to index
      %swap3A_535 = arith.constant 320 : index
      %swap3A_536 = tpu.vector_load %arg10[%swap3A_534, %swap3A_535] {strides = array<i32>} : memref<16x768xf32, #tpu.memory_space<vmem>>, vector<1x16xf32>,
      %swap3A_537 = vector.shape_cast %swap3A_536 : vector<1x16xf32> to vector<16xf32>
      %swap3A_538 = vector.shape_cast %add3A_533 : vector<16xf32> to vector<1x16xf32>
      tpu.vector_store %arg10[%swap3A_534, %swap3A_535], %swap3A_538 {strides = array<i32>} : memref<16x768xf32, #tpu.memory_space<vmem>>, vector<1x16xf32>,
      %get3A_539 = arith.index_cast %scan3A_245 : i32 to index
      %get3A_540 = arith.constant 336 : index
      %get3A_541 = tpu.vector_load %arg10[%get3A_539, %get3A_540] {strides = array<i32>} : memref<16x768xf32, #tpu.memory_space<vmem>>, vector<1x16xf32>,
      %get3A_542 = vector.shape_cast %get3A_541 : vector<1x16xf32> to vector<16xf32>
      %get3A_543 = arith.index_cast %scan3A_245 : i32 to index
      %get3A_544 = arith.constant 336 : index
      %get3A_545 = tpu.vector_load %arg14[%get3A_543, %get3A_544] {strides = array<i32>} : memref<16x768xf32, #tpu.memory_space<vmem>>, vector<1x16xf32>,
      %get3A_546 = vector.shape_cast %get3A_545 : vector<1x16xf32> to vector<16xf32>
      %add3A_547 = arith.addf %get3A_542, %get3A_546 : vector<16xf32>
      %swap3A_548 = arith.index_cast %scan3A_245 : i32 to index
      %swap3A_549 = arith.constant 336 : index
      %swap3A_550 = tpu.vector_load %arg10[%swap3A_548, %swap3A_549] {strides = array<i32>} : memref<16x768xf32, #tpu.memory_space<vmem>>, vector<1x16xf32>,
      %swap3A_551 = vector.shape_cast %swap3A_550 : vector<1x16xf32> to vector<16xf32>
      %swap3A_552 = vector.shape_cast %add3A_547 : vector<16xf32> to vector<1x16xf32>
      tpu.vector_store %arg10[%swap3A_548, %swap3A_549], %swap3A_552 {strides = array<i32>} : memref<16x768xf32, #tpu.memory_space<vmem>>, vector<1x16xf32>,
      %get3A_553 = arith.index_cast %scan3A_245 : i32 to index
      %get3A_554 = arith.constant 352 : index
      %get3A_555 = tpu.vector_load %arg10[%get3A_553, %get3A_554] {strides = array<i32>} : memref<16x768xf32, #tpu.memory_space<vmem>>, vector<1x16xf32>,
      %get3A_556 = vector.shape_cast %get3A_555 : vector<1x16xf32> to vector<16xf32>
      %get3A_557 = arith.index_cast %scan3A_245 : i32 to index
      %get3A_558 = arith.constant 352 : index
      %get3A_559 = tpu.vector_load %arg14[%get3A_557, %get3A_558] {strides = array<i32>} : memref<16x768xf32, #tpu.memory_space<vmem>>, vector<1x16xf32>,
      %get3A_560 = vector.shape_cast %get3A_559 : vector<1x16xf32> to vector<16xf32>
      %add3A_561 = arith.addf %get3A_556, %get3A_560 : vector<16xf32>
      %swap3A_562 = arith.index_cast %scan3A_245 : i32 to index
      %swap3A_563 = arith.constant 352 : index
      %swap3A_564 = tpu.vector_load %arg10[%swap3A_562, %swap3A_563] {strides = array<i32>} : memref<16x768xf32, #tpu.memory_space<vmem>>, vector<1x16xf32>,
      %swap3A_565 = vector.shape_cast %swap3A_564 : vector<1x16xf32> to vector<16xf32>
      %swap3A_566 = vector.shape_cast %add3A_561 : vector<16xf32> to vector<1x16xf32>
      tpu.vector_store %arg10[%swap3A_562, %swap3A_563], %swap3A_566 {strides = array<i32>} : memref<16x768xf32, #tpu.memory_space<vmem>>, vector<1x16xf32>,
      %get3A_567 = arith.index_cast %scan3A_245 : i32 to index
      %get3A_568 = arith.constant 368 : index
      %get3A_569 = tpu.vector_load %arg10[%get3A_567, %get3A_568] {strides = array<i32>} : memref<16x768xf32, #tpu.memory_space<vmem>>, vector<1x16xf32>,
      %get3A_570 = vector.shape_cast %get3A_569 : vector<1x16xf32> to vector<16xf32>
      %get3A_571 = arith.index_cast %scan3A_245 : i32 to index
      %get3A_572 = arith.constant 368 : index
      %get3A_573 = tpu.vector_load %arg14[%get3A_571, %get3A_572] {strides = array<i32>} : memref<16x768xf32, #tpu.memory_space<vmem>>, vector<1x16xf32>,
      %get3A_574 = vector.shape_cast %get3A_573 : vector<1x16xf32> to vector<16xf32>
      %add3A_575 = arith.addf %get3A_570, %get3A_574 : vector<16xf32>
      %swap3A_576 = arith.index_cast %scan3A_245 : i32 to index
      %swap3A_577 = arith.constant 368 : index
      %swap3A_578 = tpu.vector_load %arg10[%swap3A_576, %swap3A_577] {strides = array<i32>} : memref<16x768xf32, #tpu.memory_space<vmem>>, vector<1x16xf32>,
      %swap3A_579 = vector.shape_cast %swap3A_578 : vector<1x16xf32> to vector<16xf32>
      %swap3A_580 = vector.shape_cast %add3A_575 : vector<16xf32> to vector<1x16xf32>
      tpu.vector_store %arg10[%swap3A_576, %swap3A_577], %swap3A_580 {strides = array<i32>} : memref<16x768xf32, #tpu.memory_space<vmem>>, vector<1x16xf32>,
      %get3A_581 = arith.index_cast %scan3A_245 : i32 to index
      %get3A_582 = arith.constant 384 : index
      %get3A_583 = tpu.vector_load %arg10[%get3A_581, %get3A_582] {strides = array<i32>} : memref<16x768xf32, #tpu.memory_space<vmem>>, vector<1x16xf32>,
      %get3A_584 = vector.shape_cast %get3A_583 : vector<1x16xf32> to vector<16xf32>
      %get3A_585 = arith.index_cast %scan3A_245 : i32 to index
      %get3A_586 = arith.constant 384 : index
      %get3A_587 = tpu.vector_load %arg14[%get3A_585, %get3A_586] {strides = array<i32>} : memref<16x768xf32, #tpu.memory_space<vmem>>, vector<1x16xf32>,
      %get3A_588 = vector.shape_cast %get3A_587 : vector<1x16xf32> to vector<16xf32>
      %add3A_589 = arith.addf %get3A_584, %get3A_588 : vector<16xf32>
      %swap3A_590 = arith.index_cast %scan3A_245 : i32 to index
      %swap3A_591 = arith.constant 384 : index
      %swap3A_592 = tpu.vector_load %arg10[%swap3A_590, %swap3A_591] {strides = array<i32>} : memref<16x768xf32, #tpu.memory_space<vmem>>, vector<1x16xf32>,
      %swap3A_593 = vector.shape_cast %swap3A_592 : vector<1x16xf32> to vector<16xf32>
      %swap3A_594 = vector.shape_cast %add3A_589 : vector<16xf32> to vector<1x16xf32>
      tpu.vector_store %arg10[%swap3A_590, %swap3A_591], %swap3A_594 {strides = array<i32>} : memref<16x768xf32, #tpu.memory_space<vmem>>, vector<1x16xf32>,
      %get3A_595 = arith.index_cast %scan3A_245 : i32 to index
      %get3A_596 = arith.constant 400 : index
      %get3A_597 = tpu.vector_load %arg10[%get3A_595, %get3A_596] {strides = array<i32>} : memref<16x768xf32, #tpu.memory_space<vmem>>, vector<1x16xf32>,
      %get3A_598 = vector.shape_cast %get3A_597 : vector<1x16xf32> to vector<16xf32>
      %get3A_599 = arith.index_cast %scan3A_245 : i32 to index
      %get3A_600 = arith.constant 400 : index
      %get3A_601 = tpu.vector_load %arg14[%get3A_599, %get3A_600] {strides = array<i32>} : memref<16x768xf32, #tpu.memory_space<vmem>>, vector<1x16xf32>,
      %get3A_602 = vector.shape_cast %get3A_601 : vector<1x16xf32> to vector<16xf32>
      %add3A_603 = arith.addf %get3A_598, %get3A_602 : vector<16xf32>
      %swap3A_604 = arith.index_cast %scan3A_245 : i32 to index
      %swap3A_605 = arith.constant 400 : index
      %swap3A_606 = tpu.vector_load %arg10[%swap3A_604, %swap3A_605] {strides = array<i32>} : memref<16x768xf32, #tpu.memory_space<vmem>>, vector<1x16xf32>,
      %swap3A_607 = vector.shape_cast %swap3A_606 : vector<1x16xf32> to vector<16xf32>
      %swap3A_608 = vector.shape_cast %add3A_603 : vector<16xf32> to vector<1x16xf32>
      tpu.vector_store %arg10[%swap3A_604, %swap3A_605], %swap3A_608 {strides = array<i32>} : memref<16x768xf32, #tpu.memory_space<vmem>>, vector<1x16xf32>,
      %get3A_609 = arith.index_cast %scan3A_245 : i32 to index
      %get3A_610 = arith.constant 416 : index
      %get3A_611 = tpu.vector_load %arg10[%get3A_609, %get3A_610] {strides = array<i32>} : memref<16x768xf32, #tpu.memory_space<vmem>>, vector<1x16xf32>,
      %get3A_612 = vector.shape_cast %get3A_611 : vector<1x16xf32> to vector<16xf32>
      %get3A_613 = arith.index_cast %scan3A_245 : i32 to index
      %get3A_614 = arith.constant 416 : index
      %get3A_615 = tpu.vector_load %arg14[%get3A_613, %get3A_614] {strides = array<i32>} : memref<16x768xf32, #tpu.memory_space<vmem>>, vector<1x16xf32>,
      %get3A_616 = vector.shape_cast %get3A_615 : vector<1x16xf32> to vector<16xf32>
      %add3A_617 = arith.addf %get3A_612, %get3A_616 : vector<16xf32>
      %swap3A_618 = arith.index_cast %scan3A_245 : i32 to index
      %swap3A_619 = arith.constant 416 : index
      %swap3A_620 = tpu.vector_load %arg10[%swap3A_618, %swap3A_619] {strides = array<i32>} : memref<16x768xf32, #tpu.memory_space<vmem>>, vector<1x16xf32>,
      %swap3A_621 = vector.shape_cast %swap3A_620 : vector<1x16xf32> to vector<16xf32>
      %swap3A_622 = vector.shape_cast %add3A_617 : vector<16xf32> to vector<1x16xf32>
      tpu.vector_store %arg10[%swap3A_618, %swap3A_619], %swap3A_622 {strides = array<i32>} : memref<16x768xf32, #tpu.memory_space<vmem>>, vector<1x16xf32>,
      %get3A_623 = arith.index_cast %scan3A_245 : i32 to index
      %get3A_624 = arith.constant 432 : index
      %get3A_625 = tpu.vector_load %arg10[%get3A_623, %get3A_624] {strides = array<i32>} : memref<16x768xf32, #tpu.memory_space<vmem>>, vector<1x16xf32>,
      %get3A_626 = vector.shape_cast %get3A_625 : vector<1x16xf32> to vector<16xf32>
      %get3A_627 = arith.index_cast %scan3A_245 : i32 to index
      %get3A_628 = arith.constant 432 : index
      %get3A_629 = tpu.vector_load %arg14[%get3A_627, %get3A_628] {strides = array<i32>} : memref<16x768xf32, #tpu.memory_space<vmem>>, vector<1x16xf32>,
      %get3A_630 = vector.shape_cast %get3A_629 : vector<1x16xf32> to vector<16xf32>
      %add3A_631 = arith.addf %get3A_626, %get3A_630 : vector<16xf32>
      %swap3A_632 = arith.index_cast %scan3A_245 : i32 to index
      %swap3A_633 = arith.constant 432 : index
      %swap3A_634 = tpu.vector_load %arg10[%swap3A_632, %swap3A_633] {strides = array<i32>} : memref<16x768xf32, #tpu.memory_space<vmem>>, vector<1x16xf32>,
      %swap3A_635 = vector.shape_cast %swap3A_634 : vector<1x16xf32> to vector<16xf32>
      %swap3A_636 = vector.shape_cast %add3A_631 : vector<16xf32> to vector<1x16xf32>
      tpu.vector_store %arg10[%swap3A_632, %swap3A_633], %swap3A_636 {strides = array<i32>} : memref<16x768xf32, #tpu.memory_space<vmem>>, vector<1x16xf32>,
      %get3A_637 = arith.index_cast %scan3A_245 : i32 to index
      %get3A_638 = arith.constant 448 : index
      %get3A_639 = tpu.vector_load %arg10[%get3A_637, %get3A_638] {strides = array<i32>} : memref<16x768xf32, #tpu.memory_space<vmem>>, vector<1x16xf32>,
      %get3A_640 = vector.shape_cast %get3A_639 : vector<1x16xf32> to vector<16xf32>
      %get3A_641 = arith.index_cast %scan3A_245 : i32 to index
      %get3A_642 = arith.constant 448 : index
      %get3A_643 = tpu.vector_load %arg14[%get3A_641, %get3A_642] {strides = array<i32>} : memref<16x768xf32, #tpu.memory_space<vmem>>, vector<1x16xf32>,
      %get3A_644 = vector.shape_cast %get3A_643 : vector<1x16xf32> to vector<16xf32>
      %add3A_645 = arith.addf %get3A_640, %get3A_644 : vector<16xf32>
      %swap3A_646 = arith.index_cast %scan3A_245 : i32 to index
      %swap3A_647 = arith.constant 448 : index
      %swap3A_648 = tpu.vector_load %arg10[%swap3A_646, %swap3A_647] {strides = array<i32>} : memref<16x768xf32, #tpu.memory_space<vmem>>, vector<1x16xf32>,
      %swap3A_649 = vector.shape_cast %swap3A_648 : vector<1x16xf32> to vector<16xf32>
      %swap3A_650 = vector.shape_cast %add3A_645 : vector<16xf32> to vector<1x16xf32>
      tpu.vector_store %arg10[%swap3A_646, %swap3A_647], %swap3A_650 {strides = array<i32>} : memref<16x768xf32, #tpu.memory_space<vmem>>, vector<1x16xf32>,
      %get3A_651 = arith.index_cast %scan3A_245 : i32 to index
      %get3A_652 = arith.constant 464 : index
      %get3A_653 = tpu.vector_load %arg10[%get3A_651, %get3A_652] {strides = array<i32>} : memref<16x768xf32, #tpu.memory_space<vmem>>, vector<1x16xf32>,
      %get3A_654 = vector.shape_cast %get3A_653 : vector<1x16xf32> to vector<16xf32>
      %get3A_655 = arith.index_cast %scan3A_245 : i32 to index
      %get3A_656 = arith.constant 464 : index
      %get3A_657 = tpu.vector_load %arg14[%get3A_655, %get3A_656] {strides = array<i32>} : memref<16x768xf32, #tpu.memory_space<vmem>>, vector<1x16xf32>,
      %get3A_658 = vector.shape_cast %get3A_657 : vector<1x16xf32> to vector<16xf32>
      %add3A_659 = arith.addf %get3A_654, %get3A_658 : vector<16xf32>
      %swap3A_660 = arith.index_cast %scan3A_245 : i32 to index
      %swap3A_661 = arith.constant 464 : index
      %swap3A_662 = tpu.vector_load %arg10[%swap3A_660, %swap3A_661] {strides = array<i32>} : memref<16x768xf32, #tpu.memory_space<vmem>>, vector<1x16xf32>,
      %swap3A_663 = vector.shape_cast %swap3A_662 : vector<1x16xf32> to vector<16xf32>
      %swap3A_664 = vector.shape_cast %add3A_659 : vector<16xf32> to vector<1x16xf32>
      tpu.vector_store %arg10[%swap3A_660, %swap3A_661], %swap3A_664 {strides = array<i32>} : memref<16x768xf32, #tpu.memory_space<vmem>>, vector<1x16xf32>,
      %get3A_665 = arith.index_cast %scan3A_245 : i32 to index
      %get3A_666 = arith.constant 480 : index
      %get3A_667 = tpu.vector_load %arg10[%get3A_665, %get3A_666] {strides = array<i32>} : memref<16x768xf32, #tpu.memory_space<vmem>>, vector<1x16xf32>,
      %get3A_668 = vector.shape_cast %get3A_667 : vector<1x16xf32> to vector<16xf32>
      %get3A_669 = arith.index_cast %scan3A_245 : i32 to index
      %get3A_670 = arith.constant 480 : index
      %get3A_671 = tpu.vector_load %arg14[%get3A_669, %get3A_670] {strides = array<i32>} : memref<16x768xf32, #tpu.memory_space<vmem>>, vector<1x16xf32>,
      %get3A_672 = vector.shape_cast %get3A_671 : vector<1x16xf32> to vector<16xf32>
      %add3A_673 = arith.addf %get3A_668, %get3A_672 : vector<16xf32>
      %swap3A_674 = arith.index_cast %scan3A_245 : i32 to index
      %swap3A_675 = arith.constant 480 : index
      %swap3A_676 = tpu.vector_load %arg10[%swap3A_674, %swap3A_675] {strides = array<i32>} : memref<16x768xf32, #tpu.memory_space<vmem>>, vector<1x16xf32>,
      %swap3A_677 = vector.shape_cast %swap3A_676 : vector<1x16xf32> to vector<16xf32>
      %swap3A_678 = vector.shape_cast %add3A_673 : vector<16xf32> to vector<1x16xf32>
      tpu.vector_store %arg10[%swap3A_674, %swap3A_675], %swap3A_678 {strides = array<i32>} : memref<16x768xf32, #tpu.memory_space<vmem>>, vector<1x16xf32>,
      %get3A_679 = arith.index_cast %scan3A_245 : i32 to index
      %get3A_680 = arith.constant 496 : index
      %get3A_681 = tpu.vector_load %arg10[%get3A_679, %get3A_680] {strides = array<i32>} : memref<16x768xf32, #tpu.memory_space<vmem>>, vector<1x16xf32>,
      %get3A_682 = vector.shape_cast %get3A_681 : vector<1x16xf32> to vector<16xf32>
      %get3A_683 = arith.index_cast %scan3A_245 : i32 to index
      %get3A_684 = arith.constant 496 : index
      %get3A_685 = tpu.vector_load %arg14[%get3A_683, %get3A_684] {strides = array<i32>} : memref<16x768xf32, #tpu.memory_space<vmem>>, vector<1x16xf32>,
      %get3A_686 = vector.shape_cast %get3A_685 : vector<1x16xf32> to vector<16xf32>
      %add3A_687 = arith.addf %get3A_682, %get3A_686 : vector<16xf32>
      %swap3A_688 = arith.index_cast %scan3A_245 : i32 to index
      %swap3A_689 = arith.constant 496 : index
      %swap3A_690 = tpu.vector_load %arg10[%swap3A_688, %swap3A_689] {strides = array<i32>} : memref<16x768xf32, #tpu.memory_space<vmem>>, vector<1x16xf32>,
      %swap3A_691 = vector.shape_cast %swap3A_690 : vector<1x16xf32> to vector<16xf32>
      %swap3A_692 = vector.shape_cast %add3A_687 : vector<16xf32> to vector<1x16xf32>
      tpu.vector_store %arg10[%swap3A_688, %swap3A_689], %swap3A_692 {strides = array<i32>} : memref<16x768xf32, #tpu.memory_space<vmem>>, vector<1x16xf32>,
      %get3A_693 = arith.index_cast %scan3A_245 : i32 to index
      %get3A_694 = arith.constant 512 : index
      %get3A_695 = tpu.vector_load %arg10[%get3A_693, %get3A_694] {strides = array<i32>} : memref<16x768xf32, #tpu.memory_space<vmem>>, vector<1x16xf32>,
      %get3A_696 = vector.shape_cast %get3A_695 : vector<1x16xf32> to vector<16xf32>
      %get3A_697 = arith.index_cast %scan3A_245 : i32 to index
      %get3A_698 = arith.constant 512 : index
      %get3A_699 = tpu.vector_load %arg14[%get3A_697, %get3A_698] {strides = array<i32>} : memref<16x768xf32, #tpu.memory_space<vmem>>, vector<1x16xf32>,
      %get3A_700 = vector.shape_cast %get3A_699 : vector<1x16xf32> to vector<16xf32>
      %add3A_701 = arith.addf %get3A_696, %get3A_700 : vector<16xf32>
      %swap3A_702 = arith.index_cast %scan3A_245 : i32 to index
      %swap3A_703 = arith.constant 512 : index
      %swap3A_704 = tpu.vector_load %arg10[%swap3A_702, %swap3A_703] {strides = array<i32>} : memref<16x768xf32, #tpu.memory_space<vmem>>, vector<1x16xf32>,
      %swap3A_705 = vector.shape_cast %swap3A_704 : vector<1x16xf32> to vector<16xf32>
      %swap3A_706 = vector.shape_cast %add3A_701 : vector<16xf32> to vector<1x16xf32>
      tpu.vector_store %arg10[%swap3A_702, %swap3A_703], %swap3A_706 {strides = array<i32>} : memref<16x768xf32, #tpu.memory_space<vmem>>, vector<1x16xf32>,
      %get3A_707 = arith.index_cast %scan3A_245 : i32 to index
      %get3A_708 = arith.constant 528 : index
      %get3A_709 = tpu.vector_load %arg10[%get3A_707, %get3A_708] {strides = array<i32>} : memref<16x768xf32, #tpu.memory_space<vmem>>, vector<1x16xf32>,
      %get3A_710 = vector.shape_cast %get3A_709 : vector<1x16xf32> to vector<16xf32>
      %get3A_711 = arith.index_cast %scan3A_245 : i32 to index
      %get3A_712 = arith.constant 528 : index
      %get3A_713 = tpu.vector_load %arg14[%get3A_711, %get3A_712] {strides = array<i32>} : memref<16x768xf32, #tpu.memory_space<vmem>>, vector<1x16xf32>,
      %get3A_714 = vector.shape_cast %get3A_713 : vector<1x16xf32> to vector<16xf32>
      %add3A_715 = arith.addf %get3A_710, %get3A_714 : vector<16xf32>
      %swap3A_716 = arith.index_cast %scan3A_245 : i32 to index
      %swap3A_717 = arith.constant 528 : index
      %swap3A_718 = tpu.vector_load %arg10[%swap3A_716, %swap3A_717] {strides = array<i32>} : memref<16x768xf32, #tpu.memory_space<vmem>>, vector<1x16xf32>,
      %swap3A_719 = vector.shape_cast %swap3A_718 : vector<1x16xf32> to vector<16xf32>
      %swap3A_720 = vector.shape_cast %add3A_715 : vector<16xf32> to vector<1x16xf32>
      tpu.vector_store %arg10[%swap3A_716, %swap3A_717], %swap3A_720 {strides = array<i32>} : memref<16x768xf32, #tpu.memory_space<vmem>>, vector<1x16xf32>,
      %get3A_721 = arith.index_cast %scan3A_245 : i32 to index
      %get3A_722 = arith.constant 544 : index
      %get3A_723 = tpu.vector_load %arg10[%get3A_721, %get3A_722] {strides = array<i32>} : memref<16x768xf32, #tpu.memory_space<vmem>>, vector<1x16xf32>,
      %get3A_724 = vector.shape_cast %get3A_723 : vector<1x16xf32> to vector<16xf32>
      %get3A_725 = arith.index_cast %scan3A_245 : i32 to index
      %get3A_726 = arith.constant 544 : index
      %get3A_727 = tpu.vector_load %arg14[%get3A_725, %get3A_726] {strides = array<i32>} : memref<16x768xf32, #tpu.memory_space<vmem>>, vector<1x16xf32>,
      %get3A_728 = vector.shape_cast %get3A_727 : vector<1x16xf32> to vector<16xf32>
      %add3A_729 = arith.addf %get3A_724, %get3A_728 : vector<16xf32>
      %swap3A_730 = arith.index_cast %scan3A_245 : i32 to index
      %swap3A_731 = arith.constant 544 : index
      %swap3A_732 = tpu.vector_load %arg10[%swap3A_730, %swap3A_731] {strides = array<i32>} : memref<16x768xf32, #tpu.memory_space<vmem>>, vector<1x16xf32>,
      %swap3A_733 = vector.shape_cast %swap3A_732 : vector<1x16xf32> to vector<16xf32>
      %swap3A_734 = vector.shape_cast %add3A_729 : vector<16xf32> to vector<1x16xf32>
      tpu.vector_store %arg10[%swap3A_730, %swap3A_731], %swap3A_734 {strides = array<i32>} : memref<16x768xf32, #tpu.memory_space<vmem>>, vector<1x16xf32>,
      %get3A_735 = arith.index_cast %scan3A_245 : i32 to index
      %get3A_736 = arith.constant 560 : index
      %get3A_737 = tpu.vector_load %arg10[%get3A_735, %get3A_736] {strides = array<i32>} : memref<16x768xf32, #tpu.memory_space<vmem>>, vector<1x16xf32>,
      %get3A_738 = vector.shape_cast %get3A_737 : vector<1x16xf32> to vector<16xf32>
      %get3A_739 = arith.index_cast %scan3A_245 : i32 to index
      %get3A_740 = arith.constant 560 : index
      %get3A_741 = tpu.vector_load %arg14[%get3A_739, %get3A_740] {strides = array<i32>} : memref<16x768xf32, #tpu.memory_space<vmem>>, vector<1x16xf32>,
      %get3A_742 = vector.shape_cast %get3A_741 : vector<1x16xf32> to vector<16xf32>
      %add3A_743 = arith.addf %get3A_738, %get3A_742 : vector<16xf32>
      %swap3A_744 = arith.index_cast %scan3A_245 : i32 to index
      %swap3A_745 = arith.constant 560 : index
      %swap3A_746 = tpu.vector_load %arg10[%swap3A_744, %swap3A_745] {strides = array<i32>} : memref<16x768xf32, #tpu.memory_space<vmem>>, vector<1x16xf32>,
      %swap3A_747 = vector.shape_cast %swap3A_746 : vector<1x16xf32> to vector<16xf32>
      %swap3A_748 = vector.shape_cast %add3A_743 : vector<16xf32> to vector<1x16xf32>
      tpu.vector_store %arg10[%swap3A_744, %swap3A_745], %swap3A_748 {strides = array<i32>} : memref<16x768xf32, #tpu.memory_space<vmem>>, vector<1x16xf32>,
      %get3A_749 = arith.index_cast %scan3A_245 : i32 to index
      %get3A_750 = arith.constant 576 : index
      %get3A_751 = tpu.vector_load %arg10[%get3A_749, %get3A_750] {strides = array<i32>} : memref<16x768xf32, #tpu.memory_space<vmem>>, vector<1x16xf32>,
      %get3A_752 = vector.shape_cast %get3A_751 : vector<1x16xf32> to vector<16xf32>
      %get3A_753 = arith.index_cast %scan3A_245 : i32 to index
      %get3A_754 = arith.constant 576 : index
      %get3A_755 = tpu.vector_load %arg14[%get3A_753, %get3A_754] {strides = array<i32>} : memref<16x768xf32, #tpu.memory_space<vmem>>, vector<1x16xf32>,
      %get3A_756 = vector.shape_cast %get3A_755 : vector<1x16xf32> to vector<16xf32>
      %add3A_757 = arith.addf %get3A_752, %get3A_756 : vector<16xf32>
      %swap3A_758 = arith.index_cast %scan3A_245 : i32 to index
      %swap3A_759 = arith.constant 576 : index
      %swap3A_760 = tpu.vector_load %arg10[%swap3A_758, %swap3A_759] {strides = array<i32>} : memref<16x768xf32, #tpu.memory_space<vmem>>, vector<1x16xf32>,
      %swap3A_761 = vector.shape_cast %swap3A_760 : vector<1x16xf32> to vector<16xf32>
      %swap3A_762 = vector.shape_cast %add3A_757 : vector<16xf32> to vector<1x16xf32>
      tpu.vector_store %arg10[%swap3A_758, %swap3A_759], %swap3A_762 {strides = array<i32>} : memref<16x768xf32, #tpu.memory_space<vmem>>, vector<1x16xf32>,
      %get3A_763 = arith.index_cast %scan3A_245 : i32 to index
      %get3A_764 = arith.constant 592 : index
      %get3A_765 = tpu.vector_load %arg10[%get3A_763, %get3A_764] {strides = array<i32>} : memref<16x768xf32, #tpu.memory_space<vmem>>, vector<1x16xf32>,
      %get3A_766 = vector.shape_cast %get3A_765 : vector<1x16xf32> to vector<16xf32>
      %get3A_767 = arith.index_cast %scan3A_245 : i32 to index
      %get3A_768 = arith.constant 592 : index
      %get3A_769 = tpu.vector_load %arg14[%get3A_767, %get3A_768] {strides = array<i32>} : memref<16x768xf32, #tpu.memory_space<vmem>>, vector<1x16xf32>,
      %get3A_770 = vector.shape_cast %get3A_769 : vector<1x16xf32> to vector<16xf32>
      %add3A_771 = arith.addf %get3A_766, %get3A_770 : vector<16xf32>
      %swap3A_772 = arith.index_cast %scan3A_245 : i32 to index
      %swap3A_773 = arith.constant 592 : index
      %swap3A_774 = tpu.vector_load %arg10[%swap3A_772, %swap3A_773] {strides = array<i32>} : memref<16x768xf32, #tpu.memory_space<vmem>>, vector<1x16xf32>,
      %swap3A_775 = vector.shape_cast %swap3A_774 : vector<1x16xf32> to vector<16xf32>
      %swap3A_776 = vector.shape_cast %add3A_771 : vector<16xf32> to vector<1x16xf32>
      tpu.vector_store %arg10[%swap3A_772, %swap3A_773], %swap3A_776 {strides = array<i32>} : memref<16x768xf32, #tpu.memory_space<vmem>>, vector<1x16xf32>,
      %get3A_777 = arith.index_cast %scan3A_245 : i32 to index
      %get3A_778 = arith.constant 608 : index
      %get3A_779 = tpu.vector_load %arg10[%get3A_777, %get3A_778] {strides = array<i32>} : memref<16x768xf32, #tpu.memory_space<vmem>>, vector<1x16xf32>,
      %get3A_780 = vector.shape_cast %get3A_779 : vector<1x16xf32> to vector<16xf32>
      %get3A_781 = arith.index_cast %scan3A_245 : i32 to index
      %get3A_782 = arith.constant 608 : index
      %get3A_783 = tpu.vector_load %arg14[%get3A_781, %get3A_782] {strides = array<i32>} : memref<16x768xf32, #tpu.memory_space<vmem>>, vector<1x16xf32>,
      %get3A_784 = vector.shape_cast %get3A_783 : vector<1x16xf32> to vector<16xf32>
      %add3A_785 = arith.addf %get3A_780, %get3A_784 : vector<16xf32>
      %swap3A_786 = arith.index_cast %scan3A_245 : i32 to index
      %swap3A_787 = arith.constant 608 : index
      %swap3A_788 = tpu.vector_load %arg10[%swap3A_786, %swap3A_787] {strides = array<i32>} : memref<16x768xf32, #tpu.memory_space<vmem>>, vector<1x16xf32>,
      %swap3A_789 = vector.shape_cast %swap3A_788 : vector<1x16xf32> to vector<16xf32>
      %swap3A_790 = vector.shape_cast %add3A_785 : vector<16xf32> to vector<1x16xf32>
      tpu.vector_store %arg10[%swap3A_786, %swap3A_787], %swap3A_790 {strides = array<i32>} : memref<16x768xf32, #tpu.memory_space<vmem>>, vector<1x16xf32>,
      %get3A_791 = arith.index_cast %scan3A_245 : i32 to index
      %get3A_792 = arith.constant 624 : index
      %get3A_793 = tpu.vector_load %arg10[%get3A_791, %get3A_792] {strides = array<i32>} : memref<16x768xf32, #tpu.memory_space<vmem>>, vector<1x16xf32>,
      %get3A_794 = vector.shape_cast %get3A_793 : vector<1x16xf32> to vector<16xf32>
      %get3A_795 = arith.index_cast %scan3A_245 : i32 to index
      %get3A_796 = arith.constant 624 : index
      %get3A_797 = tpu.vector_load %arg14[%get3A_795, %get3A_796] {strides = array<i32>} : memref<16x768xf32, #tpu.memory_space<vmem>>, vector<1x16xf32>,
      %get3A_798 = vector.shape_cast %get3A_797 : vector<1x16xf32> to vector<16xf32>
      %add3A_799 = arith.addf %get3A_794, %get3A_798 : vector<16xf32>
      %swap3A_800 = arith.index_cast %scan3A_245 : i32 to index
      %swap3A_801 = arith.constant 624 : index
      %swap3A_802 = tpu.vector_load %arg10[%swap3A_800, %swap3A_801] {strides = array<i32>} : memref<16x768xf32, #tpu.memory_space<vmem>>, vector<1x16xf32>,
      %swap3A_803 = vector.shape_cast %swap3A_802 : vector<1x16xf32> to vector<16xf32>
      %swap3A_804 = vector.shape_cast %add3A_799 : vector<16xf32> to vector<1x16xf32>
      tpu.vector_store %arg10[%swap3A_800, %swap3A_801], %swap3A_804 {strides = array<i32>} : memref<16x768xf32, #tpu.memory_space<vmem>>, vector<1x16xf32>,
      %get3A_805 = arith.index_cast %scan3A_245 : i32 to index
      %get3A_806 = arith.constant 640 : index
      %get3A_807 = tpu.vector_load %arg10[%get3A_805, %get3A_806] {strides = array<i32>} : memref<16x768xf32, #tpu.memory_space<vmem>>, vector<1x16xf32>,
      %get3A_808 = vector.shape_cast %get3A_807 : vector<1x16xf32> to vector<16xf32>
      %get3A_809 = arith.index_cast %scan3A_245 : i32 to index
      %get3A_810 = arith.constant 640 : index
      %get3A_811 = tpu.vector_load %arg14[%get3A_809, %get3A_810] {strides = array<i32>} : memref<16x768xf32, #tpu.memory_space<vmem>>, vector<1x16xf32>,
      %get3A_812 = vector.shape_cast %get3A_811 : vector<1x16xf32> to vector<16xf32>
      %add3A_813 = arith.addf %get3A_808, %get3A_812 : vector<16xf32>
      %swap3A_814 = arith.index_cast %scan3A_245 : i32 to index
      %swap3A_815 = arith.constant 640 : index
      %swap3A_816 = tpu.vector_load %arg10[%swap3A_814, %swap3A_815] {strides = array<i32>} : memref<16x768xf32, #tpu.memory_space<vmem>>, vector<1x16xf32>,
      %swap3A_817 = vector.shape_cast %swap3A_816 : vector<1x16xf32> to vector<16xf32>
      %swap3A_818 = vector.shape_cast %add3A_813 : vector<16xf32> to vector<1x16xf32>
      tpu.vector_store %arg10[%swap3A_814, %swap3A_815], %swap3A_818 {strides = array<i32>} : memref<16x768xf32, #tpu.memory_space<vmem>>, vector<1x16xf32>,
      %get3A_819 = arith.index_cast %scan3A_245 : i32 to index
      %get3A_820 = arith.constant 656 : index
      %get3A_821 = tpu.vector_load %arg10[%get3A_819, %get3A_820] {strides = array<i32>} : memref<16x768xf32, #tpu.memory_space<vmem>>, vector<1x16xf32>,
      %get3A_822 = vector.shape_cast %get3A_821 : vector<1x16xf32> to vector<16xf32>
      %get3A_823 = arith.index_cast %scan3A_245 : i32 to index
      %get3A_824 = arith.constant 656 : index
      %get3A_825 = tpu.vector_load %arg14[%get3A_823, %get3A_824] {strides = array<i32>} : memref<16x768xf32, #tpu.memory_space<vmem>>, vector<1x16xf32>,
      %get3A_826 = vector.shape_cast %get3A_825 : vector<1x16xf32> to vector<16xf32>
      %add3A_827 = arith.addf %get3A_822, %get3A_826 : vector<16xf32>
      %swap3A_828 = arith.index_cast %scan3A_245 : i32 to index
      %swap3A_829 = arith.constant 656 : index
      %swap3A_830 = tpu.vector_load %arg10[%swap3A_828, %swap3A_829] {strides = array<i32>} : memref<16x768xf32, #tpu.memory_space<vmem>>, vector<1x16xf32>,
      %swap3A_831 = vector.shape_cast %swap3A_830 : vector<1x16xf32> to vector<16xf32>
      %swap3A_832 = vector.shape_cast %add3A_827 : vector<16xf32> to vector<1x16xf32>
      tpu.vector_store %arg10[%swap3A_828, %swap3A_829], %swap3A_832 {strides = array<i32>} : memref<16x768xf32, #tpu.memory_space<vmem>>, vector<1x16xf32>,
      %get3A_833 = arith.index_cast %scan3A_245 : i32 to index
      %get3A_834 = arith.constant 672 : index
      %get3A_835 = tpu.vector_load %arg10[%get3A_833, %get3A_834] {strides = array<i32>} : memref<16x768xf32, #tpu.memory_space<vmem>>, vector<1x16xf32>,
      %get3A_836 = vector.shape_cast %get3A_835 : vector<1x16xf32> to vector<16xf32>
      %get3A_837 = arith.index_cast %scan3A_245 : i32 to index
      %get3A_838 = arith.constant 672 : index
      %get3A_839 = tpu.vector_load %arg14[%get3A_837, %get3A_838] {strides = array<i32>} : memref<16x768xf32, #tpu.memory_space<vmem>>, vector<1x16xf32>,
      %get3A_840 = vector.shape_cast %get3A_839 : vector<1x16xf32> to vector<16xf32>
      %add3A_841 = arith.addf %get3A_836, %get3A_840 : vector<16xf32>
      %swap3A_842 = arith.index_cast %scan3A_245 : i32 to index
      %swap3A_843 = arith.constant 672 : index
      %swap3A_844 = tpu.vector_load %arg10[%swap3A_842, %swap3A_843] {strides = array<i32>} : memref<16x768xf32, #tpu.memory_space<vmem>>, vector<1x16xf32>,
      %swap3A_845 = vector.shape_cast %swap3A_844 : vector<1x16xf32> to vector<16xf32>
      %swap3A_846 = vector.shape_cast %add3A_841 : vector<16xf32> to vector<1x16xf32>
      tpu.vector_store %arg10[%swap3A_842, %swap3A_843], %swap3A_846 {strides = array<i32>} : memref<16x768xf32, #tpu.memory_space<vmem>>, vector<1x16xf32>,
      %get3A_847 = arith.index_cast %scan3A_245 : i32 to index
      %get3A_848 = arith.constant 688 : index
      %get3A_849 = tpu.vector_load %arg10[%get3A_847, %get3A_848] {strides = array<i32>} : memref<16x768xf32, #tpu.memory_space<vmem>>, vector<1x16xf32>,
      %get3A_850 = vector.shape_cast %get3A_849 : vector<1x16xf32> to vector<16xf32>
      %get3A_851 = arith.index_cast %scan3A_245 : i32 to index
      %get3A_852 = arith.constant 688 : index
      %get3A_853 = tpu.vector_load %arg14[%get3A_851, %get3A_852] {strides = array<i32>} : memref<16x768xf32, #tpu.memory_space<vmem>>, vector<1x16xf32>,
      %get3A_854 = vector.shape_cast %get3A_853 : vector<1x16xf32> to vector<16xf32>
      %add3A_855 = arith.addf %get3A_850, %get3A_854 : vector<16xf32>
      %swap3A_856 = arith.index_cast %scan3A_245 : i32 to index
      %swap3A_857 = arith.constant 688 : index
      %swap3A_858 = tpu.vector_load %arg10[%swap3A_856, %swap3A_857] {strides = array<i32>} : memref<16x768xf32, #tpu.memory_space<vmem>>, vector<1x16xf32>,
      %swap3A_859 = vector.shape_cast %swap3A_858 : vector<1x16xf32> to vector<16xf32>
      %swap3A_860 = vector.shape_cast %add3A_855 : vector<16xf32> to vector<1x16xf32>
      tpu.vector_store %arg10[%swap3A_856, %swap3A_857], %swap3A_860 {strides = array<i32>} : memref<16x768xf32, #tpu.memory_space<vmem>>, vector<1x16xf32>,
      %get3A_861 = arith.index_cast %scan3A_245 : i32 to index
      %get3A_862 = arith.constant 704 : index
      %get3A_863 = tpu.vector_load %arg10[%get3A_861, %get3A_862] {strides = array<i32>} : memref<16x768xf32, #tpu.memory_space<vmem>>, vector<1x16xf32>,
      %get3A_864 = vector.shape_cast %get3A_863 : vector<1x16xf32> to vector<16xf32>
      %get3A_865 = arith.index_cast %scan3A_245 : i32 to index
      %get3A_866 = arith.constant 704 : index
      %get3A_867 = tpu.vector_load %arg14[%get3A_865, %get3A_866] {strides = array<i32>} : memref<16x768xf32, #tpu.memory_space<vmem>>, vector<1x16xf32>,
      %get3A_868 = vector.shape_cast %get3A_867 : vector<1x16xf32> to vector<16xf32>
      %add3A_869 = arith.addf %get3A_864, %get3A_868 : vector<16xf32>
      %swap3A_870 = arith.index_cast %scan3A_245 : i32 to index
      %swap3A_871 = arith.constant 704 : index
      %swap3A_872 = tpu.vector_load %arg10[%swap3A_870, %swap3A_871] {strides = array<i32>} : memref<16x768xf32, #tpu.memory_space<vmem>>, vector<1x16xf32>,
      %swap3A_873 = vector.shape_cast %swap3A_872 : vector<1x16xf32> to vector<16xf32>
      %swap3A_874 = vector.shape_cast %add3A_869 : vector<16xf32> to vector<1x16xf32>
      tpu.vector_store %arg10[%swap3A_870, %swap3A_871], %swap3A_874 {strides = array<i32>} : memref<16x768xf32, #tpu.memory_space<vmem>>, vector<1x16xf32>,
      %get3A_875 = arith.index_cast %scan3A_245 : i32 to index
      %get3A_876 = arith.constant 720 : index
      %get3A_877 = tpu.vector_load %arg10[%get3A_875, %get3A_876] {strides = array<i32>} : memref<16x768xf32, #tpu.memory_space<vmem>>, vector<1x16xf32>,
      %get3A_878 = vector.shape_cast %get3A_877 : vector<1x16xf32> to vector<16xf32>
      %get3A_879 = arith.index_cast %scan3A_245 : i32 to index
      %get3A_880 = arith.constant 720 : index
      %get3A_881 = tpu.vector_load %arg14[%get3A_879, %get3A_880] {strides = array<i32>} : memref<16x768xf32, #tpu.memory_space<vmem>>, vector<1x16xf32>,
      %get3A_882 = vector.shape_cast %get3A_881 : vector<1x16xf32> to vector<16xf32>
      %add3A_883 = arith.addf %get3A_878, %get3A_882 : vector<16xf32>
      %swap3A_884 = arith.index_cast %scan3A_245 : i32 to index
      %swap3A_885 = arith.constant 720 : index
      %swap3A_886 = tpu.vector_load %arg10[%swap3A_884, %swap3A_885] {strides = array<i32>} : memref<16x768xf32, #tpu.memory_space<vmem>>, vector<1x16xf32>,
      %swap3A_887 = vector.shape_cast %swap3A_886 : vector<1x16xf32> to vector<16xf32>
      %swap3A_888 = vector.shape_cast %add3A_883 : vector<16xf32> to vector<1x16xf32>
      tpu.vector_store %arg10[%swap3A_884, %swap3A_885], %swap3A_888 {strides = array<i32>} : memref<16x768xf32, #tpu.memory_space<vmem>>, vector<1x16xf32>,
      %get3A_889 = arith.index_cast %scan3A_245 : i32 to index
      %get3A_890 = arith.constant 736 : index
      %get3A_891 = tpu.vector_load %arg10[%get3A_889, %get3A_890] {strides = array<i32>} : memref<16x768xf32, #tpu.memory_space<vmem>>, vector<1x16xf32>,
      %get3A_892 = vector.shape_cast %get3A_891 : vector<1x16xf32> to vector<16xf32>
      %get3A_893 = arith.index_cast %scan3A_245 : i32 to index
      %get3A_894 = arith.constant 736 : index
      %get3A_895 = tpu.vector_load %arg14[%get3A_893, %get3A_894] {strides = array<i32>} : memref<16x768xf32, #tpu.memory_space<vmem>>, vector<1x16xf32>,
      %get3A_896 = vector.shape_cast %get3A_895 : vector<1x16xf32> to vector<16xf32>
      %add3A_897 = arith.addf %get3A_892, %get3A_896 : vector<16xf32>
      %swap3A_898 = arith.index_cast %scan3A_245 : i32 to index
      %swap3A_899 = arith.constant 736 : index
      %swap3A_900 = tpu.vector_load %arg10[%swap3A_898, %swap3A_899] {strides = array<i32>} : memref<16x768xf32, #tpu.memory_space<vmem>>, vector<1x16xf32>,
      %swap3A_901 = vector.shape_cast %swap3A_900 : vector<1x16xf32> to vector<16xf32>
      %swap3A_902 = vector.shape_cast %add3A_897 : vector<16xf32> to vector<1x16xf32>
      tpu.vector_store %arg10[%swap3A_898, %swap3A_899], %swap3A_902 {strides = array<i32>} : memref<16x768xf32, #tpu.memory_space<vmem>>, vector<1x16xf32>,
      %get3A_903 = arith.index_cast %scan3A_245 : i32 to index
      %get3A_904 = arith.constant 752 : index
      %get3A_905 = tpu.vector_load %arg10[%get3A_903, %get3A_904] {strides = array<i32>} : memref<16x768xf32, #tpu.memory_space<vmem>>, vector<1x16xf32>,
      %get3A_906 = vector.shape_cast %get3A_905 : vector<1x16xf32> to vector<16xf32>
      %get3A_907 = arith.index_cast %scan3A_245 : i32 to index
      %get3A_908 = arith.constant 752 : index
      %get3A_909 = tpu.vector_load %arg14[%get3A_907, %get3A_908] {strides = array<i32>} : memref<16x768xf32, #tpu.memory_space<vmem>>, vector<1x16xf32>,
      %get3A_910 = vector.shape_cast %get3A_909 : vector<1x16xf32> to vector<16xf32>
      %add3A_911 = arith.addf %get3A_906, %get3A_910 : vector<16xf32>
      %swap3A_912 = arith.index_cast %scan3A_245 : i32 to index
      %swap3A_913 = arith.constant 752 : index
      %swap3A_914 = tpu.vector_load %arg10[%swap3A_912, %swap3A_913] {strides = array<i32>} : memref<16x768xf32, #tpu.memory_space<vmem>>, vector<1x16xf32>,
      %swap3A_915 = vector.shape_cast %swap3A_914 : vector<1x16xf32> to vector<16xf32>
      %swap3A_916 = vector.shape_cast %add3A_911 : vector<16xf32> to vector<1x16xf32>
      tpu.vector_store %arg10[%swap3A_912, %swap3A_913], %swap3A_916 {strides = array<i32>} : memref<16x768xf32, #tpu.memory_space<vmem>>, vector<1x16xf32>,
      %scan3A_917 = arith.constant 0 : i32
      scf.yield %scan3A_917 : i32
    }
    %scan3A_211 = arith.constant 16 : i32
    %mul3A_212 = arith.constant 16 : i32
    %mul3A_213 = arith.muli %add3A_191, %mul3A_212 : i32
    %add3A_214 = arith.addi %add3A_37, %mul3A_213 : i32
    %dma_start3A_215 = arith.constant 0 : i32
    %dma_start3A_216 = tpu.memref_slice %arg5[%add3A_214, %dma_start3A_215] : memref<32768x768xf32, #tpu.memory_space<hbm>> -> memref<16x768xf32, #tpu.memory_space<hbm>>
    %dma_start3A_217 = arith.constant 0 : i32
    %dma_start3A_218 = tpu.memref_slice %arg5[%add3A_214, %dma_start3A_217] : memref<32768x768xf32, #tpu.memory_space<hbm>> -> memref<16x768xf32, #tpu.memory_space<hbm>>
    tpu.enqueue_dma source(%arg10 : memref<16x768xf32, #tpu.memory_space<vmem>>) target(%dma_start3A_218 : memref<16x768xf32, #tpu.memory_space<hbm>>) target_semaphore(%arg26 : memref<!tpu.dma_semaphore, #tpu.memory_space<semaphore_mem>>)
    %ge3A_219 = arith.constant 2 : i32
    %ge3A_220 = arith.cmpi sge, %add3A_191, %ge3A_219 : i32
    %convert_element_type3A_221 = arith.extui %ge3A_220 : i1 to i32
    %cond3A_222 = arith.constant 0 : i32
    %cond3A_223 = arith.cmpi ne, %convert_element_type3A_221, %cond3A_222 : i32
    scf.if %cond3A_223 {
      %sub3A_245 = arith.constant 2 : i32
      %sub3A_246 = arith.subi %add3A_191, %sub3A_245 : i32
      %mul3A_247 = arith.constant 16 : i32
      %mul3A_248 = arith.muli %sub3A_246, %mul3A_247 : i32
      %add3A_249 = arith.addi %add3A_37, %mul3A_248 : i32
      %dma_wait3A_250 = arith.constant 0 : i32
      %dma_wait3A_251 = tpu.memref_slice %arg5[%add3A_249, %dma_wait3A_250] : memref<32768x768xf32, #tpu.memory_space<hbm>> -> memref<16x768xf32, #tpu.memory_space<hbm>>
      %dma_wait3A_252 = arith.constant 0 : i32
      %dma_wait3A_253 = tpu.memref_slice %arg5[%add3A_249, %dma_wait3A_252] : memref<32768x768xf32, #tpu.memory_space<hbm>> -> memref<16x768xf32, #tpu.memory_space<hbm>>
      tpu.wait_dma2 semaphore(%arg24 : memref<!tpu.dma_semaphore, #tpu.memory_space<semaphore_mem>>) src(%arg8 : memref<16x768xf32, #tpu.memory_space<vmem>>) dst(%dma_wait3A_253 : memref<16x768xf32, #tpu.memory_space<hbm>>)
    } else {
    }
    %add3A_224 = arith.constant 2 : i32
    %add3A_225 = arith.addi %add3A_191, %add3A_224 : i32
    %lt3A_226 = arith.constant 4 : i32
    %lt3A_227 = arith.cmpi slt, %add3A_225, %lt3A_226 : i32
    %convert_element_type3A_228 = arith.extui %lt3A_227 : i1 to i32
    %cond3A_229 = arith.constant 0 : i32
    %cond3A_230 = arith.cmpi ne, %convert_element_type3A_228, %cond3A_229 : i32
    scf.if %cond3A_230 {
      %add3A_245 = arith.constant 2 : i32
      %add3A_246 = arith.addi %add3A_191, %add3A_245 : i32
      %mul3A_247 = arith.constant 16 : i32
      %mul3A_248 = arith.muli %add3A_246, %mul3A_247 : i32
      %add3A_249 = arith.addi %add3A_37, %mul3A_248 : i32
      %dma_start3A_250 = arith.constant 0 : i32
      %dma_start3A_251 = tpu.memref_slice %arg2[%add3A_249, %dma_start3A_250] : memref<32768x768xf32, #tpu.memory_space<hbm>> -> memref<16x768xf32, #tpu.memory_space<hbm>>
      %dma_start3A_252 = arith.constant 0 : i32
      %dma_start3A_253 = tpu.memref_slice %arg2[%add3A_249, %dma_start3A_252] : memref<32768x768xf32, #tpu.memory_space<hbm>> -> memref<16x768xf32, #tpu.memory_space<hbm>>
      tpu.enqueue_dma source(%dma_start3A_253 : memref<16x768xf32, #tpu.memory_space<hbm>>) target(%arg8 : memref<16x768xf32, #tpu.memory_space<vmem>>) target_semaphore(%arg16 : memref<!tpu.dma_semaphore, #tpu.memory_space<semaphore_mem>>)
      %mul3A_254 = arith.constant 16 : i32
      %mul3A_255 = arith.muli %add3A_246, %mul3A_254 : i32
      %dma_start3A_256 = tpu.memref_slice %arg6[%mul3A_255] : memref<64xi32, #tpu.memory_space<vmem>> -> memref<16xi32, #tpu.memory_space<vmem>>
      %dma_start3A_257 = arith.constant 0 : i32
      %dma_start3A_258 = arith.constant 0 : i32
      %dma_start3A_259 = tpu.memref_slice %arg4[%dma_start3A_257, %dma_start3A_258] : memref<1024x768xf32, #tpu.memory_space<hbm>> -> memref<1024x768xf32, #tpu.memory_space<hbm>>
      tpu.enqueue_indirect_dma source(%dma_start3A_259 : memref<1024x768xf32, #tpu.memory_space<hbm>>) target(%arg12 : memref<16x768xf32, #tpu.memory_space<vmem>>) offsets(%dma_start3A_256 : memref<16xi32, #tpu.memory_space<vmem>>) semaphore(%arg20 : memref<!tpu.dma_semaphore, #tpu.memory_space<semaphore_mem>>)
    } else {
    }
    %scan3A_231 = arith.constant 0 : i32
    %scan3A_232 = arith.constant 1 : i32
    %add3A_233 = arith.constant 32 : i32
    %add3A_234 = arith.addi %add3A_37, %add3A_233 : i32
    %dma_wait3A_235 = arith.constant 0 : i32
    %dma_wait3A_236 = tpu.memref_slice %arg5[%add3A_234, %dma_wait3A_235] : memref<32768x768xf32, #tpu.memory_space<hbm>> -> memref<16x768xf32, #tpu.memory_space<hbm>>
    %dma_wait3A_237 = arith.constant 0 : i32
    %dma_wait3A_238 = tpu.memref_slice %arg5[%add3A_234, %dma_wait3A_237] : memref<32768x768xf32, #tpu.memory_space<hbm>> -> memref<16x768xf32, #tpu.memory_space<hbm>>
    tpu.wait_dma2 semaphore(%arg25 : memref<!tpu.dma_semaphore, #tpu.memory_space<semaphore_mem>>) src(%arg9 : memref<16x768xf32, #tpu.memory_space<vmem>>) dst(%dma_wait3A_238 : memref<16x768xf32, #tpu.memory_space<hbm>>)
    %add3A_239 = arith.constant 48 : i32
    %add3A_240 = arith.addi %add3A_37, %add3A_239 : i32
    %dma_wait3A_241 = arith.constant 0 : i32
    %dma_wait3A_242 = tpu.memref_slice %arg5[%add3A_240, %dma_wait3A_241] : memref<32768x768xf32, #tpu.memory_space<hbm>> -> memref<16x768xf32, #tpu.memory_space<hbm>>
    %dma_wait3A_243 = arith.constant 0 : i32
    %dma_wait3A_244 = tpu.memref_slice %arg5[%add3A_240, %dma_wait3A_243] : memref<32768x768xf32, #tpu.memory_space<hbm>> -> memref<16x768xf32, #tpu.memory_space<hbm>>
    tpu.wait_dma2 semaphore(%arg26 : memref<!tpu.dma_semaphore, #tpu.memory_space<semaphore_mem>>) src(%arg10 : memref<16x768xf32, #tpu.memory_space<vmem>>) dst(%dma_wait3A_244 : memref<16x768xf32, #tpu.memory_space<hbm>>)
    return
  }
}

module attributes {stable_mosaic.version = 14 : i64} {
  func.func @_poolmid_body(%arg0: i32, %arg1: i32, %arg2: memref<1xf32, #tpu.memory_space<smem>>, %arg3: memref<1xi32, #tpu.memory_space<smem>>, %arg4: memref<1x1x1024xi32, #tpu.memory_space<vmem>>, %arg5: memref<1x1024x768xf32, #tpu.memory_space<vmem>>, %arg6: memref<256x256xf32, #tpu.memory_space<vmem>>, %arg7: memref<768x768xf32, #tpu.memory_space<vmem>>, %arg8: memref<1x256x768xf32, #tpu.memory_space<vmem>>, %arg9: memref<256x768xf32, #tpu.memory_space<vmem>>, %arg10: memref<1x256xf32, #tpu.memory_space<vmem>>) attributes {dimension_semantics = [#tpu.dimension_semantics<arbitrary>, #tpu.dimension_semantics<arbitrary>], iteration_bounds = array<i64: 4, 8>, scalar_prefetch = 0 : i64, scratch_operands = 2 : i64, tpu.core_type = #tpu.core_type<tc>, window_params = [{transform_indices = @transform_0, window_bounds = array<i64: 1>}, {transform_indices = @transform_1, window_bounds = array<i64: 1>}, {transform_indices = @transform_2, window_bounds = array<i64: 1, 1, 1024>}, {transform_indices = @transform_3, window_bounds = array<i64: 1, 1024, 768>}, {pipeline_mode = #tpu.pipeline_mode<synchronous>, transform_indices = @transform_4, window_bounds = array<i64: 256, 256>}, {pipeline_mode = #tpu.pipeline_mode<synchronous>, transform_indices = @transform_5, window_bounds = array<i64: 768, 768>}, {transform_indices = @transform_6, window_bounds = array<i64: 1, 256, 768>}]} {
    %get3A = arith.constant 0 : index
    %get3A_0 = arith.constant 0 : index
    %get3A_1 = arith.constant 0 : index
    %get3A_2 = vector.load %arg4[%get3A, %get3A_0, %get3A_1] : memref<1x1x1024xi32, #tpu.memory_space<vmem>>, vector<1x1x1024xi32>
    %get3A_3 = vector.shape_cast %get3A_2 : vector<1x1x1024xi32> to vector<1024xi32>
    %iota3A = tpu.iota {dimensions = array<i32: 0>} : vector<256x1024xi32>
    %broadcast_in_dim3A = vector.shape_cast %get3A_3 : vector<1024xi32> to vector<1x1024xi32>
    %eq3A = vector.broadcast %broadcast_in_dim3A : vector<1x1024xi32> to vector<256x1024xi32>
    %eq3A_4 = arith.cmpi eq, %iota3A, %eq3A : vector<256x1024xi32>
    %convert_element_type3A = arith.extui %eq3A_4 : vector<256x1024xi1> to vector<256x1024xi32>
    %convert_element_type3A_5 = arith.sitofp %convert_element_type3A : vector<256x1024xi32> to vector<256x1024xf32>
    %convert_element_type3A_6 = arith.truncf %convert_element_type3A_5 : vector<256x1024xf32> to vector<256x1024xbf16>
    %get3A_7 = arith.constant 0 : index
    %get3A_8 = arith.constant 0 : index
    %get3A_9 = arith.constant 0 : index
    %get3A_10 = vector.load %arg5[%get3A_7, %get3A_8, %get3A_9] : memref<1x1024x768xf32, #tpu.memory_space<vmem>>, vector<1x1024x768xf32>
    %get3A_11 = vector.shape_cast %get3A_10 : vector<1x1024x768xf32> to vector<1024x768xf32>
    %convert_element_type3A_12 = arith.truncf %get3A_11 : vector<1024x768xf32> to vector<1024x768xbf16>
    %dot_general3A = arith.constant dense<0.000000e+00> : vector<256x768xf32>
    %dot_general3A_13 = tpu.matmul %convert_element_type3A_6, %convert_element_type3A_12, %dot_general3A {dimension_numbers = #tpu.dot_dimension_numbers<[1], [0], [0], [1], [0, 0, 1, 1], [], []>, transpose_lhs_hint = false} : vector<256x1024xbf16>, vector<1024x768xbf16>, vector<256x768xf32> -> vector<256x768xf32>
    %eq3A_14 = arith.constant 0 : i32
    %eq3A_15 = arith.cmpi eq, %arg1, %eq3A_14 : i32
    %convert_element_type3A_16 = arith.extui %eq3A_15 : i1 to i32
    %cond3A = arith.constant 0 : i32
    %cond3A_17 = arith.cmpi ne, %convert_element_type3A_16, %cond3A : i32
    scf.if %cond3A_17 {
      %swap3A = arith.constant 0 : index
      %swap3A_48 = arith.constant 0 : index
      %swap3A_49 = vector.load %arg9[%swap3A, %swap3A_48] : memref<256x768xf32, #tpu.memory_space<vmem>>, vector<256x768xf32>
      tpu.vector_store %arg9[%swap3A, %swap3A_48], %dot_general3A_13 {strides = array<i32>} : memref<256x768xf32, #tpu.memory_space<vmem>>, vector<256x768xf32>,
    } else {
    }
    %ne3A = arith.constant 0 : i32
    %ne3A_18 = arith.cmpi ne, %arg1, %ne3A : i32
    %convert_element_type3A_19 = arith.extui %ne3A_18 : i1 to i32
    %cond3A_20 = arith.constant 0 : i32
    %cond3A_21 = arith.cmpi ne, %convert_element_type3A_19, %cond3A_20 : i32
    scf.if %cond3A_21 {
      %get3A_48 = arith.constant 0 : index
      %get3A_49 = arith.constant 0 : index
      %get3A_50 = vector.load %arg9[%get3A_48, %get3A_49] : memref<256x768xf32, #tpu.memory_space<vmem>>, vector<256x768xf32>
      %add3A = arith.addf %get3A_50, %dot_general3A_13 : vector<256x768xf32>
      %swap3A = arith.constant 0 : index
      %swap3A_51 = arith.constant 0 : index
      %swap3A_52 = vector.load %arg9[%swap3A, %swap3A_51] : memref<256x768xf32, #tpu.memory_space<vmem>>, vector<256x768xf32>
      tpu.vector_store %arg9[%swap3A, %swap3A_51], %add3A {strides = array<i32>} : memref<256x768xf32, #tpu.memory_space<vmem>>, vector<256x768xf32>,
    } else {
    }
    %broadcast_in_dim3A_22 = vector.shape_cast %get3A_3 : vector<1024xi32> to vector<1x1024xi32>
    %eq3A_23 = vector.broadcast %broadcast_in_dim3A_22 : vector<1x1024xi32> to vector<256x1024xi32>
    %eq3A_24 = arith.cmpi eq, %iota3A, %eq3A_23 : vector<256x1024xi32>
    %convert_element_type3A_25 = arith.extui %eq3A_24 : vector<256x1024xi1> to vector<256x1024xi32>
    %convert_element_type3A_26 = arith.sitofp %convert_element_type3A_25 : vector<256x1024xi32> to vector<256x1024xf32>
    %reduce_sum3A = arith.constant dense<0.000000e+00> : vector<256xf32>
    %reduce_sum3A_27 = vector.multi_reduction <add>, %convert_element_type3A_26, %reduce_sum3A [1] : vector<256x1024xf32> to vector<256xf32>
    %eq3A_28 = arith.constant 0 : i32
    %eq3A_29 = arith.cmpi eq, %arg0, %eq3A_28 : i32
    %eq3A_30 = arith.constant 0 : i32
    %eq3A_31 = arith.cmpi eq, %arg1, %eq3A_30 : i32
    %and3A = arith.andi %eq3A_29, %eq3A_31 : i1
    %convert_element_type3A_32 = arith.extui %and3A : i1 to i32
    %cond3A_33 = arith.constant 0 : i32
    %cond3A_34 = arith.cmpi ne, %convert_element_type3A_32, %cond3A_33 : i32
    scf.if %cond3A_34 {
      %swap3A = arith.constant 0 : index
      %swap3A_48 = arith.constant 0 : index
      %swap3A_49 = vector.load %arg10[%swap3A, %swap3A_48] : memref<1x256xf32, #tpu.memory_space<vmem>>, vector<1x256xf32>
      %swap3A_50 = vector.shape_cast %swap3A_49 : vector<1x256xf32> to vector<256xf32>
      %swap3A_51 = vector.shape_cast %reduce_sum3A_27 : vector<256xf32> to vector<1x256xf32>
      tpu.vector_store %arg10[%swap3A, %swap3A_48], %swap3A_51 {strides = array<i32>} : memref<1x256xf32, #tpu.memory_space<vmem>>, vector<1x256xf32>,
    } else {
    }
    %eq3A_35 = arith.constant 0 : i32
    %eq3A_36 = arith.cmpi eq, %arg0, %eq3A_35 : i32
    %ne3A_37 = arith.constant 0 : i32
    %ne3A_38 = arith.cmpi ne, %arg1, %ne3A_37 : i32
    %and3A_39 = arith.andi %eq3A_36, %ne3A_38 : i1
    %convert_element_type3A_40 = arith.extui %and3A_39 : i1 to i32
    %cond3A_41 = arith.constant 0 : i32
    %cond3A_42 = arith.cmpi ne, %convert_element_type3A_40, %cond3A_41 : i32
    scf.if %cond3A_42 {
      %get3A_48 = arith.constant 0 : index
      %get3A_49 = arith.constant 0 : index
      %get3A_50 = vector.load %arg10[%get3A_48, %get3A_49] : memref<1x256xf32, #tpu.memory_space<vmem>>, vector<1x256xf32>
      %get3A_51 = vector.shape_cast %get3A_50 : vector<1x256xf32> to vector<256xf32>
      %add3A = arith.addf %get3A_51, %reduce_sum3A_27 : vector<256xf32>
      %swap3A = arith.constant 0 : index
      %swap3A_52 = arith.constant 0 : index
      %swap3A_53 = vector.load %arg10[%swap3A, %swap3A_52] : memref<1x256xf32, #tpu.memory_space<vmem>>, vector<1x256xf32>
      %swap3A_54 = vector.shape_cast %swap3A_53 : vector<1x256xf32> to vector<256xf32>
      %swap3A_55 = vector.shape_cast %add3A : vector<256xf32> to vector<1x256xf32>
      tpu.vector_store %arg10[%swap3A, %swap3A_52], %swap3A_55 {strides = array<i32>} : memref<1x256xf32, #tpu.memory_space<vmem>>, vector<1x256xf32>,
    } else {
    }
    %eq3A_43 = arith.constant 7 : i32
    %eq3A_44 = arith.cmpi eq, %arg1, %eq3A_43 : i32
    %convert_element_type3A_45 = arith.extui %eq3A_44 : i1 to i32
    %cond3A_46 = arith.constant 0 : i32
    %cond3A_47 = arith.cmpi ne, %convert_element_type3A_45, %cond3A_46 : i32
    scf.if %cond3A_47 {
      %get3A_48 = arith.constant 0 : index
      %get3A_49 = arith.constant 0 : index
      %get3A_50 = vector.load %arg10[%get3A_48, %get3A_49] : memref<1x256xf32, #tpu.memory_space<vmem>>, vector<1x256xf32>
      %get3A_51 = vector.shape_cast %get3A_50 : vector<1x256xf32> to vector<256xf32>
      %max3A = arith.constant 1.000000e+00 : f32
      %max3A_52 = vector.broadcast %max3A : f32 to vector<256xf32>
      %max3A_53 = arith.maximumf %get3A_51, %max3A_52 : vector<256xf32>
      %div3A = arith.constant 1.000000e+00 : f32
      %div3A_54 = vector.broadcast %div3A : f32 to vector<256xf32>
      %div3A_55 = arith.divf %div3A_54, %max3A_53 : vector<256xf32>
      %get3A_56 = arith.constant 0 : index
      %get3A_57 = memref.load %arg2[%get3A_56] : memref<1xf32, #tpu.memory_space<smem>>
      %tanh3A = math.tanh %get3A_57 : f32
      %get3A_58 = arith.constant 0 : index
      %get3A_59 = arith.constant 0 : index
      %get3A_60 = vector.load %arg9[%get3A_58, %get3A_59] : memref<256x768xf32, #tpu.memory_space<vmem>>, vector<256x768xf32>
      %broadcast_in_dim3A_61 = vector.shape_cast %div3A_55 : vector<256xf32> to vector<256x1xf32>
      %mul3A = vector.broadcast %broadcast_in_dim3A_61 : vector<256x1xf32> to vector<256x768xf32>
      %mul3A_62 = arith.mulf %get3A_60, %mul3A : vector<256x768xf32>
      %get3A_63 = arith.constant 0 : index
      %get3A_64 = memref.load %arg3[%get3A_63] : memref<1xi32, #tpu.memory_space<smem>>
      %max3A_65 = arith.constant 1 : i32
      %max3A_66 = arith.maxsi %max3A_65, %get3A_64 : i32
      %while3A = arith.constant 0 : i32
      %while3A_67 = arith.subi %max3A_66, %while3A : i32
      %while3A_68 = arith.addi %while3A, %while3A_67 : i32
      %while3A_69 = arith.constant 1 : i32
      %while3A_70 = arith.divsi %while3A_67, %while3A_69 : i32
      %while3A_71 = arith.muli %while3A_70, %while3A_69 : i32
      %while3A_72 = arith.addi %while3A, %while3A_71 : i32
      %while3A_73 = arith.constant 1 : i32
      %while3A_74 = scf.for %while3A_89 = %while3A to %while3A_72 step %while3A_73 iter_args(%while3A_90 = %mul3A_62) -> (vector<256x768xf32>)  : i32 {
        %get3A_91 = arith.constant 0 : index
        %get3A_92 = arith.constant 0 : index
        %get3A_93 = vector.load %arg6[%get3A_91, %get3A_92] : memref<256x256xf32, #tpu.memory_space<vmem>>, vector<256x256xf32>
        %dot_general3A_94 = arith.constant dense<0.000000e+00> : vector<256x768xf32>
        %dot_general3A_95 = tpu.matmul %get3A_93, %while3A_90, %dot_general3A_94 {dimension_numbers = #tpu.dot_dimension_numbers<[1], [0], [0], [1], [0, 0, 1, 1], [], []>, transpose_lhs_hint = false} : vector<256x256xf32>, vector<256x768xf32>, vector<256x768xf32> -> vector<256x768xf32>
        scf.yield %dot_general3A_95 : vector<256x768xf32>
      }
      %while3A_75 = arith.constant 1 : i32
      %while3A_76 = scf.for %while3A_89 = %while3A_72 to %while3A_68 step %while3A_75 iter_args(%while3A_90 = %while3A_74) -> (vector<256x768xf32>)  : i32 {
        %get3A_91 = arith.constant 0 : index
        %get3A_92 = arith.constant 0 : index
        %get3A_93 = vector.load %arg6[%get3A_91, %get3A_92] : memref<256x256xf32, #tpu.memory_space<vmem>>, vector<256x256xf32>
        %dot_general3A_94 = arith.constant dense<0.000000e+00> : vector<256x768xf32>
        %dot_general3A_95 = tpu.matmul %get3A_93, %while3A_90, %dot_general3A_94 {dimension_numbers = #tpu.dot_dimension_numbers<[1], [0], [0], [1], [0, 0, 1, 1], [], []>, transpose_lhs_hint = false} : vector<256x256xf32>, vector<256x768xf32>, vector<256x768xf32> -> vector<256x768xf32>
        scf.yield %dot_general3A_95 : vector<256x768xf32>
      }
      %get3A_77 = arith.constant 0 : index
      %get3A_78 = arith.constant 0 : index
      %get3A_79 = vector.load %arg7[%get3A_77, %get3A_78] : memref<768x768xf32, #tpu.memory_space<vmem>>, vector<768x768xf32>
      %dot_general3A_80 = arith.constant dense<0.000000e+00> : vector<256x768xf32>
      %dot_general3A_81 = tpu.matmul %while3A_76, %get3A_79, %dot_general3A_80 {dimension_numbers = #tpu.dot_dimension_numbers<[1], [1], [0], [0], [0, 0, 1, 0], [], []>, transpose_lhs_hint = false} : vector<256x768xf32>, vector<768x768xf32>, vector<256x768xf32> -> vector<256x768xf32>
      %mul3A_82 = vector.broadcast %tanh3A : f32 to vector<256x768xf32>
      %mul3A_83 = arith.mulf %dot_general3A_81, %mul3A_82 : vector<256x768xf32>
      %swap3A = arith.constant 0 : index
      %swap3A_84 = arith.constant 0 : index
      %swap3A_85 = arith.constant 0 : index
      %swap3A_86 = vector.load %arg8[%swap3A, %swap3A_84, %swap3A_85] : memref<1x256x768xf32, #tpu.memory_space<vmem>>, vector<1x256x768xf32>
      %swap3A_87 = vector.shape_cast %swap3A_86 : vector<1x256x768xf32> to vector<256x768xf32>
      %swap3A_88 = vector.shape_cast %mul3A_83 : vector<256x768xf32> to vector<1x256x768xf32>
      tpu.vector_store %arg8[%swap3A, %swap3A_84, %swap3A_85], %swap3A_88 {strides = array<i32>} : memref<1x256x768xf32, #tpu.memory_space<vmem>>, vector<1x256x768xf32>,
    } else {
    }
    return
  }
  func.func @transform_0(%arg0: i32, %arg1: i32) -> i32 {
    %c0_i32 = arith.constant 0 : i32
    %c0_i32_0 = arith.constant 0 : i32
    return %c0_i32 : i32
  }
  func.func @transform_1(%arg0: i32, %arg1: i32) -> i32 {
    %c0_i32 = arith.constant 0 : i32
    %c0_i32_0 = arith.constant 0 : i32
    return %c0_i32 : i32
  }
  func.func @transform_2(%arg0: i32, %arg1: i32) -> (i32, i32, i32) {
    %c0_i32 = arith.constant 0 : i32
    %c0_i32_0 = arith.constant 0 : i32
    %c0_i32_1 = arith.constant 0 : i32
    return %arg1, %c0_i32, %c0_i32_0 : i32, i32, i32
  }
  func.func @transform_3(%arg0: i32, %arg1: i32) -> (i32, i32, i32) {
    %c0_i32 = arith.constant 0 : i32
    %c0_i32_0 = arith.constant 0 : i32
    return %arg0, %arg1, %c0_i32 : i32, i32, i32
  }
  func.func @transform_4(%arg0: i32, %arg1: i32) -> (i32, i32) {
    %c0_i32 = arith.constant 0 : i32
    %c0_i32_0 = arith.constant 0 : i32
    %c0_i32_1 = arith.constant 0 : i32
    return %c0_i32, %c0_i32_0 : i32, i32
  }
  func.func @transform_5(%arg0: i32, %arg1: i32) -> (i32, i32) {
    %c0_i32 = arith.constant 0 : i32
    %c0_i32_0 = arith.constant 0 : i32
    %c0_i32_1 = arith.constant 0 : i32
    return %c0_i32, %c0_i32_0 : i32, i32
  }
  func.func @transform_6(%arg0: i32, %arg1: i32) -> (i32, i32, i32) {
    %c0_i32 = arith.constant 0 : i32
    %c0_i32_0 = arith.constant 0 : i32
    %c0_i32_1 = arith.constant 0 : i32
    return %arg0, %c0_i32, %c0_i32_0 : i32, i32, i32
  }
}

module attributes {stable_mosaic.version = 14 : i64} {
  func.func @_bcast_tc_body(%arg0: i32, %arg1: i32, %arg2: memref<1x1x512xi32, #tpu.memory_space<vmem>>, %arg3: memref<1x512x768xf32, #tpu.memory_space<vmem>>, %arg4: memref<1x256x768xf32, #tpu.memory_space<vmem>>, %arg5: memref<4x8192x768xf32, #tpu.memory_space<hbm>>, %arg6: memref<1x512x768xf32, #tpu.memory_space<vmem>>) attributes {dimension_semantics = [#tpu.dimension_semantics<arbitrary>, #tpu.dimension_semantics<arbitrary>], iteration_bounds = array<i64: 4, 15>, scalar_prefetch = 0 : i64, scratch_operands = 0 : i64, tpu.core_type = #tpu.core_type<tc>, window_params = [{transform_indices = @transform_0, window_bounds = array<i64: 1, 1, 512>}, {transform_indices = @transform_1, window_bounds = array<i64: 1, 512, 768>}, {transform_indices = @transform_2, window_bounds = array<i64: 1, 256, 768>}, {}, {transform_indices = @transform_4, window_bounds = array<i64: 1, 512, 768>}]} {
    %get3A = arith.constant 0 : index
    %get3A_0 = arith.constant 0 : index
    %get3A_1 = arith.constant 0 : index
    %get3A_2 = vector.load %arg2[%get3A, %get3A_0, %get3A_1] : memref<1x1x512xi32, #tpu.memory_space<vmem>>, vector<1x1x512xi32>
    %get3A_3 = vector.shape_cast %get3A_2 : vector<1x1x512xi32> to vector<512xi32>
    %iota3A = tpu.iota {dimensions = array<i32: 1>} : vector<512x256xi32>
    %broadcast_in_dim3A = vector.shape_cast %get3A_3 : vector<512xi32> to vector<512x1xi32>
    %eq3A = vector.broadcast %broadcast_in_dim3A : vector<512x1xi32> to vector<512x256xi32>
    %eq3A_4 = arith.cmpi eq, %iota3A, %eq3A : vector<512x256xi32>
    %convert_element_type3A = arith.extui %eq3A_4 : vector<512x256xi1> to vector<512x256xi32>
    %convert_element_type3A_5 = arith.sitofp %convert_element_type3A : vector<512x256xi32> to vector<512x256xf32>
    %convert_element_type3A_6 = arith.truncf %convert_element_type3A_5 : vector<512x256xf32> to vector<512x256xbf16>
    %get3A_7 = arith.constant 0 : index
    %get3A_8 = arith.constant 0 : index
    %get3A_9 = arith.constant 0 : index
    %get3A_10 = vector.load %arg4[%get3A_7, %get3A_8, %get3A_9] : memref<1x256x768xf32, #tpu.memory_space<vmem>>, vector<1x256x768xf32>
    %get3A_11 = vector.shape_cast %get3A_10 : vector<1x256x768xf32> to vector<256x768xf32>
    %convert_element_type3A_12 = arith.truncf %get3A_11 : vector<256x768xf32> to vector<256x768xbf16>
    %dot_general3A = arith.constant dense<0.000000e+00> : vector<512x768xf32>
    %dot_general3A_13 = tpu.matmul %convert_element_type3A_6, %convert_element_type3A_12, %dot_general3A {dimension_numbers = #tpu.dot_dimension_numbers<[1], [0], [0], [1], [0, 0, 1, 1], [], []>, transpose_lhs_hint = false} : vector<512x256xbf16>, vector<256x768xbf16>, vector<512x768xf32> -> vector<512x768xf32>
    %get3A_14 = arith.constant 0 : index
    %get3A_15 = arith.constant 0 : index
    %get3A_16 = arith.constant 0 : index
    %get3A_17 = vector.load %arg3[%get3A_14, %get3A_15, %get3A_16] : memref<1x512x768xf32, #tpu.memory_space<vmem>>, vector<1x512x768xf32>
    %get3A_18 = vector.shape_cast %get3A_17 : vector<1x512x768xf32> to vector<512x768xf32>
    %add3A = arith.addf %get3A_18, %dot_general3A_13 : vector<512x768xf32>
    %swap3A = arith.constant 0 : index
    %swap3A_19 = arith.constant 0 : index
    %swap3A_20 = arith.constant 0 : index
    %swap3A_21 = vector.load %arg6[%swap3A, %swap3A_19, %swap3A_20] : memref<1x512x768xf32, #tpu.memory_space<vmem>>, vector<1x512x768xf32>
    %swap3A_22 = vector.shape_cast %swap3A_21 : vector<1x512x768xf32> to vector<512x768xf32>
    %swap3A_23 = vector.shape_cast %add3A : vector<512x768xf32> to vector<1x512x768xf32>
    tpu.vector_store %arg6[%swap3A, %swap3A_19, %swap3A_20], %swap3A_23 {strides = array<i32>} : memref<1x512x768xf32, #tpu.memory_space<vmem>>, vector<1x512x768xf32>,
    return
  }
  func.func @transform_0(%arg0: i32, %arg1: i32) -> (i32, i32, i32) {
    %c0_i32 = arith.constant 0 : i32
    %c0_i32_0 = arith.constant 0 : i32
    %c0_i32_1 = arith.constant 0 : i32
    return %arg1, %c0_i32, %c0_i32_0 : i32, i32, i32
  }
  func.func @transform_1(%arg0: i32, %arg1: i32) -> (i32, i32, i32) {
    %c0_i32 = arith.constant 0 : i32
    %c0_i32_0 = arith.constant 0 : i32
    return %arg0, %arg1, %c0_i32 : i32, i32, i32
  }
  func.func @transform_2(%arg0: i32, %arg1: i32) -> (i32, i32, i32) {
    %c0_i32 = arith.constant 0 : i32
    %c0_i32_0 = arith.constant 0 : i32
    %c0_i32_1 = arith.constant 0 : i32
    return %arg0, %c0_i32, %c0_i32_0 : i32, i32, i32
  }
  func.func @transform_4(%arg0: i32, %arg1: i32) -> (i32, i32, i32) {
    %c0_i32 = arith.constant 0 : i32
    %c0_i32_0 = arith.constant 0 : i32
    return %arg0, %arg1, %c0_i32 : i32, i32, i32
  }
}

</mosaic_0001>

<sc_bundles>
// kernel: kernel.5.cloned.1.call-start
scs
__scs_entry_jumppad:
0x0: {  	(pc) =	sbr.rel $0x88, $3  }
0x1: {  	(tag) =	ssettag $0x0;
	lr =	simm.s32 $0x1  }
0x2: {  	[smem:$0x3F9C] =	sst lr;
	_ =	strace $0xD0000000  }
0x3: {  	_ = 	snop  }
0x4: {  	_ = 	snop  }
0x5: {  	_ = 	snop  }
0x6: {  	_ = 	snop  }
0x7: {  	_ = 	snop  }
__scs_overlays_trampoline_lowered:
0x8: {  	[smem:$0x3FAB] =	sst s0  }
0x9: {  	[smem:$0x3FAC] =	sst s1  }
0xa: {  	[smem:$0x3FAD] =	sst s2  }
0xb: {  	[smem:$0x3FAE] =	sst s3  }
0xc: {  	[smem:$0x3FAF] =	sst s4  }
0xd: {  	[smem:$0x3FB0] =	sst s5  }
0xe: {  	[smem:$0x3FB1] =	sst s6  }
0xf: {  	[smem:$0x3FB2] =	sst s7  }
0x10: {  	[smem:$0x3FB3] =	sst s8  }
0x11: {  	[smem:$0x3FB4] =	sst s9;
	s0 =	simm.s32 @!p0 $0x0  }
0x12: {  	s1 =	sld [smem:$0x3F9A];
	s0 =	simm.s32 @p0 $0x1  }
0x13: {  	[smem:$0x3FB5] =	sst s0;
	s0 =	simm.s32 @!p1 $0x0  }
0x14: {  	s2 =	sld [smem:$0x3F99];
	s0 =	simm.s32 @p1 $0x1  }
0x15: {  	[smem:$0x3FB6] =	sst s0;
	s0 =	simm.s32 @!p2 $0x0  }
0x16: {  	s3 =	sld [smem:$0x3FDB];
	s0 =	simm.s32 @p2 $0x1  }
0x17: {  	s4 =	simm.s32 $0x1BF5;
	[smem:$0x3FB8] =	sst s0  }
0x18: {  	s0 =	sld [smem:$0x3F9B];
	_ =	swait.ge [sflag:s4], $0x0  }
0x19: {  	s7 =	sld [smem:$0x3F9C]  }
0x1a: {  	s8 =	sadd.s32 $0xFFFFE003, lr  }
0x1b: {  	s9 =	sadd.s32 $0xFFFFFEF7, lr;
	s5 =	simm.s32 $0xFFFFFFFF;
	p2 =	slt.u32 s8, $0xFFFFF086  }
0x1c: {  	p1 =	slt.u32 s9, $0xF7A;
	s5 =	simm.s32 @!p2 $0x0  }
0x1d: {  	s5 =	simm.s32 @p1 $0x1;
	p0 =	seq.s32 s7, s2  }
0x1e: {  	s7 =	smul.u32 @!p0 $0xF7A, s2;
	p2 =	seq.s32 @!p0 s5, $0x0  }
0x1f: {  	s9 =	smul.u32 $0xF7A, s1;
	s8 =	simm.s32 @!p0 $0x1BF5;
	p2 =	por !p2, p0  }
0x20: {  	[sflag:s8] =	ssyncset.s32 @!p0 $0xFFFFF086;
	s6 =	sadd.s32 @!p0 s3, s7;
	s7 =	simm.s32 @!p0 $0x108  }
0x21: {  	s3 =	sadd.s32 s3, s9;
	s6 =	sadd.s32 @!p0 $0x88, s6;
	s7 =	simm.s32 @p2 $0x1082  }
0x22: {  	[simem:s7], [sflag:s8] =	dma.local @!p0 [hbm:s6], $0xF7A  }
0x23: {  	s9 =	sor.u32 $0xD0000000, s2;
	s6 =	simm.s32 $0x108;
	_ =	swait.ge @!p0 [sflag:s8], $0x0  }
0x24: {  	s3 =	sadd.s32 $0x88, s3;
	s6 =	simm.s32 @!p1 $0x1082;
	[sflag:s4] =	ssyncset.s32 $0xFFFFF086  }
0x25: {  	[simem:s6], [sflag:s4] =	dma.local [hbm:s3], $0xF7A  }
0x26: {  	[smem:$0x3F9C] =	sst s1;
	(tag) =	ssettag s2;
	_ =	strace s9  }
0x27: {  	s1 =	sld [smem:$0x3FAC]  }
0x28: {  	s2 =	sld [smem:$0x3FAD]  }
0x29: {  	s4 =	sld [smem:$0x3FAF]  }
0x2a: {  	p0 =	seq.s32 s5, $0x0;
	s5 =	sld [smem:$0x3FB0]  }
0x2b: {  	s6 =	sld [smem:$0x3FB1]  }
0x2c: {  	s7 =	sld [smem:$0x3FB2]  }
0x2d: {  	s3 =	simm.s32 $0x108;
	s8 =	sld [smem:$0x3FB3]  }
0x2e: {  	s3 =	simm.s32 @!p0 $0x1082;
	s9 =	sld [smem:$0x3FB4]  }
0x2f: {  	lr =	sadd.s32 s0, s3;
	s0 =	sld [smem:$0x3FAB]  }
0x30: {  	s3 =	sld [smem:$0x3FAE]  }
0x31: {  	[smem:$0x3FB7] =	sst s10  }
0x32: {  	s10 =	sld [smem:$0x3FB5];
	_ =	sdelay $0x3  }
0x33: {  	p0 =	seq.s32 s10, $0x1;
	s10 =	sld [smem:$0x3FB7];
	_ =	sdelay $0x3  }
0x34: {  	[smem:$0x3FB7] =	sst s10  }
0x35: {  	s10 =	sld [smem:$0x3FB6];
	_ =	sdelay $0x3  }
0x36: {  	p1 =	seq.s32 s10, $0x1;
	s10 =	sld [smem:$0x3FB7];
	_ =	sdelay $0x3  }
0x37: {  	[smem:$0x3FB7] =	sst s10  }
0x38: {  	s10 =	sld [smem:$0x3FB8]  }
0x39: {  	_ = 	snop;
	(pc) =	sbr.ind lr, $3  }
0x3a: {  	_ = 	snop  }
0x3b: {  	_ = 	snop  }
0x3c: {  	p2 =	seq.s32 s10, $0x1;
	s10 =	sld [smem:$0x3FB7]  }
0x3d: {  	_ =	shalt  }
0x3e: {  	_ =	shalt  }
0x3f: {  	_ =	shalt  }
0x40: {  	_ =	shalt  }
0x41: {  	_ =	shalt  }
0x42: {  	_ =	shalt  }
0x43: {  	_ =	shalt  }
0x44: {  	_ =	shalt  }
0x45: {  	_ =	shalt  }
0x46: {  	_ =	shalt  }
0x47: {  	_ =	shalt  }
0x48: {  	_ =	shalt  }
0x49: {  	_ =	shalt  }
0x4a: {  	_ =	shalt  }
0x4b: {  	_ =	shalt  }
0x4c: {  	_ =	shalt  }
0x4d: {  	_ =	shalt  }
0x4e: {  	_ =	shalt  }
0x4f: {  	_ =	shalt  }
0x50: {  	_ =	shalt  }
0x51: {  	_ =	shalt  }
0x52: {  	_ =	shalt  }
0x53: {  	_ =	shalt  }
0x54: {  	_ =	shalt  }
0x55: {  	_ =	shalt  }
0x56: {  	_ =	shalt  }
0x57: {  	_ =	shalt  }
0x58: {  	_ =	shalt  }
0x59: {  	_ =	shalt  }
0x5a: {  	_ =	shalt  }
0x5b: {  	_ =	shalt  }
0x5c: {  	_ =	shalt  }
0x5d: {  	_ =	shalt  }
0x5e: {  	_ =	shalt  }
0x5f: {  	_ =	shalt  }
0x60: {  	_ =	shalt  }
0x61: {  	_ =	shalt  }
0x62: {  	_ =	shalt  }
0x63: {  	_ =	shalt  }
0x64: {  	_ =	shalt  }
0x65: {  	_ =	shalt  }
0x66: {  	_ =	shalt  }
0x67: {  	_ =	shalt  }
0x68: {  	_ =	shalt  }
0x69: {  	_ =	shalt  }
0x6a: {  	_ =	shalt  }
0x6b: {  	_ =	shalt  }
0x6c: {  	_ =	shalt  }
0x6d: {  	_ =	shalt  }
0x6e: {  	_ =	shalt  }
0x6f: {  	_ =	shalt  }
0x70: {  	_ =	shalt  }
0x71: {  	_ =	shalt  }
0x72: {  	_ =	shalt  }
0x73: {  	_ =	shalt  }
0x74: {  	_ =	shalt  }
0x75: {  	_ =	shalt  }
0x76: {  	_ =	shalt  }
0x77: {  	_ =	shalt  }
0x78: {  	_ =	shalt  }
0x79: {  	_ =	shalt  }
0x7a: {  	_ =	shalt  }
0x7b: {  	_ =	shalt  }
0x7c: {  	_ =	shalt  }
0x7d: {  	_ =	shalt  }
0x7e: {  	_ =	shalt  }
0x7f: {  	_ =	shalt  }
0x80: {  	_ =	shalt  }
0x81: {  	_ =	shalt  }
0x82: {  	_ =	shalt  }
0x83: {  	_ =	shalt  }
0x84: {  	_ =	shalt  }
0x85: {  	_ =	shalt  }
0x86: {  	_ =	shalt  }
0x87: {  	_ =	shalt  }
.Lfunc_end0:
.L_simem_size_0:
called_computation_lowered:
.L_overlay_start_0:
0x88: {  	s2 =	sld [smem:$0x3FD9]  }
0x89: {  	s3 =	sld [smem:$0x3FFE];
	_ =	sdelay $0x1  }
0x8a: {  	s1 =	srdreg.scid  }
0x8b: {  	s0 =	sand.u32 $0x1, s1  }
0x8c: {  	s17 =	sshll.u32 s0, $0xA;
	s2 =	sadd.s32 s3, s2  }
0x8d: {  	s2 =	sadd.s32 s2, s17  }
0x8e: {  	[smem:$0x3FC3] =	sst s2  }
0x8f: {  	_ = 	snop  }
0x90: {  	s2 =	sld [smem:$0x3FC9]  }
0x91: {  	s18 =	sld [smem:$0x3FC8]  }
0x92: {  	s4 =	sld [smem:$0x3FD0];
	(tm) =	ssettm $0x1  }
0x93: {  	s5 =	sld [smem:$0x3FFB];
	_ =	sdelay $0x3  }
0x94: {  	_ =	strace s5  }
0x95: {  	s5 =	sld [smem:$0x3FFC];
	_ =	sdelay $0x3  }
0x96: {  	_ =	strace s5  }
0x97: {  	s5 =	sld [smem:$0x3FFD];
	_ =	sdelay $0x3  }
0x98: {  	_ =	strace s5  }
0x99: {  	_ =	strace $0x8FFFFFFF  }
0x9a: {  	s19 =	sld [smem:$0x3FDB];
	_ =	sdelay $0x1  }
0x9b: {  	s6 =	simm.s32 $_scs_section_size  }
0x9c: {  	s7 =	simm.s32 $_size__tile_overlayer_lowered;
	s8 =	simm.s32 $_tile_overlayer_lowered  }
0x9d: {  	s22 =	simm.s32 $0x1BFF;
	s21 =	sshll.u32 s8, $0x1;
	s5 =	sadd.s32 s6, s19  }
0x9e: {  	s9 =	simm.s32 $0x0;
	s20 =	sshll.u32 s7, $0x1;
	s7 =	sadd.s32 s21, s5  }
0x9f: {  	[timem:s9], [sflag:s22] =	dma.local [hbm:s7], s20  }
0xa0: {  	_ =	swait.ge [sflag:s22], s20  }
0xa1: {  	s6 =	ssub.s32 $0x0, s20;
	[sflag:s22] =	ssyncset.done $0x0  }
0xa2: {  	[sflag:s22] =	ssyncadd.s32 s6;
	_ =	sdelay $0x1  }
0xa3: {  	s23 =	simm.s32 $0x1B8B  }
0xa4: {  	_ =	swait.ge [sflag:s23], $0x1  }
0xa5: {  	[sflag:s23] =	ssyncset.done $0x0  }
0xa6: {  	s25 =	simm.s32 $0x1B8E;
	s24 =	sld [smem:$0x3FFE];
	[sflag:s23] =	ssyncadd.s32 $0xFFFFFFFF  }
0xa7: {  	s26 =	simm.s32 $execute0_lowered;
	[smem:$0x3FD2] =	sst s25  }
0xa8: {  	s7 =	sshll.u32 s26, $0x1;
	_ =	strace $0x80000046;
	[dreg:$0x1] =	wrdreg $0xFFFFFFFF  }
0xa9: {  	s28 =	simm.s32 $_size_execute0_lowered;
	s5 =	sadd.s32 s5, s7;
	[dreg:$0x0] =	wrdreg $0x0  }
0xaa: {  	s7 =	sshll.u32 s28, $0x1;
	[dreg:$0x2] =	wrdreg s5  }
0xab: {  	[dreg:$0x3] =	wrdreg s7  }
0xac: {  	[dreg:$0x4] =	wrdreg $0xC0  }
0xad: {  	_ =	task [dreg:s9], $0x5FFFF  }
0xae: {  	[dreg:$0x1] =	wrdreg $0xFFFFFFFF  }
0xaf: {  	[dreg:$0x0] =	wrdreg $0x60  }
0xb0: {  	[dreg:$0x2] =	wrdreg s2  }
0xb1: {  	[dreg:$0x3] =	wrdreg s18  }
0xb2: {  	[dreg:$0x4] =	wrdreg s24  }
0xb3: {  	[dreg:$0x5] =	wrdreg s4  }
0xb4: {  	[dreg:$0x6] =	wrdreg $0x9  }
0xb5: {  	_ =	task.clear_ibuf [dreg:s9], $0x7FFFF;
	_ =	strace $0x90000046  }
0xb6: {  	s29 =	simm.s32 $0x9;
	_ =	strace $0x80000048  }
0xb7: {  	_ =	swait.ge [sflag:s29], $0x1  }
0xb8: {  	[sflag:s29] =	ssyncadd.s32 $0xFFFFFFFF  }
0xb9: {  	_ =	strace $0x90000048  }
0xba: {  	_ =	sfence  }
0xbb: {  	s30 =	sld [smem:$0x0];
	_ =	sdelay $0x2  }
0xbc: {  	s31 =	sshll.u32 s1, $0xD;
	s1 =	sshrl.u32 s1, $0x2  }
0xbd: {  	s3 =	sand.u32 $0x4000, s31;
	s1 =	sadd.s32 s1, s30  }
0xbe: {  	s0 =	sor.u32 s3, s0;
	s1 =	sshll.u32 s1, $0x11  }
0xbf: {  	s0 =	sor.u32 s1, s0  }
0xc0: {  	s0 =	sadd.s32 $0x8F2B, s0  }
0xc1: {  	[sflag:s0] =	ssyncadd.remote.s32 $0x1  }
0xc2: {  	_ =	sfence.sel $0xFFFF  }
0xc3: {  	[dreg:$0x0] =	wrdreg $0xFFFFFFFF;
	(pc) =	sbr.abs _section_cstart, $3  }
0xc4: {  	[dreg:$0x1] =	wrdreg $0xFFFFFFFF  }
0xc5: {  	_ =	task.clear_ibuf [dreg:s9], $0x2FFFF;
	_ =	strace $0x9FFFFFFF  }
0xc6: {  	(tm) =	ssettm $0x7FFFFFFF  }
0xc7: {  	_ =	shalt  }
tec
execute0_lowered:
.L_overlay_start_1:
0x0: {  	(tag) =	ssettag $0x1  }
0x1: {  	s1 =	rddreg [dreg:$0x0]  }
0x2: {  	s4 =	rddreg [dreg:$0x1]  }
0x3: {  	s0 =	srdreg.scid;
	s5 =	rddreg [dreg:$0x2]  }
0x4: {  	s6 =	stileid.u32;
	s14 =	rddreg [dreg:$0x3]  }
0x5: {  	s16 =	simm.s32 $0xD;
	s28 =	simm.s32 $0x6;
	s29 =	simm.s32 $0x9080  }
0x6: {  	s30 =	simm.s32 $0x9;
	s31 =	simm.s32 $0x4;
	s19 =	simm.s32 $0x8  }
0x7: {  	s0 =	sand.u32 $0x1, s0;
	s2 =	sshll.u32 s6, $0x7;
	s6 =	sshrl.u32 s6, $0x2  }
0x8: {  	s3 =	sshll.u32 s0, $0x6;
	s20 =	sshll.u32 s6, $0xD;
	s0 =	ssub.s32 $0x2, s0  }
0x9: {  	s17 =	sshll.u32 s6, $0x8;
	s6 =	sadd.s32 $0x1100, s5;
	s2 =	sor.u32 s3, s2  }
0xa: {  	s9 =	sshrl.u32 s0, $0x1;
	v0 =	vmov s17;
	s17 =	simm.s32 $0x0;
	s7 =	sor.u32 $0x1E00, s2  }
0xb: {  	s2 =	simm.s32 $0x0;
	s0 =	ssub.s32 s0, s9;
	s3 =	sor.u32 s20, s7  }
0xc: {  	[smem:$0x7FF] =	sst s2;
	s22 =	sshrl.u32 s7, $0x3;
	s8 =	sshrl.u32 s3, $0x3  }
0xd: {  	s7 =	sadd.s32 $0x1200, s5;
	s20 =	simm.s32 $0xA;
	s10 =	smul.u32 $0x1800, s8  }
0xe: {  	_ =	strace $0x80000047;
	s4 =	sadd.s32 s4, s22;
	s21 =	smul.u32 $0x300, s8  }
0xf: {  	s3 =	sadd.s32 $0x1000, s5;
	s22 =	simm.s32 $0xC;
	[dreg:$0x5] =	wrdreg s4  }
0x10: {  	s10 =	sshrl.u32 s10, $0x3;
	s23 =	sadd.s32 s1, s21;
	s9 =	sadd.s32 s14, s21  }
0x11: {  	s21 =	simm.s32 $0xB;
	[dreg:$0x6] =	wrdreg s23;
	s24 =	sor.u32 $0x600, s10  }
0x12: {  	s26 =	sadd.s32 $0xC00, s10;
	s15 =	sadd.s32 $0x1200, s10;
	s23 =	simm.s32 $0x3  }
0x13: {  	s25 =	sadd.s32 s1, s24;
	s10 =	sadd.s32 s1, s26;
	s11 =	sadd.s32 s14, s24  }
0x14: {  	v3 =	vlaneseq.u32;
	s12 =	sadd.s32 s1, s15;
	s13 =	sadd.s32 s14, s26;
	s14 =	sadd.s32 s14, s15  }
0x15: {  	vm0 =	vmmov $0xffff;
	v2 =	vshrl.u32 v3, $0x3;
	s15 =	smax.u32 s0, $0x1;
	s1 =	simm.s32 $0x1;
	s0 =	simm.s32 $0x5  }
0x16: {  	v1 =	vand.u32 $0x7, v3;
	v3 =	vor.u32 $0x8, v3;
	v2 =	vmul.u32 $0x8, v2;
	s26 =	simm.s32 $0x2;
	[dreg:$0x7] =	wrdreg s25;
	s25 =	simm.s32 $0x7  }
.LBB2_1:
0x17: {  	s4 =	rddreg [dreg:$0x5]  }
0x18: {  	[tilespmem:s2], [sflag:$0xD] =	stream.linear.gather [hbm4b:s4+s2], $0x40, $0x38;
	[tilespmem:$0x18080] =	vst v63  }
0x19: {  	_ =	swait.ge [sflag:s16], $0x40  }
0x1a: {  	[sflag:s16] =	ssyncset.done $0x0  }
0x1b: {  	[sflag:s16] =	ssyncadd.s32 $0xFFFFFFC0  }
0x1c: {  	v4 =	vld [tilespmem:$0x0]  }
0x1d: {  	v5 =	vld [tilespmem:$0x10]  }
0x1e: {  	v6 =	vld [tilespmem:$0x20]  }
0x1f: {  	v7 =	vld [tilespmem:$0x30];
	_ =	sdelay $0x1  }
0x20: {  	v4 =	vadd.s32 v0, v4  }
0x21: {  	[tilespmem:$0x0] =	vst v4;
	v4 =	vadd.s32 v0, v5  }
0x22: {  	[tilespmem:$0x10] =	vst v4;
	v4 =	vadd.s32 v0, v6  }
0x23: {  	[tilespmem:$0x20] =	vst v4;
	v4 =	vadd.s32 v0, v7  }
0x24: {  	s5 =	simm.s32 $0x80;
	s24 =	rddreg [dreg:$0x6];
	[tilespmem:$0x30] =	vst v4  }
0x25: {  	[tilespmem:s5], [sflag:$0x1] =	stream.linear.gather [hbm4b:s24+s2], $0x3000, $0x38;
	[tilespmem:$0x18080] =	vst v63  }
0x26: {  	v4 =	vld [tilespmem:$0x0];
	_ =	sdelay $0x4  }
0x27: {  	v5 =	vshrl.u32 v4, $0x3  }
0x28: {  	v5 =	vmul.u32 $0x30, v5  }
0x29: {  	v4 =	vand.u32 $0x7, v4  }
0x2a: {  	v4 =	vor.u32 v4, v5  }
0x2b: {  	v5 =	vperm.xlane v4, v1;
	_ =	sdelay $0x1  }
0x2c: {  	v5 =	vadd.s32 v2, v5;
	_ =	sdelay $0x3  }
0x2d: {  	s5 =	simm.s32 $0xC080;
	v4 =	vperm.xlane v4, v3  }
0x2e: {  	[tilespmem:s5], [sflag:$0x5] =	stream.indirect_vreg.gather [hbm4b:s3+s2], $0x80, v5, vm0, $0xb8;
	[tilespmem:$0x18080] =	vst v63  }
0x2f: {  	s8 =	simm.s32 $0xC880;
	v4 =	vadd.s32 v2, v4  }
0x30: {  	[tilespmem:s8], [sflag:$0x5] =	stream.indirect_vreg.gather [hbm4b:s6+s2], $0x80, v5, vm0, $0xb8;
	[tilespmem:$0x18080] =	vst v63  }
0x31: {  	s18 =	simm.s32 $0xD080  }
0x32: {  	[tilespmem:s18], [sflag:$0x5] =	stream.indirect_vreg.gather [hbm4b:s7+s2], $0x80, v5, vm0, $0xb8;
	[tilespmem:$0x18080] =	vst v63  }
0x33: {  	s24 =	simm.s32 $0xD880  }
0x34: {  	[tilespmem:s24], [sflag:$0x5] =	stream.indirect_vreg.gather [hbm4b:s3+s2], $0x80, v4, vm0, $0xb8;
	[tilespmem:$0x18080] =	vst v63  }
0x35: {  	s5 =	simm.s32 $0xE080  }
0x36: {  	[tilespmem:s5], [sflag:$0x5] =	stream.indirect_vreg.gather [hbm4b:s6+s2], $0x80, v4, vm0, $0xb8;
	[tilespmem:$0x18080] =	vst v63  }
0x37: {  	s8 =	simm.s32 $0xE880  }
0x38: {  	[tilespmem:s8], [sflag:$0x5] =	stream.indirect_vreg.gather [hbm4b:s7+s2], $0x80, v4, vm0, $0xb8;
	[tilespmem:$0x18080] =	vst v63  }
0x39: {  	s18 =	rddreg [dreg:$0x7];
	s24 =	simm.s32 $0x3080  }
0x3a: {  	[tilespmem:s24], [sflag:$0x2] =	stream.linear.gather [hbm4b:s18+s2], $0x3000, $0x38;
	[tilespmem:$0x18080] =	vst v63  }
0x3b: {  	v4 =	vld [tilespmem:$0x10];
	_ =	sdelay $0x4  }
0x3c: {  	v5 =	vshrl.u32 v4, $0x3  }
0x3d: {  	v5 =	vmul.u32 $0x30, v5  }
0x3e: {  	v4 =	vand.u32 $0x7, v4  }
0x3f: {  	v4 =	vor.u32 v4, v5  }
0x40: {  	v5 =	vperm.xlane v4, v1;
	_ =	sdelay $0x1  }
0x41: {  	v5 =	vadd.s32 v2, v5;
	_ =	sdelay $0x3  }
0x42: {  	s5 =	simm.s32 $0xF080;
	v4 =	vperm.xlane v4, v3  }
0x43: {  	[tilespmem:s5], [sflag:$0x6] =	stream.indirect_vreg.gather [hbm4b:s3+s2], $0x80, v5, vm0, $0xb8;
	[tilespmem:$0x18080] =	vst v63  }
0x44: {  	s8 =	simm.s32 $0xF880;
	v4 =	vadd.s32 v2, v4  }
0x45: {  	[tilespmem:s8], [sflag:$0x6] =	stream.indirect_vreg.gather [hbm4b:s6+s2], $0x80, v5, vm0, $0xb8;
	[tilespmem:$0x18080] =	vst v63  }
0x46: {  	s18 =	simm.s32 $0x10080  }
0x47: {  	[tilespmem:s18], [sflag:$0x6] =	stream.indirect_vreg.gather [hbm4b:s7+s2], $0x80, v5, vm0, $0xb8;
	[tilespmem:$0x18080] =	vst v63  }
0x48: {  	s24 =	simm.s32 $0x10880  }
0x49: {  	[tilespmem:s24], [sflag:$0x6] =	stream.indirect_vreg.gather [hbm4b:s3+s2], $0x80, v4, vm0, $0xb8;
	[tilespmem:$0x18080] =	vst v63  }
0x4a: {  	s5 =	simm.s32 $0x11080  }
0x4b: {  	[tilespmem:s5], [sflag:$0x6] =	stream.indirect_vreg.gather [hbm4b:s6+s2], $0x80, v4, vm0, $0xb8;
	[tilespmem:$0x18080] =	vst v63  }
0x4c: {  	s8 =	simm.s32 $0x11880  }
0x4d: {  	[tilespmem:s8], [sflag:$0x6] =	stream.indirect_vreg.gather [hbm4b:s7+s2], $0x80, v4, vm0, $0xb8;
	[tilespmem:$0x18080] =	vst v63  }
0x4e: {  	_ =	swait.ge [sflag:s1], $0x3000  }
0x4f: {  	[sflag:s1] =	ssyncset.done $0x0  }
0x50: {  	s18 =	simm.s32 $0x0;
	[sflag:s1] =	ssyncadd.s32 $0xFFFFD000  }
0x51: {  	s4 =	smul.u32 $0x1800, s18;
	_ =	swait.ge [sflag:s0], $0x3000  }
0x52: {  	s24 =	sand.u32 $0x380, s2;
	[sflag:s0] =	ssyncset.done $0x0  }
0x53: {  	s24 =	sor.u32 s24, s4;
	[sflag:s0] =	ssyncadd.s32 $0xFFFFD000  }
0x54: {  	v13 =	vld [tilespmem:s24+$0xC080]  }
0x55: {  	v14 =	vld [tilespmem:s24+$0xC090]  }
0x56: {  	v15 =	vld [tilespmem:s24+$0xC0A0]  }
0x57: {  	v16 =	vld [tilespmem:s24+$0xC0B0]  }
0x58: {  	v17 =	vld [tilespmem:s24+$0xC0C0]  }
0x59: {  	v18 =	vld [tilespmem:s24+$0xC0D0]  }
0x5a: {  	v19 =	vld [tilespmem:s24+$0xC0E0]  }
0x5b: {  	v20 =	vld [tilespmem:s24+$0xC0F0]  }
0x5c: {  	v21 =	vld [tilespmem:s24+$0xC480]  }
0x5d: {  	v22 =	vld [tilespmem:s24+$0xC490]  }
0x5e: {  	v23 =	vld [tilespmem:s24+$0xC4A0]  }
0x5f: {  	v24 =	vld [tilespmem:s24+$0xC4B0]  }
0x60: {  	v25 =	vld [tilespmem:s24+$0xC4C0]  }
0x61: {  	v26 =	vld [tilespmem:s24+$0xC4D0]  }
0x62: {  	v27 =	vld [tilespmem:s24+$0xC4E0]  }
0x63: {  	v28 =	vld [tilespmem:s24+$0xC4F0]  }
0x64: {  	v29 =	vld [tilespmem:s24+$0xC880]  }
0x65: {  	v30 =	vld [tilespmem:s24+$0xC890]  }
0x66: {  	v31 =	vld [tilespmem:s24+$0xC8A0]  }
0x67: {  	v32 =	vld [tilespmem:s24+$0xC8B0]  }
0x68: {  	v33 =	vld [tilespmem:s24+$0xC8C0]  }
0x69: {  	v34 =	vld [tilespmem:s24+$0xC8D0]  }
0x6a: {  	v35 =	vld [tilespmem:s24+$0xC8E0]  }
0x6b: {  	v36 =	vld [tilespmem:s24+$0xC8F0]  }
0x6c: {  	v37 =	vld [tilespmem:s24+$0xCC80]  }
0x6d: {  	v38 =	vld [tilespmem:s24+$0xCC90]  }
0x6e: {  	v39 =	vld [tilespmem:s24+$0xCCA0]  }
0x6f: {  	v40 =	vld [tilespmem:s24+$0xCCB0]  }
0x70: {  	v41 =	vld [tilespmem:s24+$0xCCC0]  }
0x71: {  	v42 =	vld [tilespmem:s24+$0xCCD0]  }
0x72: {  	v43 =	vld [tilespmem:s24+$0xCCE0]  }
0x73: {  	v44 =	vld [tilespmem:s24+$0xCCF0]  }
0x74: {  	v45 =	vld [tilespmem:s24+$0xD080]  }
0x75: {  	v46 =	vld [tilespmem:s24+$0xD090]  }
0x76: {  	v47 =	vld [tilespmem:s24+$0xD0A0]  }
0x77: {  	v48 =	vld [tilespmem:s24+$0xD0B0]  }
0x78: {  	v49 =	vld [tilespmem:s24+$0xD0C0]  }
0x79: {  	v50 =	vld [tilespmem:s24+$0xD0D0]  }
0x7a: {  	v51 =	vld [tilespmem:s24+$0xD0E0]  }
0x7b: {  	v12 =	vld [tilespmem:s24+$0xD0F0]  }
0x7c: {  	v11 =	vld [tilespmem:s24+$0xD480]  }
0x7d: {  	v10 =	vld [tilespmem:s24+$0xD490]  }
0x7e: {  	v9 =	vld [tilespmem:s24+$0xD4A0]  }
0x7f: {  	v8 =	vld [tilespmem:s24+$0xD4B0]  }
0x80: {  	v7 =	vld [tilespmem:s24+$0xD4C0]  }
0x81: {  	v52 =	vld [tilespmem:s24+$0x80]  }
0x82: {  	v53 =	vld [tilespmem:s24+$0x90]  }
0x83: {  	v54 =	vld [tilespmem:s24+$0xA0]  }
0x84: {  	v55 =	vld [tilespmem:s24+$0xB0]  }
0x85: {  	v56 =	vld [tilespmem:s24+$0xC0]  }
0x86: {  	v61 =	vld [tilespmem:s24+$0xD0];
	v13 =	vadd.f32 v13, v52  }
0x87: {  	v62 =	vld [tilespmem:s24+$0xE0];
	v14 =	vadd.f32 v14, v53  }
0x88: {  	[tilespmem:s24+$0x80] =	vst v13;
	v13 =	vadd.f32 v15, v54;
	v15 =	vld [tilespmem:s24+$0xF0]  }
0x89: {  	[tilespmem:s24+$0x90] =	vst v14;
	v14 =	vadd.f32 v16, v55;
	v16 =	vld [tilespmem:s24+$0x480]  }
0x8a: {  	[tilespmem:s24+$0xA0] =	vst v13;
	v13 =	vadd.f32 v17, v56;
	v17 =	vld [tilespmem:s24+$0x490]  }
0x8b: {  	[tilespmem:s24+$0xB0] =	vst v14;
	v14 =	vadd.f32 v18, v61;
	v18 =	vld [tilespmem:s24+$0x4A0]  }
0x8c: {  	v6 =	vld [tilespmem:s24+$0xD4D0]  }
0x8d: {  	[tilespmem:s24+$0xC0] =	vst v13;
	v13 =	vadd.f32 v19, v62;
	v19 =	vld [tilespmem:s24+$0x4F0]  }
0x8e: {  	[tilespmem:s24+$0xD0] =	vst v14;
	v14 =	vadd.f32 v20, v15;
	v15 =	vld [tilespmem:s24+$0x4B0]  }
0x8f: {  	[tilespmem:s24+$0xE0] =	vst v13;
	v13 =	vadd.f32 v21, v16;
	v16 =	vld [tilespmem:s24+$0x4C0]  }
0x90: {  	[tilespmem:s24+$0xF0] =	vst v14;
	v14 =	vadd.f32 v22, v17;
	v17 =	vadd.f32 v23, v18;
	v18 =	vld [tilespmem:s24+$0x4E0]  }
0x91: {  	[tilespmem:s24+$0x480] =	vst v13;
	v13 =	vld [tilespmem:s24+$0x4D0]  }
0x92: {  	[tilespmem:s24+$0x490] =	vst v14;
	v14 =	vld [tilespmem:s24+$0x880];
	v19 =	vadd.f32 v28, v19  }
0x93: {  	[tilespmem:s24+$0x4A0] =	vst v17;
	v17 =	vld [tilespmem:s24+$0x890];
	v15 =	vadd.f32 v24, v15  }
0x94: {  	v5 =	vld [tilespmem:s24+$0xD4E0];
	v16 =	vadd.f32 v25, v16;
	[tilespmem:s24+$0x4F0] =	vst v19  }
0x95: {  	[tilespmem:s24+$0x4B0] =	vst v15;
	v15 =	vld [tilespmem:s24+$0x8A0];
	v18 =	vadd.f32 v27, v18  }
0x96: {  	v13 =	vadd.f32 v26, v13;
	[tilespmem:s24+$0x4C0] =	vst v16;
	v16 =	vld [tilespmem:s24+$0x8B0]  }
0x97: {  	v19 =	vld [tilespmem:s24+$0x8F0];
	[tilespmem:s24+$0x4E0] =	vst v18;
	v14 =	vadd.f32 v29, v14  }
0x98: {  	v17 =	vadd.f32 v30, v17;
	[tilespmem:s24+$0x4D0] =	vst v13;
	v13 =	vld [tilespmem:s24+$0x8C0]  }
0x99: {  	v18 =	vld [tilespmem:s24+$0x8D0];
	[tilespmem:s24+$0x880] =	vst v14  }
0x9a: {  	[tilespmem:s24+$0x890] =	vst v17;
	v17 =	vld [tilespmem:s24+$0x8E0];
	v14 =	vadd.f32 v31, v15  }
0x9b: {  	v15 =	vld [tilespmem:s24+$0xC80];
	v16 =	vadd.f32 v32, v16  }
0x9c: {  	[tilespmem:s24+$0x8A0] =	vst v14;
	v14 =	vld [tilespmem:s24+$0xC90]  }
0x9d: {  	v13 =	vadd.f32 v33, v13;
	[tilespmem:s24+$0x8B0] =	vst v16;
	v16 =	vld [tilespmem:s24+$0xCA0]  }
0x9e: {  	v4 =	vld [tilespmem:s24+$0xD4F0];
	v18 =	vadd.f32 v34, v18  }
0x9f: {  	v17 =	vadd.f32 v35, v17;
	[tilespmem:s24+$0x8C0] =	vst v13;
	v13 =	vld [tilespmem:s24+$0xCB0]  }
0xa0: {  	[tilespmem:s24+$0x8D0] =	vst v18;
	v18 =	vld [tilespmem:s24+$0xCC0];
	v15 =	vadd.f32 v37, v15  }
0xa1: {  	v19 =	vadd.f32 v36, v19;
	[tilespmem:s24+$0x8E0] =	vst v17;
	v17 =	vld [tilespmem:s24+$0xCD0]  }
0xa2: {  	v14 =	vadd.f32 v38, v14;
	[tilespmem:s24+$0xC80] =	vst v15;
	v15 =	vadd.f32 v39, v16;
	v16 =	vld [tilespmem:s24+$0xCE0]  }
0xa3: {  	[tilespmem:s24+$0x8F0] =	vst v19;
	v19 =	vld [tilespmem:s24+$0xCF0]  }
0xa4: {  	[tilespmem:s24+$0xC90] =	vst v14;
	v14 =	vld [tilespmem:s24+$0x1080];
	v13 =	vadd.f32 v40, v13  }
0xa5: {  	v18 =	vadd.f32 v41, v18;
	[tilespmem:s24+$0xCA0] =	vst v15;
	v15 =	vld [tilespmem:s24+$0x1090]  }
0xa6: {  	v17 =	vadd.f32 v42, v17;
	[tilespmem:s24+$0xCB0] =	vst v13;
	v13 =	vld [tilespmem:s24+$0x10A0]  }
0xa7: {  	[tilespmem:s24+$0xCC0] =	vst v18;
	v18 =	vld [tilespmem:s24+$0x10B0];
	v16 =	vadd.f32 v43, v16  }
0xa8: {  	v20 =	vld [tilespmem:s24+$0x10C0];
	[tilespmem:s24+$0xCD0] =	vst v17;
	v17 =	vadd.f32 v44, v19  }
0xa9: {  	v19 =	vld [tilespmem:s24+$0x10D0];
	v14 =	vadd.f32 v45, v14;
	[tilespmem:s24+$0xCE0] =	vst v16  }
0xaa: {  	v63 =	vld [tilespmem:s24+$0x10E0];
	[tilespmem:s24+$0xCF0] =	vst v17;
	v15 =	vadd.f32 v46, v15  }
0xab: {  	v17 =	vld [tilespmem:s24+$0x10F0];
	[tilespmem:s24+$0x1080] =	vst v14;
	v13 =	vadd.f32 v47, v13  }
0xac: {  	v16 =	vld [tilespmem:s24+$0x1480];
	v14 =	vadd.f32 v48, v18;
	[tilespmem:s24+$0x1090] =	vst v15  }
0xad: {  	v15 =	vld [tilespmem:s24+$0x1490];
	[tilespmem:s24+$0x10A0] =	vst v13;
	v13 =	vadd.f32 v49, v20  }
0xae: {  	[tilespmem:s24+$0x10B0] =	vst v14;
	v14 =	vld [tilespmem:s24+$0x14A0];
	v19 =	vadd.f32 v50, v19  }
0xaf: {  	s4 =	simm.s32 $0x1;
	s5 =	simm.s32 $0x0;
	v18 =	vadd.f32 v51, v63;
	[tilespmem:s24+$0x10C0] =	vst v13;
	v13 =	vld [tilespmem:s24+$0x14B0]  }
.LBB2_2:
0xb0: {  	s18 =	sshrl.u32 s4, $0x3;
	p0 =	sne.s32 s4, $0xF;
	[tilespmem:s24+$0x10D0] =	vst v19;
	v12 =	vadd.f32 v12, v17;
	v17 =	vld [tilespmem:s24+$0x14C0]  }
0xb1: {  	s5 =	sadd.s32 $0x80, s5;
	s18 =	smul.u32 $0x1800, s18;
	[tilespmem:s24+$0x10E0] =	vst v18;
	v11 =	vadd.f32 v11, v16;
	v16 =	vld [tilespmem:s24+$0x14D0]  }
0xb2: {  	s8 =	sand.u32 $0x380, s5;
	[tilespmem:s24+$0x10F0] =	vst v12;
	v10 =	vadd.f32 v10, v15;
	v12 =	vld [tilespmem:s24+$0x14E0]  }
0xb3: {  	s8 =	sor.u32 s8, s18;
	[tilespmem:s24+$0x1480] =	vst v11;
	v9 =	vadd.f32 v9, v14;
	v11 =	vld [tilespmem:s24+$0x14F0]  }
0xb4: {  	v40 =	vld [tilespmem:s8+$0xC080];
	[tilespmem:s24+$0x1490] =	vst v10;
	v8 =	vadd.f32 v8, v13  }
0xb5: {  	v41 =	vld [tilespmem:s8+$0xC090];
	[tilespmem:s24+$0x14A0] =	vst v9;
	v7 =	vadd.f32 v7, v17  }
0xb6: {  	v42 =	vld [tilespmem:s8+$0xC0A0];
	[tilespmem:s24+$0x14B0] =	vst v8;
	v6 =	vadd.f32 v6, v16  }
0xb7: {  	v43 =	vld [tilespmem:s8+$0xC0B0];
	[tilespmem:s24+$0x14C0] =	vst v7;
	v5 =	vadd.f32 v5, v12  }
0xb8: {  	v44 =	vld [tilespmem:s8+$0xC0C0];
	[tilespmem:s24+$0x14D0] =	vst v6;
	v4 =	vadd.f32 v4, v11  }
0xb9: {  	v45 =	vld [tilespmem:s8+$0xC0D0];
	[tilespmem:s24+$0x14E0] =	vst v5  }
0xba: {  	v46 =	vld [tilespmem:s8+$0xC0E0];
	[tilespmem:s24+$0x14F0] =	vst v4;
	s24 =	smov.u32 s8  }
0xbb: {  	v47 =	vld [tilespmem:s24+$0xC0F0]  }
0xbc: {  	v48 =	vld [tilespmem:s24+$0xC480]  }
0xbd: {  	v49 =	vld [tilespmem:s24+$0xC490]  }
0xbe: {  	v50 =	vld [tilespmem:s24+$0xC4A0]  }
0xbf: {  	v51 =	vld [tilespmem:s24+$0xC4B0]  }
0xc0: {  	v39 =	vld [tilespmem:s24+$0xC4C0]  }
0xc1: {  	v38 =	vld [tilespmem:s24+$0xC4D0]  }
0xc2: {  	v37 =	vld [tilespmem:s24+$0xC4E0]  }
0xc3: {  	v36 =	vld [tilespmem:s24+$0xC4F0]  }
0xc4: {  	v35 =	vld [tilespmem:s24+$0xC880]  }
0xc5: {  	v34 =	vld [tilespmem:s24+$0xC890]  }
0xc6: {  	v33 =	vld [tilespmem:s24+$0xC8A0]  }
0xc7: {  	v32 =	vld [tilespmem:s24+$0xC8B0]  }
0xc8: {  	v31 =	vld [tilespmem:s24+$0xC8C0]  }
0xc9: {  	v30 =	vld [tilespmem:s24+$0xC8D0]  }
0xca: {  	v29 =	vld [tilespmem:s24+$0xC8E0]  }
0xcb: {  	v28 =	vld [tilespmem:s24+$0xC8F0]  }
0xcc: {  	v27 =	vld [tilespmem:s24+$0xCC80]  }
0xcd: {  	v26 =	vld [tilespmem:s24+$0xCC90]  }
0xce: {  	v25 =	vld [tilespmem:s24+$0xCCA0]  }
0xcf: {  	v24 =	vld [tilespmem:s24+$0xCCB0]  }
0xd0: {  	v23 =	vld [tilespmem:s24+$0xCCC0]  }
0xd1: {  	v22 =	vld [tilespmem:s24+$0xCCD0]  }
0xd2: {  	v21 =	vld [tilespmem:s24+$0xCCE0]  }
0xd3: {  	v20 =	vld [tilespmem:s24+$0xCCF0]  }
0xd4: {  	v19 =	vld [tilespmem:s24+$0xD080]  }
0xd5: {  	v18 =	vld [tilespmem:s24+$0xD090]  }
0xd6: {  	v17 =	vld [tilespmem:s24+$0xD0A0]  }
0xd7: {  	v16 =	vld [tilespmem:s24+$0xD0B0]  }
0xd8: {  	v15 =	vld [tilespmem:s24+$0xD0C0]  }
0xd9: {  	v14 =	vld [tilespmem:s24+$0xD0D0]  }
0xda: {  	v13 =	vld [tilespmem:s24+$0xD0E0]  }
0xdb: {  	v12 =	vld [tilespmem:s24+$0xD0F0]  }
0xdc: {  	v11 =	vld [tilespmem:s24+$0xD480]  }
0xdd: {  	v10 =	vld [tilespmem:s24+$0xD490]  }
0xde: {  	v9 =	vld [tilespmem:s24+$0xD4A0]  }
0xdf: {  	v8 =	vld [tilespmem:s24+$0xD4B0]  }
0xe0: {  	v7 =	vld [tilespmem:s24+$0xD4C0]  }
0xe1: {  	v6 =	vld [tilespmem:s24+$0xD4D0]  }
0xe2: {  	v5 =	vld [tilespmem:s24+$0xD4E0]  }
0xe3: {  	v4 =	vld [tilespmem:s24+$0xD4F0]  }
0xe4: {  	v52 =	vld [tilespmem:s24+$0x80]  }
0xe5: {  	v53 =	vld [tilespmem:s24+$0x90]  }
0xe6: {  	v54 =	vld [tilespmem:s24+$0xA0]  }
0xe7: {  	v55 =	vld [tilespmem:s24+$0xB0]  }
0xe8: {  	v56 =	vld [tilespmem:s24+$0xC0]  }
0xe9: {  	v40 =	vadd.f32 v40, v52;
	v52 =	vld [tilespmem:s24+$0xD0]  }
0xea: {  	v41 =	vadd.f32 v41, v53;
	v53 =	vld [tilespmem:s24+$0xE0]  }
0xeb: {  	[tilespmem:s24+$0x80] =	vst v40;
	v40 =	vadd.f32 v42, v54;
	v42 =	vld [tilespmem:s24+$0xF0]  }
0xec: {  	[tilespmem:s24+$0x90] =	vst v41;
	v41 =	vadd.f32 v43, v55;
	v43 =	vld [tilespmem:s24+$0x480]  }
0xed: {  	[tilespmem:s24+$0xA0] =	vst v40;
	v40 =	vadd.f32 v44, v56;
	v44 =	vld [tilespmem:s24+$0x490]  }
0xee: {  	[tilespmem:s24+$0xB0] =	vst v41;
	v41 =	vadd.f32 v45, v52;
	v45 =	vld [tilespmem:s24+$0x4A0]  }
0xef: {  	[tilespmem:s24+$0xC0] =	vst v40;
	v40 =	vadd.f32 v46, v53;
	v46 =	vld [tilespmem:s24+$0x4B0]  }
0xf0: {  	[tilespmem:s24+$0xD0] =	vst v41;
	v41 =	vadd.f32 v47, v42;
	v42 =	vld [tilespmem:s24+$0x4C0]  }
0xf1: {  	[tilespmem:s24+$0xE0] =	vst v40;
	v40 =	vadd.f32 v48, v43;
	v43 =	vld [tilespmem:s24+$0x4D0]  }
0xf2: {  	[tilespmem:s24+$0xF0] =	vst v41;
	v41 =	vadd.f32 v49, v44;
	v44 =	vld [tilespmem:s24+$0x4E0]  }
0xf3: {  	[tilespmem:s24+$0x480] =	vst v40;
	v40 =	vadd.f32 v50, v45;
	v45 =	vld [tilespmem:s24+$0x4F0]  }
0xf4: {  	[tilespmem:s24+$0x490] =	vst v41;
	v41 =	vadd.f32 v51, v46;
	v46 =	vld [tilespmem:s24+$0x880]  }
0xf5: {  	[tilespmem:s24+$0x4A0] =	vst v40;
	v39 =	vadd.f32 v39, v42;
	v40 =	vld [tilespmem:s24+$0x890]  }
0xf6: {  	[tilespmem:s24+$0x4B0] =	vst v41;
	v38 =	vadd.f32 v38, v43;
	v41 =	vld [tilespmem:s24+$0x8A0]  }
0xf7: {  	[tilespmem:s24+$0x4C0] =	vst v39;
	v37 =	vadd.f32 v37, v44;
	v39 =	vld [tilespmem:s24+$0x8B0]  }
0xf8: {  	[tilespmem:s24+$0x4D0] =	vst v38;
	v36 =	vadd.f32 v36, v45;
	v38 =	vld [tilespmem:s24+$0x8C0]  }
0xf9: {  	[tilespmem:s24+$0x4E0] =	vst v37;
	v35 =	vadd.f32 v35, v46;
	v37 =	vld [tilespmem:s24+$0x8D0]  }
0xfa: {  	[tilespmem:s24+$0x4F0] =	vst v36;
	v34 =	vadd.f32 v34, v40;
	v36 =	vld [tilespmem:s24+$0x8E0]  }
0xfb: {  	[tilespmem:s24+$0x880] =	vst v35;
	v33 =	vadd.f32 v33, v41;
	v35 =	vld [tilespmem:s24+$0x8F0]  }
0xfc: {  	[tilespmem:s24+$0x890] =	vst v34;
	v32 =	vadd.f32 v32, v39;
	v34 =	vld [tilespmem:s24+$0xC80]  }
0xfd: {  	[tilespmem:s24+$0x8A0] =	vst v33;
	v31 =	vadd.f32 v31, v38;
	v33 =	vld [tilespmem:s24+$0xC90]  }
0xfe: {  	[tilespmem:s24+$0x8B0] =	vst v32;
	v30 =	vadd.f32 v30, v37;
	v32 =	vld [tilespmem:s24+$0xCA0]  }
0xff: {  	[tilespmem:s24+$0x8C0] =	vst v31;
	v29 =	vadd.f32 v29, v36;
	v31 =	vld [tilespmem:s24+$0xCB0]  }
0x100: {  	[tilespmem:s24+$0x8D0] =	vst v30;
	v28 =	vadd.f32 v28, v35;
	v30 =	vld [tilespmem:s24+$0xCC0]  }
0x101: {  	[tilespmem:s24+$0x8E0] =	vst v29;
	v27 =	vadd.f32 v27, v34;
	v29 =	vld [tilespmem:s24+$0xCD0]  }
0x102: {  	[tilespmem:s24+$0x8F0] =	vst v28;
	v26 =	vadd.f32 v26, v33;
	v28 =	vld [tilespmem:s24+$0xCE0]  }
0x103: {  	[tilespmem:s24+$0xC80] =	vst v27;
	v25 =	vadd.f32 v25, v32;
	v27 =	vld [tilespmem:s24+$0xCF0]  }
0x104: {  	[tilespmem:s24+$0xC90] =	vst v26;
	v24 =	vadd.f32 v24, v31;
	v26 =	vld [tilespmem:s24+$0x1080]  }
0x105: {  	[tilespmem:s24+$0xCA0] =	vst v25;
	v23 =	vadd.f32 v23, v30;
	v25 =	vld [tilespmem:s24+$0x1090]  }
0x106: {  	[tilespmem:s24+$0xCB0] =	vst v24;
	v22 =	vadd.f32 v22, v29;
	v24 =	vld [tilespmem:s24+$0x10A0]  }
0x107: {  	[tilespmem:s24+$0xCC0] =	vst v23;
	v21 =	vadd.f32 v21, v28;
	v23 =	vld [tilespmem:s24+$0x10B0]  }
0x108: {  	[tilespmem:s24+$0xCD0] =	vst v22;
	v20 =	vadd.f32 v20, v27;
	v22 =	vld [tilespmem:s24+$0x10C0]  }
0x109: {  	[tilespmem:s24+$0xCE0] =	vst v21;
	v19 =	vadd.f32 v19, v26;
	v21 =	vld [tilespmem:s24+$0x10D0]  }
0x10a: {  	[tilespmem:s24+$0xCF0] =	vst v20;
	v18 =	vadd.f32 v18, v25;
	v20 =	vld [tilespmem:s24+$0x10E0]  }
.Ltmp0:
0x10b: {  	[tilespmem:s24+$0x1080] =	vst v19;
	v19 =	vadd.f32 v17, v24;
	v17 =	vld [tilespmem:s24+$0x10F0];
	(pc) =	sbr.rel @p0 .LBB2_2-.Ltmp0, $4  }
0x10c: {  	[tilespmem:s24+$0x1090] =	vst v18;
	v18 =	vadd.f32 v16, v23;
	v16 =	vld [tilespmem:s24+$0x1480]  }
0x10d: {  	[tilespmem:s24+$0x10A0] =	vst v19;
	v22 =	vadd.f32 v15, v22;
	v15 =	vld [tilespmem:s24+$0x1490]  }
0x10e: {  	[tilespmem:s24+$0x10B0] =	vst v18;
	v19 =	vadd.f32 v14, v21;
	v14 =	vld [tilespmem:s24+$0x14A0]  }
0x10f: {  	s4 =	sadd.s32 $0x1, s4;
	[tilespmem:s24+$0x10C0] =	vst v22;
	v18 =	vadd.f32 v13, v20;
	v13 =	vld [tilespmem:s24+$0x14B0]  }
0x110: {  	[tilespmem:s24+$0x10D0] =	vst v19;
	v60 =	vld [tilespmem:s24+$0x14C0];
	v12 =	vadd.f32 v12, v17  }
0x111: {  	v61 =	vld [tilespmem:s24+$0x14D0];
	[tilespmem:s24+$0x10E0] =	vst v18;
	v11 =	vadd.f32 v11, v16  }
0x112: {  	v62 =	vld [tilespmem:s24+$0x14E0];
	[tilespmem:s24+$0x10F0] =	vst v12;
	v10 =	vadd.f32 v10, v15  }
0x113: {  	v63 =	vld [tilespmem:s24+$0x14F0];
	[tilespmem:s24+$0x1480] =	vst v11;
	v9 =	vadd.f32 v9, v14  }
0x114: {  	[tilespmem:s24+$0x1490] =	vst v10;
	v8 =	vadd.f32 v8, v13  }
0x115: {  	[tilespmem:s24+$0x14A0] =	vst v9;
	v7 =	vadd.f32 v7, v60  }
0x116: {  	v6 =	vadd.f32 v6, v61;
	[tilespmem:s24+$0x14B0] =	vst v8  }
0x117: {  	v5 =	vadd.f32 v5, v62;
	[tilespmem:s24+$0x14C0] =	vst v7  }
0x118: {  	v4 =	vadd.f32 v4, v63;
	[tilespmem:s24+$0x14D0] =	vst v6  }
0x119: {  	[tilespmem:s24+$0x14E0] =	vst v5  }
0x11a: {  	s4 =	simm.s32 $0x0;
	s5 =	simm.s32 $0x80;
	[tilespmem:s24+$0x14F0] =	vst v4  }
0x11b: {  	[hbm4b:s9+s4] =	stream.linear.scatter [tilespmem:s5], [sflag:$0x9], $0x3000, $0x38;
	[tilespmem:$0x18080] =	vst v63  }
0x11c: {  	s24 =	simm.s32 $0x6080  }
0x11d: {  	[tilespmem:s24], [sflag:$0x3] =	stream.linear.gather [hbm4b:s10+s4], $0x3000, $0x38;
	[tilespmem:$0x18080] =	vst v63  }
0x11e: {  	v4 =	vld [tilespmem:$0x20];
	_ =	sdelay $0x4  }
0x11f: {  	v5 =	vshrl.u32 v4, $0x3  }
0x120: {  	v5 =	vmul.u32 $0x30, v5  }
0x121: {  	v4 =	vand.u32 $0x7, v4  }
0x122: {  	v4 =	vor.u32 v4, v5  }
0x123: {  	v5 =	vperm.xlane v4, v1;
	_ =	sdelay $0x1  }
0x124: {  	v5 =	vadd.s32 v2, v5;
	_ =	sdelay $0x3  }
0x125: {  	s8 =	simm.s32 $0x12080;
	v4 =	vperm.xlane v4, v3  }
0x126: {  	[tilespmem:s8], [sflag:$0x7] =	stream.indirect_vreg.gather [hbm4b:s3+s4], $0x80, v5, vm0, $0xb8;
	[tilespmem:$0x18080] =	vst v63  }
0x127: {  	s18 =	simm.s32 $0x12880;
	v4 =	vadd.s32 v2, v4  }
0x128: {  	[tilespmem:s18], [sflag:$0x7] =	stream.indirect_vreg.gather [hbm4b:s6+s4], $0x80, v5, vm0, $0xb8;
	[tilespmem:$0x18080] =	vst v63  }
0x129: {  	s24 =	simm.s32 $0x13080  }
0x12a: {  	[tilespmem:s24], [sflag:$0x7] =	stream.indirect_vreg.gather [hbm4b:s7+s4], $0x80, v5, vm0, $0xb8;
	[tilespmem:$0x18080] =	vst v63  }
0x12b: {  	s8 =	simm.s32 $0x13880  }
0x12c: {  	[tilespmem:s8], [sflag:$0x7] =	stream.indirect_vreg.gather [hbm4b:s3+s4], $0x80, v4, vm0, $0xb8;
	[tilespmem:$0x18080] =	vst v63  }
0x12d: {  	s18 =	simm.s32 $0x14080  }
0x12e: {  	[tilespmem:s18], [sflag:$0x7] =	stream.indirect_vreg.gather [hbm4b:s6+s4], $0x80, v4, vm0, $0xb8;
	[tilespmem:$0x18080] =	vst v63  }
0x12f: {  	s24 =	simm.s32 $0x14880  }
0x130: {  	[tilespmem:s24], [sflag:$0x7] =	stream.indirect_vreg.gather [hbm4b:s7+s4], $0x80, v4, vm0, $0xb8;
	[tilespmem:$0x18080] =	vst v63  }
0x131: {  	_ =	swait.ge [sflag:s26], $0x3000  }
0x132: {  	[sflag:s26] =	ssyncset.done $0x0  }
0x133: {  	[sflag:s26] =	ssyncadd.s32 $0xFFFFD000  }
0x134: {  	_ =	swait.ge [sflag:s28], $0x3000  }
0x135: {  	[sflag:s28] =	ssyncset.done $0x0  }
0x136: {  	s5 =	simm.s32 $0x0;
	[sflag:s28] =	ssyncadd.s32 $0xFFFFD000  }
.LBB2_4:
0x137: {  	s8 =	sshrl.u32 s5, $0x3  }
0x138: {  	s8 =	smul.u32 $0x1800, s8  }
0x139: {  	s18 =	sand.u32 $0x380, s4  }
0x13a: {  	s24 =	sor.u32 s18, s8  }
0x13b: {  	v4 =	vld [tilespmem:s24+$0x3080]  }
0x13c: {  	v5 =	vld [tilespmem:s24+$0xF080]  }
0x13d: {  	v6 =	vld [tilespmem:s24+$0x3090]  }
0x13e: {  	v7 =	vld [tilespmem:s24+$0xF090]  }
0x13f: {  	v8 =	vld [tilespmem:s24+$0x30A0]  }
0x140: {  	v9 =	vld [tilespmem:s24+$0xF0A0]  }
0x141: {  	v10 =	vld [tilespmem:s24+$0x30B0]  }
0x142: {  	v11 =	vld [tilespmem:s24+$0xF0B0]  }
0x143: {  	v12 =	vld [tilespmem:s24+$0x30C0]  }
0x144: {  	v13 =	vld [tilespmem:s24+$0xF0C0]  }
0x145: {  	v14 =	vld [tilespmem:s24+$0x30D0]  }
0x146: {  	v15 =	vld [tilespmem:s24+$0xF0D0]  }
0x147: {  	v16 =	vld [tilespmem:s24+$0x30E0]  }
0x148: {  	v17 =	vld [tilespmem:s24+$0xF0E0]  }
0x149: {  	v18 =	vld [tilespmem:s24+$0x30F0]  }
0x14a: {  	v19 =	vld [tilespmem:s24+$0xF0F0]  }
0x14b: {  	v20 =	vld [tilespmem:s24+$0x3480]  }
0x14c: {  	v21 =	vld [tilespmem:s24+$0xF480]  }
0x14d: {  	v22 =	vld [tilespmem:s24+$0x3490]  }
0x14e: {  	v23 =	vld [tilespmem:s24+$0xF490]  }
0x14f: {  	v24 =	vld [tilespmem:s24+$0x34A0]  }
0x150: {  	v25 =	vld [tilespmem:s24+$0xF4A0]  }
0x151: {  	v26 =	vld [tilespmem:s24+$0x34B0]  }
0x152: {  	v27 =	vld [tilespmem:s24+$0xF4B0]  }
0x153: {  	v28 =	vld [tilespmem:s24+$0x34C0]  }
0x154: {  	v29 =	vld [tilespmem:s24+$0xF4C0]  }
0x155: {  	v30 =	vld [tilespmem:s24+$0x34D0]  }
0x156: {  	v31 =	vld [tilespmem:s24+$0xF4D0]  }
0x157: {  	v32 =	vld [tilespmem:s24+$0x34E0]  }
0x158: {  	v33 =	vld [tilespmem:s24+$0xF4E0]  }
0x159: {  	v34 =	vld [tilespmem:s24+$0x34F0]  }
0x15a: {  	v35 =	vld [tilespmem:s24+$0xF4F0]  }
0x15b: {  	v36 =	vld [tilespmem:s24+$0x3880]  }
0x15c: {  	v37 =	vld [tilespmem:s24+$0xF880]  }
0x15d: {  	v38 =	vld [tilespmem:s24+$0x3890]  }
0x15e: {  	v39 =	vld [tilespmem:s24+$0xF890]  }
0x15f: {  	v40 =	vld [tilespmem:s24+$0x38A0]  }
0x160: {  	v52 =	vld [tilespmem:s24+$0xF8B0];
	v4 =	vadd.f32 v5, v4  }
0x161: {  	v54 =	vld [tilespmem:s24+$0x38C0];
	v6 =	vadd.f32 v7, v6  }
0x162: {  	v55 =	vld [tilespmem:s24+$0xF8C0];
	[tilespmem:s24+$0x3080] =	vst v4;
	v4 =	vadd.f32 v9, v8  }
0x163: {  	v57 =	vld [tilespmem:s24+$0x38D0];
	v53 =	vadd.f32 v11, v10;
	[tilespmem:s24+$0x3090] =	vst v6  }
0x164: {  	v58 =	vld [tilespmem:s24+$0xF8D0];
	[tilespmem:s24+$0x30A0] =	vst v4;
	v4 =	vadd.f32 v13, v12  }
0x165: {  	v60 =	vld [tilespmem:s24+$0x38E0];
	v56 =	vadd.f32 v15, v14;
	[tilespmem:s24+$0x30B0] =	vst v53  }
0x166: {  	v61 =	vld [tilespmem:s24+$0xF8E0];
	[tilespmem:s24+$0x30C0] =	vst v4;
	v4 =	vadd.f32 v17, v16  }
0x167: {  	v63 =	vld [tilespmem:s24+$0x38F0];
	v59 =	vadd.f32 v19, v18;
	[tilespmem:s24+$0x30D0] =	vst v56  }
0x168: {  	v42 =	vld [tilespmem:s24+$0x3C80];
	[tilespmem:s24+$0x30E0] =	vst v4;
	v4 =	vadd.f32 v21, v20  }
0x169: {  	v43 =	vld [tilespmem:s24+$0xFC80];
	v62 =	vadd.f32 v23, v22;
	[tilespmem:s24+$0x30F0] =	vst v59  }
0x16a: {  	v45 =	vld [tilespmem:s24+$0x3C90];
	[tilespmem:s24+$0x3480] =	vst v4;
	v4 =	vadd.f32 v25, v24  }
0x16b: {  	v46 =	vld [tilespmem:s24+$0xFC90];
	v41 =	vadd.f32 v27, v26;
	[tilespmem:s24+$0x3490] =	vst v62  }
0x16c: {  	v48 =	vld [tilespmem:s24+$0x3CA0];
	[tilespmem:s24+$0x34A0] =	vst v4;
	v4 =	vadd.f32 v29, v28  }
0x16d: {  	v5 =	vld [tilespmem:s24+$0xF8A0];
	v44 =	vadd.f32 v31, v30;
	[tilespmem:s24+$0x34B0] =	vst v41  }
0x16e: {  	v7 =	vld [tilespmem:s24+$0x38B0];
	[tilespmem:s24+$0x34C0] =	vst v4;
	v4 =	vadd.f32 v33, v32  }
0x16f: {  	v49 =	vld [tilespmem:s24+$0xFCA0];
	v47 =	vadd.f32 v35, v34;
	[tilespmem:s24+$0x34D0] =	vst v44  }
0x170: {  	v51 =	vld [tilespmem:s24+$0x3CB0];
	[tilespmem:s24+$0x34E0] =	vst v4;
	v4 =	vadd.f32 v37, v36  }
0x171: {  	v50 =	vadd.f32 v39, v38;
	[tilespmem:s24+$0x34F0] =	vst v47;
	v25 =	vld [tilespmem:s24+$0xF8F0]  }
0x172: {  	v53 =	vld [tilespmem:s24+$0x3CC0];
	[tilespmem:s24+$0x3880] =	vst v4;
	v4 =	vadd.f32 v5, v40  }
0x173: {  	[tilespmem:s24+$0x3890] =	vst v50;
	v56 =	vld [tilespmem:s24+$0x3CD0];
	v52 =	vadd.f32 v52, v7  }
0x174: {  	v59 =	vld [tilespmem:s24+$0x3CE0];
	[tilespmem:s24+$0x38A0] =	vst v4;
	v4 =	vadd.f32 v55, v54  }
0x175: {  	[tilespmem:s24+$0x38B0] =	vst v52;
	v5 =	vld [tilespmem:s24+$0xFCB0];
	v55 =	vadd.f32 v58, v57  }
0x176: {  	v62 =	vld [tilespmem:s24+$0x3CF0];
	v58 =	vadd.f32 v25, v63;
	[tilespmem:s24+$0x38C0] =	vst v4  }
0x177: {  	v57 =	vld [tilespmem:s24+$0xFCD0];
	v4 =	vadd.f32 v61, v60;
	[tilespmem:s24+$0x38D0] =	vst v55  }
0x178: {  	v54 =	vld [tilespmem:s24+$0xFCC0];
	[tilespmem:s24+$0x38F0] =	vst v58;
	v61 =	vadd.f32 v46, v45  }
0x179: {  	v63 =	vld [tilespmem:s24+$0xFCF0];
	[tilespmem:s24+$0x38E0] =	vst v4;
	v4 =	vadd.f32 v43, v42  }
0x17a: {  	v60 =	vld [tilespmem:s24+$0xFCE0];
	v5 =	vadd.f32 v5, v51;
	[tilespmem:s24+$0x3C90] =	vst v61  }
0x17b: {  	[tilespmem:s24+$0x3C80] =	vst v4;
	v4 =	vadd.f32 v49, v48  }
0x17c: {  	[tilespmem:s24+$0x3CB0] =	vst v5;
	v5 =	vadd.f32 v57, v56  }
0x17d: {  	[tilespmem:s24+$0x3CA0] =	vst v4;
	v4 =	vadd.f32 v54, v53  }
0x17e: {  	[tilespmem:s24+$0x3CD0] =	vst v5;
	v5 =	vadd.f32 v63, v62  }
0x17f: {  	[tilespmem:s24+$0x3CC0] =	vst v4;
	v4 =	vadd.f32 v60, v59  }
0x180: {  	[tilespmem:s24+$0x3CF0] =	vst v5  }
0x181: {  	s8 =	sadd.s32 $0x1000, s24;
	[tilespmem:s24+$0x3CE0] =	vst v4;
	v4 =	vld [tilespmem:s24+$0x4080]  }
0x182: {  	v5 =	vld [tilespmem:s8+$0xF080];
	_ =	sdelay $0x4  }
0x183: {  	v4 =	vadd.f32 v5, v4;
	_ =	sdelay $0x1  }
0x184: {  	[tilespmem:s24+$0x4080] =	vst v4;
	v4 =	vld [tilespmem:s24+$0x4090]  }
0x185: {  	v5 =	vld [tilespmem:s8+$0xF090];
	_ =	sdelay $0x4  }
0x186: {  	v4 =	vadd.f32 v5, v4;
	_ =	sdelay $0x1  }
0x187: {  	[tilespmem:s24+$0x4090] =	vst v4;
	v4 =	vld [tilespmem:s24+$0x40A0]  }
0x188: {  	v5 =	vld [tilespmem:s8+$0xF0A0];
	_ =	sdelay $0x4  }
0x189: {  	v4 =	vadd.f32 v5, v4;
	_ =	sdelay $0x1  }
0x18a: {  	[tilespmem:s24+$0x40A0] =	vst v4;
	v4 =	vld [tilespmem:s24+$0x40B0]  }
0x18b: {  	v5 =	vld [tilespmem:s8+$0xF0B0];
	_ =	sdelay $0x4  }
0x18c: {  	v4 =	vadd.f32 v5, v4;
	_ =	sdelay $0x1  }
0x18d: {  	[tilespmem:s24+$0x40B0] =	vst v4;
	v4 =	vld [tilespmem:s24+$0x40C0]  }
0x18e: {  	v5 =	vld [tilespmem:s8+$0xF0C0];
	_ =	sdelay $0x4  }
0x18f: {  	v4 =	vadd.f32 v5, v4;
	_ =	sdelay $0x1  }
0x190: {  	[tilespmem:s24+$0x40C0] =	vst v4;
	v4 =	vld [tilespmem:s24+$0x40D0]  }
0x191: {  	v5 =	vld [tilespmem:s8+$0xF0D0];
	_ =	sdelay $0x4  }
0x192: {  	v4 =	vadd.f32 v5, v4;
	_ =	sdelay $0x1  }
0x193: {  	[tilespmem:s24+$0x40D0] =	vst v4;
	v4 =	vld [tilespmem:s24+$0x40E0]  }
0x194: {  	v5 =	vld [tilespmem:s8+$0xF0E0];
	_ =	sdelay $0x4  }
0x195: {  	v4 =	vadd.f32 v5, v4;
	_ =	sdelay $0x1  }
0x196: {  	[tilespmem:s24+$0x40E0] =	vst v4;
	v4 =	vld [tilespmem:s24+$0x40F0]  }
0x197: {  	v5 =	vld [tilespmem:s8+$0xF0F0];
	_ =	sdelay $0x4  }
0x198: {  	v4 =	vadd.f32 v5, v4;
	_ =	sdelay $0x1  }
0x199: {  	s18 =	sadd.s32 $0x1400, s24;
	[tilespmem:s24+$0x40F0] =	vst v4;
	v4 =	vld [tilespmem:s24+$0x4480]  }
0x19a: {  	v5 =	vld [tilespmem:s18+$0xF080];
	_ =	sdelay $0x4  }
0x19b: {  	v4 =	vadd.f32 v5, v4;
	_ =	sdelay $0x1  }
0x19c: {  	[tilespmem:s24+$0x4480] =	vst v4;
	v4 =	vld [tilespmem:s24+$0x4490]  }
0x19d: {  	v5 =	vld [tilespmem:s18+$0xF090];
	_ =	sdelay $0x4  }
0x19e: {  	v4 =	vadd.f32 v5, v4;
	_ =	sdelay $0x1  }
0x19f: {  	[tilespmem:s24+$0x4490] =	vst v4;
	v4 =	vld [tilespmem:s24+$0x44A0]  }
0x1a0: {  	v5 =	vld [tilespmem:s18+$0xF0A0];
	_ =	sdelay $0x4  }
0x1a1: {  	v4 =	vadd.f32 v5, v4;
	_ =	sdelay $0x1  }
0x1a2: {  	[tilespmem:s24+$0x44A0] =	vst v4;
	v4 =	vld [tilespmem:s24+$0x44B0]  }
0x1a3: {  	v5 =	vld [tilespmem:s18+$0xF0B0];
	_ =	sdelay $0x4  }
0x1a4: {  	v4 =	vadd.f32 v5, v4;
	_ =	sdelay $0x1  }
0x1a5: {  	[tilespmem:s24+$0x44B0] =	vst v4;
	v4 =	vld [tilespmem:s24+$0x44C0]  }
0x1a6: {  	v5 =	vld [tilespmem:s18+$0xF0C0];
	_ =	sdelay $0x4  }
0x1a7: {  	v4 =	vadd.f32 v5, v4;
	_ =	sdelay $0x1  }
0x1a8: {  	[tilespmem:s24+$0x44C0] =	vst v4;
	v4 =	vld [tilespmem:s24+$0x44D0]  }
0x1a9: {  	v5 =	vld [tilespmem:s18+$0xF0D0];
	_ =	sdelay $0x4  }
0x1aa: {  	v4 =	vadd.f32 v5, v4;
	_ =	sdelay $0x1  }
0x1ab: {  	[tilespmem:s24+$0x44D0] =	vst v4;
	v4 =	vld [tilespmem:s24+$0x44E0]  }
0x1ac: {  	v5 =	vld [tilespmem:s18+$0xF0E0];
	_ =	sdelay $0x4  }
0x1ad: {  	v4 =	vadd.f32 v5, v4;
	_ =	sdelay $0x1  }
0x1ae: {  	[tilespmem:s24+$0x44E0] =	vst v4;
	v4 =	vld [tilespmem:s24+$0x44F0]  }
0x1af: {  	v5 =	vld [tilespmem:s18+$0xF0F0];
	_ =	sdelay $0x1  }
0x1b0: {  	p0 =	sne.s32 s5, $0xF  }
.Ltmp1:
0x1b1: {  	_ = 	snop;
	(pc) =	sbr.rel @p0 .LBB2_4-.Ltmp1, $3  }
0x1b2: {  	_ = 	snop  }
0x1b3: {  	v4 =	vadd.f32 v5, v4;
	_ =	sdelay $0x1  }
0x1b4: {  	s4 =	sadd.s32 $0x80, s4;
	s5 =	sadd.s32 $0x1, s5;
	[tilespmem:s24+$0x44F0] =	vst v4  }
0x1b5: {  	s24 =	simm.s32 $0x0;
	s4 =	simm.s32 $0x3080  }
0x1b6: {  	[hbm4b:s11+s24] =	stream.linear.scatter [tilespmem:s4], [sflag:$0xA], $0x3000, $0x38;
	[tilespmem:$0x18080] =	vst v63  }
0x1b7: {  	_ = 	snop  }
0x1b8: {  	[tilespmem:s29], [sflag:$0x4] =	stream.linear.gather [hbm4b:s12+s24], $0x3000, $0x38;
	[tilespmem:$0x18080] =	vst v63  }
0x1b9: {  	v4 =	vld [tilespmem:$0x30];
	_ =	sdelay $0x4  }
0x1ba: {  	v5 =	vshrl.u32 v4, $0x3  }
0x1bb: {  	v5 =	vmul.u32 $0x30, v5  }
0x1bc: {  	v4 =	vand.u32 $0x7, v4  }
0x1bd: {  	v4 =	vor.u32 v4, v5  }
0x1be: {  	v5 =	vperm.xlane v4, v1;
	_ =	sdelay $0x1  }
0x1bf: {  	v5 =	vadd.s32 v2, v5;
	_ =	sdelay $0x3  }
0x1c0: {  	s18 =	simm.s32 $0x15080;
	v4 =	vperm.xlane v4, v3  }
0x1c1: {  	[tilespmem:s18], [sflag:$0x8] =	stream.indirect_vreg.gather [hbm4b:s3+s24], $0x80, v5, vm0, $0xb8;
	[tilespmem:$0x18080] =	vst v63  }
0x1c2: {  	s5 =	simm.s32 $0x15880;
	v4 =	vadd.s32 v2, v4  }
0x1c3: {  	[tilespmem:s5], [sflag:$0x8] =	stream.indirect_vreg.gather [hbm4b:s6+s24], $0x80, v5, vm0, $0xb8;
	[tilespmem:$0x18080] =	vst v63  }
0x1c4: {  	s8 =	simm.s32 $0x16080  }
0x1c5: {  	[tilespmem:s8], [sflag:$0x8] =	stream.indirect_vreg.gather [hbm4b:s7+s24], $0x80, v5, vm0, $0xb8;
	[tilespmem:$0x18080] =	vst v63  }
0x1c6: {  	s18 =	simm.s32 $0x16880  }
0x1c7: {  	[tilespmem:s18], [sflag:$0x8] =	stream.indirect_vreg.gather [hbm4b:s3+s24], $0x80, v4, vm0, $0xb8;
	[tilespmem:$0x18080] =	vst v63  }
0x1c8: {  	s5 =	simm.s32 $0x17080  }
0x1c9: {  	[tilespmem:s5], [sflag:$0x8] =	stream.indirect_vreg.gather [hbm4b:s6+s24], $0x80, v4, vm0, $0xb8;
	[tilespmem:$0x18080] =	vst v63  }
0x1ca: {  	s8 =	simm.s32 $0x17880  }
0x1cb: {  	[tilespmem:s8], [sflag:$0x8] =	stream.indirect_vreg.gather [hbm4b:s7+s24], $0x80, v4, vm0, $0xb8;
	[tilespmem:$0x18080] =	vst v63  }
0x1cc: {  	_ =	swait.ge [sflag:s23], $0x3000  }
0x1cd: {  	[sflag:s23] =	ssyncset.done $0x0  }
0x1ce: {  	s18 =	simm.s32 $0x0;
	[sflag:s23] =	ssyncadd.s32 $0xFFFFD000  }
0x1cf: {  	s4 =	smul.u32 $0x1800, s18;
	_ =	swait.ge [sflag:s25], $0x3000  }
0x1d0: {  	s5 =	sand.u32 $0x380, s24;
	[sflag:s25] =	ssyncset.done $0x0  }
0x1d1: {  	s4 =	sor.u32 s5, s4;
	[sflag:s25] =	ssyncadd.s32 $0xFFFFD000  }
0x1d2: {  	v13 =	vld [tilespmem:s4+$0x12080]  }
0x1d3: {  	v14 =	vld [tilespmem:s4+$0x12090]  }
0x1d4: {  	v15 =	vld [tilespmem:s4+$0x120A0]  }
0x1d5: {  	v16 =	vld [tilespmem:s4+$0x120B0]  }
0x1d6: {  	v17 =	vld [tilespmem:s4+$0x120C0]  }
0x1d7: {  	v18 =	vld [tilespmem:s4+$0x120D0]  }
0x1d8: {  	v19 =	vld [tilespmem:s4+$0x120E0]  }
0x1d9: {  	v20 =	vld [tilespmem:s4+$0x120F0]  }
0x1da: {  	v21 =	vld [tilespmem:s4+$0x12480]  }
0x1db: {  	v22 =	vld [tilespmem:s4+$0x12490]  }
0x1dc: {  	v23 =	vld [tilespmem:s4+$0x124A0]  }
0x1dd: {  	v24 =	vld [tilespmem:s4+$0x124B0]  }
0x1de: {  	v25 =	vld [tilespmem:s4+$0x124C0]  }
0x1df: {  	v26 =	vld [tilespmem:s4+$0x124D0]  }
0x1e0: {  	v27 =	vld [tilespmem:s4+$0x124E0]  }
0x1e1: {  	v28 =	vld [tilespmem:s4+$0x124F0]  }
0x1e2: {  	v29 =	vld [tilespmem:s4+$0x12880]  }
0x1e3: {  	v30 =	vld [tilespmem:s4+$0x12890]  }
0x1e4: {  	v31 =	vld [tilespmem:s4+$0x128A0]  }
0x1e5: {  	v32 =	vld [tilespmem:s4+$0x128B0]  }
0x1e6: {  	v33 =	vld [tilespmem:s4+$0x128C0]  }
0x1e7: {  	v34 =	vld [tilespmem:s4+$0x128D0]  }
0x1e8: {  	v35 =	vld [tilespmem:s4+$0x128E0]  }
0x1e9: {  	v36 =	vld [tilespmem:s4+$0x128F0]  }
0x1ea: {  	v37 =	vld [tilespmem:s4+$0x12C80]  }
0x1eb: {  	v38 =	vld [tilespmem:s4+$0x12C90]  }
0x1ec: {  	v39 =	vld [tilespmem:s4+$0x12CA0]  }
0x1ed: {  	v40 =	vld [tilespmem:s4+$0x12CB0]  }
0x1ee: {  	v41 =	vld [tilespmem:s4+$0x12CC0]  }
0x1ef: {  	v42 =	vld [tilespmem:s4+$0x12CD0]  }
0x1f0: {  	v43 =	vld [tilespmem:s4+$0x12CE0]  }
0x1f1: {  	v44 =	vld [tilespmem:s4+$0x12CF0]  }
0x1f2: {  	v45 =	vld [tilespmem:s4+$0x13080]  }
0x1f3: {  	v46 =	vld [tilespmem:s4+$0x13090]  }
0x1f4: {  	v47 =	vld [tilespmem:s4+$0x130A0]  }
0x1f5: {  	v48 =	vld [tilespmem:s4+$0x130B0]  }
0x1f6: {  	v49 =	vld [tilespmem:s4+$0x130C0]  }
0x1f7: {  	v50 =	vld [tilespmem:s4+$0x130D0]  }
0x1f8: {  	v51 =	vld [tilespmem:s4+$0x130E0]  }
0x1f9: {  	v12 =	vld [tilespmem:s4+$0x130F0]  }
0x1fa: {  	v11 =	vld [tilespmem:s4+$0x13480]  }
0x1fb: {  	v10 =	vld [tilespmem:s4+$0x13490]  }
0x1fc: {  	v9 =	vld [tilespmem:s4+$0x134A0]  }
0x1fd: {  	v8 =	vld [tilespmem:s4+$0x134B0]  }
0x1fe: {  	v7 =	vld [tilespmem:s4+$0x134C0]  }
0x1ff: {  	v52 =	vld [tilespmem:s4+$0x6080]  }
0x200: {  	v53 =	vld [tilespmem:s4+$0x6090]  }
0x201: {  	v54 =	vld [tilespmem:s4+$0x60A0]  }
0x202: {  	v55 =	vld [tilespmem:s4+$0x60B0]  }
0x203: {  	v56 =	vld [tilespmem:s4+$0x60C0]  }
0x204: {  	v61 =	vld [tilespmem:s4+$0x60D0];
	v13 =	vadd.f32 v13, v52  }
0x205: {  	v62 =	vld [tilespmem:s4+$0x60E0];
	v14 =	vadd.f32 v14, v53  }
0x206: {  	[tilespmem:s4+$0x6080] =	vst v13;
	v13 =	vadd.f32 v15, v54;
	v15 =	vld [tilespmem:s4+$0x60F0]  }
0x207: {  	[tilespmem:s4+$0x6090] =	vst v14;
	v14 =	vadd.f32 v16, v55;
	v16 =	vld [tilespmem:s4+$0x6480]  }
0x208: {  	[tilespmem:s4+$0x60A0] =	vst v13;
	v13 =	vadd.f32 v17, v56;
	v17 =	vld [tilespmem:s4+$0x6490]  }
0x209: {  	[tilespmem:s4+$0x60B0] =	vst v14;
	v14 =	vadd.f32 v18, v61;
	v18 =	vld [tilespmem:s4+$0x64A0]  }
0x20a: {  	v6 =	vld [tilespmem:s4+$0x134D0]  }
0x20b: {  	[tilespmem:s4+$0x60C0] =	vst v13;
	v13 =	vadd.f32 v19, v62;
	v19 =	vld [tilespmem:s4+$0x64F0]  }
0x20c: {  	[tilespmem:s4+$0x60D0] =	vst v14;
	v14 =	vadd.f32 v20, v15;
	v15 =	vld [tilespmem:s4+$0x64B0]  }
0x20d: {  	[tilespmem:s4+$0x60E0] =	vst v13;
	v13 =	vadd.f32 v21, v16;
	v16 =	vld [tilespmem:s4+$0x64C0]  }
0x20e: {  	[tilespmem:s4+$0x60F0] =	vst v14;
	v14 =	vadd.f32 v22, v17;
	v17 =	vadd.f32 v23, v18;
	v18 =	vld [tilespmem:s4+$0x64E0]  }
0x20f: {  	[tilespmem:s4+$0x6480] =	vst v13;
	v13 =	vld [tilespmem:s4+$0x64D0]  }
0x210: {  	[tilespmem:s4+$0x6490] =	vst v14;
	v14 =	vld [tilespmem:s4+$0x6880];
	v19 =	vadd.f32 v28, v19  }
0x211: {  	[tilespmem:s4+$0x64A0] =	vst v17;
	v17 =	vld [tilespmem:s4+$0x6890];
	v15 =	vadd.f32 v24, v15  }
0x212: {  	v5 =	vld [tilespmem:s4+$0x134E0];
	v16 =	vadd.f32 v25, v16;
	[tilespmem:s4+$0x64F0] =	vst v19  }
0x213: {  	[tilespmem:s4+$0x64B0] =	vst v15;
	v15 =	vld [tilespmem:s4+$0x68A0];
	v18 =	vadd.f32 v27, v18  }
0x214: {  	v13 =	vadd.f32 v26, v13;
	[tilespmem:s4+$0x64C0] =	vst v16;
	v16 =	vld [tilespmem:s4+$0x68B0]  }
0x215: {  	v19 =	vld [tilespmem:s4+$0x68F0];
	[tilespmem:s4+$0x64E0] =	vst v18;
	v14 =	vadd.f32 v29, v14  }
0x216: {  	v17 =	vadd.f32 v30, v17;
	[tilespmem:s4+$0x64D0] =	vst v13;
	v13 =	vld [tilespmem:s4+$0x68C0]  }
0x217: {  	v18 =	vld [tilespmem:s4+$0x68D0];
	[tilespmem:s4+$0x6880] =	vst v14  }
0x218: {  	[tilespmem:s4+$0x6890] =	vst v17;
	v17 =	vld [tilespmem:s4+$0x68E0];
	v14 =	vadd.f32 v31, v15  }
0x219: {  	v15 =	vld [tilespmem:s4+$0x6C80];
	v16 =	vadd.f32 v32, v16  }
0x21a: {  	[tilespmem:s4+$0x68A0] =	vst v14;
	v14 =	vld [tilespmem:s4+$0x6C90]  }
0x21b: {  	v13 =	vadd.f32 v33, v13;
	[tilespmem:s4+$0x68B0] =	vst v16;
	v16 =	vld [tilespmem:s4+$0x6CA0]  }
0x21c: {  	v4 =	vld [tilespmem:s4+$0x134F0];
	v18 =	vadd.f32 v34, v18  }
0x21d: {  	v17 =	vadd.f32 v35, v17;
	[tilespmem:s4+$0x68C0] =	vst v13;
	v13 =	vld [tilespmem:s4+$0x6CB0]  }
0x21e: {  	[tilespmem:s4+$0x68D0] =	vst v18;
	v18 =	vld [tilespmem:s4+$0x6CC0];
	v15 =	vadd.f32 v37, v15  }
0x21f: {  	v19 =	vadd.f32 v36, v19;
	[tilespmem:s4+$0x68E0] =	vst v17;
	v17 =	vld [tilespmem:s4+$0x6CD0]  }
0x220: {  	v14 =	vadd.f32 v38, v14;
	[tilespmem:s4+$0x6C80] =	vst v15;
	v15 =	vadd.f32 v39, v16;
	v16 =	vld [tilespmem:s4+$0x6CE0]  }
0x221: {  	[tilespmem:s4+$0x68F0] =	vst v19;
	v19 =	vld [tilespmem:s4+$0x6CF0]  }
0x222: {  	[tilespmem:s4+$0x6C90] =	vst v14;
	v14 =	vld [tilespmem:s4+$0x7080];
	v13 =	vadd.f32 v40, v13  }
0x223: {  	v18 =	vadd.f32 v41, v18;
	[tilespmem:s4+$0x6CA0] =	vst v15;
	v15 =	vld [tilespmem:s4+$0x7090]  }
0x224: {  	v17 =	vadd.f32 v42, v17;
	[tilespmem:s4+$0x6CB0] =	vst v13;
	v13 =	vld [tilespmem:s4+$0x70A0]  }
0x225: {  	[tilespmem:s4+$0x6CC0] =	vst v18;
	v18 =	vld [tilespmem:s4+$0x70B0];
	v16 =	vadd.f32 v43, v16  }
0x226: {  	v20 =	vld [tilespmem:s4+$0x70C0];
	[tilespmem:s4+$0x6CD0] =	vst v17;
	v17 =	vadd.f32 v44, v19  }
0x227: {  	v19 =	vld [tilespmem:s4+$0x70D0];
	v14 =	vadd.f32 v45, v14;
	[tilespmem:s4+$0x6CE0] =	vst v16  }
0x228: {  	v63 =	vld [tilespmem:s4+$0x70E0];
	[tilespmem:s4+$0x6CF0] =	vst v17;
	v15 =	vadd.f32 v46, v15  }
0x229: {  	v17 =	vld [tilespmem:s4+$0x70F0];
	[tilespmem:s4+$0x7080] =	vst v14;
	v13 =	vadd.f32 v47, v13  }
0x22a: {  	v16 =	vld [tilespmem:s4+$0x7480];
	v14 =	vadd.f32 v48, v18;
	[tilespmem:s4+$0x7090] =	vst v15  }
0x22b: {  	v15 =	vld [tilespmem:s4+$0x7490];
	[tilespmem:s4+$0x70A0] =	vst v13;
	v13 =	vadd.f32 v49, v20  }
0x22c: {  	[tilespmem:s4+$0x70B0] =	vst v14;
	v14 =	vld [tilespmem:s4+$0x74A0];
	v19 =	vadd.f32 v50, v19  }
0x22d: {  	s5 =	simm.s32 $0x1;
	v18 =	vadd.f32 v51, v63;
	[tilespmem:s4+$0x70C0] =	vst v13;
	v13 =	vld [tilespmem:s4+$0x74B0]  }
.LBB2_6:
0x22e: {  	s8 =	sshrl.u32 s5, $0x3;
	p0 =	sne.s32 s5, $0xF;
	[tilespmem:s4+$0x70D0] =	vst v19;
	v12 =	vadd.f32 v12, v17;
	v17 =	vld [tilespmem:s4+$0x74C0]  }
0x22f: {  	s24 =	sadd.s32 $0x80, s24;
	s8 =	smul.u32 $0x1800, s8;
	[tilespmem:s4+$0x70E0] =	vst v18;
	v11 =	vadd.f32 v11, v16;
	v16 =	vld [tilespmem:s4+$0x74D0]  }
0x230: {  	s18 =	sand.u32 $0x380, s24;
	[tilespmem:s4+$0x70F0] =	vst v12;
	v10 =	vadd.f32 v10, v15;
	v12 =	vld [tilespmem:s4+$0x74E0]  }
0x231: {  	s8 =	sor.u32 s18, s8;
	[tilespmem:s4+$0x7480] =	vst v11;
	v9 =	vadd.f32 v9, v14;
	v11 =	vld [tilespmem:s4+$0x74F0]  }
0x232: {  	v40 =	vld [tilespmem:s8+$0x12080];
	[tilespmem:s4+$0x7490] =	vst v10;
	v8 =	vadd.f32 v8, v13  }
0x233: {  	v41 =	vld [tilespmem:s8+$0x12090];
	[tilespmem:s4+$0x74A0] =	vst v9;
	v7 =	vadd.f32 v7, v17  }
0x234: {  	v42 =	vld [tilespmem:s8+$0x120A0];
	[tilespmem:s4+$0x74B0] =	vst v8;
	v6 =	vadd.f32 v6, v16  }
0x235: {  	v43 =	vld [tilespmem:s8+$0x120B0];
	[tilespmem:s4+$0x74C0] =	vst v7;
	v5 =	vadd.f32 v5, v12  }
0x236: {  	v44 =	vld [tilespmem:s8+$0x120C0];
	[tilespmem:s4+$0x74D0] =	vst v6;
	v4 =	vadd.f32 v4, v11  }
0x237: {  	v45 =	vld [tilespmem:s8+$0x120D0];
	[tilespmem:s4+$0x74E0] =	vst v5  }
0x238: {  	v46 =	vld [tilespmem:s8+$0x120E0];
	[tilespmem:s4+$0x74F0] =	vst v4;
	s4 =	smov.u32 s8  }
0x239: {  	v47 =	vld [tilespmem:s4+$0x120F0]  }
0x23a: {  	v48 =	vld [tilespmem:s4+$0x12480]  }
0x23b: {  	v49 =	vld [tilespmem:s4+$0x12490]  }
0x23c: {  	v50 =	vld [tilespmem:s4+$0x124A0]  }
0x23d: {  	v51 =	vld [tilespmem:s4+$0x124B0]  }
0x23e: {  	v39 =	vld [tilespmem:s4+$0x124C0]  }
0x23f: {  	v38 =	vld [tilespmem:s4+$0x124D0]  }
0x240: {  	v37 =	vld [tilespmem:s4+$0x124E0]  }
0x241: {  	v36 =	vld [tilespmem:s4+$0x124F0]  }
0x242: {  	v35 =	vld [tilespmem:s4+$0x12880]  }
0x243: {  	v34 =	vld [tilespmem:s4+$0x12890]  }
0x244: {  	v33 =	vld [tilespmem:s4+$0x128A0]  }
0x245: {  	v32 =	vld [tilespmem:s4+$0x128B0]  }
0x246: {  	v31 =	vld [tilespmem:s4+$0x128C0]  }
0x247: {  	v30 =	vld [tilespmem:s4+$0x128D0]  }
0x248: {  	v29 =	vld [tilespmem:s4+$0x128E0]  }
0x249: {  	v28 =	vld [tilespmem:s4+$0x128F0]  }
0x24a: {  	v27 =	vld [tilespmem:s4+$0x12C80]  }
0x24b: {  	v26 =	vld [tilespmem:s4+$0x12C90]  }
0x24c: {  	v25 =	vld [tilespmem:s4+$0x12CA0]  }
0x24d: {  	v24 =	vld [tilespmem:s4+$0x12CB0]  }
0x24e: {  	v23 =	vld [tilespmem:s4+$0x12CC0]  }
0x24f: {  	v22 =	vld [tilespmem:s4+$0x12CD0]  }
0x250: {  	v21 =	vld [tilespmem:s4+$0x12CE0]  }
0x251: {  	v20 =	vld [tilespmem:s4+$0x12CF0]  }
0x252: {  	v19 =	vld [tilespmem:s4+$0x13080]  }
0x253: {  	v18 =	vld [tilespmem:s4+$0x13090]  }
0x254: {  	v17 =	vld [tilespmem:s4+$0x130A0]  }
0x255: {  	v16 =	vld [tilespmem:s4+$0x130B0]  }
0x256: {  	v15 =	vld [tilespmem:s4+$0x130C0]  }
0x257: {  	v14 =	vld [tilespmem:s4+$0x130D0]  }
0x258: {  	v13 =	vld [tilespmem:s4+$0x130E0]  }
0x259: {  	v12 =	vld [tilespmem:s4+$0x130F0]  }
0x25a: {  	v11 =	vld [tilespmem:s4+$0x13480]  }
0x25b: {  	v10 =	vld [tilespmem:s4+$0x13490]  }
0x25c: {  	v9 =	vld [tilespmem:s4+$0x134A0]  }
0x25d: {  	v8 =	vld [tilespmem:s4+$0x134B0]  }
0x25e: {  	v7 =	vld [tilespmem:s4+$0x134C0]  }
0x25f: {  	v6 =	vld [tilespmem:s4+$0x134D0]  }
0x260: {  	v5 =	vld [tilespmem:s4+$0x134E0]  }
0x261: {  	v4 =	vld [tilespmem:s4+$0x134F0]  }
0x262: {  	v52 =	vld [tilespmem:s4+$0x6080]  }
0x263: {  	v53 =	vld [tilespmem:s4+$0x6090]  }
0x264: {  	v54 =	vld [tilespmem:s4+$0x60A0]  }
0x265: {  	v55 =	vld [tilespmem:s4+$0x60B0]  }
0x266: {  	v56 =	vld [tilespmem:s4+$0x60C0]  }
0x267: {  	v40 =	vadd.f32 v40, v52;
	v52 =	vld [tilespmem:s4+$0x60D0]  }
0x268: {  	v41 =	vadd.f32 v41, v53;
	v53 =	vld [tilespmem:s4+$0x60E0]  }
0x269: {  	[tilespmem:s4+$0x6080] =	vst v40;
	v40 =	vadd.f32 v42, v54;
	v42 =	vld [tilespmem:s4+$0x60F0]  }
0x26a: {  	[tilespmem:s4+$0x6090] =	vst v41;
	v41 =	vadd.f32 v43, v55;
	v43 =	vld [tilespmem:s4+$0x6480]  }
0x26b: {  	[tilespmem:s4+$0x60A0] =	vst v40;
	v40 =	vadd.f32 v44, v56;
	v44 =	vld [tilespmem:s4+$0x6490]  }
0x26c: {  	[tilespmem:s4+$0x60B0] =	vst v41;
	v41 =	vadd.f32 v45, v52;
	v45 =	vld [tilespmem:s4+$0x64A0]  }
0x26d: {  	[tilespmem:s4+$0x60C0] =	vst v40;
	v40 =	vadd.f32 v46, v53;
	v46 =	vld [tilespmem:s4+$0x64B0]  }
0x26e: {  	[tilespmem:s4+$0x60D0] =	vst v41;
	v41 =	vadd.f32 v47, v42;
	v42 =	vld [tilespmem:s4+$0x64C0]  }
0x26f: {  	[tilespmem:s4+$0x60E0] =	vst v40;
	v40 =	vadd.f32 v48, v43;
	v43 =	vld [tilespmem:s4+$0x64D0]  }
0x270: {  	[tilespmem:s4+$0x60F0] =	vst v41;
	v41 =	vadd.f32 v49, v44;
	v44 =	vld [tilespmem:s4+$0x64E0]  }
0x271: {  	[tilespmem:s4+$0x6480] =	vst v40;
	v40 =	vadd.f32 v50, v45;
	v45 =	vld [tilespmem:s4+$0x64F0]  }
0x272: {  	[tilespmem:s4+$0x6490] =	vst v41;
	v41 =	vadd.f32 v51, v46;
	v46 =	vld [tilespmem:s4+$0x6880]  }
0x273: {  	[tilespmem:s4+$0x64A0] =	vst v40;
	v39 =	vadd.f32 v39, v42;
	v40 =	vld [tilespmem:s4+$0x6890]  }
0x274: {  	[tilespmem:s4+$0x64B0] =	vst v41;
	v38 =	vadd.f32 v38, v43;
	v41 =	vld [tilespmem:s4+$0x68A0]  }
0x275: {  	[tilespmem:s4+$0x64C0] =	vst v39;
	v37 =	vadd.f32 v37, v44;
	v39 =	vld [tilespmem:s4+$0x68B0]  }
0x276: {  	[tilespmem:s4+$0x64D0] =	vst v38;
	v36 =	vadd.f32 v36, v45;
	v38 =	vld [tilespmem:s4+$0x68C0]  }
0x277: {  	[tilespmem:s4+$0x64E0] =	vst v37;
	v35 =	vadd.f32 v35, v46;
	v37 =	vld [tilespmem:s4+$0x68D0]  }
0x278: {  	[tilespmem:s4+$0x64F0] =	vst v36;
	v34 =	vadd.f32 v34, v40;
	v36 =	vld [tilespmem:s4+$0x68E0]  }
0x279: {  	[tilespmem:s4+$0x6880] =	vst v35;
	v33 =	vadd.f32 v33, v41;
	v35 =	vld [tilespmem:s4+$0x68F0]  }
0x27a: {  	[tilespmem:s4+$0x6890] =	vst v34;
	v32 =	vadd.f32 v32, v39;
	v34 =	vld [tilespmem:s4+$0x6C80]  }
0x27b: {  	[tilespmem:s4+$0x68A0] =	vst v33;
	v31 =	vadd.f32 v31, v38;
	v33 =	vld [tilespmem:s4+$0x6C90]  }
0x27c: {  	[tilespmem:s4+$0x68B0] =	vst v32;
	v30 =	vadd.f32 v30, v37;
	v32 =	vld [tilespmem:s4+$0x6CA0]  }
0x27d: {  	[tilespmem:s4+$0x68C0] =	vst v31;
	v29 =	vadd.f32 v29, v36;
	v31 =	vld [tilespmem:s4+$0x6CB0]  }
0x27e: {  	[tilespmem:s4+$0x68D0] =	vst v30;
	v28 =	vadd.f32 v28, v35;
	v30 =	vld [tilespmem:s4+$0x6CC0]  }
0x27f: {  	[tilespmem:s4+$0x68E0] =	vst v29;
	v27 =	vadd.f32 v27, v34;
	v29 =	vld [tilespmem:s4+$0x6CD0]  }
0x280: {  	[tilespmem:s4+$0x68F0] =	vst v28;
	v26 =	vadd.f32 v26, v33;
	v28 =	vld [tilespmem:s4+$0x6CE0]  }
0x281: {  	[tilespmem:s4+$0x6C80] =	vst v27;
	v25 =	vadd.f32 v25, v32;
	v27 =	vld [tilespmem:s4+$0x6CF0]  }
0x282: {  	[tilespmem:s4+$0x6C90] =	vst v26;
	v24 =	vadd.f32 v24, v31;
	v26 =	vld [tilespmem:s4+$0x7080]  }
0x283: {  	[tilespmem:s4+$0x6CA0] =	vst v25;
	v23 =	vadd.f32 v23, v30;
	v25 =	vld [tilespmem:s4+$0x7090]  }
0x284: {  	[tilespmem:s4+$0x6CB0] =	vst v24;
	v22 =	vadd.f32 v22, v29;
	v24 =	vld [tilespmem:s4+$0x70A0]  }
0x285: {  	[tilespmem:s4+$0x6CC0] =	vst v23;
	v21 =	vadd.f32 v21, v28;
	v23 =	vld [tilespmem:s4+$0x70B0]  }
0x286: {  	[tilespmem:s4+$0x6CD0] =	vst v22;
	v20 =	vadd.f32 v20, v27;
	v22 =	vld [tilespmem:s4+$0x70C0]  }
0x287: {  	[tilespmem:s4+$0x6CE0] =	vst v21;
	v19 =	vadd.f32 v19, v26;
	v21 =	vld [tilespmem:s4+$0x70D0]  }
0x288: {  	[tilespmem:s4+$0x6CF0] =	vst v20;
	v18 =	vadd.f32 v18, v25;
	v20 =	vld [tilespmem:s4+$0x70E0]  }
.Ltmp2:
0x289: {  	[tilespmem:s4+$0x7080] =	vst v19;
	v19 =	vadd.f32 v17, v24;
	v17 =	vld [tilespmem:s4+$0x70F0];
	(pc) =	sbr.rel @p0 .LBB2_6-.Ltmp2, $4  }
0x28a: {  	[tilespmem:s4+$0x7090] =	vst v18;
	v18 =	vadd.f32 v16, v23;
	v16 =	vld [tilespmem:s4+$0x7480]  }
0x28b: {  	[tilespmem:s4+$0x70A0] =	vst v19;
	v22 =	vadd.f32 v15, v22;
	v15 =	vld [tilespmem:s4+$0x7490]  }
0x28c: {  	[tilespmem:s4+$0x70B0] =	vst v18;
	v19 =	vadd.f32 v14, v21;
	v14 =	vld [tilespmem:s4+$0x74A0]  }
0x28d: {  	s5 =	sadd.s32 $0x1, s5;
	[tilespmem:s4+$0x70C0] =	vst v22;
	v18 =	vadd.f32 v13, v20;
	v13 =	vld [tilespmem:s4+$0x74B0]  }
0x28e: {  	[tilespmem:s4+$0x70D0] =	vst v19;
	v19 =	vld [tilespmem:s4+$0x74C0];
	v12 =	vadd.f32 v12, v17  }
0x28f: {  	v17 =	vld [tilespmem:s4+$0x74D0];
	[tilespmem:s4+$0x70E0] =	vst v18;
	v11 =	vadd.f32 v11, v16  }
0x290: {  	[tilespmem:s4+$0x70F0] =	vst v12;
	v10 =	vadd.f32 v10, v15;
	v12 =	vld [tilespmem:s4+$0x74E0]  }
0x291: {  	[tilespmem:s4+$0x7480] =	vst v11;
	v9 =	vadd.f32 v9, v14;
	v11 =	vld [tilespmem:s4+$0x74F0]  }
0x292: {  	[tilespmem:s4+$0x7490] =	vst v10;
	v8 =	vadd.f32 v8, v13  }
0x293: {  	[tilespmem:s4+$0x74A0] =	vst v9;
	v7 =	vadd.f32 v7, v19  }
0x294: {  	v6 =	vadd.f32 v6, v17;
	[tilespmem:s4+$0x74B0] =	vst v8  }
0x295: {  	[tilespmem:s4+$0x74C0] =	vst v7;
	v5 =	vadd.f32 v5, v12  }
0x296: {  	[tilespmem:s4+$0x74D0] =	vst v6;
	v4 =	vadd.f32 v4, v11  }
0x297: {  	[tilespmem:s4+$0x74E0] =	vst v5  }
0x298: {  	s24 =	simm.s32 $0x0;
	s8 =	simm.s32 $0x6080;
	[tilespmem:s4+$0x74F0] =	vst v4  }
0x299: {  	[hbm4b:s13+s24] =	stream.linear.scatter [tilespmem:s8], [sflag:$0xB], $0x3000, $0x38;
	[tilespmem:$0x18080] =	vst v63  }
0x29a: {  	_ =	swait.ge [sflag:s30], $0x3000  }
0x29b: {  	[sflag:s30] =	ssyncset.done $0x0  }
0x29c: {  	[sflag:s30] =	ssyncadd.s32 $0xFFFFD000  }
0x29d: {  	_ =	swait.ge [sflag:s31], $0x3000  }
0x29e: {  	[sflag:s31] =	ssyncset.done $0x0  }
0x29f: {  	s18 =	simm.s32 $0x0;
	[sflag:s31] =	ssyncadd.s32 $0xFFFFD000  }
0x2a0: {  	s4 =	smul.u32 $0x1800, s18;
	_ =	swait.ge [sflag:s19], $0x3000  }
0x2a1: {  	s5 =	sand.u32 $0x380, s24;
	[sflag:s19] =	ssyncset.done $0x0  }
0x2a2: {  	s4 =	sor.u32 s5, s4;
	[sflag:s19] =	ssyncadd.s32 $0xFFFFD000  }
0x2a3: {  	v13 =	vld [tilespmem:s4+$0x15080]  }
0x2a4: {  	v14 =	vld [tilespmem:s4+$0x15090]  }
0x2a5: {  	v15 =	vld [tilespmem:s4+$0x150A0]  }
0x2a6: {  	v16 =	vld [tilespmem:s4+$0x150B0]  }
0x2a7: {  	v17 =	vld [tilespmem:s4+$0x150C0]  }
0x2a8: {  	v18 =	vld [tilespmem:s4+$0x150D0]  }
0x2a9: {  	v19 =	vld [tilespmem:s4+$0x150E0]  }
0x2aa: {  	v20 =	vld [tilespmem:s4+$0x150F0]  }
0x2ab: {  	v21 =	vld [tilespmem:s4+$0x15480]  }
0x2ac: {  	v22 =	vld [tilespmem:s4+$0x15490]  }
0x2ad: {  	v23 =	vld [tilespmem:s4+$0x154A0]  }
0x2ae: {  	v24 =	vld [tilespmem:s4+$0x154B0]  }
0x2af: {  	v25 =	vld [tilespmem:s4+$0x154C0]  }
0x2b0: {  	v26 =	vld [tilespmem:s4+$0x154D0]  }
0x2b1: {  	v27 =	vld [tilespmem:s4+$0x154E0]  }
0x2b2: {  	v28 =	vld [tilespmem:s4+$0x154F0]  }
0x2b3: {  	v29 =	vld [tilespmem:s4+$0x15880]  }
0x2b4: {  	v30 =	vld [tilespmem:s4+$0x15890]  }
0x2b5: {  	v31 =	vld [tilespmem:s4+$0x158A0]  }
0x2b6: {  	v32 =	vld [tilespmem:s4+$0x158B0]  }
0x2b7: {  	v33 =	vld [tilespmem:s4+$0x158C0]  }
0x2b8: {  	v34 =	vld [tilespmem:s4+$0x158D0]  }
0x2b9: {  	v35 =	vld [tilespmem:s4+$0x158E0]  }
0x2ba: {  	v36 =	vld [tilespmem:s4+$0x158F0]  }
0x2bb: {  	v37 =	vld [tilespmem:s4+$0x15C80]  }
0x2bc: {  	v38 =	vld [tilespmem:s4+$0x15C90]  }
0x2bd: {  	v39 =	vld [tilespmem:s4+$0x15CA0]  }
0x2be: {  	v40 =	vld [tilespmem:s4+$0x15CB0]  }
0x2bf: {  	v41 =	vld [tilespmem:s4+$0x15CC0]  }
0x2c0: {  	v42 =	vld [tilespmem:s4+$0x15CD0]  }
0x2c1: {  	v43 =	vld [tilespmem:s4+$0x15CE0]  }
0x2c2: {  	v44 =	vld [tilespmem:s4+$0x15CF0]  }
0x2c3: {  	v45 =	vld [tilespmem:s4+$0x16080]  }
0x2c4: {  	v46 =	vld [tilespmem:s4+$0x16090]  }
0x2c5: {  	v47 =	vld [tilespmem:s4+$0x160A0]  }
0x2c6: {  	v48 =	vld [tilespmem:s4+$0x160B0]  }
0x2c7: {  	v49 =	vld [tilespmem:s4+$0x160C0]  }
0x2c8: {  	v50 =	vld [tilespmem:s4+$0x160D0]  }
0x2c9: {  	v51 =	vld [tilespmem:s4+$0x160E0]  }
0x2ca: {  	v12 =	vld [tilespmem:s4+$0x160F0]  }
0x2cb: {  	v11 =	vld [tilespmem:s4+$0x16480]  }
0x2cc: {  	v10 =	vld [tilespmem:s4+$0x16490]  }
0x2cd: {  	v9 =	vld [tilespmem:s4+$0x164A0]  }
0x2ce: {  	v8 =	vld [tilespmem:s4+$0x164B0]  }
0x2cf: {  	v7 =	vld [tilespmem:s4+$0x164C0]  }
0x2d0: {  	v52 =	vld [tilespmem:s4+$0x9080]  }
0x2d1: {  	v53 =	vld [tilespmem:s4+$0x9090]  }
0x2d2: {  	v54 =	vld [tilespmem:s4+$0x90A0]  }
0x2d3: {  	v55 =	vld [tilespmem:s4+$0x90B0]  }
0x2d4: {  	v56 =	vld [tilespmem:s4+$0x90C0]  }
0x2d5: {  	v61 =	vld [tilespmem:s4+$0x90D0];
	v13 =	vadd.f32 v13, v52  }
0x2d6: {  	v62 =	vld [tilespmem:s4+$0x90E0];
	v14 =	vadd.f32 v14, v53  }
0x2d7: {  	[tilespmem:s4+$0x9080] =	vst v13;
	v13 =	vadd.f32 v15, v54;
	v15 =	vld [tilespmem:s4+$0x90F0]  }
0x2d8: {  	[tilespmem:s4+$0x9090] =	vst v14;
	v14 =	vadd.f32 v16, v55;
	v16 =	vld [tilespmem:s4+$0x9480]  }
0x2d9: {  	[tilespmem:s4+$0x90A0] =	vst v13;
	v13 =	vadd.f32 v17, v56;
	v17 =	vld [tilespmem:s4+$0x9490]  }
0x2da: {  	[tilespmem:s4+$0x90B0] =	vst v14;
	v14 =	vadd.f32 v18, v61;
	v18 =	vld [tilespmem:s4+$0x94A0]  }
0x2db: {  	v6 =	vld [tilespmem:s4+$0x164D0]  }
0x2dc: {  	[tilespmem:s4+$0x90C0] =	vst v13;
	v13 =	vadd.f32 v19, v62;
	v19 =	vld [tilespmem:s4+$0x94F0]  }
0x2dd: {  	[tilespmem:s4+$0x90D0] =	vst v14;
	v14 =	vadd.f32 v20, v15;
	v15 =	vld [tilespmem:s4+$0x94B0]  }
0x2de: {  	[tilespmem:s4+$0x90E0] =	vst v13;
	v13 =	vadd.f32 v21, v16;
	v16 =	vld [tilespmem:s4+$0x94C0]  }
0x2df: {  	[tilespmem:s4+$0x90F0] =	vst v14;
	v14 =	vadd.f32 v22, v17;
	v17 =	vadd.f32 v23, v18;
	v18 =	vld [tilespmem:s4+$0x94E0]  }
0x2e0: {  	[tilespmem:s4+$0x9480] =	vst v13;
	v13 =	vld [tilespmem:s4+$0x94D0]  }
0x2e1: {  	[tilespmem:s4+$0x9490] =	vst v14;
	v14 =	vld [tilespmem:s4+$0x9880];
	v19 =	vadd.f32 v28, v19  }
0x2e2: {  	[tilespmem:s4+$0x94A0] =	vst v17;
	v17 =	vld [tilespmem:s4+$0x9890];
	v15 =	vadd.f32 v24, v15  }
0x2e3: {  	v5 =	vld [tilespmem:s4+$0x164E0];
	v16 =	vadd.f32 v25, v16;
	[tilespmem:s4+$0x94F0] =	vst v19  }
0x2e4: {  	[tilespmem:s4+$0x94B0] =	vst v15;
	v15 =	vld [tilespmem:s4+$0x98A0];
	v18 =	vadd.f32 v27, v18  }
0x2e5: {  	v13 =	vadd.f32 v26, v13;
	[tilespmem:s4+$0x94C0] =	vst v16;
	v16 =	vld [tilespmem:s4+$0x98B0]  }
0x2e6: {  	v19 =	vld [tilespmem:s4+$0x98F0];
	[tilespmem:s4+$0x94E0] =	vst v18;
	v14 =	vadd.f32 v29, v14  }
0x2e7: {  	v17 =	vadd.f32 v30, v17;
	[tilespmem:s4+$0x94D0] =	vst v13;
	v13 =	vld [tilespmem:s4+$0x98C0]  }
0x2e8: {  	v18 =	vld [tilespmem:s4+$0x98D0];
	[tilespmem:s4+$0x9880] =	vst v14  }
0x2e9: {  	[tilespmem:s4+$0x9890] =	vst v17;
	v17 =	vld [tilespmem:s4+$0x98E0];
	v14 =	vadd.f32 v31, v15  }
0x2ea: {  	v15 =	vld [tilespmem:s4+$0x9C80];
	v16 =	vadd.f32 v32, v16  }
0x2eb: {  	[tilespmem:s4+$0x98A0] =	vst v14;
	v14 =	vld [tilespmem:s4+$0x9C90]  }
0x2ec: {  	v13 =	vadd.f32 v33, v13;
	[tilespmem:s4+$0x98B0] =	vst v16;
	v16 =	vld [tilespmem:s4+$0x9CA0]  }
0x2ed: {  	v4 =	vld [tilespmem:s4+$0x164F0];
	v18 =	vadd.f32 v34, v18  }
0x2ee: {  	v17 =	vadd.f32 v35, v17;
	[tilespmem:s4+$0x98C0] =	vst v13;
	v13 =	vld [tilespmem:s4+$0x9CB0]  }
0x2ef: {  	[tilespmem:s4+$0x98D0] =	vst v18;
	v18 =	vld [tilespmem:s4+$0x9CC0];
	v15 =	vadd.f32 v37, v15  }
0x2f0: {  	v19 =	vadd.f32 v36, v19;
	[tilespmem:s4+$0x98E0] =	vst v17;
	v17 =	vld [tilespmem:s4+$0x9CD0]  }
0x2f1: {  	v14 =	vadd.f32 v38, v14;
	[tilespmem:s4+$0x9C80] =	vst v15;
	v15 =	vadd.f32 v39, v16;
	v16 =	vld [tilespmem:s4+$0x9CE0]  }
0x2f2: {  	[tilespmem:s4+$0x98F0] =	vst v19;
	v19 =	vld [tilespmem:s4+$0x9CF0]  }
0x2f3: {  	[tilespmem:s4+$0x9C90] =	vst v14;
	v14 =	vld [tilespmem:s4+$0xA080];
	v13 =	vadd.f32 v40, v13  }
0x2f4: {  	v18 =	vadd.f32 v41, v18;
	[tilespmem:s4+$0x9CA0] =	vst v15;
	v15 =	vld [tilespmem:s4+$0xA090]  }
0x2f5: {  	v17 =	vadd.f32 v42, v17;
	[tilespmem:s4+$0x9CB0] =	vst v13;
	v13 =	vld [tilespmem:s4+$0xA0A0]  }
0x2f6: {  	[tilespmem:s4+$0x9CC0] =	vst v18;
	v18 =	vld [tilespmem:s4+$0xA0B0];
	v16 =	vadd.f32 v43, v16  }
0x2f7: {  	v20 =	vld [tilespmem:s4+$0xA0C0];
	[tilespmem:s4+$0x9CD0] =	vst v17;
	v17 =	vadd.f32 v44, v19  }
0x2f8: {  	v19 =	vld [tilespmem:s4+$0xA0D0];
	v14 =	vadd.f32 v45, v14;
	[tilespmem:s4+$0x9CE0] =	vst v16  }
0x2f9: {  	v63 =	vld [tilespmem:s4+$0xA0E0];
	[tilespmem:s4+$0x9CF0] =	vst v17;
	v15 =	vadd.f32 v46, v15  }
0x2fa: {  	v17 =	vld [tilespmem:s4+$0xA0F0];
	[tilespmem:s4+$0xA080] =	vst v14;
	v13 =	vadd.f32 v47, v13  }
0x2fb: {  	v16 =	vld [tilespmem:s4+$0xA480];
	v14 =	vadd.f32 v48, v18;
	[tilespmem:s4+$0xA090] =	vst v15  }
0x2fc: {  	v15 =	vld [tilespmem:s4+$0xA490];
	[tilespmem:s4+$0xA0A0] =	vst v13;
	v13 =	vadd.f32 v49, v20  }
0x2fd: {  	[tilespmem:s4+$0xA0B0] =	vst v14;
	v14 =	vld [tilespmem:s4+$0xA4A0];
	v19 =	vadd.f32 v50, v19  }
0x2fe: {  	s5 =	simm.s32 $0x1;
	v18 =	vadd.f32 v51, v63;
	[tilespmem:s4+$0xA0C0] =	vst v13;
	v13 =	vld [tilespmem:s4+$0xA4B0]  }
.LBB2_8:
0x2ff: {  	s8 =	sshrl.u32 s5, $0x3;
	p0 =	sne.s32 s5, $0xF;
	[tilespmem:s4+$0xA0D0] =	vst v19;
	v12 =	vadd.f32 v12, v17;
	v17 =	vld [tilespmem:s4+$0xA4C0]  }
0x300: {  	s24 =	sadd.s32 $0x80, s24;
	s8 =	smul.u32 $0x1800, s8;
	[tilespmem:s4+$0xA0E0] =	vst v18;
	v11 =	vadd.f32 v11, v16;
	v16 =	vld [tilespmem:s4+$0xA4D0]  }
0x301: {  	s18 =	sand.u32 $0x380, s24;
	[tilespmem:s4+$0xA0F0] =	vst v12;
	v10 =	vadd.f32 v10, v15;
	v12 =	vld [tilespmem:s4+$0xA4E0]  }
0x302: {  	s8 =	sor.u32 s18, s8;
	[tilespmem:s4+$0xA480] =	vst v11;
	v9 =	vadd.f32 v9, v14;
	v11 =	vld [tilespmem:s4+$0xA4F0]  }
0x303: {  	v40 =	vld [tilespmem:s8+$0x15080];
	[tilespmem:s4+$0xA490] =	vst v10;
	v8 =	vadd.f32 v8, v13  }
0x304: {  	v41 =	vld [tilespmem:s8+$0x15090];
	[tilespmem:s4+$0xA4A0] =	vst v9;
	v7 =	vadd.f32 v7, v17  }
0x305: {  	v42 =	vld [tilespmem:s8+$0x150A0];
	[tilespmem:s4+$0xA4B0] =	vst v8;
	v6 =	vadd.f32 v6, v16  }
0x306: {  	v43 =	vld [tilespmem:s8+$0x150B0];
	[tilespmem:s4+$0xA4C0] =	vst v7;
	v5 =	vadd.f32 v5, v12  }
0x307: {  	v44 =	vld [tilespmem:s8+$0x150C0];
	[tilespmem:s4+$0xA4D0] =	vst v6;
	v4 =	vadd.f32 v4, v11  }
0x308: {  	v45 =	vld [tilespmem:s8+$0x150D0];
	[tilespmem:s4+$0xA4E0] =	vst v5  }
0x309: {  	v46 =	vld [tilespmem:s8+$0x150E0];
	[tilespmem:s4+$0xA4F0] =	vst v4;
	s4 =	smov.u32 s8  }
0x30a: {  	v47 =	vld [tilespmem:s4+$0x150F0]  }
0x30b: {  	v48 =	vld [tilespmem:s4+$0x15480]  }
0x30c: {  	v49 =	vld [tilespmem:s4+$0x15490]  }
0x30d: {  	v50 =	vld [tilespmem:s4+$0x154A0]  }
0x30e: {  	v51 =	vld [tilespmem:s4+$0x154B0]  }
0x30f: {  	v39 =	vld [tilespmem:s4+$0x154C0]  }
0x310: {  	v38 =	vld [tilespmem:s4+$0x154D0]  }
0x311: {  	v37 =	vld [tilespmem:s4+$0x154E0]  }
0x312: {  	v36 =	vld [tilespmem:s4+$0x154F0]  }
0x313: {  	v35 =	vld [tilespmem:s4+$0x15880]  }
0x314: {  	v34 =	vld [tilespmem:s4+$0x15890]  }
0x315: {  	v33 =	vld [tilespmem:s4+$0x158A0]  }
0x316: {  	v32 =	vld [tilespmem:s4+$0x158B0]  }
0x317: {  	v31 =	vld [tilespmem:s4+$0x158C0]  }
0x318: {  	v30 =	vld [tilespmem:s4+$0x158D0]  }
0x319: {  	v29 =	vld [tilespmem:s4+$0x158E0]  }
0x31a: {  	v28 =	vld [tilespmem:s4+$0x158F0]  }
0x31b: {  	v27 =	vld [tilespmem:s4+$0x15C80]  }
0x31c: {  	v26 =	vld [tilespmem:s4+$0x15C90]  }
0x31d: {  	v25 =	vld [tilespmem:s4+$0x15CA0]  }
0x31e: {  	v24 =	vld [tilespmem:s4+$0x15CB0]  }
0x31f: {  	v23 =	vld [tilespmem:s4+$0x15CC0]  }
0x320: {  	v22 =	vld [tilespmem:s4+$0x15CD0]  }
0x321: {  	v21 =	vld [tilespmem:s4+$0x15CE0]  }
0x322: {  	v20 =	vld [tilespmem:s4+$0x15CF0]  }
0x323: {  	v19 =	vld [tilespmem:s4+$0x16080]  }
0x324: {  	v18 =	vld [tilespmem:s4+$0x16090]  }
0x325: {  	v17 =	vld [tilespmem:s4+$0x160A0]  }
0x326: {  	v16 =	vld [tilespmem:s4+$0x160B0]  }
0x327: {  	v15 =	vld [tilespmem:s4+$0x160C0]  }
0x328: {  	v14 =	vld [tilespmem:s4+$0x160D0]  }
0x329: {  	v13 =	vld [tilespmem:s4+$0x160E0]  }
0x32a: {  	v12 =	vld [tilespmem:s4+$0x160F0]  }
0x32b: {  	v11 =	vld [tilespmem:s4+$0x16480]  }
0x32c: {  	v10 =	vld [tilespmem:s4+$0x16490]  }
0x32d: {  	v9 =	vld [tilespmem:s4+$0x164A0]  }
0x32e: {  	v8 =	vld [tilespmem:s4+$0x164B0]  }
0x32f: {  	v7 =	vld [tilespmem:s4+$0x164C0]  }
0x330: {  	v6 =	vld [tilespmem:s4+$0x164D0]  }
0x331: {  	v5 =	vld [tilespmem:s4+$0x164E0]  }
0x332: {  	v4 =	vld [tilespmem:s4+$0x164F0]  }
0x333: {  	v52 =	vld [tilespmem:s4+$0x9080]  }
0x334: {  	v53 =	vld [tilespmem:s4+$0x9090]  }
0x335: {  	v54 =	vld [tilespmem:s4+$0x90A0]  }
0x336: {  	v55 =	vld [tilespmem:s4+$0x90B0]  }
0x337: {  	v56 =	vld [tilespmem:s4+$0x90C0]  }
0x338: {  	v40 =	vadd.f32 v40, v52;
	v52 =	vld [tilespmem:s4+$0x90D0]  }
0x339: {  	v41 =	vadd.f32 v41, v53;
	v53 =	vld [tilespmem:s4+$0x90E0]  }
0x33a: {  	[tilespmem:s4+$0x9080] =	vst v40;
	v40 =	vadd.f32 v42, v54;
	v42 =	vld [tilespmem:s4+$0x90F0]  }
0x33b: {  	[tilespmem:s4+$0x9090] =	vst v41;
	v41 =	vadd.f32 v43, v55;
	v43 =	vld [tilespmem:s4+$0x9480]  }
0x33c: {  	[tilespmem:s4+$0x90A0] =	vst v40;
	v40 =	vadd.f32 v44, v56;
	v44 =	vld [tilespmem:s4+$0x9490]  }
0x33d: {  	[tilespmem:s4+$0x90B0] =	vst v41;
	v41 =	vadd.f32 v45, v52;
	v45 =	vld [tilespmem:s4+$0x94A0]  }
0x33e: {  	[tilespmem:s4+$0x90C0] =	vst v40;
	v40 =	vadd.f32 v46, v53;
	v46 =	vld [tilespmem:s4+$0x94B0]  }
0x33f: {  	[tilespmem:s4+$0x90D0] =	vst v41;
	v41 =	vadd.f32 v47, v42;
	v42 =	vld [tilespmem:s4+$0x94C0]  }
0x340: {  	[tilespmem:s4+$0x90E0] =	vst v40;
	v40 =	vadd.f32 v48, v43;
	v43 =	vld [tilespmem:s4+$0x94D0]  }
0x341: {  	[tilespmem:s4+$0x90F0] =	vst v41;
	v41 =	vadd.f32 v49, v44;
	v44 =	vld [tilespmem:s4+$0x94E0]  }
0x342: {  	[tilespmem:s4+$0x9480] =	vst v40;
	v40 =	vadd.f32 v50, v45;
	v45 =	vld [tilespmem:s4+$0x94F0]  }
0x343: {  	[tilespmem:s4+$0x9490] =	vst v41;
	v41 =	vadd.f32 v51, v46;
	v46 =	vld [tilespmem:s4+$0x9880]  }
0x344: {  	[tilespmem:s4+$0x94A0] =	vst v40;
	v39 =	vadd.f32 v39, v42;
	v40 =	vld [tilespmem:s4+$0x9890]  }
0x345: {  	[tilespmem:s4+$0x94B0] =	vst v41;
	v38 =	vadd.f32 v38, v43;
	v41 =	vld [tilespmem:s4+$0x98A0]  }
0x346: {  	[tilespmem:s4+$0x94C0] =	vst v39;
	v37 =	vadd.f32 v37, v44;
	v39 =	vld [tilespmem:s4+$0x98B0]  }
0x347: {  	[tilespmem:s4+$0x94D0] =	vst v38;
	v36 =	vadd.f32 v36, v45;
	v38 =	vld [tilespmem:s4+$0x98C0]  }
0x348: {  	[tilespmem:s4+$0x94E0] =	vst v37;
	v35 =	vadd.f32 v35, v46;
	v37 =	vld [tilespmem:s4+$0x98D0]  }
0x349: {  	[tilespmem:s4+$0x94F0] =	vst v36;
	v34 =	vadd.f32 v34, v40;
	v36 =	vld [tilespmem:s4+$0x98E0]  }
0x34a: {  	[tilespmem:s4+$0x9880] =	vst v35;
	v33 =	vadd.f32 v33, v41;
	v35 =	vld [tilespmem:s4+$0x98F0]  }
0x34b: {  	[tilespmem:s4+$0x9890] =	vst v34;
	v32 =	vadd.f32 v32, v39;
	v34 =	vld [tilespmem:s4+$0x9C80]  }
0x34c: {  	[tilespmem:s4+$0x98A0] =	vst v33;
	v31 =	vadd.f32 v31, v38;
	v33 =	vld [tilespmem:s4+$0x9C90]  }
0x34d: {  	[tilespmem:s4+$0x98B0] =	vst v32;
	v30 =	vadd.f32 v30, v37;
	v32 =	vld [tilespmem:s4+$0x9CA0]  }
0x34e: {  	[tilespmem:s4+$0x98C0] =	vst v31;
	v29 =	vadd.f32 v29, v36;
	v31 =	vld [tilespmem:s4+$0x9CB0]  }
0x34f: {  	[tilespmem:s4+$0x98D0] =	vst v30;
	v28 =	vadd.f32 v28, v35;
	v30 =	vld [tilespmem:s4+$0x9CC0]  }
0x350: {  	[tilespmem:s4+$0x98E0] =	vst v29;
	v27 =	vadd.f32 v27, v34;
	v29 =	vld [tilespmem:s4+$0x9CD0]  }
0x351: {  	[tilespmem:s4+$0x98F0] =	vst v28;
	v26 =	vadd.f32 v26, v33;
	v28 =	vld [tilespmem:s4+$0x9CE0]  }
0x352: {  	[tilespmem:s4+$0x9C80] =	vst v27;
	v25 =	vadd.f32 v25, v32;
	v27 =	vld [tilespmem:s4+$0x9CF0]  }
0x353: {  	[tilespmem:s4+$0x9C90] =	vst v26;
	v24 =	vadd.f32 v24, v31;
	v26 =	vld [tilespmem:s4+$0xA080]  }
0x354: {  	[tilespmem:s4+$0x9CA0] =	vst v25;
	v23 =	vadd.f32 v23, v30;
	v25 =	vld [tilespmem:s4+$0xA090]  }
0x355: {  	[tilespmem:s4+$0x9CB0] =	vst v24;
	v22 =	vadd.f32 v22, v29;
	v24 =	vld [tilespmem:s4+$0xA0A0]  }
0x356: {  	[tilespmem:s4+$0x9CC0] =	vst v23;
	v21 =	vadd.f32 v21, v28;
	v23 =	vld [tilespmem:s4+$0xA0B0]  }
0x357: {  	[tilespmem:s4+$0x9CD0] =	vst v22;
	v20 =	vadd.f32 v20, v27;
	v22 =	vld [tilespmem:s4+$0xA0C0]  }
0x358: {  	[tilespmem:s4+$0x9CE0] =	vst v21;
	v19 =	vadd.f32 v19, v26;
	v21 =	vld [tilespmem:s4+$0xA0D0]  }
0x359: {  	[tilespmem:s4+$0x9CF0] =	vst v20;
	v18 =	vadd.f32 v18, v25;
	v20 =	vld [tilespmem:s4+$0xA0E0]  }
.Ltmp3:
0x35a: {  	[tilespmem:s4+$0xA080] =	vst v19;
	v19 =	vadd.f32 v17, v24;
	v17 =	vld [tilespmem:s4+$0xA0F0];
	(pc) =	sbr.rel @p0 .LBB2_8-.Ltmp3, $4  }
0x35b: {  	[tilespmem:s4+$0xA090] =	vst v18;
	v18 =	vadd.f32 v16, v23;
	v16 =	vld [tilespmem:s4+$0xA480]  }
0x35c: {  	[tilespmem:s4+$0xA0A0] =	vst v19;
	v22 =	vadd.f32 v15, v22;
	v15 =	vld [tilespmem:s4+$0xA490]  }
0x35d: {  	[tilespmem:s4+$0xA0B0] =	vst v18;
	v19 =	vadd.f32 v14, v21;
	v14 =	vld [tilespmem:s4+$0xA4A0]  }
0x35e: {  	s5 =	sadd.s32 $0x1, s5;
	[tilespmem:s4+$0xA0C0] =	vst v22;
	v18 =	vadd.f32 v13, v20;
	v13 =	vld [tilespmem:s4+$0xA4B0]  }
0x35f: {  	[tilespmem:s4+$0xA0D0] =	vst v19;
	v60 =	vld [tilespmem:s4+$0xA4C0];
	v12 =	vadd.f32 v12, v17  }
0x360: {  	v61 =	vld [tilespmem:s4+$0xA4D0];
	[tilespmem:s4+$0xA0E0] =	vst v18;
	v11 =	vadd.f32 v11, v16  }
0x361: {  	v62 =	vld [tilespmem:s4+$0xA4E0];
	[tilespmem:s4+$0xA0F0] =	vst v12;
	v10 =	vadd.f32 v10, v15  }
0x362: {  	v63 =	vld [tilespmem:s4+$0xA4F0];
	[tilespmem:s4+$0xA480] =	vst v11;
	v9 =	vadd.f32 v9, v14  }
0x363: {  	[tilespmem:s4+$0xA490] =	vst v10;
	v8 =	vadd.f32 v8, v13  }
0x364: {  	[tilespmem:s4+$0xA4A0] =	vst v9;
	v7 =	vadd.f32 v7, v60  }
0x365: {  	v6 =	vadd.f32 v6, v61;
	[tilespmem:s4+$0xA4B0] =	vst v8  }
0x366: {  	v5 =	vadd.f32 v5, v62;
	[tilespmem:s4+$0xA4C0] =	vst v7  }
0x367: {  	v4 =	vadd.f32 v4, v63;
	[tilespmem:s4+$0xA4D0] =	vst v6  }
0x368: {  	[tilespmem:s4+$0xA4E0] =	vst v5  }
0x369: {  	[tilespmem:s4+$0xA4F0] =	vst v4  }
0x36a: {  	[hbm4b:s14+s2] =	stream.linear.scatter [tilespmem:s29], [sflag:$0xC], $0x3000, $0x38;
	[tilespmem:$0x18080] =	vst v63  }
0x36b: {  	_ =	swait.ge [sflag:s20], $0x3000  }
0x36c: {  	[sflag:s20] =	ssyncset.done $0x0  }
0x36d: {  	s17 =	sadd.s32 $0x1, s17;
	[sflag:s20] =	ssyncadd.s32 $0xFFFFD000  }
0x36e: {  	p0 =	sne.s32 s17, s15;
	_ =	swait.ge [sflag:s21], $0x3000  }
.Ltmp4:
0x36f: {  	[sflag:s21] =	ssyncset.done $0x0;
	(pc) =	sbr.rel @p0 .LBB2_1-.Ltmp4, $4  }
0x370: {  	[sflag:s21] =	ssyncadd.s32 $0xFFFFD000  }
0x371: {  	_ =	swait.ge [sflag:s22], $0x3000  }
0x372: {  	[sflag:s22] =	ssyncset.done $0x0  }
0x373: {  	[sflag:s22] =	ssyncadd.s32 $0xFFFFD000  }
0x374: {  	_ =	sfence.sel $0x180000  }
0x375: {  	[bflag:$0x0] =	sbarrier.arrive $0xFFFF  }
0x376: {  	_ =	strace $0x90000047  }
0x377: {  	s0 =	stileid.u32;
	[bflag:$0x2] =	sbarrier.arrive $0xFFFF  }
0x378: {  	p0 =	sne.s32 s0, $0x0;
	s0 =	rddreg [dreg:$0x4]  }
0x379: {  	s0 =	sadd.s32 @!p0 $0x100000, s0  }
0x37a: {  	[sflag:s0] =	ssyncadd.tile.s32 @!p0 $0x1;
	_ =	shalt  }
.Lfunc_end2:
_tile_overlayer_lowered:
.L_overlay_start_2:
0x37b: {  	(tag) =	ssettag $0x2  }
0x37c: {  	s0 =	rddreg [dreg:$0x0];
	s2 =	stileid.u32  }
0x37d: {  	s1 =	rddreg [dreg:$0x1];
	p0 =	sne.s32 s2, $0x0  }
0x37e: {  	s3 =	rddreg [dreg:$0x2];
	[bflag:$0x3] =	sbarrier.arrive $0xFFFF;
	s2 =	simm.s32 @!p0 $0x1C0D  }
0x37f: {  	[timem:s3], [sflag:s2] =	dma.local @!p0 [hbm:s0], s1  }
0x380: {  	s0 =	simm.s32 @!p0 $0xD  }
0x381: {  	_ =	swait.ge @!p0 [sflag:s0], s1  }
0x382: {  	s1 =	ssub.s32 @!p0 $0x0, s1;
	[sflag:s0] =	ssyncset.done @!p0 $0x0  }
0x383: {  	[sflag:s0] =	ssyncadd.s32 @!p0 s1  }
0x384: {  	[bflag:$0x3] =	sbarrier.arrive $0xFFFF  }
0x385: {  	_ =	shalt  }

</sc_bundles>
